<compile_context>
chip_gen: v7x
topology: tpu7x:2x2x1
jax: 0.10.2.dev20260603
libtpu: 0.0.44.dev20260713+nightly
codegen_flags: <defaults>
</compile_context>

<pallas_src>
import functools

import jax
import jax.numpy as jnp
from jax import lax
from jax.experimental import pallas as pl
from jax.experimental.pallas import tpu as pltpu
from jax.experimental.pallas import tpu_sc as plsc

_N = 10000
_E = 320000
_H = 128
_G = 128
_C = 10
_NSUB = 16
_NW = 2 * _NSUB
_EPW = _E // _NW
_K = 80
_NCH = _EPW // _K
_RPT = 624
_TAIL = _N - _NSUB * _RPT
_ZR = 48
_BN = 2000


_NBUF = 3


def _seg_agg(y, src, dst):
    mesh = plsc.VectorSubcoreMesh(core_axis_name="c", subcore_axis_name="s")

    @functools.partial(
        pl.kernel,
        mesh=mesh,
        out_type=jax.ShapeDtypeStruct((2, _N, _H), jnp.float32),
        scratch_types=[
            pltpu.VMEM((_EPW,), jnp.int32),
            pltpu.VMEM((_NBUF, _K), jnp.int32),
            pltpu.VMEM((_NBUF, _K, _H), jnp.float32),
            pltpu.VMEM((_ZR, _H), jnp.float32),
            pltpu.VMEM_SHARED((_N, _H), jnp.float32),
            pltpu.SemaphoreType.DMA((_NBUF,)),
            pltpu.SemaphoreType.DMA((_NBUF,)),
        ],
    )
    def k(y_hbm, src_hbm, dst_hbm, out_hbm, src_all, dstv, rows, zbuf, acc, gsem, dsem):
        c = lax.axis_index("c")
        s = lax.axis_index("s")
        wid = c * _NSUB + s
        base0 = wid * _EPW

        pltpu.sync_copy(src_hbm.at[pl.ds(base0, _EPW)], src_all)

        def fire(i, b):
            pltpu.async_copy(dst_hbm.at[pl.ds(base0 + i * _K, _K)], dstv.at[b], dsem.at[b])
            pltpu.async_copy(y_hbm.at[src_all.at[pl.ds(i * _K, _K)]], rows.at[b], gsem.at[b])

        for b in range(_NBUF):
            fire(b, b)

        def zrow(i, carry):
            for j in range(_H // 16):
                zbuf[i, pl.ds(j * 16, 16)] = jnp.zeros((16,), jnp.float32)
            return carry

        lax.fori_loop(0, _ZR, zrow, 0)
        for r in range(_RPT // _ZR):
            pltpu.sync_copy(zbuf, acc.at[pl.ds(s * _RPT + r * _ZR, _ZR)])

        @pl.when(s == 0)
        def _zero_tail():
            pltpu.sync_copy(zbuf.at[pl.ds(0, _TAIL)], acc.at[pl.ds(_NSUB * _RPT, _TAIL)])

        plsc.subcore_barrier()

        def consume(i, b, may_prefetch):
            pltpu.make_async_copy(dst_hbm.at[pl.ds(0, _K)], dstv.at[b], dsem.at[b]).wait()
            pltpu.make_async_copy(y_hbm.at[pl.ds(0, _K)], rows.at[b], gsem.at[b]).wait()
            pltpu.sync_copy(rows.at[b], acc.at[dstv.at[b]], add=True)
            if may_prefetch:
                @pl.when(i + _NBUF < _NCH)
                def _prefetch():
                    fire(i + _NBUF, b)

        def group(g, carry):
            for b in range(_NBUF):
                consume(g * _NBUF + b, b, True)
            return carry

        lax.fori_loop(0, _NCH // _NBUF, group, 0)
        for i in range((_NCH // _NBUF) * _NBUF, _NCH):
            consume(i, i % _NBUF, False)
        plsc.subcore_barrier()
        pltpu.sync_copy(
            acc.at[pl.ds(s * _RPT, _RPT)],
            out_hbm.at[c, pl.ds(s * _RPT, _RPT)],
        )

        @pl.when(s == 0)
        def _copy_tail():
            pltpu.sync_copy(
                acc.at[pl.ds(_NSUB * _RPT, _TAIL)],
                out_hbm.at[c, pl.ds(_NSUB * _RPT, _TAIL)],
            )

    return k(y, src, dst)


def _lin_in(x, W):

    def body(x_ref, w_ref, o_ref):
        o_ref[...] = jnp.dot(x_ref[...], w_ref[...], preferred_element_type=jnp.float32)

    return pl.pallas_call(
        body,
        grid=(_N // _BN,),
        in_specs=[
            pl.BlockSpec((_BN, _H), lambda i: (i, 0)),
            pl.BlockSpec((_H, _H), lambda i: (0, 0)),
        ],
        out_specs=pl.BlockSpec((_BN, _H), lambda i: (i, 0)),
        out_shape=jax.ShapeDtypeStruct((_N, _H), jnp.float32),
    )(x, W)


def _lin_mid(p, b, W):

    def body(p_ref, b_ref, w_ref, o_ref):
        h = jnp.maximum(p_ref[0] + p_ref[1] + b_ref[...], 0.0)
        o_ref[...] = jnp.dot(h, w_ref[...], preferred_element_type=jnp.float32)

    return pl.pallas_call(
        body,
        grid=(_N // _BN,),
        in_specs=[
            pl.BlockSpec((2, _BN, _H), lambda i: (0, i, 0)),
            pl.BlockSpec((1, _H), lambda i: (0, 0)),
            pl.BlockSpec((_H, _H), lambda i: (0, 0)),
        ],
        out_specs=pl.BlockSpec((_BN, _H), lambda i: (i, 0)),
        out_shape=jax.ShapeDtypeStruct((_N, _H), jnp.float32),
    )(p, b, W)


def _final(p, b3, gid3, Wc1, bc1, Wc2, bc2, Wc3, bc3):

    def body(gid_ref, p_ref, b_ref, wc1, v1, wc2, v2, wc3, v3, o_ref, sums, counts):
        i = pl.program_id(0)

        @pl.when(i == 0)
        def _init():
            sums[...] = jnp.zeros_like(sums)
            counts[...] = jnp.zeros_like(counts)

        h = jnp.maximum(p_ref[0] + p_ref[1] + b_ref[...], 0.0)
        gid = gid_ref[0]
        mask = (lax.broadcasted_iota(jnp.int32, (_G, _BN), 0) == gid).astype(jnp.float32)
        sums[...] += jnp.dot(mask, h, preferred_element_type=jnp.float32)
        counts[...] += jnp.sum(mask, axis=1, keepdims=True)

        @pl.when(i == pl.num_programs(0) - 1)
        def _fin():
            hg = sums[...] / jnp.maximum(counts[...], 1.0)
            z = jnp.maximum(jnp.dot(hg, wc1[...], preferred_element_type=jnp.float32) + v1[...], 0.0)
            z = jnp.maximum(jnp.dot(z, wc2[...], preferred_element_type=jnp.float32) + v2[...], 0.0)
            o_ref[...] = jnp.dot(z, wc3[...], preferred_element_type=jnp.float32) + v3[...]

    return pl.pallas_call(
        body,
        grid=(_N // _BN,),
        in_specs=[
            pl.BlockSpec((1, 1, _BN), lambda i: (i, 0, 0)),
            pl.BlockSpec((2, _BN, _H), lambda i: (0, i, 0)),
            pl.BlockSpec((1, _H), lambda i: (0, 0)),
            pl.BlockSpec((_H, _H), lambda i: (0, 0)),
            pl.BlockSpec((1, _H), lambda i: (0, 0)),
            pl.BlockSpec((_H, _H), lambda i: (0, 0)),
            pl.BlockSpec((1, _H), lambda i: (0, 0)),
            pl.BlockSpec((_H, _C), lambda i: (0, 0)),
            pl.BlockSpec((1, _C), lambda i: (0, 0)),
        ],
        out_specs=pl.BlockSpec((_G, _C), lambda i: (0, 0)),
        out_shape=jax.ShapeDtypeStruct((_G, _C), jnp.float32),
        scratch_shapes=[
            pltpu.VMEM((_G, _H), jnp.float32),
            pltpu.VMEM((_G, 1), jnp.float32),
        ],
    )(gid3, p, b3, Wc1, bc1, Wc2, bc2, Wc3, bc3)


def kernel(x, edge_index, graph_ids, W1, b1, W2, b2, W3, b3, Wc1, bc1, Wc2, bc2, Wc3, bc3):
    src = edge_index[0]
    dst = edge_index[1]
    gid3 = graph_ids.reshape(_N // _BN, 1, _BN)

    y1 = _lin_in(x, W1)
    p1 = _seg_agg(y1, src, dst)
    y2 = _lin_mid(p1, b1.reshape(1, _H), W2)
    p2 = _seg_agg(y2, src, dst)
    y3 = _lin_mid(p2, b2.reshape(1, _H), W3)
    p3 = _seg_agg(y3, src, dst)
    return _final(
        p3, b3.reshape(1, _H), gid3,
        Wc1, bc1.reshape(1, _H), Wc2, bc2.reshape(1, _H), Wc3, bc3.reshape(1, _C),
    )

# --- scband reference (transcript-rebuilt; emitter-appended) ---
"""Pipeline reference for scband-classifier-28956669509883 (READ-ONLY COPY).

The authoritative reference and input builder live on the scoring server;
editing this copy changes nothing except your own understanding.
"""

import jax, jax.numpy as jnp
import numpy as np

N = 10000
E = 320000
D = 128
H = 128
C = 10
G = 128


def setup_inputs(seed: int = 0) -> dict:
    key = jax.random.key(seed)
    ks = jax.random.split(key, 16)
    x = jax.random.normal(ks[0], (N, D), dtype=jnp.float32)
    edge_index = jax.random.randint(ks[1], (2, E), 0, N, dtype=jnp.int32)
    graph_ids = jnp.sort(jax.random.randint(ks[2], (N,), 0, G, dtype=jnp.int32))
    s_in = 1.0 / np.sqrt(D)
    s_h = 1.0 / np.sqrt(H)
    W1 = jax.random.normal(ks[3], (D, H), dtype=jnp.float32) * s_in
    b1 = jnp.zeros((H,), dtype=jnp.float32)
    W2 = jax.random.normal(ks[4], (H, H), dtype=jnp.float32) * s_h
    b2 = jnp.zeros((H,), dtype=jnp.float32)
    W3 = jax.random.normal(ks[5], (H, H), dtype=jnp.float32) * s_h
    b3 = jnp.zeros((H,), dtype=jnp.float32)
    Wc1 = jax.random.normal(ks[6], (H, H), dtype=jnp.float32) * s_h
    bc1 = jnp.zeros((H,), dtype=jnp.float32)
    Wc2 = jax.random.normal(ks[7], (H, H), dtype=jnp.float32) * s_h
    bc2 = jnp.zeros((H,), dtype=jnp.float32)
    Wc3 = jax.random.normal(ks[8], (H, C), dtype=jnp.float32) * s_h
    bc3 = jnp.zeros((C,), dtype=jnp.float32)
    return {"x": x, "edge_index": edge_index, "graph_ids": graph_ids,
            "W1": W1, "b1": b1, "W2": W2, "b2": b2, "W3": W3, "b3": b3,
            "Wc1": Wc1, "bc1": bc1, "Wc2": Wc2, "bc2": bc2, "Wc3": Wc3, "bc3": bc3}


def _graph_conv(h, src, dst, W, b, n_nodes):
    # DGL GraphConv with norm='none': sum-aggregate neighbor features, then linear
    agg = jax.ops.segment_sum(h[src], dst, num_segments=n_nodes)
    return agg @ W + b


def reference(x, edge_index, graph_ids, W1, b1, W2, b2, W3, b3, Wc1, bc1, Wc2, bc2, Wc3, bc3):
    src = edge_index[0]
    dst = edge_index[1]
    n_nodes = x.shape[0]
    h = jax.nn.relu(_graph_conv(x, src, dst, W1, b1, n_nodes))
    h = jax.nn.relu(_graph_conv(h, src, dst, W2, b2, n_nodes))
    h = jax.nn.relu(_graph_conv(h, src, dst, W3, b3, n_nodes))
    # dgl.mean_nodes over batched graph: per-graph mean of node features
    sums = jax.ops.segment_sum(h, graph_ids, num_segments=G)
    counts = jax.ops.segment_sum(jnp.ones((n_nodes,), dtype=jnp.float32), graph_ids, num_segments=G)
    hg = sums / jnp.maximum(counts, 1.0)[:, None]
    # classifier MLP
    z = jax.nn.relu(hg @ Wc1 + bc1)
    z = jax.nn.relu(z @ Wc2 + bc2)
    out = z @ Wc3 + bc3
    return out

if __name__ == "__main__":
    import jax
    _d = setup_inputs()
    print(jax.jit(kernel)(*tuple(_d.values())))

</pallas_src>

<mosaic_0001>
#map = affine_map<(d0, d1) -> (0, 0)>
#map1 = affine_map<(d0, d1) -> (0)>
#map2 = affine_map<(d0, d1) -> (0, 0, 0)>
module attributes {stable_mosaic.version = 14 : i64} {
  func.func @k(%arg0: i32, %arg1: i32, %arg2: memref<10000x128xf32, #tpu.memory_space<hbm>>, %arg3: memref<320000xi32, #tpu.memory_space<hbm>>, %arg4: memref<320000xi32, #tpu.memory_space<hbm>>, %arg5: memref<2x10000x128xf32, #tpu.memory_space<hbm>>, %arg6: memref<10000xi32, #tpu.memory_space<vmem>>, %arg7: memref<3x80xi32, #tpu.memory_space<vmem>>, %arg8: memref<3x80x128xf32, #tpu.memory_space<vmem>>, %arg9: memref<48x128xf32, #tpu.memory_space<vmem>>, %arg10: memref<10000x128xf32, #tpu.memory_space<vmem_shared>>, %arg11: memref<3x!tpu.dma_semaphore, #tpu.memory_space<semaphore_mem>>, %arg12: memref<3x!tpu.dma_semaphore, #tpu.memory_space<semaphore_mem>>) attributes {dimension_semantics = [#tpu.dimension_semantics<core_parallel>, #tpu.dimension_semantics<subcore_parallel>], iteration_bounds = array<i64: 2, 16>, scalar_prefetch = 0 : i64, scratch_operands = 7 : i64, tpu.core_type = #tpu.core_type<sc_vector_subcore>, window_params = [{transform_indices = #map}, {transform_indices = #map1}, {transform_indices = #map1}, {transform_indices = #map2}]} {
    %mul3A = arith.constant 16 : i32
    %mul3A_0 = arith.muli %arg0, %mul3A : i32
    %add3A = arith.addi %mul3A_0, %arg1 : i32
    %mul3A_1 = arith.constant 10000 : i32
    %mul3A_2 = arith.muli %add3A, %mul3A_1 : i32
    "tpu.region"() ({
      %run_scoped3A_224 = tpu.sem_alloc : memref<!tpu.dma_semaphore, #tpu.memory_space<semaphore_mem>>
      %dma_start3A_225 = tpu.memref_slice %arg3[%mul3A_2] : memref<320000xi32, #tpu.memory_space<hbm>> -> memref<10000xi32, #tpu.memory_space<hbm>>
      %dma_start3A_226 = tpu.memref_slice %arg3[%mul3A_2] : memref<320000xi32, #tpu.memory_space<hbm>> -> memref<10000xi32, #tpu.memory_space<hbm>>
      tpu.enqueue_dma source(%dma_start3A_226 : memref<10000xi32, #tpu.memory_space<hbm>>) target(%arg6 : memref<10000xi32, #tpu.memory_space<vmem>>) target_semaphore(%run_scoped3A_224 : memref<!tpu.dma_semaphore, #tpu.memory_space<semaphore_mem>>)
      %dma_wait3A_227 = tpu.memref_slice %arg3[%mul3A_2] : memref<320000xi32, #tpu.memory_space<hbm>> -> memref<10000xi32, #tpu.memory_space<hbm>>
      %dma_wait3A_228 = tpu.memref_slice %arg3[%mul3A_2] : memref<320000xi32, #tpu.memory_space<hbm>> -> memref<10000xi32, #tpu.memory_space<hbm>>
      tpu.wait_dma2 semaphore(%run_scoped3A_224 : memref<!tpu.dma_semaphore, #tpu.memory_space<semaphore_mem>>) src(%dma_wait3A_228 : memref<10000xi32, #tpu.memory_space<hbm>>) dst(%arg6 : memref<10000xi32, #tpu.memory_space<vmem>>)
      tpu.yield
    }) : () -> ()
    %add3A_3 = arith.constant 0 : i32
    %add3A_4 = arith.addi %mul3A_2, %add3A_3 : i32
    %dma_start3A = arith.constant 0 : i32
    %dma_start3A_5 = arith.constant 0 : i32
    %dma_start3A_6 = arith.constant 0 : i32
    %dma_start3A_7 = tpu.memref_slice %arg7[%dma_start3A, %dma_start3A_6] : memref<3x80xi32, #tpu.memory_space<vmem>> -> memref<1x80xi32, #tpu.memory_space<vmem>>
    %dma_start3A_8 = tpu.memref_squeeze %dma_start3A_7 : memref<1x80xi32, #tpu.memory_space<vmem>> -> memref<80xi32, #tpu.memory_space<vmem>>
    %dma_start3A_9 = tpu.memref_slice %arg4[%add3A_4] : memref<320000xi32, #tpu.memory_space<hbm>> -> memref<80xi32, #tpu.memory_space<hbm>>
    %dma_start3A_10 = tpu.memref_slice %arg12[%dma_start3A_5] : memref<3x!tpu.dma_semaphore, #tpu.memory_space<semaphore_mem>> -> memref<1x!tpu.dma_semaphore, #tpu.memory_space<semaphore_mem>>
    %dma_start3A_11 = tpu.memref_squeeze %dma_start3A_10 : memref<1x!tpu.dma_semaphore, #tpu.memory_space<semaphore_mem>> -> memref<!tpu.dma_semaphore, #tpu.memory_space<semaphore_mem>>
    %dma_start3A_12 = arith.constant 0 : i32
    %dma_start3A_13 = tpu.memref_slice %arg7[%dma_start3A, %dma_start3A_12] : memref<3x80xi32, #tpu.memory_space<vmem>> -> memref<1x80xi32, #tpu.memory_space<vmem>>
    %dma_start3A_14 = tpu.memref_squeeze %dma_start3A_13 : memref<1x80xi32, #tpu.memory_space<vmem>> -> memref<80xi32, #tpu.memory_space<vmem>>
    %dma_start3A_15 = tpu.memref_slice %arg4[%add3A_4] : memref<320000xi32, #tpu.memory_space<hbm>> -> memref<80xi32, #tpu.memory_space<hbm>>
    tpu.enqueue_dma source(%dma_start3A_15 : memref<80xi32, #tpu.memory_space<hbm>>) target(%dma_start3A_14 : memref<80xi32, #tpu.memory_space<vmem>>) target_semaphore(%dma_start3A_11 : memref<!tpu.dma_semaphore, #tpu.memory_space<semaphore_mem>>)
    %dma_start3A_16 = arith.constant 0 : i32
    %dma_start3A_17 = arith.constant 0 : i32
    %dma_start3A_18 = arith.constant 0 : i32
    %dma_start3A_19 = arith.constant 0 : i32
    %dma_start3A_20 = tpu.memref_slice %arg8[%dma_start3A_16, %dma_start3A_18, %dma_start3A_19] : memref<3x80x128xf32, #tpu.memory_space<vmem>> -> memref<1x80x128xf32, #tpu.memory_space<vmem>>
    %dma_start3A_21 = tpu.memref_squeeze %dma_start3A_20 : memref<1x80x128xf32, #tpu.memory_space<vmem>> -> memref<80x128xf32, #tpu.memory_space<vmem>>
    %dma_start3A_22 = arith.constant 0 : i32
    %dma_start3A_23 = tpu.memref_slice %arg6[%dma_start3A_22] : memref<10000xi32, #tpu.memory_space<vmem>> -> memref<80xi32, #tpu.memory_space<vmem>>
    %dma_start3A_24 = arith.constant 0 : i32
    %dma_start3A_25 = arith.constant 0 : i32
    %dma_start3A_26 = tpu.memref_slice %arg2[%dma_start3A_24, %dma_start3A_25] : memref<10000x128xf32, #tpu.memory_space<hbm>> -> memref<10000x128xf32, #tpu.memory_space<hbm>>
    %dma_start3A_27 = tpu.memref_slice %arg11[%dma_start3A_17] : memref<3x!tpu.dma_semaphore, #tpu.memory_space<semaphore_mem>> -> memref<1x!tpu.dma_semaphore, #tpu.memory_space<semaphore_mem>>
    %dma_start3A_28 = tpu.memref_squeeze %dma_start3A_27 : memref<1x!tpu.dma_semaphore, #tpu.memory_space<semaphore_mem>> -> memref<!tpu.dma_semaphore, #tpu.memory_space<semaphore_mem>>
    tpu.enqueue_indirect_dma source(%dma_start3A_26 : memref<10000x128xf32, #tpu.memory_space<hbm>>) target(%dma_start3A_21 : memref<80x128xf32, #tpu.memory_space<vmem>>) offsets(%dma_start3A_23 : memref<80xi32, #tpu.memory_space<vmem>>) semaphore(%dma_start3A_28 : memref<!tpu.dma_semaphore, #tpu.memory_space<semaphore_mem>>)
    %add3A_29 = arith.constant 80 : i32
    %add3A_30 = arith.addi %mul3A_2, %add3A_29 : i32
    %dma_start3A_31 = arith.constant 1 : i32
    %dma_start3A_32 = arith.constant 1 : i32
    %dma_start3A_33 = arith.constant 0 : i32
    %dma_start3A_34 = tpu.memref_slice %arg7[%dma_start3A_31, %dma_start3A_33] : memref<3x80xi32, #tpu.memory_space<vmem>> -> memref<1x80xi32, #tpu.memory_space<vmem>>
    %dma_start3A_35 = tpu.memref_squeeze %dma_start3A_34 : memref<1x80xi32, #tpu.memory_space<vmem>> -> memref<80xi32, #tpu.memory_space<vmem>>
    %dma_start3A_36 = tpu.memref_slice %arg4[%add3A_30] : memref<320000xi32, #tpu.memory_space<hbm>> -> memref<80xi32, #tpu.memory_space<hbm>>
    %dma_start3A_37 = tpu.memref_slice %arg12[%dma_start3A_32] : memref<3x!tpu.dma_semaphore, #tpu.memory_space<semaphore_mem>> -> memref<1x!tpu.dma_semaphore, #tpu.memory_space<semaphore_mem>>
    %dma_start3A_38 = tpu.memref_squeeze %dma_start3A_37 : memref<1x!tpu.dma_semaphore, #tpu.memory_space<semaphore_mem>> -> memref<!tpu.dma_semaphore, #tpu.memory_space<semaphore_mem>>
    %dma_start3A_39 = arith.constant 0 : i32
    %dma_start3A_40 = tpu.memref_slice %arg7[%dma_start3A_31, %dma_start3A_39] : memref<3x80xi32, #tpu.memory_space<vmem>> -> memref<1x80xi32, #tpu.memory_space<vmem>>
    %dma_start3A_41 = tpu.memref_squeeze %dma_start3A_40 : memref<1x80xi32, #tpu.memory_space<vmem>> -> memref<80xi32, #tpu.memory_space<vmem>>
    %dma_start3A_42 = tpu.memref_slice %arg4[%add3A_30] : memref<320000xi32, #tpu.memory_space<hbm>> -> memref<80xi32, #tpu.memory_space<hbm>>
    tpu.enqueue_dma source(%dma_start3A_42 : memref<80xi32, #tpu.memory_space<hbm>>) target(%dma_start3A_41 : memref<80xi32, #tpu.memory_space<vmem>>) target_semaphore(%dma_start3A_38 : memref<!tpu.dma_semaphore, #tpu.memory_space<semaphore_mem>>)
    %dma_start3A_43 = arith.constant 1 : i32
    %dma_start3A_44 = arith.constant 1 : i32
    %dma_start3A_45 = arith.constant 0 : i32
    %dma_start3A_46 = arith.constant 0 : i32
    %dma_start3A_47 = tpu.memref_slice %arg8[%dma_start3A_43, %dma_start3A_45, %dma_start3A_46] : memref<3x80x128xf32, #tpu.memory_space<vmem>> -> memref<1x80x128xf32, #tpu.memory_space<vmem>>
    %dma_start3A_48 = tpu.memref_squeeze %dma_start3A_47 : memref<1x80x128xf32, #tpu.memory_space<vmem>> -> memref<80x128xf32, #tpu.memory_space<vmem>>
    %dma_start3A_49 = arith.constant 80 : i32
    %dma_start3A_50 = tpu.memref_slice %arg6[%dma_start3A_49] : memref<10000xi32, #tpu.memory_space<vmem>> -> memref<80xi32, #tpu.memory_space<vmem>>
    %dma_start3A_51 = arith.constant 0 : i32
    %dma_start3A_52 = arith.constant 0 : i32
    %dma_start3A_53 = tpu.memref_slice %arg2[%dma_start3A_51, %dma_start3A_52] : memref<10000x128xf32, #tpu.memory_space<hbm>> -> memref<10000x128xf32, #tpu.memory_space<hbm>>
    %dma_start3A_54 = tpu.memref_slice %arg11[%dma_start3A_44] : memref<3x!tpu.dma_semaphore, #tpu.memory_space<semaphore_mem>> -> memref<1x!tpu.dma_semaphore, #tpu.memory_space<semaphore_mem>>
    %dma_start3A_55 = tpu.memref_squeeze %dma_start3A_54 : memref<1x!tpu.dma_semaphore, #tpu.memory_space<semaphore_mem>> -> memref<!tpu.dma_semaphore, #tpu.memory_space<semaphore_mem>>
    tpu.enqueue_indirect_dma source(%dma_start3A_53 : memref<10000x128xf32, #tpu.memory_space<hbm>>) target(%dma_start3A_48 : memref<80x128xf32, #tpu.memory_space<vmem>>) offsets(%dma_start3A_50 : memref<80xi32, #tpu.memory_space<vmem>>) semaphore(%dma_start3A_55 : memref<!tpu.dma_semaphore, #tpu.memory_space<semaphore_mem>>)
    %add3A_56 = arith.constant 160 : i32
    %add3A_57 = arith.addi %mul3A_2, %add3A_56 : i32
    %dma_start3A_58 = arith.constant 2 : i32
    %dma_start3A_59 = arith.constant 2 : i32
    %dma_start3A_60 = arith.constant 0 : i32
    %dma_start3A_61 = tpu.memref_slice %arg7[%dma_start3A_58, %dma_start3A_60] : memref<3x80xi32, #tpu.memory_space<vmem>> -> memref<1x80xi32, #tpu.memory_space<vmem>>
    %dma_start3A_62 = tpu.memref_squeeze %dma_start3A_61 : memref<1x80xi32, #tpu.memory_space<vmem>> -> memref<80xi32, #tpu.memory_space<vmem>>
    %dma_start3A_63 = tpu.memref_slice %arg4[%add3A_57] : memref<320000xi32, #tpu.memory_space<hbm>> -> memref<80xi32, #tpu.memory_space<hbm>>
    %dma_start3A_64 = tpu.memref_slice %arg12[%dma_start3A_59] : memref<3x!tpu.dma_semaphore, #tpu.memory_space<semaphore_mem>> -> memref<1x!tpu.dma_semaphore, #tpu.memory_space<semaphore_mem>>
    %dma_start3A_65 = tpu.memref_squeeze %dma_start3A_64 : memref<1x!tpu.dma_semaphore, #tpu.memory_space<semaphore_mem>> -> memref<!tpu.dma_semaphore, #tpu.memory_space<semaphore_mem>>
    %dma_start3A_66 = arith.constant 0 : i32
    %dma_start3A_67 = tpu.memref_slice %arg7[%dma_start3A_58, %dma_start3A_66] : memref<3x80xi32, #tpu.memory_space<vmem>> -> memref<1x80xi32, #tpu.memory_space<vmem>>
    %dma_start3A_68 = tpu.memref_squeeze %dma_start3A_67 : memref<1x80xi32, #tpu.memory_space<vmem>> -> memref<80xi32, #tpu.memory_space<vmem>>
    %dma_start3A_69 = tpu.memref_slice %arg4[%add3A_57] : memref<320000xi32, #tpu.memory_space<hbm>> -> memref<80xi32, #tpu.memory_space<hbm>>
    tpu.enqueue_dma source(%dma_start3A_69 : memref<80xi32, #tpu.memory_space<hbm>>) target(%dma_start3A_68 : memref<80xi32, #tpu.memory_space<vmem>>) target_semaphore(%dma_start3A_65 : memref<!tpu.dma_semaphore, #tpu.memory_space<semaphore_mem>>)
    %dma_start3A_70 = arith.constant 2 : i32
    %dma_start3A_71 = arith.constant 2 : i32
    %dma_start3A_72 = arith.constant 0 : i32
    %dma_start3A_73 = arith.constant 0 : i32
    %dma_start3A_74 = tpu.memref_slice %arg8[%dma_start3A_70, %dma_start3A_72, %dma_start3A_73] : memref<3x80x128xf32, #tpu.memory_space<vmem>> -> memref<1x80x128xf32, #tpu.memory_space<vmem>>
    %dma_start3A_75 = tpu.memref_squeeze %dma_start3A_74 : memref<1x80x128xf32, #tpu.memory_space<vmem>> -> memref<80x128xf32, #tpu.memory_space<vmem>>
    %dma_start3A_76 = arith.constant 160 : i32
    %dma_start3A_77 = tpu.memref_slice %arg6[%dma_start3A_76] : memref<10000xi32, #tpu.memory_space<vmem>> -> memref<80xi32, #tpu.memory_space<vmem>>
    %dma_start3A_78 = arith.constant 0 : i32
    %dma_start3A_79 = arith.constant 0 : i32
    %dma_start3A_80 = tpu.memref_slice %arg2[%dma_start3A_78, %dma_start3A_79] : memref<10000x128xf32, #tpu.memory_space<hbm>> -> memref<10000x128xf32, #tpu.memory_space<hbm>>
    %dma_start3A_81 = tpu.memref_slice %arg11[%dma_start3A_71] : memref<3x!tpu.dma_semaphore, #tpu.memory_space<semaphore_mem>> -> memref<1x!tpu.dma_semaphore, #tpu.memory_space<semaphore_mem>>
    %dma_start3A_82 = tpu.memref_squeeze %dma_start3A_81 : memref<1x!tpu.dma_semaphore, #tpu.memory_space<semaphore_mem>> -> memref<!tpu.dma_semaphore, #tpu.memory_space<semaphore_mem>>
    tpu.enqueue_indirect_dma source(%dma_start3A_80 : memref<10000x128xf32, #tpu.memory_space<hbm>>) target(%dma_start3A_75 : memref<80x128xf32, #tpu.memory_space<vmem>>) offsets(%dma_start3A_77 : memref<80xi32, #tpu.memory_space<vmem>>) semaphore(%dma_start3A_82 : memref<!tpu.dma_semaphore, #tpu.memory_space<semaphore_mem>>)
    %scan3A = arith.constant 0 : i32
    %scan3A_83 = arith.constant 0 : i32
    %scan3A_84 = arith.constant 48 : i32
    %scan3A_85 = arith.addi %scan3A_83, %scan3A_84 : i32
    %scan3A_86 = arith.constant 1 : i32
    scf.for %scan3A_224 = %scan3A_83 to %scan3A_85 step %scan3A_86  : i32 {
      %broadcast_in_dim3A = arith.constant 0.000000e+00 : f32
      %broadcast_in_dim3A_225 = vector.broadcast %broadcast_in_dim3A : f32 to vector<16xf32>
      %swap3A = arith.index_cast %scan3A_224 : i32 to index
      %swap3A_226 = arith.constant 0 : index
      %swap3A_227 = tpu.vector_load %arg9[%swap3A, %swap3A_226] {strides = array<i32>} : memref<48x128xf32, #tpu.memory_space<vmem>>, vector<1x16xf32>,
      %swap3A_228 = vector.shape_cast %swap3A_227 : vector<1x16xf32> to vector<16xf32>
      %swap3A_229 = vector.shape_cast %broadcast_in_dim3A_225 : vector<16xf32> to vector<1x16xf32>
      tpu.vector_store %arg9[%swap3A, %swap3A_226], %swap3A_229 {strides = array<i32>} : memref<48x128xf32, #tpu.memory_space<vmem>>, vector<1x16xf32>,
      %broadcast_in_dim3A_230 = arith.constant 0.000000e+00 : f32
      %broadcast_in_dim3A_231 = vector.broadcast %broadcast_in_dim3A_230 : f32 to vector<16xf32>
      %swap3A_232 = arith.index_cast %scan3A_224 : i32 to index
      %swap3A_233 = arith.constant 16 : index
      %swap3A_234 = tpu.vector_load %arg9[%swap3A_232, %swap3A_233] {strides = array<i32>} : memref<48x128xf32, #tpu.memory_space<vmem>>, vector<1x16xf32>,
      %swap3A_235 = vector.shape_cast %swap3A_234 : vector<1x16xf32> to vector<16xf32>
      %swap3A_236 = vector.shape_cast %broadcast_in_dim3A_231 : vector<16xf32> to vector<1x16xf32>
      tpu.vector_store %arg9[%swap3A_232, %swap3A_233], %swap3A_236 {strides = array<i32>} : memref<48x128xf32, #tpu.memory_space<vmem>>, vector<1x16xf32>,
      %broadcast_in_dim3A_237 = arith.constant 0.000000e+00 : f32
      %broadcast_in_dim3A_238 = vector.broadcast %broadcast_in_dim3A_237 : f32 to vector<16xf32>
      %swap3A_239 = arith.index_cast %scan3A_224 : i32 to index
      %swap3A_240 = arith.constant 32 : index
      %swap3A_241 = tpu.vector_load %arg9[%swap3A_239, %swap3A_240] {strides = array<i32>} : memref<48x128xf32, #tpu.memory_space<vmem>>, vector<1x16xf32>,
      %swap3A_242 = vector.shape_cast %swap3A_241 : vector<1x16xf32> to vector<16xf32>
      %swap3A_243 = vector.shape_cast %broadcast_in_dim3A_238 : vector<16xf32> to vector<1x16xf32>
      tpu.vector_store %arg9[%swap3A_239, %swap3A_240], %swap3A_243 {strides = array<i32>} : memref<48x128xf32, #tpu.memory_space<vmem>>, vector<1x16xf32>,
      %broadcast_in_dim3A_244 = arith.constant 0.000000e+00 : f32
      %broadcast_in_dim3A_245 = vector.broadcast %broadcast_in_dim3A_244 : f32 to vector<16xf32>
      %swap3A_246 = arith.index_cast %scan3A_224 : i32 to index
      %swap3A_247 = arith.constant 48 : index
      %swap3A_248 = tpu.vector_load %arg9[%swap3A_246, %swap3A_247] {strides = array<i32>} : memref<48x128xf32, #tpu.memory_space<vmem>>, vector<1x16xf32>,
      %swap3A_249 = vector.shape_cast %swap3A_248 : vector<1x16xf32> to vector<16xf32>
      %swap3A_250 = vector.shape_cast %broadcast_in_dim3A_245 : vector<16xf32> to vector<1x16xf32>
      tpu.vector_store %arg9[%swap3A_246, %swap3A_247], %swap3A_250 {strides = array<i32>} : memref<48x128xf32, #tpu.memory_space<vmem>>, vector<1x16xf32>,
      %broadcast_in_dim3A_251 = arith.constant 0.000000e+00 : f32
      %broadcast_in_dim3A_252 = vector.broadcast %broadcast_in_dim3A_251 : f32 to vector<16xf32>
      %swap3A_253 = arith.index_cast %scan3A_224 : i32 to index
      %swap3A_254 = arith.constant 64 : index
      %swap3A_255 = tpu.vector_load %arg9[%swap3A_253, %swap3A_254] {strides = array<i32>} : memref<48x128xf32, #tpu.memory_space<vmem>>, vector<1x16xf32>,
      %swap3A_256 = vector.shape_cast %swap3A_255 : vector<1x16xf32> to vector<16xf32>
      %swap3A_257 = vector.shape_cast %broadcast_in_dim3A_252 : vector<16xf32> to vector<1x16xf32>
      tpu.vector_store %arg9[%swap3A_253, %swap3A_254], %swap3A_257 {strides = array<i32>} : memref<48x128xf32, #tpu.memory_space<vmem>>, vector<1x16xf32>,
      %broadcast_in_dim3A_258 = arith.constant 0.000000e+00 : f32
      %broadcast_in_dim3A_259 = vector.broadcast %broadcast_in_dim3A_258 : f32 to vector<16xf32>
      %swap3A_260 = arith.index_cast %scan3A_224 : i32 to index
      %swap3A_261 = arith.constant 80 : index
      %swap3A_262 = tpu.vector_load %arg9[%swap3A_260, %swap3A_261] {strides = array<i32>} : memref<48x128xf32, #tpu.memory_space<vmem>>, vector<1x16xf32>,
      %swap3A_263 = vector.shape_cast %swap3A_262 : vector<1x16xf32> to vector<16xf32>
      %swap3A_264 = vector.shape_cast %broadcast_in_dim3A_259 : vector<16xf32> to vector<1x16xf32>
      tpu.vector_store %arg9[%swap3A_260, %swap3A_261], %swap3A_264 {strides = array<i32>} : memref<48x128xf32, #tpu.memory_space<vmem>>, vector<1x16xf32>,
      %broadcast_in_dim3A_265 = arith.constant 0.000000e+00 : f32
      %broadcast_in_dim3A_266 = vector.broadcast %broadcast_in_dim3A_265 : f32 to vector<16xf32>
      %swap3A_267 = arith.index_cast %scan3A_224 : i32 to index
      %swap3A_268 = arith.constant 96 : index
      %swap3A_269 = tpu.vector_load %arg9[%swap3A_267, %swap3A_268] {strides = array<i32>} : memref<48x128xf32, #tpu.memory_space<vmem>>, vector<1x16xf32>,
      %swap3A_270 = vector.shape_cast %swap3A_269 : vector<1x16xf32> to vector<16xf32>
      %swap3A_271 = vector.shape_cast %broadcast_in_dim3A_266 : vector<16xf32> to vector<1x16xf32>
      tpu.vector_store %arg9[%swap3A_267, %swap3A_268], %swap3A_271 {strides = array<i32>} : memref<48x128xf32, #tpu.memory_space<vmem>>, vector<1x16xf32>,
      %broadcast_in_dim3A_272 = arith.constant 0.000000e+00 : f32
      %broadcast_in_dim3A_273 = vector.broadcast %broadcast_in_dim3A_272 : f32 to vector<16xf32>
      %swap3A_274 = arith.index_cast %scan3A_224 : i32 to index
      %swap3A_275 = arith.constant 112 : index
      %swap3A_276 = tpu.vector_load %arg9[%swap3A_274, %swap3A_275] {strides = array<i32>} : memref<48x128xf32, #tpu.memory_space<vmem>>, vector<1x16xf32>,
      %swap3A_277 = vector.shape_cast %swap3A_276 : vector<1x16xf32> to vector<16xf32>
      %swap3A_278 = vector.shape_cast %broadcast_in_dim3A_273 : vector<16xf32> to vector<1x16xf32>
      tpu.vector_store %arg9[%swap3A_274, %swap3A_275], %swap3A_278 {strides = array<i32>} : memref<48x128xf32, #tpu.memory_space<vmem>>, vector<1x16xf32>,
    }
    %scan3A_87 = arith.constant 48 : i32
    %mul3A_88 = arith.constant 624 : i32
    %mul3A_89 = arith.muli %arg1, %mul3A_88 : i32
    %add3A_90 = arith.constant 0 : i32
    %add3A_91 = arith.addi %mul3A_89, %add3A_90 : i32
    "tpu.region"() ({
      %run_scoped3A_224 = tpu.sem_alloc : memref<!tpu.dma_semaphore, #tpu.memory_space<semaphore_mem>>
      %dma_start3A_225 = arith.constant 0 : i32
      %dma_start3A_226 = tpu.memref_slice %arg10[%add3A_91, %dma_start3A_225] : memref<10000x128xf32, #tpu.memory_space<vmem_shared>> -> memref<48x128xf32, #tpu.memory_space<vmem_shared>>
      %dma_start3A_227 = arith.constant 0 : i32
      %dma_start3A_228 = tpu.memref_slice %arg10[%add3A_91, %dma_start3A_227] : memref<10000x128xf32, #tpu.memory_space<vmem_shared>> -> memref<48x128xf32, #tpu.memory_space<vmem_shared>>
      tpu.enqueue_dma source(%arg9 : memref<48x128xf32, #tpu.memory_space<vmem>>) target(%dma_start3A_228 : memref<48x128xf32, #tpu.memory_space<vmem_shared>>) target_semaphore(%run_scoped3A_224 : memref<!tpu.dma_semaphore, #tpu.memory_space<semaphore_mem>>)
      %dma_wait3A_229 = arith.constant 0 : i32
      %dma_wait3A_230 = tpu.memref_slice %arg10[%add3A_91, %dma_wait3A_229] : memref<10000x128xf32, #tpu.memory_space<vmem_shared>> -> memref<48x128xf32, #tpu.memory_space<vmem_shared>>
      %dma_wait3A_231 = arith.constant 0 : i32
      %dma_wait3A_232 = tpu.memref_slice %arg10[%add3A_91, %dma_wait3A_231] : memref<10000x128xf32, #tpu.memory_space<vmem_shared>> -> memref<48x128xf32, #tpu.memory_space<vmem_shared>>
      tpu.wait_dma2 semaphore(%run_scoped3A_224 : memref<!tpu.dma_semaphore, #tpu.memory_space<semaphore_mem>>) src(%arg9 : memref<48x128xf32, #tpu.memory_space<vmem>>) dst(%dma_wait3A_232 : memref<48x128xf32, #tpu.memory_space<vmem_shared>>)
      tpu.yield
    }) : () -> ()
    %mul3A_92 = arith.constant 624 : i32
    %mul3A_93 = arith.muli %arg1, %mul3A_92 : i32
    %add3A_94 = arith.constant 48 : i32
    %add3A_95 = arith.addi %mul3A_93, %add3A_94 : i32
    "tpu.region"() ({
      %run_scoped3A_224 = tpu.sem_alloc : memref<!tpu.dma_semaphore, #tpu.memory_space<semaphore_mem>>
      %dma_start3A_225 = arith.constant 0 : i32
      %dma_start3A_226 = tpu.memref_slice %arg10[%add3A_95, %dma_start3A_225] : memref<10000x128xf32, #tpu.memory_space<vmem_shared>> -> memref<48x128xf32, #tpu.memory_space<vmem_shared>>
      %dma_start3A_227 = arith.constant 0 : i32
      %dma_start3A_228 = tpu.memref_slice %arg10[%add3A_95, %dma_start3A_227] : memref<10000x128xf32, #tpu.memory_space<vmem_shared>> -> memref<48x128xf32, #tpu.memory_space<vmem_shared>>
      tpu.enqueue_dma source(%arg9 : memref<48x128xf32, #tpu.memory_space<vmem>>) target(%dma_start3A_228 : memref<48x128xf32, #tpu.memory_space<vmem_shared>>) target_semaphore(%run_scoped3A_224 : memref<!tpu.dma_semaphore, #tpu.memory_space<semaphore_mem>>)
      %dma_wait3A_229 = arith.constant 0 : i32
      %dma_wait3A_230 = tpu.memref_slice %arg10[%add3A_95, %dma_wait3A_229] : memref<10000x128xf32, #tpu.memory_space<vmem_shared>> -> memref<48x128xf32, #tpu.memory_space<vmem_shared>>
      %dma_wait3A_231 = arith.constant 0 : i32
      %dma_wait3A_232 = tpu.memref_slice %arg10[%add3A_95, %dma_wait3A_231] : memref<10000x128xf32, #tpu.memory_space<vmem_shared>> -> memref<48x128xf32, #tpu.memory_space<vmem_shared>>
      tpu.wait_dma2 semaphore(%run_scoped3A_224 : memref<!tpu.dma_semaphore, #tpu.memory_space<semaphore_mem>>) src(%arg9 : memref<48x128xf32, #tpu.memory_space<vmem>>) dst(%dma_wait3A_232 : memref<48x128xf32, #tpu.memory_space<vmem_shared>>)
      tpu.yield
    }) : () -> ()
    %mul3A_96 = arith.constant 624 : i32
    %mul3A_97 = arith.muli %arg1, %mul3A_96 : i32
    %add3A_98 = arith.constant 96 : i32
    %add3A_99 = arith.addi %mul3A_97, %add3A_98 : i32
    "tpu.region"() ({
      %run_scoped3A_224 = tpu.sem_alloc : memref<!tpu.dma_semaphore, #tpu.memory_space<semaphore_mem>>
      %dma_start3A_225 = arith.constant 0 : i32
      %dma_start3A_226 = tpu.memref_slice %arg10[%add3A_99, %dma_start3A_225] : memref<10000x128xf32, #tpu.memory_space<vmem_shared>> -> memref<48x128xf32, #tpu.memory_space<vmem_shared>>
      %dma_start3A_227 = arith.constant 0 : i32
      %dma_start3A_228 = tpu.memref_slice %arg10[%add3A_99, %dma_start3A_227] : memref<10000x128xf32, #tpu.memory_space<vmem_shared>> -> memref<48x128xf32, #tpu.memory_space<vmem_shared>>
      tpu.enqueue_dma source(%arg9 : memref<48x128xf32, #tpu.memory_space<vmem>>) target(%dma_start3A_228 : memref<48x128xf32, #tpu.memory_space<vmem_shared>>) target_semaphore(%run_scoped3A_224 : memref<!tpu.dma_semaphore, #tpu.memory_space<semaphore_mem>>)
      %dma_wait3A_229 = arith.constant 0 : i32
      %dma_wait3A_230 = tpu.memref_slice %arg10[%add3A_99, %dma_wait3A_229] : memref<10000x128xf32, #tpu.memory_space<vmem_shared>> -> memref<48x128xf32, #tpu.memory_space<vmem_shared>>
      %dma_wait3A_231 = arith.constant 0 : i32
      %dma_wait3A_232 = tpu.memref_slice %arg10[%add3A_99, %dma_wait3A_231] : memref<10000x128xf32, #tpu.memory_space<vmem_shared>> -> memref<48x128xf32, #tpu.memory_space<vmem_shared>>
      tpu.wait_dma2 semaphore(%run_scoped3A_224 : memref<!tpu.dma_semaphore, #tpu.memory_space<semaphore_mem>>) src(%arg9 : memref<48x128xf32, #tpu.memory_space<vmem>>) dst(%dma_wait3A_232 : memref<48x128xf32, #tpu.memory_space<vmem_shared>>)
      tpu.yield
    }) : () -> ()
    %mul3A_100 = arith.constant 624 : i32
    %mul3A_101 = arith.muli %arg1, %mul3A_100 : i32
    %add3A_102 = arith.constant 144 : i32
    %add3A_103 = arith.addi %mul3A_101, %add3A_102 : i32
    "tpu.region"() ({
      %run_scoped3A_224 = tpu.sem_alloc : memref<!tpu.dma_semaphore, #tpu.memory_space<semaphore_mem>>
      %dma_start3A_225 = arith.constant 0 : i32
      %dma_start3A_226 = tpu.memref_slice %arg10[%add3A_103, %dma_start3A_225] : memref<10000x128xf32, #tpu.memory_space<vmem_shared>> -> memref<48x128xf32, #tpu.memory_space<vmem_shared>>
      %dma_start3A_227 = arith.constant 0 : i32
      %dma_start3A_228 = tpu.memref_slice %arg10[%add3A_103, %dma_start3A_227] : memref<10000x128xf32, #tpu.memory_space<vmem_shared>> -> memref<48x128xf32, #tpu.memory_space<vmem_shared>>
      tpu.enqueue_dma source(%arg9 : memref<48x128xf32, #tpu.memory_space<vmem>>) target(%dma_start3A_228 : memref<48x128xf32, #tpu.memory_space<vmem_shared>>) target_semaphore(%run_scoped3A_224 : memref<!tpu.dma_semaphore, #tpu.memory_space<semaphore_mem>>)
      %dma_wait3A_229 = arith.constant 0 : i32
      %dma_wait3A_230 = tpu.memref_slice %arg10[%add3A_103, %dma_wait3A_229] : memref<10000x128xf32, #tpu.memory_space<vmem_shared>> -> memref<48x128xf32, #tpu.memory_space<vmem_shared>>
      %dma_wait3A_231 = arith.constant 0 : i32
      %dma_wait3A_232 = tpu.memref_slice %arg10[%add3A_103, %dma_wait3A_231] : memref<10000x128xf32, #tpu.memory_space<vmem_shared>> -> memref<48x128xf32, #tpu.memory_space<vmem_shared>>
      tpu.wait_dma2 semaphore(%run_scoped3A_224 : memref<!tpu.dma_semaphore, #tpu.memory_space<semaphore_mem>>) src(%arg9 : memref<48x128xf32, #tpu.memory_space<vmem>>) dst(%dma_wait3A_232 : memref<48x128xf32, #tpu.memory_space<vmem_shared>>)
      tpu.yield
    }) : () -> ()
    %mul3A_104 = arith.constant 624 : i32
    %mul3A_105 = arith.muli %arg1, %mul3A_104 : i32
    %add3A_106 = arith.constant 192 : i32
    %add3A_107 = arith.addi %mul3A_105, %add3A_106 : i32
    "tpu.region"() ({
      %run_scoped3A_224 = tpu.sem_alloc : memref<!tpu.dma_semaphore, #tpu.memory_space<semaphore_mem>>
      %dma_start3A_225 = arith.constant 0 : i32
      %dma_start3A_226 = tpu.memref_slice %arg10[%add3A_107, %dma_start3A_225] : memref<10000x128xf32, #tpu.memory_space<vmem_shared>> -> memref<48x128xf32, #tpu.memory_space<vmem_shared>>
      %dma_start3A_227 = arith.constant 0 : i32
      %dma_start3A_228 = tpu.memref_slice %arg10[%add3A_107, %dma_start3A_227] : memref<10000x128xf32, #tpu.memory_space<vmem_shared>> -> memref<48x128xf32, #tpu.memory_space<vmem_shared>>
      tpu.enqueue_dma source(%arg9 : memref<48x128xf32, #tpu.memory_space<vmem>>) target(%dma_start3A_228 : memref<48x128xf32, #tpu.memory_space<vmem_shared>>) target_semaphore(%run_scoped3A_224 : memref<!tpu.dma_semaphore, #tpu.memory_space<semaphore_mem>>)
      %dma_wait3A_229 = arith.constant 0 : i32
      %dma_wait3A_230 = tpu.memref_slice %arg10[%add3A_107, %dma_wait3A_229] : memref<10000x128xf32, #tpu.memory_space<vmem_shared>> -> memref<48x128xf32, #tpu.memory_space<vmem_shared>>
      %dma_wait3A_231 = arith.constant 0 : i32
      %dma_wait3A_232 = tpu.memref_slice %arg10[%add3A_107, %dma_wait3A_231] : memref<10000x128xf32, #tpu.memory_space<vmem_shared>> -> memref<48x128xf32, #tpu.memory_space<vmem_shared>>
      tpu.wait_dma2 semaphore(%run_scoped3A_224 : memref<!tpu.dma_semaphore, #tpu.memory_space<semaphore_mem>>) src(%arg9 : memref<48x128xf32, #tpu.memory_space<vmem>>) dst(%dma_wait3A_232 : memref<48x128xf32, #tpu.memory_space<vmem_shared>>)
      tpu.yield
    }) : () -> ()
    %mul3A_108 = arith.constant 624 : i32
    %mul3A_109 = arith.muli %arg1, %mul3A_108 : i32
    %add3A_110 = arith.constant 240 : i32
    %add3A_111 = arith.addi %mul3A_109, %add3A_110 : i32
    "tpu.region"() ({
      %run_scoped3A_224 = tpu.sem_alloc : memref<!tpu.dma_semaphore, #tpu.memory_space<semaphore_mem>>
      %dma_start3A_225 = arith.constant 0 : i32
      %dma_start3A_226 = tpu.memref_slice %arg10[%add3A_111, %dma_start3A_225] : memref<10000x128xf32, #tpu.memory_space<vmem_shared>> -> memref<48x128xf32, #tpu.memory_space<vmem_shared>>
      %dma_start3A_227 = arith.constant 0 : i32
      %dma_start3A_228 = tpu.memref_slice %arg10[%add3A_111, %dma_start3A_227] : memref<10000x128xf32, #tpu.memory_space<vmem_shared>> -> memref<48x128xf32, #tpu.memory_space<vmem_shared>>
      tpu.enqueue_dma source(%arg9 : memref<48x128xf32, #tpu.memory_space<vmem>>) target(%dma_start3A_228 : memref<48x128xf32, #tpu.memory_space<vmem_shared>>) target_semaphore(%run_scoped3A_224 : memref<!tpu.dma_semaphore, #tpu.memory_space<semaphore_mem>>)
      %dma_wait3A_229 = arith.constant 0 : i32
      %dma_wait3A_230 = tpu.memref_slice %arg10[%add3A_111, %dma_wait3A_229] : memref<10000x128xf32, #tpu.memory_space<vmem_shared>> -> memref<48x128xf32, #tpu.memory_space<vmem_shared>>
      %dma_wait3A_231 = arith.constant 0 : i32
      %dma_wait3A_232 = tpu.memref_slice %arg10[%add3A_111, %dma_wait3A_231] : memref<10000x128xf32, #tpu.memory_space<vmem_shared>> -> memref<48x128xf32, #tpu.memory_space<vmem_shared>>
      tpu.wait_dma2 semaphore(%run_scoped3A_224 : memref<!tpu.dma_semaphore, #tpu.memory_space<semaphore_mem>>) src(%arg9 : memref<48x128xf32, #tpu.memory_space<vmem>>) dst(%dma_wait3A_232 : memref<48x128xf32, #tpu.memory_space<vmem_shared>>)
      tpu.yield
    }) : () -> ()
    %mul3A_112 = arith.constant 624 : i32
    %mul3A_113 = arith.muli %arg1, %mul3A_112 : i32
    %add3A_114 = arith.constant 288 : i32
    %add3A_115 = arith.addi %mul3A_113, %add3A_114 : i32
    "tpu.region"() ({
      %run_scoped3A_224 = tpu.sem_alloc : memref<!tpu.dma_semaphore, #tpu.memory_space<semaphore_mem>>
      %dma_start3A_225 = arith.constant 0 : i32
      %dma_start3A_226 = tpu.memref_slice %arg10[%add3A_115, %dma_start3A_225] : memref<10000x128xf32, #tpu.memory_space<vmem_shared>> -> memref<48x128xf32, #tpu.memory_space<vmem_shared>>
      %dma_start3A_227 = arith.constant 0 : i32
      %dma_start3A_228 = tpu.memref_slice %arg10[%add3A_115, %dma_start3A_227] : memref<10000x128xf32, #tpu.memory_space<vmem_shared>> -> memref<48x128xf32, #tpu.memory_space<vmem_shared>>
      tpu.enqueue_dma source(%arg9 : memref<48x128xf32, #tpu.memory_space<vmem>>) target(%dma_start3A_228 : memref<48x128xf32, #tpu.memory_space<vmem_shared>>) target_semaphore(%run_scoped3A_224 : memref<!tpu.dma_semaphore, #tpu.memory_space<semaphore_mem>>)
      %dma_wait3A_229 = arith.constant 0 : i32
      %dma_wait3A_230 = tpu.memref_slice %arg10[%add3A_115, %dma_wait3A_229] : memref<10000x128xf32, #tpu.memory_space<vmem_shared>> -> memref<48x128xf32, #tpu.memory_space<vmem_shared>>
      %dma_wait3A_231 = arith.constant 0 : i32
      %dma_wait3A_232 = tpu.memref_slice %arg10[%add3A_115, %dma_wait3A_231] : memref<10000x128xf32, #tpu.memory_space<vmem_shared>> -> memref<48x128xf32, #tpu.memory_space<vmem_shared>>
      tpu.wait_dma2 semaphore(%run_scoped3A_224 : memref<!tpu.dma_semaphore, #tpu.memory_space<semaphore_mem>>) src(%arg9 : memref<48x128xf32, #tpu.memory_space<vmem>>) dst(%dma_wait3A_232 : memref<48x128xf32, #tpu.memory_space<vmem_shared>>)
      tpu.yield
    }) : () -> ()
    %mul3A_116 = arith.constant 624 : i32
    %mul3A_117 = arith.muli %arg1, %mul3A_116 : i32
    %add3A_118 = arith.constant 336 : i32
    %add3A_119 = arith.addi %mul3A_117, %add3A_118 : i32
    "tpu.region"() ({
      %run_scoped3A_224 = tpu.sem_alloc : memref<!tpu.dma_semaphore, #tpu.memory_space<semaphore_mem>>
      %dma_start3A_225 = arith.constant 0 : i32
      %dma_start3A_226 = tpu.memref_slice %arg10[%add3A_119, %dma_start3A_225] : memref<10000x128xf32, #tpu.memory_space<vmem_shared>> -> memref<48x128xf32, #tpu.memory_space<vmem_shared>>
      %dma_start3A_227 = arith.constant 0 : i32
      %dma_start3A_228 = tpu.memref_slice %arg10[%add3A_119, %dma_start3A_227] : memref<10000x128xf32, #tpu.memory_space<vmem_shared>> -> memref<48x128xf32, #tpu.memory_space<vmem_shared>>
      tpu.enqueue_dma source(%arg9 : memref<48x128xf32, #tpu.memory_space<vmem>>) target(%dma_start3A_228 : memref<48x128xf32, #tpu.memory_space<vmem_shared>>) target_semaphore(%run_scoped3A_224 : memref<!tpu.dma_semaphore, #tpu.memory_space<semaphore_mem>>)
      %dma_wait3A_229 = arith.constant 0 : i32
      %dma_wait3A_230 = tpu.memref_slice %arg10[%add3A_119, %dma_wait3A_229] : memref<10000x128xf32, #tpu.memory_space<vmem_shared>> -> memref<48x128xf32, #tpu.memory_space<vmem_shared>>
      %dma_wait3A_231 = arith.constant 0 : i32
      %dma_wait3A_232 = tpu.memref_slice %arg10[%add3A_119, %dma_wait3A_231] : memref<10000x128xf32, #tpu.memory_space<vmem_shared>> -> memref<48x128xf32, #tpu.memory_space<vmem_shared>>
      tpu.wait_dma2 semaphore(%run_scoped3A_224 : memref<!tpu.dma_semaphore, #tpu.memory_space<semaphore_mem>>) src(%arg9 : memref<48x128xf32, #tpu.memory_space<vmem>>) dst(%dma_wait3A_232 : memref<48x128xf32, #tpu.memory_space<vmem_shared>>)
      tpu.yield
    }) : () -> ()
    %mul3A_120 = arith.constant 624 : i32
    %mul3A_121 = arith.muli %arg1, %mul3A_120 : i32
    %add3A_122 = arith.constant 384 : i32
    %add3A_123 = arith.addi %mul3A_121, %add3A_122 : i32
    "tpu.region"() ({
      %run_scoped3A_224 = tpu.sem_alloc : memref<!tpu.dma_semaphore, #tpu.memory_space<semaphore_mem>>
      %dma_start3A_225 = arith.constant 0 : i32
      %dma_start3A_226 = tpu.memref_slice %arg10[%add3A_123, %dma_start3A_225] : memref<10000x128xf32, #tpu.memory_space<vmem_shared>> -> memref<48x128xf32, #tpu.memory_space<vmem_shared>>
      %dma_start3A_227 = arith.constant 0 : i32
      %dma_start3A_228 = tpu.memref_slice %arg10[%add3A_123, %dma_start3A_227] : memref<10000x128xf32, #tpu.memory_space<vmem_shared>> -> memref<48x128xf32, #tpu.memory_space<vmem_shared>>
      tpu.enqueue_dma source(%arg9 : memref<48x128xf32, #tpu.memory_space<vmem>>) target(%dma_start3A_228 : memref<48x128xf32, #tpu.memory_space<vmem_shared>>) target_semaphore(%run_scoped3A_224 : memref<!tpu.dma_semaphore, #tpu.memory_space<semaphore_mem>>)
      %dma_wait3A_229 = arith.constant 0 : i32
      %dma_wait3A_230 = tpu.memref_slice %arg10[%add3A_123, %dma_wait3A_229] : memref<10000x128xf32, #tpu.memory_space<vmem_shared>> -> memref<48x128xf32, #tpu.memory_space<vmem_shared>>
      %dma_wait3A_231 = arith.constant 0 : i32
      %dma_wait3A_232 = tpu.memref_slice %arg10[%add3A_123, %dma_wait3A_231] : memref<10000x128xf32, #tpu.memory_space<vmem_shared>> -> memref<48x128xf32, #tpu.memory_space<vmem_shared>>
      tpu.wait_dma2 semaphore(%run_scoped3A_224 : memref<!tpu.dma_semaphore, #tpu.memory_space<semaphore_mem>>) src(%arg9 : memref<48x128xf32, #tpu.memory_space<vmem>>) dst(%dma_wait3A_232 : memref<48x128xf32, #tpu.memory_space<vmem_shared>>)
      tpu.yield
    }) : () -> ()
    %mul3A_124 = arith.constant 624 : i32
    %mul3A_125 = arith.muli %arg1, %mul3A_124 : i32
    %add3A_126 = arith.constant 432 : i32
    %add3A_127 = arith.addi %mul3A_125, %add3A_126 : i32
    "tpu.region"() ({
      %run_scoped3A_224 = tpu.sem_alloc : memref<!tpu.dma_semaphore, #tpu.memory_space<semaphore_mem>>
      %dma_start3A_225 = arith.constant 0 : i32
      %dma_start3A_226 = tpu.memref_slice %arg10[%add3A_127, %dma_start3A_225] : memref<10000x128xf32, #tpu.memory_space<vmem_shared>> -> memref<48x128xf32, #tpu.memory_space<vmem_shared>>
      %dma_start3A_227 = arith.constant 0 : i32
      %dma_start3A_228 = tpu.memref_slice %arg10[%add3A_127, %dma_start3A_227] : memref<10000x128xf32, #tpu.memory_space<vmem_shared>> -> memref<48x128xf32, #tpu.memory_space<vmem_shared>>
      tpu.enqueue_dma source(%arg9 : memref<48x128xf32, #tpu.memory_space<vmem>>) target(%dma_start3A_228 : memref<48x128xf32, #tpu.memory_space<vmem_shared>>) target_semaphore(%run_scoped3A_224 : memref<!tpu.dma_semaphore, #tpu.memory_space<semaphore_mem>>)
      %dma_wait3A_229 = arith.constant 0 : i32
      %dma_wait3A_230 = tpu.memref_slice %arg10[%add3A_127, %dma_wait3A_229] : memref<10000x128xf32, #tpu.memory_space<vmem_shared>> -> memref<48x128xf32, #tpu.memory_space<vmem_shared>>
      %dma_wait3A_231 = arith.constant 0 : i32
      %dma_wait3A_232 = tpu.memref_slice %arg10[%add3A_127, %dma_wait3A_231] : memref<10000x128xf32, #tpu.memory_space<vmem_shared>> -> memref<48x128xf32, #tpu.memory_space<vmem_shared>>
      tpu.wait_dma2 semaphore(%run_scoped3A_224 : memref<!tpu.dma_semaphore, #tpu.memory_space<semaphore_mem>>) src(%arg9 : memref<48x128xf32, #tpu.memory_space<vmem>>) dst(%dma_wait3A_232 : memref<48x128xf32, #tpu.memory_space<vmem_shared>>)
      tpu.yield
    }) : () -> ()
    %mul3A_128 = arith.constant 624 : i32
    %mul3A_129 = arith.muli %arg1, %mul3A_128 : i32
    %add3A_130 = arith.constant 480 : i32
    %add3A_131 = arith.addi %mul3A_129, %add3A_130 : i32
    "tpu.region"() ({
      %run_scoped3A_224 = tpu.sem_alloc : memref<!tpu.dma_semaphore, #tpu.memory_space<semaphore_mem>>
      %dma_start3A_225 = arith.constant 0 : i32
      %dma_start3A_226 = tpu.memref_slice %arg10[%add3A_131, %dma_start3A_225] : memref<10000x128xf32, #tpu.memory_space<vmem_shared>> -> memref<48x128xf32, #tpu.memory_space<vmem_shared>>
      %dma_start3A_227 = arith.constant 0 : i32
      %dma_start3A_228 = tpu.memref_slice %arg10[%add3A_131, %dma_start3A_227] : memref<10000x128xf32, #tpu.memory_space<vmem_shared>> -> memref<48x128xf32, #tpu.memory_space<vmem_shared>>
      tpu.enqueue_dma source(%arg9 : memref<48x128xf32, #tpu.memory_space<vmem>>) target(%dma_start3A_228 : memref<48x128xf32, #tpu.memory_space<vmem_shared>>) target_semaphore(%run_scoped3A_224 : memref<!tpu.dma_semaphore, #tpu.memory_space<semaphore_mem>>)
      %dma_wait3A_229 = arith.constant 0 : i32
      %dma_wait3A_230 = tpu.memref_slice %arg10[%add3A_131, %dma_wait3A_229] : memref<10000x128xf32, #tpu.memory_space<vmem_shared>> -> memref<48x128xf32, #tpu.memory_space<vmem_shared>>
      %dma_wait3A_231 = arith.constant 0 : i32
      %dma_wait3A_232 = tpu.memref_slice %arg10[%add3A_131, %dma_wait3A_231] : memref<10000x128xf32, #tpu.memory_space<vmem_shared>> -> memref<48x128xf32, #tpu.memory_space<vmem_shared>>
      tpu.wait_dma2 semaphore(%run_scoped3A_224 : memref<!tpu.dma_semaphore, #tpu.memory_space<semaphore_mem>>) src(%arg9 : memref<48x128xf32, #tpu.memory_space<vmem>>) dst(%dma_wait3A_232 : memref<48x128xf32, #tpu.memory_space<vmem_shared>>)
      tpu.yield
    }) : () -> ()
    %mul3A_132 = arith.constant 624 : i32
    %mul3A_133 = arith.muli %arg1, %mul3A_132 : i32
    %add3A_134 = arith.constant 528 : i32
    %add3A_135 = arith.addi %mul3A_133, %add3A_134 : i32
    "tpu.region"() ({
      %run_scoped3A_224 = tpu.sem_alloc : memref<!tpu.dma_semaphore, #tpu.memory_space<semaphore_mem>>
      %dma_start3A_225 = arith.constant 0 : i32
      %dma_start3A_226 = tpu.memref_slice %arg10[%add3A_135, %dma_start3A_225] : memref<10000x128xf32, #tpu.memory_space<vmem_shared>> -> memref<48x128xf32, #tpu.memory_space<vmem_shared>>
      %dma_start3A_227 = arith.constant 0 : i32
      %dma_start3A_228 = tpu.memref_slice %arg10[%add3A_135, %dma_start3A_227] : memref<10000x128xf32, #tpu.memory_space<vmem_shared>> -> memref<48x128xf32, #tpu.memory_space<vmem_shared>>
      tpu.enqueue_dma source(%arg9 : memref<48x128xf32, #tpu.memory_space<vmem>>) target(%dma_start3A_228 : memref<48x128xf32, #tpu.memory_space<vmem_shared>>) target_semaphore(%run_scoped3A_224 : memref<!tpu.dma_semaphore, #tpu.memory_space<semaphore_mem>>)
      %dma_wait3A_229 = arith.constant 0 : i32
      %dma_wait3A_230 = tpu.memref_slice %arg10[%add3A_135, %dma_wait3A_229] : memref<10000x128xf32, #tpu.memory_space<vmem_shared>> -> memref<48x128xf32, #tpu.memory_space<vmem_shared>>
      %dma_wait3A_231 = arith.constant 0 : i32
      %dma_wait3A_232 = tpu.memref_slice %arg10[%add3A_135, %dma_wait3A_231] : memref<10000x128xf32, #tpu.memory_space<vmem_shared>> -> memref<48x128xf32, #tpu.memory_space<vmem_shared>>
      tpu.wait_dma2 semaphore(%run_scoped3A_224 : memref<!tpu.dma_semaphore, #tpu.memory_space<semaphore_mem>>) src(%arg9 : memref<48x128xf32, #tpu.memory_space<vmem>>) dst(%dma_wait3A_232 : memref<48x128xf32, #tpu.memory_space<vmem_shared>>)
      tpu.yield
    }) : () -> ()
    %mul3A_136 = arith.constant 624 : i32
    %mul3A_137 = arith.muli %arg1, %mul3A_136 : i32
    %add3A_138 = arith.constant 576 : i32
    %add3A_139 = arith.addi %mul3A_137, %add3A_138 : i32
    "tpu.region"() ({
      %run_scoped3A_224 = tpu.sem_alloc : memref<!tpu.dma_semaphore, #tpu.memory_space<semaphore_mem>>
      %dma_start3A_225 = arith.constant 0 : i32
      %dma_start3A_226 = tpu.memref_slice %arg10[%add3A_139, %dma_start3A_225] : memref<10000x128xf32, #tpu.memory_space<vmem_shared>> -> memref<48x128xf32, #tpu.memory_space<vmem_shared>>
      %dma_start3A_227 = arith.constant 0 : i32
      %dma_start3A_228 = tpu.memref_slice %arg10[%add3A_139, %dma_start3A_227] : memref<10000x128xf32, #tpu.memory_space<vmem_shared>> -> memref<48x128xf32, #tpu.memory_space<vmem_shared>>
      tpu.enqueue_dma source(%arg9 : memref<48x128xf32, #tpu.memory_space<vmem>>) target(%dma_start3A_228 : memref<48x128xf32, #tpu.memory_space<vmem_shared>>) target_semaphore(%run_scoped3A_224 : memref<!tpu.dma_semaphore, #tpu.memory_space<semaphore_mem>>)
      %dma_wait3A_229 = arith.constant 0 : i32
      %dma_wait3A_230 = tpu.memref_slice %arg10[%add3A_139, %dma_wait3A_229] : memref<10000x128xf32, #tpu.memory_space<vmem_shared>> -> memref<48x128xf32, #tpu.memory_space<vmem_shared>>
      %dma_wait3A_231 = arith.constant 0 : i32
      %dma_wait3A_232 = tpu.memref_slice %arg10[%add3A_139, %dma_wait3A_231] : memref<10000x128xf32, #tpu.memory_space<vmem_shared>> -> memref<48x128xf32, #tpu.memory_space<vmem_shared>>
      tpu.wait_dma2 semaphore(%run_scoped3A_224 : memref<!tpu.dma_semaphore, #tpu.memory_space<semaphore_mem>>) src(%arg9 : memref<48x128xf32, #tpu.memory_space<vmem>>) dst(%dma_wait3A_232 : memref<48x128xf32, #tpu.memory_space<vmem_shared>>)
      tpu.yield
    }) : () -> ()
    %eq3A = arith.constant 0 : i32
    %eq3A_140 = arith.cmpi eq, %arg1, %eq3A : i32
    %convert_element_type3A = arith.extui %eq3A_140 : i1 to i32
    %cond3A = arith.constant 0 : i32
    %cond3A_141 = arith.cmpi ne, %convert_element_type3A, %cond3A : i32
    scf.if %cond3A_141 {
      "tpu.region"() ({
        %run_scoped3A_224 = tpu.sem_alloc : memref<!tpu.dma_semaphore, #tpu.memory_space<semaphore_mem>>
        %dma_start3A_225 = arith.constant 0 : i32
        %dma_start3A_226 = arith.constant 0 : i32
        %dma_start3A_227 = tpu.memref_slice %arg9[%dma_start3A_225, %dma_start3A_226] : memref<48x128xf32, #tpu.memory_space<vmem>> -> memref<16x128xf32, #tpu.memory_space<vmem>>
        %dma_start3A_228 = arith.constant 9984 : i32
        %dma_start3A_229 = arith.constant 0 : i32
        %dma_start3A_230 = tpu.memref_slice %arg10[%dma_start3A_228, %dma_start3A_229] : memref<10000x128xf32, #tpu.memory_space<vmem_shared>> -> memref<16x128xf32, #tpu.memory_space<vmem_shared>>
        %dma_start3A_231 = arith.constant 9984 : i32
        %dma_start3A_232 = arith.constant 0 : i32
        %dma_start3A_233 = tpu.memref_slice %arg10[%dma_start3A_231, %dma_start3A_232] : memref<10000x128xf32, #tpu.memory_space<vmem_shared>> -> memref<16x128xf32, #tpu.memory_space<vmem_shared>>
        %dma_start3A_234 = arith.constant 0 : i32
        %dma_start3A_235 = arith.constant 0 : i32
        %dma_start3A_236 = tpu.memref_slice %arg9[%dma_start3A_234, %dma_start3A_235] : memref<48x128xf32, #tpu.memory_space<vmem>> -> memref<16x128xf32, #tpu.memory_space<vmem>>
        tpu.enqueue_dma source(%dma_start3A_236 : memref<16x128xf32, #tpu.memory_space<vmem>>) target(%dma_start3A_233 : memref<16x128xf32, #tpu.memory_space<vmem_shared>>) target_semaphore(%run_scoped3A_224 : memref<!tpu.dma_semaphore, #tpu.memory_space<semaphore_mem>>)
        %dma_wait3A_237 = arith.constant 0 : i32
        %dma_wait3A_238 = arith.constant 0 : i32
        %dma_wait3A_239 = tpu.memref_slice %arg9[%dma_wait3A_237, %dma_wait3A_238] : memref<48x128xf32, #tpu.memory_space<vmem>> -> memref<16x128xf32, #tpu.memory_space<vmem>>
        %dma_wait3A_240 = arith.constant 9984 : i32
        %dma_wait3A_241 = arith.constant 0 : i32
        %dma_wait3A_242 = tpu.memref_slice %arg10[%dma_wait3A_240, %dma_wait3A_241] : memref<10000x128xf32, #tpu.memory_space<vmem_shared>> -> memref<16x128xf32, #tpu.memory_space<vmem_shared>>
        %dma_wait3A_243 = arith.constant 9984 : i32
        %dma_wait3A_244 = arith.constant 0 : i32
        %dma_wait3A_245 = tpu.memref_slice %arg10[%dma_wait3A_243, %dma_wait3A_244] : memref<10000x128xf32, #tpu.memory_space<vmem_shared>> -> memref<16x128xf32, #tpu.memory_space<vmem_shared>>
        %dma_wait3A_246 = arith.constant 0 : i32
        %dma_wait3A_247 = arith.constant 0 : i32
        %dma_wait3A_248 = tpu.memref_slice %arg9[%dma_wait3A_246, %dma_wait3A_247] : memref<48x128xf32, #tpu.memory_space<vmem>> -> memref<16x128xf32, #tpu.memory_space<vmem>>
        tpu.wait_dma2 semaphore(%run_scoped3A_224 : memref<!tpu.dma_semaphore, #tpu.memory_space<semaphore_mem>>) src(%dma_wait3A_248 : memref<16x128xf32, #tpu.memory_space<vmem>>) dst(%dma_wait3A_245 : memref<16x128xf32, #tpu.memory_space<vmem_shared>>)
        tpu.yield
      }) : () -> ()
    } else {
    }
    %barrier3A = arith.constant 0 : index
    tpu.barrier barrier_id(%barrier3A)
    %scan3A_142 = arith.constant 0 : i32
    %scan3A_143 = arith.constant 0 : i32
    %scan3A_144 = arith.constant 41 : i32
    %scan3A_145 = arith.addi %scan3A_143, %scan3A_144 : i32
    %scan3A_146 = arith.constant 1 : i32
    scf.for %scan3A_224 = %scan3A_143 to %scan3A_145 step %scan3A_146  : i32 {
      %mul3A_225 = arith.constant 3 : i32
      %mul3A_226 = arith.muli %scan3A_224, %mul3A_225 : i32
      %add3A_227 = arith.constant 0 : i32
      %add3A_228 = arith.addi %mul3A_226, %add3A_227 : i32
      %dma_wait3A_229 = arith.constant 0 : i32
      %dma_wait3A_230 = arith.constant 0 : i32
      %dma_wait3A_231 = arith.constant 0 : i32
      %dma_wait3A_232 = tpu.memref_slice %arg7[%dma_wait3A_229, %dma_wait3A_231] : memref<3x80xi32, #tpu.memory_space<vmem>> -> memref<1x80xi32, #tpu.memory_space<vmem>>
      %dma_wait3A_233 = tpu.memref_squeeze %dma_wait3A_232 : memref<1x80xi32, #tpu.memory_space<vmem>> -> memref<80xi32, #tpu.memory_space<vmem>>
      %dma_wait3A_234 = arith.constant 0 : i32
      %dma_wait3A_235 = tpu.memref_slice %arg4[%dma_wait3A_234] : memref<320000xi32, #tpu.memory_space<hbm>> -> memref<80xi32, #tpu.memory_space<hbm>>
      %dma_wait3A_236 = tpu.memref_slice %arg12[%dma_wait3A_230] : memref<3x!tpu.dma_semaphore, #tpu.memory_space<semaphore_mem>> -> memref<1x!tpu.dma_semaphore, #tpu.memory_space<semaphore_mem>>
      %dma_wait3A_237 = tpu.memref_squeeze %dma_wait3A_236 : memref<1x!tpu.dma_semaphore, #tpu.memory_space<semaphore_mem>> -> memref<!tpu.dma_semaphore, #tpu.memory_space<semaphore_mem>>
      %dma_wait3A_238 = arith.constant 0 : i32
      %dma_wait3A_239 = tpu.memref_slice %arg7[%dma_wait3A_229, %dma_wait3A_238] : memref<3x80xi32, #tpu.memory_space<vmem>> -> memref<1x80xi32, #tpu.memory_space<vmem>>
      %dma_wait3A_240 = tpu.memref_squeeze %dma_wait3A_239 : memref<1x80xi32, #tpu.memory_space<vmem>> -> memref<80xi32, #tpu.memory_space<vmem>>
      %dma_wait3A_241 = arith.constant 0 : i32
      %dma_wait3A_242 = tpu.memref_slice %arg4[%dma_wait3A_241] : memref<320000xi32, #tpu.memory_space<hbm>> -> memref<80xi32, #tpu.memory_space<hbm>>
      tpu.wait_dma2 semaphore(%dma_wait3A_237 : memref<!tpu.dma_semaphore, #tpu.memory_space<semaphore_mem>>) src(%dma_wait3A_242 : memref<80xi32, #tpu.memory_space<hbm>>) dst(%dma_wait3A_240 : memref<80xi32, #tpu.memory_space<vmem>>)
      %dma_wait3A_243 = arith.constant 0 : i32
      %dma_wait3A_244 = arith.constant 0 : i32
      %dma_wait3A_245 = arith.constant 0 : i32
      %dma_wait3A_246 = arith.constant 0 : i32
      %dma_wait3A_247 = tpu.memref_slice %arg8[%dma_wait3A_243, %dma_wait3A_245, %dma_wait3A_246] : memref<3x80x128xf32, #tpu.memory_space<vmem>> -> memref<1x80x128xf32, #tpu.memory_space<vmem>>
      %dma_wait3A_248 = tpu.memref_squeeze %dma_wait3A_247 : memref<1x80x128xf32, #tpu.memory_space<vmem>> -> memref<80x128xf32, #tpu.memory_space<vmem>>
      %dma_wait3A_249 = arith.constant 0 : i32
      %dma_wait3A_250 = arith.constant 0 : i32
      %dma_wait3A_251 = tpu.memref_slice %arg2[%dma_wait3A_249, %dma_wait3A_250] : memref<10000x128xf32, #tpu.memory_space<hbm>> -> memref<80x128xf32, #tpu.memory_space<hbm>>
      %dma_wait3A_252 = tpu.memref_slice %arg11[%dma_wait3A_244] : memref<3x!tpu.dma_semaphore, #tpu.memory_space<semaphore_mem>> -> memref<1x!tpu.dma_semaphore, #tpu.memory_space<semaphore_mem>>
      %dma_wait3A_253 = tpu.memref_squeeze %dma_wait3A_252 : memref<1x!tpu.dma_semaphore, #tpu.memory_space<semaphore_mem>> -> memref<!tpu.dma_semaphore, #tpu.memory_space<semaphore_mem>>
      %dma_wait3A_254 = arith.constant 0 : i32
      %dma_wait3A_255 = arith.constant 0 : i32
      %dma_wait3A_256 = tpu.memref_slice %arg8[%dma_wait3A_243, %dma_wait3A_254, %dma_wait3A_255] : memref<3x80x128xf32, #tpu.memory_space<vmem>> -> memref<1x80x128xf32, #tpu.memory_space<vmem>>
      %dma_wait3A_257 = tpu.memref_squeeze %dma_wait3A_256 : memref<1x80x128xf32, #tpu.memory_space<vmem>> -> memref<80x128xf32, #tpu.memory_space<vmem>>
      %dma_wait3A_258 = arith.constant 0 : i32
      %dma_wait3A_259 = arith.constant 0 : i32
      %dma_wait3A_260 = tpu.memref_slice %arg2[%dma_wait3A_258, %dma_wait3A_259] : memref<10000x128xf32, #tpu.memory_space<hbm>> -> memref<80x128xf32, #tpu.memory_space<hbm>>
      tpu.wait_dma2 semaphore(%dma_wait3A_253 : memref<!tpu.dma_semaphore, #tpu.memory_space<semaphore_mem>>) src(%dma_wait3A_260 : memref<80x128xf32, #tpu.memory_space<hbm>>) dst(%dma_wait3A_257 : memref<80x128xf32, #tpu.memory_space<vmem>>)
      %run_scoped3A_261 = arith.constant 0 : i32
      %run_scoped3A_262 = arith.constant 0 : i32
      "tpu.region"() ({
        %run_scoped3A_359 = tpu.sem_alloc : memref<!tpu.dma_semaphore, #tpu.memory_space<semaphore_mem>>
        %dma_start3A_360 = arith.constant 0 : i32
        %dma_start3A_361 = arith.constant 0 : i32
        %dma_start3A_362 = tpu.memref_slice %arg8[%run_scoped3A_261, %dma_start3A_360, %dma_start3A_361] : memref<3x80x128xf32, #tpu.memory_space<vmem>> -> memref<1x80x128xf32, #tpu.memory_space<vmem>>
        %dma_start3A_363 = tpu.memref_squeeze %dma_start3A_362 : memref<1x80x128xf32, #tpu.memory_space<vmem>> -> memref<80x128xf32, #tpu.memory_space<vmem>>
        %dma_start3A_364 = arith.constant 0 : i32
        %dma_start3A_365 = tpu.memref_slice %arg7[%run_scoped3A_262, %dma_start3A_364] : memref<3x80xi32, #tpu.memory_space<vmem>> -> memref<1x80xi32, #tpu.memory_space<vmem>>
        %dma_start3A_366 = tpu.memref_squeeze %dma_start3A_365 : memref<1x80xi32, #tpu.memory_space<vmem>> -> memref<80xi32, #tpu.memory_space<vmem>>
        %dma_start3A_367 = arith.constant 0 : i32
        %dma_start3A_368 = arith.constant 0 : i32
        %dma_start3A_369 = tpu.memref_slice %arg10[%dma_start3A_367, %dma_start3A_368] : memref<10000x128xf32, #tpu.memory_space<vmem_shared>> -> memref<10000x128xf32, #tpu.memory_space<vmem_shared>>
        tpu.enqueue_indirect_dma source(%dma_start3A_363 : memref<80x128xf32, #tpu.memory_space<vmem>>) target(%dma_start3A_369 : memref<10000x128xf32, #tpu.memory_space<vmem_shared>>) offsets(%dma_start3A_366 : memref<80xi32, #tpu.memory_space<vmem>>) semaphore(%run_scoped3A_359 : memref<!tpu.dma_semaphore, #tpu.memory_space<semaphore_mem>>) {add = true}
        %dma_wait3A_370 = arith.constant 0 : i32
        %dma_wait3A_371 = arith.constant 0 : i32
        %dma_wait3A_372 = tpu.memref_slice %arg8[%run_scoped3A_261, %dma_wait3A_370, %dma_wait3A_371] : memref<3x80x128xf32, #tpu.memory_space<vmem>> -> memref<1x80x128xf32, #tpu.memory_space<vmem>>
        %dma_wait3A_373 = tpu.memref_squeeze %dma_wait3A_372 : memref<1x80x128xf32, #tpu.memory_space<vmem>> -> memref<80x128xf32, #tpu.memory_space<vmem>>
        %dma_wait3A_374 = arith.constant 0 : i32
        %dma_wait3A_375 = tpu.memref_slice %arg7[%run_scoped3A_262, %dma_wait3A_374] : memref<3x80xi32, #tpu.memory_space<vmem>> -> memref<1x80xi32, #tpu.memory_space<vmem>>
        %dma_wait3A_376 = tpu.memref_squeeze %dma_wait3A_375 : memref<1x80xi32, #tpu.memory_space<vmem>> -> memref<80xi32, #tpu.memory_space<vmem>>
        %dma_wait3A_377 = arith.constant 0 : i32
        %dma_wait3A_378 = arith.constant 0 : i32
        %dma_wait3A_379 = tpu.memref_slice %arg10[%dma_wait3A_377, %dma_wait3A_378] : memref<10000x128xf32, #tpu.memory_space<vmem_shared>> -> memref<10000x128xf32, #tpu.memory_space<vmem_shared>>
        tpu.wait_indirect_dma semaphore(%run_scoped3A_359 : memref<!tpu.dma_semaphore, #tpu.memory_space<semaphore_mem>>) src(%dma_wait3A_373 : memref<80x128xf32, #tpu.memory_space<vmem>>) dst(%dma_wait3A_379 : memref<10000x128xf32, #tpu.memory_space<vmem_shared>>)
        tpu.yield
      }) : () -> ()
      %add3A_263 = arith.constant 3 : i32
      %add3A_264 = arith.addi %add3A_228, %add3A_263 : i32
      %lt3A = arith.constant 125 : i32
      %lt3A_265 = arith.cmpi slt, %add3A_264, %lt3A : i32
      %convert_element_type3A_266 = arith.extui %lt3A_265 : i1 to i32
      %cond3A_267 = arith.constant 0 : i32
      %cond3A_268 = arith.cmpi ne, %convert_element_type3A_266, %cond3A_267 : i32
      scf.if %cond3A_268 {
        %add3A_359 = arith.constant 3 : i32
        %add3A_360 = arith.addi %add3A_228, %add3A_359 : i32
        %mul3A_361 = arith.constant 80 : i32
        %mul3A_362 = arith.muli %add3A_360, %mul3A_361 : i32
        %add3A_363 = arith.addi %mul3A_2, %mul3A_362 : i32
        %dma_start3A_364 = arith.constant 0 : i32
        %dma_start3A_365 = arith.constant 0 : i32
        %dma_start3A_366 = arith.constant 0 : i32
        %dma_start3A_367 = tpu.memref_slice %arg7[%dma_start3A_364, %dma_start3A_366] : memref<3x80xi32, #tpu.memory_space<vmem>> -> memref<1x80xi32, #tpu.memory_space<vmem>>
        %dma_start3A_368 = tpu.memref_squeeze %dma_start3A_367 : memref<1x80xi32, #tpu.memory_space<vmem>> -> memref<80xi32, #tpu.memory_space<vmem>>
        %dma_start3A_369 = tpu.memref_slice %arg4[%add3A_363] : memref<320000xi32, #tpu.memory_space<hbm>> -> memref<80xi32, #tpu.memory_space<hbm>>
        %dma_start3A_370 = tpu.memref_slice %arg12[%dma_start3A_365] : memref<3x!tpu.dma_semaphore, #tpu.memory_space<semaphore_mem>> -> memref<1x!tpu.dma_semaphore, #tpu.memory_space<semaphore_mem>>
        %dma_start3A_371 = tpu.memref_squeeze %dma_start3A_370 : memref<1x!tpu.dma_semaphore, #tpu.memory_space<semaphore_mem>> -> memref<!tpu.dma_semaphore, #tpu.memory_space<semaphore_mem>>
        %dma_start3A_372 = arith.constant 0 : i32
        %dma_start3A_373 = tpu.memref_slice %arg7[%dma_start3A_364, %dma_start3A_372] : memref<3x80xi32, #tpu.memory_space<vmem>> -> memref<1x80xi32, #tpu.memory_space<vmem>>
        %dma_start3A_374 = tpu.memref_squeeze %dma_start3A_373 : memref<1x80xi32, #tpu.memory_space<vmem>> -> memref<80xi32, #tpu.memory_space<vmem>>
        %dma_start3A_375 = tpu.memref_slice %arg4[%add3A_363] : memref<320000xi32, #tpu.memory_space<hbm>> -> memref<80xi32, #tpu.memory_space<hbm>>
        tpu.enqueue_dma source(%dma_start3A_375 : memref<80xi32, #tpu.memory_space<hbm>>) target(%dma_start3A_374 : memref<80xi32, #tpu.memory_space<vmem>>) target_semaphore(%dma_start3A_371 : memref<!tpu.dma_semaphore, #tpu.memory_space<semaphore_mem>>)
        %mul3A_376 = arith.constant 80 : i32
        %mul3A_377 = arith.muli %add3A_360, %mul3A_376 : i32
        %dma_start3A_378 = arith.constant 0 : i32
        %dma_start3A_379 = arith.constant 0 : i32
        %dma_start3A_380 = arith.constant 0 : i32
        %dma_start3A_381 = arith.constant 0 : i32
        %dma_start3A_382 = tpu.memref_slice %arg8[%dma_start3A_378, %dma_start3A_380, %dma_start3A_381] : memref<3x80x128xf32, #tpu.memory_space<vmem>> -> memref<1x80x128xf32, #tpu.memory_space<vmem>>
        %dma_start3A_383 = tpu.memref_squeeze %dma_start3A_382 : memref<1x80x128xf32, #tpu.memory_space<vmem>> -> memref<80x128xf32, #tpu.memory_space<vmem>>
        %dma_start3A_384 = tpu.memref_slice %arg6[%mul3A_377] : memref<10000xi32, #tpu.memory_space<vmem>> -> memref<80xi32, #tpu.memory_space<vmem>>
        %dma_start3A_385 = arith.constant 0 : i32
        %dma_start3A_386 = arith.constant 0 : i32
        %dma_start3A_387 = tpu.memref_slice %arg2[%dma_start3A_385, %dma_start3A_386] : memref<10000x128xf32, #tpu.memory_space<hbm>> -> memref<10000x128xf32, #tpu.memory_space<hbm>>
        %dma_start3A_388 = tpu.memref_slice %arg11[%dma_start3A_379] : memref<3x!tpu.dma_semaphore, #tpu.memory_space<semaphore_mem>> -> memref<1x!tpu.dma_semaphore, #tpu.memory_space<semaphore_mem>>
        %dma_start3A_389 = tpu.memref_squeeze %dma_start3A_388 : memref<1x!tpu.dma_semaphore, #tpu.memory_space<semaphore_mem>> -> memref<!tpu.dma_semaphore, #tpu.memory_space<semaphore_mem>>
        tpu.enqueue_indirect_dma source(%dma_start3A_387 : memref<10000x128xf32, #tpu.memory_space<hbm>>) target(%dma_start3A_383 : memref<80x128xf32, #tpu.memory_space<vmem>>) offsets(%dma_start3A_384 : memref<80xi32, #tpu.memory_space<vmem>>) semaphore(%dma_start3A_389 : memref<!tpu.dma_semaphore, #tpu.memory_space<semaphore_mem>>)
      } else {
      }
      %mul3A_269 = arith.constant 3 : i32
      %mul3A_270 = arith.muli %scan3A_224, %mul3A_269 : i32
      %add3A_271 = arith.constant 1 : i32
      %add3A_272 = arith.addi %mul3A_270, %add3A_271 : i32
      %dma_wait3A_273 = arith.constant 1 : i32
      %dma_wait3A_274 = arith.constant 1 : i32
      %dma_wait3A_275 = arith.constant 0 : i32
      %dma_wait3A_276 = tpu.memref_slice %arg7[%dma_wait3A_273, %dma_wait3A_275] : memref<3x80xi32, #tpu.memory_space<vmem>> -> memref<1x80xi32, #tpu.memory_space<vmem>>
      %dma_wait3A_277 = tpu.memref_squeeze %dma_wait3A_276 : memref<1x80xi32, #tpu.memory_space<vmem>> -> memref<80xi32, #tpu.memory_space<vmem>>
      %dma_wait3A_278 = arith.constant 0 : i32
      %dma_wait3A_279 = tpu.memref_slice %arg4[%dma_wait3A_278] : memref<320000xi32, #tpu.memory_space<hbm>> -> memref<80xi32, #tpu.memory_space<hbm>>
      %dma_wait3A_280 = tpu.memref_slice %arg12[%dma_wait3A_274] : memref<3x!tpu.dma_semaphore, #tpu.memory_space<semaphore_mem>> -> memref<1x!tpu.dma_semaphore, #tpu.memory_space<semaphore_mem>>
      %dma_wait3A_281 = tpu.memref_squeeze %dma_wait3A_280 : memref<1x!tpu.dma_semaphore, #tpu.memory_space<semaphore_mem>> -> memref<!tpu.dma_semaphore, #tpu.memory_space<semaphore_mem>>
      %dma_wait3A_282 = arith.constant 0 : i32
      %dma_wait3A_283 = tpu.memref_slice %arg7[%dma_wait3A_273, %dma_wait3A_282] : memref<3x80xi32, #tpu.memory_space<vmem>> -> memref<1x80xi32, #tpu.memory_space<vmem>>
      %dma_wait3A_284 = tpu.memref_squeeze %dma_wait3A_283 : memref<1x80xi32, #tpu.memory_space<vmem>> -> memref<80xi32, #tpu.memory_space<vmem>>
      %dma_wait3A_285 = arith.constant 0 : i32
      %dma_wait3A_286 = tpu.memref_slice %arg4[%dma_wait3A_285] : memref<320000xi32, #tpu.memory_space<hbm>> -> memref<80xi32, #tpu.memory_space<hbm>>
      tpu.wait_dma2 semaphore(%dma_wait3A_281 : memref<!tpu.dma_semaphore, #tpu.memory_space<semaphore_mem>>) src(%dma_wait3A_286 : memref<80xi32, #tpu.memory_space<hbm>>) dst(%dma_wait3A_284 : memref<80xi32, #tpu.memory_space<vmem>>)
      %dma_wait3A_287 = arith.constant 1 : i32
      %dma_wait3A_288 = arith.constant 1 : i32
      %dma_wait3A_289 = arith.constant 0 : i32
      %dma_wait3A_290 = arith.constant 0 : i32
      %dma_wait3A_291 = tpu.memref_slice %arg8[%dma_wait3A_287, %dma_wait3A_289, %dma_wait3A_290] : memref<3x80x128xf32, #tpu.memory_space<vmem>> -> memref<1x80x128xf32, #tpu.memory_space<vmem>>
      %dma_wait3A_292 = tpu.memref_squeeze %dma_wait3A_291 : memref<1x80x128xf32, #tpu.memory_space<vmem>> -> memref<80x128xf32, #tpu.memory_space<vmem>>
      %dma_wait3A_293 = arith.constant 0 : i32
      %dma_wait3A_294 = arith.constant 0 : i32
      %dma_wait3A_295 = tpu.memref_slice %arg2[%dma_wait3A_293, %dma_wait3A_294] : memref<10000x128xf32, #tpu.memory_space<hbm>> -> memref<80x128xf32, #tpu.memory_space<hbm>>
      %dma_wait3A_296 = tpu.memref_slice %arg11[%dma_wait3A_288] : memref<3x!tpu.dma_semaphore, #tpu.memory_space<semaphore_mem>> -> memref<1x!tpu.dma_semaphore, #tpu.memory_space<semaphore_mem>>
      %dma_wait3A_297 = tpu.memref_squeeze %dma_wait3A_296 : memref<1x!tpu.dma_semaphore, #tpu.memory_space<semaphore_mem>> -> memref<!tpu.dma_semaphore, #tpu.memory_space<semaphore_mem>>
      %dma_wait3A_298 = arith.constant 0 : i32
      %dma_wait3A_299 = arith.constant 0 : i32
      %dma_wait3A_300 = tpu.memref_slice %arg8[%dma_wait3A_287, %dma_wait3A_298, %dma_wait3A_299] : memref<3x80x128xf32, #tpu.memory_space<vmem>> -> memref<1x80x128xf32, #tpu.memory_space<vmem>>
      %dma_wait3A_301 = tpu.memref_squeeze %dma_wait3A_300 : memref<1x80x128xf32, #tpu.memory_space<vmem>> -> memref<80x128xf32, #tpu.memory_space<vmem>>
      %dma_wait3A_302 = arith.constant 0 : i32
      %dma_wait3A_303 = arith.constant 0 : i32
      %dma_wait3A_304 = tpu.memref_slice %arg2[%dma_wait3A_302, %dma_wait3A_303] : memref<10000x128xf32, #tpu.memory_space<hbm>> -> memref<80x128xf32, #tpu.memory_space<hbm>>
      tpu.wait_dma2 semaphore(%dma_wait3A_297 : memref<!tpu.dma_semaphore, #tpu.memory_space<semaphore_mem>>) src(%dma_wait3A_304 : memref<80x128xf32, #tpu.memory_space<hbm>>) dst(%dma_wait3A_301 : memref<80x128xf32, #tpu.memory_space<vmem>>)
      %run_scoped3A_305 = arith.constant 1 : i32
      %run_scoped3A_306 = arith.constant 1 : i32
      "tpu.region"() ({
        %run_scoped3A_359 = tpu.sem_alloc : memref<!tpu.dma_semaphore, #tpu.memory_space<semaphore_mem>>
        %dma_start3A_360 = arith.constant 0 : i32
        %dma_start3A_361 = arith.constant 0 : i32
        %dma_start3A_362 = tpu.memref_slice %arg8[%run_scoped3A_305, %dma_start3A_360, %dma_start3A_361] : memref<3x80x128xf32, #tpu.memory_space<vmem>> -> memref<1x80x128xf32, #tpu.memory_space<vmem>>
        %dma_start3A_363 = tpu.memref_squeeze %dma_start3A_362 : memref<1x80x128xf32, #tpu.memory_space<vmem>> -> memref<80x128xf32, #tpu.memory_space<vmem>>
        %dma_start3A_364 = arith.constant 0 : i32
        %dma_start3A_365 = tpu.memref_slice %arg7[%run_scoped3A_306, %dma_start3A_364] : memref<3x80xi32, #tpu.memory_space<vmem>> -> memref<1x80xi32, #tpu.memory_space<vmem>>
        %dma_start3A_366 = tpu.memref_squeeze %dma_start3A_365 : memref<1x80xi32, #tpu.memory_space<vmem>> -> memref<80xi32, #tpu.memory_space<vmem>>
        %dma_start3A_367 = arith.constant 0 : i32
        %dma_start3A_368 = arith.constant 0 : i32
        %dma_start3A_369 = tpu.memref_slice %arg10[%dma_start3A_367, %dma_start3A_368] : memref<10000x128xf32, #tpu.memory_space<vmem_shared>> -> memref<10000x128xf32, #tpu.memory_space<vmem_shared>>
        tpu.enqueue_indirect_dma source(%dma_start3A_363 : memref<80x128xf32, #tpu.memory_space<vmem>>) target(%dma_start3A_369 : memref<10000x128xf32, #tpu.memory_space<vmem_shared>>) offsets(%dma_start3A_366 : memref<80xi32, #tpu.memory_space<vmem>>) semaphore(%run_scoped3A_359 : memref<!tpu.dma_semaphore, #tpu.memory_space<semaphore_mem>>) {add = true}
        %dma_wait3A_370 = arith.constant 0 : i32
        %dma_wait3A_371 = arith.constant 0 : i32
        %dma_wait3A_372 = tpu.memref_slice %arg8[%run_scoped3A_305, %dma_wait3A_370, %dma_wait3A_371] : memref<3x80x128xf32, #tpu.memory_space<vmem>> -> memref<1x80x128xf32, #tpu.memory_space<vmem>>
        %dma_wait3A_373 = tpu.memref_squeeze %dma_wait3A_372 : memref<1x80x128xf32, #tpu.memory_space<vmem>> -> memref<80x128xf32, #tpu.memory_space<vmem>>
        %dma_wait3A_374 = arith.constant 0 : i32
        %dma_wait3A_375 = tpu.memref_slice %arg7[%run_scoped3A_306, %dma_wait3A_374] : memref<3x80xi32, #tpu.memory_space<vmem>> -> memref<1x80xi32, #tpu.memory_space<vmem>>
        %dma_wait3A_376 = tpu.memref_squeeze %dma_wait3A_375 : memref<1x80xi32, #tpu.memory_space<vmem>> -> memref<80xi32, #tpu.memory_space<vmem>>
        %dma_wait3A_377 = arith.constant 0 : i32
        %dma_wait3A_378 = arith.constant 0 : i32
        %dma_wait3A_379 = tpu.memref_slice %arg10[%dma_wait3A_377, %dma_wait3A_378] : memref<10000x128xf32, #tpu.memory_space<vmem_shared>> -> memref<10000x128xf32, #tpu.memory_space<vmem_shared>>
        tpu.wait_indirect_dma semaphore(%run_scoped3A_359 : memref<!tpu.dma_semaphore, #tpu.memory_space<semaphore_mem>>) src(%dma_wait3A_373 : memref<80x128xf32, #tpu.memory_space<vmem>>) dst(%dma_wait3A_379 : memref<10000x128xf32, #tpu.memory_space<vmem_shared>>)
        tpu.yield
      }) : () -> ()
      %add3A_307 = arith.constant 3 : i32
      %add3A_308 = arith.addi %add3A_272, %add3A_307 : i32
      %lt3A_309 = arith.constant 125 : i32
      %lt3A_310 = arith.cmpi slt, %add3A_308, %lt3A_309 : i32
      %convert_element_type3A_311 = arith.extui %lt3A_310 : i1 to i32
      %cond3A_312 = arith.constant 0 : i32
      %cond3A_313 = arith.cmpi ne, %convert_element_type3A_311, %cond3A_312 : i32
      scf.if %cond3A_313 {
        %add3A_359 = arith.constant 3 : i32
        %add3A_360 = arith.addi %add3A_272, %add3A_359 : i32
        %mul3A_361 = arith.constant 80 : i32
        %mul3A_362 = arith.muli %add3A_360, %mul3A_361 : i32
        %add3A_363 = arith.addi %mul3A_2, %mul3A_362 : i32
        %dma_start3A_364 = arith.constant 1 : i32
        %dma_start3A_365 = arith.constant 1 : i32
        %dma_start3A_366 = arith.constant 0 : i32
        %dma_start3A_367 = tpu.memref_slice %arg7[%dma_start3A_364, %dma_start3A_366] : memref<3x80xi32, #tpu.memory_space<vmem>> -> memref<1x80xi32, #tpu.memory_space<vmem>>
        %dma_start3A_368 = tpu.memref_squeeze %dma_start3A_367 : memref<1x80xi32, #tpu.memory_space<vmem>> -> memref<80xi32, #tpu.memory_space<vmem>>
        %dma_start3A_369 = tpu.memref_slice %arg4[%add3A_363] : memref<320000xi32, #tpu.memory_space<hbm>> -> memref<80xi32, #tpu.memory_space<hbm>>
        %dma_start3A_370 = tpu.memref_slice %arg12[%dma_start3A_365] : memref<3x!tpu.dma_semaphore, #tpu.memory_space<semaphore_mem>> -> memref<1x!tpu.dma_semaphore, #tpu.memory_space<semaphore_mem>>
        %dma_start3A_371 = tpu.memref_squeeze %dma_start3A_370 : memref<1x!tpu.dma_semaphore, #tpu.memory_space<semaphore_mem>> -> memref<!tpu.dma_semaphore, #tpu.memory_space<semaphore_mem>>
        %dma_start3A_372 = arith.constant 0 : i32
        %dma_start3A_373 = tpu.memref_slice %arg7[%dma_start3A_364, %dma_start3A_372] : memref<3x80xi32, #tpu.memory_space<vmem>> -> memref<1x80xi32, #tpu.memory_space<vmem>>
        %dma_start3A_374 = tpu.memref_squeeze %dma_start3A_373 : memref<1x80xi32, #tpu.memory_space<vmem>> -> memref<80xi32, #tpu.memory_space<vmem>>
        %dma_start3A_375 = tpu.memref_slice %arg4[%add3A_363] : memref<320000xi32, #tpu.memory_space<hbm>> -> memref<80xi32, #tpu.memory_space<hbm>>
        tpu.enqueue_dma source(%dma_start3A_375 : memref<80xi32, #tpu.memory_space<hbm>>) target(%dma_start3A_374 : memref<80xi32, #tpu.memory_space<vmem>>) target_semaphore(%dma_start3A_371 : memref<!tpu.dma_semaphore, #tpu.memory_space<semaphore_mem>>)
        %mul3A_376 = arith.constant 80 : i32
        %mul3A_377 = arith.muli %add3A_360, %mul3A_376 : i32
        %dma_start3A_378 = arith.constant 1 : i32
        %dma_start3A_379 = arith.constant 1 : i32
        %dma_start3A_380 = arith.constant 0 : i32
        %dma_start3A_381 = arith.constant 0 : i32
        %dma_start3A_382 = tpu.memref_slice %arg8[%dma_start3A_378, %dma_start3A_380, %dma_start3A_381] : memref<3x80x128xf32, #tpu.memory_space<vmem>> -> memref<1x80x128xf32, #tpu.memory_space<vmem>>
        %dma_start3A_383 = tpu.memref_squeeze %dma_start3A_382 : memref<1x80x128xf32, #tpu.memory_space<vmem>> -> memref<80x128xf32, #tpu.memory_space<vmem>>
        %dma_start3A_384 = tpu.memref_slice %arg6[%mul3A_377] : memref<10000xi32, #tpu.memory_space<vmem>> -> memref<80xi32, #tpu.memory_space<vmem>>
        %dma_start3A_385 = arith.constant 0 : i32
        %dma_start3A_386 = arith.constant 0 : i32
        %dma_start3A_387 = tpu.memref_slice %arg2[%dma_start3A_385, %dma_start3A_386] : memref<10000x128xf32, #tpu.memory_space<hbm>> -> memref<10000x128xf32, #tpu.memory_space<hbm>>
        %dma_start3A_388 = tpu.memref_slice %arg11[%dma_start3A_379] : memref<3x!tpu.dma_semaphore, #tpu.memory_space<semaphore_mem>> -> memref<1x!tpu.dma_semaphore, #tpu.memory_space<semaphore_mem>>
        %dma_start3A_389 = tpu.memref_squeeze %dma_start3A_388 : memref<1x!tpu.dma_semaphore, #tpu.memory_space<semaphore_mem>> -> memref<!tpu.dma_semaphore, #tpu.memory_space<semaphore_mem>>
        tpu.enqueue_indirect_dma source(%dma_start3A_387 : memref<10000x128xf32, #tpu.memory_space<hbm>>) target(%dma_start3A_383 : memref<80x128xf32, #tpu.memory_space<vmem>>) offsets(%dma_start3A_384 : memref<80xi32, #tpu.memory_space<vmem>>) semaphore(%dma_start3A_389 : memref<!tpu.dma_semaphore, #tpu.memory_space<semaphore_mem>>)
      } else {
      }
      %mul3A_314 = arith.constant 3 : i32
      %mul3A_315 = arith.muli %scan3A_224, %mul3A_314 : i32
      %add3A_316 = arith.constant 2 : i32
      %add3A_317 = arith.addi %mul3A_315, %add3A_316 : i32
      %dma_wait3A_318 = arith.constant 2 : i32
      %dma_wait3A_319 = arith.constant 2 : i32
      %dma_wait3A_320 = arith.constant 0 : i32
      %dma_wait3A_321 = tpu.memref_slice %arg7[%dma_wait3A_318, %dma_wait3A_320] : memref<3x80xi32, #tpu.memory_space<vmem>> -> memref<1x80xi32, #tpu.memory_space<vmem>>
      %dma_wait3A_322 = tpu.memref_squeeze %dma_wait3A_321 : memref<1x80xi32, #tpu.memory_space<vmem>> -> memref<80xi32, #tpu.memory_space<vmem>>
      %dma_wait3A_323 = arith.constant 0 : i32
      %dma_wait3A_324 = tpu.memref_slice %arg4[%dma_wait3A_323] : memref<320000xi32, #tpu.memory_space<hbm>> -> memref<80xi32, #tpu.memory_space<hbm>>
      %dma_wait3A_325 = tpu.memref_slice %arg12[%dma_wait3A_319] : memref<3x!tpu.dma_semaphore, #tpu.memory_space<semaphore_mem>> -> memref<1x!tpu.dma_semaphore, #tpu.memory_space<semaphore_mem>>
      %dma_wait3A_326 = tpu.memref_squeeze %dma_wait3A_325 : memref<1x!tpu.dma_semaphore, #tpu.memory_space<semaphore_mem>> -> memref<!tpu.dma_semaphore, #tpu.memory_space<semaphore_mem>>
      %dma_wait3A_327 = arith.constant 0 : i32
      %dma_wait3A_328 = tpu.memref_slice %arg7[%dma_wait3A_318, %dma_wait3A_327] : memref<3x80xi32, #tpu.memory_space<vmem>> -> memref<1x80xi32, #tpu.memory_space<vmem>>
      %dma_wait3A_329 = tpu.memref_squeeze %dma_wait3A_328 : memref<1x80xi32, #tpu.memory_space<vmem>> -> memref<80xi32, #tpu.memory_space<vmem>>
      %dma_wait3A_330 = arith.constant 0 : i32
      %dma_wait3A_331 = tpu.memref_slice %arg4[%dma_wait3A_330] : memref<320000xi32, #tpu.memory_space<hbm>> -> memref<80xi32, #tpu.memory_space<hbm>>
      tpu.wait_dma2 semaphore(%dma_wait3A_326 : memref<!tpu.dma_semaphore, #tpu.memory_space<semaphore_mem>>) src(%dma_wait3A_331 : memref<80xi32, #tpu.memory_space<hbm>>) dst(%dma_wait3A_329 : memref<80xi32, #tpu.memory_space<vmem>>)
      %dma_wait3A_332 = arith.constant 2 : i32
      %dma_wait3A_333 = arith.constant 2 : i32
      %dma_wait3A_334 = arith.constant 0 : i32
      %dma_wait3A_335 = arith.constant 0 : i32
      %dma_wait3A_336 = tpu.memref_slice %arg8[%dma_wait3A_332, %dma_wait3A_334, %dma_wait3A_335] : memref<3x80x128xf32, #tpu.memory_space<vmem>> -> memref<1x80x128xf32, #tpu.memory_space<vmem>>
      %dma_wait3A_337 = tpu.memref_squeeze %dma_wait3A_336 : memref<1x80x128xf32, #tpu.memory_space<vmem>> -> memref<80x128xf32, #tpu.memory_space<vmem>>
      %dma_wait3A_338 = arith.constant 0 : i32
      %dma_wait3A_339 = arith.constant 0 : i32
      %dma_wait3A_340 = tpu.memref_slice %arg2[%dma_wait3A_338, %dma_wait3A_339] : memref<10000x128xf32, #tpu.memory_space<hbm>> -> memref<80x128xf32, #tpu.memory_space<hbm>>
      %dma_wait3A_341 = tpu.memref_slice %arg11[%dma_wait3A_333] : memref<3x!tpu.dma_semaphore, #tpu.memory_space<semaphore_mem>> -> memref<1x!tpu.dma_semaphore, #tpu.memory_space<semaphore_mem>>
      %dma_wait3A_342 = tpu.memref_squeeze %dma_wait3A_341 : memref<1x!tpu.dma_semaphore, #tpu.memory_space<semaphore_mem>> -> memref<!tpu.dma_semaphore, #tpu.memory_space<semaphore_mem>>
      %dma_wait3A_343 = arith.constant 0 : i32
      %dma_wait3A_344 = arith.constant 0 : i32
      %dma_wait3A_345 = tpu.memref_slice %arg8[%dma_wait3A_332, %dma_wait3A_343, %dma_wait3A_344] : memref<3x80x128xf32, #tpu.memory_space<vmem>> -> memref<1x80x128xf32, #tpu.memory_space<vmem>>
      %dma_wait3A_346 = tpu.memref_squeeze %dma_wait3A_345 : memref<1x80x128xf32, #tpu.memory_space<vmem>> -> memref<80x128xf32, #tpu.memory_space<vmem>>
      %dma_wait3A_347 = arith.constant 0 : i32
      %dma_wait3A_348 = arith.constant 0 : i32
      %dma_wait3A_349 = tpu.memref_slice %arg2[%dma_wait3A_347, %dma_wait3A_348] : memref<10000x128xf32, #tpu.memory_space<hbm>> -> memref<80x128xf32, #tpu.memory_space<hbm>>
      tpu.wait_dma2 semaphore(%dma_wait3A_342 : memref<!tpu.dma_semaphore, #tpu.memory_space<semaphore_mem>>) src(%dma_wait3A_349 : memref<80x128xf32, #tpu.memory_space<hbm>>) dst(%dma_wait3A_346 : memref<80x128xf32, #tpu.memory_space<vmem>>)
      %run_scoped3A_350 = arith.constant 2 : i32
      %run_scoped3A_351 = arith.constant 2 : i32
      "tpu.region"() ({
        %run_scoped3A_359 = tpu.sem_alloc : memref<!tpu.dma_semaphore, #tpu.memory_space<semaphore_mem>>
        %dma_start3A_360 = arith.constant 0 : i32
        %dma_start3A_361 = arith.constant 0 : i32
        %dma_start3A_362 = tpu.memref_slice %arg8[%run_scoped3A_350, %dma_start3A_360, %dma_start3A_361] : memref<3x80x128xf32, #tpu.memory_space<vmem>> -> memref<1x80x128xf32, #tpu.memory_space<vmem>>
        %dma_start3A_363 = tpu.memref_squeeze %dma_start3A_362 : memref<1x80x128xf32, #tpu.memory_space<vmem>> -> memref<80x128xf32, #tpu.memory_space<vmem>>
        %dma_start3A_364 = arith.constant 0 : i32
        %dma_start3A_365 = tpu.memref_slice %arg7[%run_scoped3A_351, %dma_start3A_364] : memref<3x80xi32, #tpu.memory_space<vmem>> -> memref<1x80xi32, #tpu.memory_space<vmem>>
        %dma_start3A_366 = tpu.memref_squeeze %dma_start3A_365 : memref<1x80xi32, #tpu.memory_space<vmem>> -> memref<80xi32, #tpu.memory_space<vmem>>
        %dma_start3A_367 = arith.constant 0 : i32
        %dma_start3A_368 = arith.constant 0 : i32
        %dma_start3A_369 = tpu.memref_slice %arg10[%dma_start3A_367, %dma_start3A_368] : memref<10000x128xf32, #tpu.memory_space<vmem_shared>> -> memref<10000x128xf32, #tpu.memory_space<vmem_shared>>
        tpu.enqueue_indirect_dma source(%dma_start3A_363 : memref<80x128xf32, #tpu.memory_space<vmem>>) target(%dma_start3A_369 : memref<10000x128xf32, #tpu.memory_space<vmem_shared>>) offsets(%dma_start3A_366 : memref<80xi32, #tpu.memory_space<vmem>>) semaphore(%run_scoped3A_359 : memref<!tpu.dma_semaphore, #tpu.memory_space<semaphore_mem>>) {add = true}
        %dma_wait3A_370 = arith.constant 0 : i32
        %dma_wait3A_371 = arith.constant 0 : i32
        %dma_wait3A_372 = tpu.memref_slice %arg8[%run_scoped3A_350, %dma_wait3A_370, %dma_wait3A_371] : memref<3x80x128xf32, #tpu.memory_space<vmem>> -> memref<1x80x128xf32, #tpu.memory_space<vmem>>
        %dma_wait3A_373 = tpu.memref_squeeze %dma_wait3A_372 : memref<1x80x128xf32, #tpu.memory_space<vmem>> -> memref<80x128xf32, #tpu.memory_space<vmem>>
        %dma_wait3A_374 = arith.constant 0 : i32
        %dma_wait3A_375 = tpu.memref_slice %arg7[%run_scoped3A_351, %dma_wait3A_374] : memref<3x80xi32, #tpu.memory_space<vmem>> -> memref<1x80xi32, #tpu.memory_space<vmem>>
        %dma_wait3A_376 = tpu.memref_squeeze %dma_wait3A_375 : memref<1x80xi32, #tpu.memory_space<vmem>> -> memref<80xi32, #tpu.memory_space<vmem>>
        %dma_wait3A_377 = arith.constant 0 : i32
        %dma_wait3A_378 = arith.constant 0 : i32
        %dma_wait3A_379 = tpu.memref_slice %arg10[%dma_wait3A_377, %dma_wait3A_378] : memref<10000x128xf32, #tpu.memory_space<vmem_shared>> -> memref<10000x128xf32, #tpu.memory_space<vmem_shared>>
        tpu.wait_indirect_dma semaphore(%run_scoped3A_359 : memref<!tpu.dma_semaphore, #tpu.memory_space<semaphore_mem>>) src(%dma_wait3A_373 : memref<80x128xf32, #tpu.memory_space<vmem>>) dst(%dma_wait3A_379 : memref<10000x128xf32, #tpu.memory_space<vmem_shared>>)
        tpu.yield
      }) : () -> ()
      %add3A_352 = arith.constant 3 : i32
      %add3A_353 = arith.addi %add3A_317, %add3A_352 : i32
      %lt3A_354 = arith.constant 125 : i32
      %lt3A_355 = arith.cmpi slt, %add3A_353, %lt3A_354 : i32
      %convert_element_type3A_356 = arith.extui %lt3A_355 : i1 to i32
      %cond3A_357 = arith.constant 0 : i32
      %cond3A_358 = arith.cmpi ne, %convert_element_type3A_356, %cond3A_357 : i32
      scf.if %cond3A_358 {
        %add3A_359 = arith.constant 3 : i32
        %add3A_360 = arith.addi %add3A_317, %add3A_359 : i32
        %mul3A_361 = arith.constant 80 : i32
        %mul3A_362 = arith.muli %add3A_360, %mul3A_361 : i32
        %add3A_363 = arith.addi %mul3A_2, %mul3A_362 : i32
        %dma_start3A_364 = arith.constant 2 : i32
        %dma_start3A_365 = arith.constant 2 : i32
        %dma_start3A_366 = arith.constant 0 : i32
        %dma_start3A_367 = tpu.memref_slice %arg7[%dma_start3A_364, %dma_start3A_366] : memref<3x80xi32, #tpu.memory_space<vmem>> -> memref<1x80xi32, #tpu.memory_space<vmem>>
        %dma_start3A_368 = tpu.memref_squeeze %dma_start3A_367 : memref<1x80xi32, #tpu.memory_space<vmem>> -> memref<80xi32, #tpu.memory_space<vmem>>
        %dma_start3A_369 = tpu.memref_slice %arg4[%add3A_363] : memref<320000xi32, #tpu.memory_space<hbm>> -> memref<80xi32, #tpu.memory_space<hbm>>
        %dma_start3A_370 = tpu.memref_slice %arg12[%dma_start3A_365] : memref<3x!tpu.dma_semaphore, #tpu.memory_space<semaphore_mem>> -> memref<1x!tpu.dma_semaphore, #tpu.memory_space<semaphore_mem>>
        %dma_start3A_371 = tpu.memref_squeeze %dma_start3A_370 : memref<1x!tpu.dma_semaphore, #tpu.memory_space<semaphore_mem>> -> memref<!tpu.dma_semaphore, #tpu.memory_space<semaphore_mem>>
        %dma_start3A_372 = arith.constant 0 : i32
        %dma_start3A_373 = tpu.memref_slice %arg7[%dma_start3A_364, %dma_start3A_372] : memref<3x80xi32, #tpu.memory_space<vmem>> -> memref<1x80xi32, #tpu.memory_space<vmem>>
        %dma_start3A_374 = tpu.memref_squeeze %dma_start3A_373 : memref<1x80xi32, #tpu.memory_space<vmem>> -> memref<80xi32, #tpu.memory_space<vmem>>
        %dma_start3A_375 = tpu.memref_slice %arg4[%add3A_363] : memref<320000xi32, #tpu.memory_space<hbm>> -> memref<80xi32, #tpu.memory_space<hbm>>
        tpu.enqueue_dma source(%dma_start3A_375 : memref<80xi32, #tpu.memory_space<hbm>>) target(%dma_start3A_374 : memref<80xi32, #tpu.memory_space<vmem>>) target_semaphore(%dma_start3A_371 : memref<!tpu.dma_semaphore, #tpu.memory_space<semaphore_mem>>)
        %mul3A_376 = arith.constant 80 : i32
        %mul3A_377 = arith.muli %add3A_360, %mul3A_376 : i32
        %dma_start3A_378 = arith.constant 2 : i32
        %dma_start3A_379 = arith.constant 2 : i32
        %dma_start3A_380 = arith.constant 0 : i32
        %dma_start3A_381 = arith.constant 0 : i32
        %dma_start3A_382 = tpu.memref_slice %arg8[%dma_start3A_378, %dma_start3A_380, %dma_start3A_381] : memref<3x80x128xf32, #tpu.memory_space<vmem>> -> memref<1x80x128xf32, #tpu.memory_space<vmem>>
        %dma_start3A_383 = tpu.memref_squeeze %dma_start3A_382 : memref<1x80x128xf32, #tpu.memory_space<vmem>> -> memref<80x128xf32, #tpu.memory_space<vmem>>
        %dma_start3A_384 = tpu.memref_slice %arg6[%mul3A_377] : memref<10000xi32, #tpu.memory_space<vmem>> -> memref<80xi32, #tpu.memory_space<vmem>>
        %dma_start3A_385 = arith.constant 0 : i32
        %dma_start3A_386 = arith.constant 0 : i32
        %dma_start3A_387 = tpu.memref_slice %arg2[%dma_start3A_385, %dma_start3A_386] : memref<10000x128xf32, #tpu.memory_space<hbm>> -> memref<10000x128xf32, #tpu.memory_space<hbm>>
        %dma_start3A_388 = tpu.memref_slice %arg11[%dma_start3A_379] : memref<3x!tpu.dma_semaphore, #tpu.memory_space<semaphore_mem>> -> memref<1x!tpu.dma_semaphore, #tpu.memory_space<semaphore_mem>>
        %dma_start3A_389 = tpu.memref_squeeze %dma_start3A_388 : memref<1x!tpu.dma_semaphore, #tpu.memory_space<semaphore_mem>> -> memref<!tpu.dma_semaphore, #tpu.memory_space<semaphore_mem>>
        tpu.enqueue_indirect_dma source(%dma_start3A_387 : memref<10000x128xf32, #tpu.memory_space<hbm>>) target(%dma_start3A_383 : memref<80x128xf32, #tpu.memory_space<vmem>>) offsets(%dma_start3A_384 : memref<80xi32, #tpu.memory_space<vmem>>) semaphore(%dma_start3A_389 : memref<!tpu.dma_semaphore, #tpu.memory_space<semaphore_mem>>)
      } else {
      }
    }
    %scan3A_147 = arith.constant 41 : i32
    %dma_wait3A = arith.constant 0 : i32
    %dma_wait3A_148 = arith.constant 0 : i32
    %dma_wait3A_149 = arith.constant 0 : i32
    %dma_wait3A_150 = tpu.memref_slice %arg7[%dma_wait3A, %dma_wait3A_149] : memref<3x80xi32, #tpu.memory_space<vmem>> -> memref<1x80xi32, #tpu.memory_space<vmem>>
    %dma_wait3A_151 = tpu.memref_squeeze %dma_wait3A_150 : memref<1x80xi32, #tpu.memory_space<vmem>> -> memref<80xi32, #tpu.memory_space<vmem>>
    %dma_wait3A_152 = arith.constant 0 : i32
    %dma_wait3A_153 = tpu.memref_slice %arg4[%dma_wait3A_152] : memref<320000xi32, #tpu.memory_space<hbm>> -> memref<80xi32, #tpu.memory_space<hbm>>
    %dma_wait3A_154 = tpu.memref_slice %arg12[%dma_wait3A_148] : memref<3x!tpu.dma_semaphore, #tpu.memory_space<semaphore_mem>> -> memref<1x!tpu.dma_semaphore, #tpu.memory_space<semaphore_mem>>
    %dma_wait3A_155 = tpu.memref_squeeze %dma_wait3A_154 : memref<1x!tpu.dma_semaphore, #tpu.memory_space<semaphore_mem>> -> memref<!tpu.dma_semaphore, #tpu.memory_space<semaphore_mem>>
    %dma_wait3A_156 = arith.constant 0 : i32
    %dma_wait3A_157 = tpu.memref_slice %arg7[%dma_wait3A, %dma_wait3A_156] : memref<3x80xi32, #tpu.memory_space<vmem>> -> memref<1x80xi32, #tpu.memory_space<vmem>>
    %dma_wait3A_158 = tpu.memref_squeeze %dma_wait3A_157 : memref<1x80xi32, #tpu.memory_space<vmem>> -> memref<80xi32, #tpu.memory_space<vmem>>
    %dma_wait3A_159 = arith.constant 0 : i32
    %dma_wait3A_160 = tpu.memref_slice %arg4[%dma_wait3A_159] : memref<320000xi32, #tpu.memory_space<hbm>> -> memref<80xi32, #tpu.memory_space<hbm>>
    tpu.wait_dma2 semaphore(%dma_wait3A_155 : memref<!tpu.dma_semaphore, #tpu.memory_space<semaphore_mem>>) src(%dma_wait3A_160 : memref<80xi32, #tpu.memory_space<hbm>>) dst(%dma_wait3A_158 : memref<80xi32, #tpu.memory_space<vmem>>)
    %dma_wait3A_161 = arith.constant 0 : i32
    %dma_wait3A_162 = arith.constant 0 : i32
    %dma_wait3A_163 = arith.constant 0 : i32
    %dma_wait3A_164 = arith.constant 0 : i32
    %dma_wait3A_165 = tpu.memref_slice %arg8[%dma_wait3A_161, %dma_wait3A_163, %dma_wait3A_164] : memref<3x80x128xf32, #tpu.memory_space<vmem>> -> memref<1x80x128xf32, #tpu.memory_space<vmem>>
    %dma_wait3A_166 = tpu.memref_squeeze %dma_wait3A_165 : memref<1x80x128xf32, #tpu.memory_space<vmem>> -> memref<80x128xf32, #tpu.memory_space<vmem>>
    %dma_wait3A_167 = arith.constant 0 : i32
    %dma_wait3A_168 = arith.constant 0 : i32
    %dma_wait3A_169 = tpu.memref_slice %arg2[%dma_wait3A_167, %dma_wait3A_168] : memref<10000x128xf32, #tpu.memory_space<hbm>> -> memref<80x128xf32, #tpu.memory_space<hbm>>
    %dma_wait3A_170 = tpu.memref_slice %arg11[%dma_wait3A_162] : memref<3x!tpu.dma_semaphore, #tpu.memory_space<semaphore_mem>> -> memref<1x!tpu.dma_semaphore, #tpu.memory_space<semaphore_mem>>
    %dma_wait3A_171 = tpu.memref_squeeze %dma_wait3A_170 : memref<1x!tpu.dma_semaphore, #tpu.memory_space<semaphore_mem>> -> memref<!tpu.dma_semaphore, #tpu.memory_space<semaphore_mem>>
    %dma_wait3A_172 = arith.constant 0 : i32
    %dma_wait3A_173 = arith.constant 0 : i32
    %dma_wait3A_174 = tpu.memref_slice %arg8[%dma_wait3A_161, %dma_wait3A_172, %dma_wait3A_173] : memref<3x80x128xf32, #tpu.memory_space<vmem>> -> memref<1x80x128xf32, #tpu.memory_space<vmem>>
    %dma_wait3A_175 = tpu.memref_squeeze %dma_wait3A_174 : memref<1x80x128xf32, #tpu.memory_space<vmem>> -> memref<80x128xf32, #tpu.memory_space<vmem>>
    %dma_wait3A_176 = arith.constant 0 : i32
    %dma_wait3A_177 = arith.constant 0 : i32
    %dma_wait3A_178 = tpu.memref_slice %arg2[%dma_wait3A_176, %dma_wait3A_177] : memref<10000x128xf32, #tpu.memory_space<hbm>> -> memref<80x128xf32, #tpu.memory_space<hbm>>
    tpu.wait_dma2 semaphore(%dma_wait3A_171 : memref<!tpu.dma_semaphore, #tpu.memory_space<semaphore_mem>>) src(%dma_wait3A_178 : memref<80x128xf32, #tpu.memory_space<hbm>>) dst(%dma_wait3A_175 : memref<80x128xf32, #tpu.memory_space<vmem>>)
    %run_scoped3A = arith.constant 0 : i32
    %run_scoped3A_179 = arith.constant 0 : i32
    "tpu.region"() ({
      %run_scoped3A_224 = tpu.sem_alloc : memref<!tpu.dma_semaphore, #tpu.memory_space<semaphore_mem>>
      %dma_start3A_225 = arith.constant 0 : i32
      %dma_start3A_226 = arith.constant 0 : i32
      %dma_start3A_227 = tpu.memref_slice %arg8[%run_scoped3A, %dma_start3A_225, %dma_start3A_226] : memref<3x80x128xf32, #tpu.memory_space<vmem>> -> memref<1x80x128xf32, #tpu.memory_space<vmem>>
      %dma_start3A_228 = tpu.memref_squeeze %dma_start3A_227 : memref<1x80x128xf32, #tpu.memory_space<vmem>> -> memref<80x128xf32, #tpu.memory_space<vmem>>
      %dma_start3A_229 = arith.constant 0 : i32
      %dma_start3A_230 = tpu.memref_slice %arg7[%run_scoped3A_179, %dma_start3A_229] : memref<3x80xi32, #tpu.memory_space<vmem>> -> memref<1x80xi32, #tpu.memory_space<vmem>>
      %dma_start3A_231 = tpu.memref_squeeze %dma_start3A_230 : memref<1x80xi32, #tpu.memory_space<vmem>> -> memref<80xi32, #tpu.memory_space<vmem>>
      %dma_start3A_232 = arith.constant 0 : i32
      %dma_start3A_233 = arith.constant 0 : i32
      %dma_start3A_234 = tpu.memref_slice %arg10[%dma_start3A_232, %dma_start3A_233] : memref<10000x128xf32, #tpu.memory_space<vmem_shared>> -> memref<10000x128xf32, #tpu.memory_space<vmem_shared>>
      tpu.enqueue_indirect_dma source(%dma_start3A_228 : memref<80x128xf32, #tpu.memory_space<vmem>>) target(%dma_start3A_234 : memref<10000x128xf32, #tpu.memory_space<vmem_shared>>) offsets(%dma_start3A_231 : memref<80xi32, #tpu.memory_space<vmem>>) semaphore(%run_scoped3A_224 : memref<!tpu.dma_semaphore, #tpu.memory_space<semaphore_mem>>) {add = true}
      %dma_wait3A_235 = arith.constant 0 : i32
      %dma_wait3A_236 = arith.constant 0 : i32
      %dma_wait3A_237 = tpu.memref_slice %arg8[%run_scoped3A, %dma_wait3A_235, %dma_wait3A_236] : memref<3x80x128xf32, #tpu.memory_space<vmem>> -> memref<1x80x128xf32, #tpu.memory_space<vmem>>
      %dma_wait3A_238 = tpu.memref_squeeze %dma_wait3A_237 : memref<1x80x128xf32, #tpu.memory_space<vmem>> -> memref<80x128xf32, #tpu.memory_space<vmem>>
      %dma_wait3A_239 = arith.constant 0 : i32
      %dma_wait3A_240 = tpu.memref_slice %arg7[%run_scoped3A_179, %dma_wait3A_239] : memref<3x80xi32, #tpu.memory_space<vmem>> -> memref<1x80xi32, #tpu.memory_space<vmem>>
      %dma_wait3A_241 = tpu.memref_squeeze %dma_wait3A_240 : memref<1x80xi32, #tpu.memory_space<vmem>> -> memref<80xi32, #tpu.memory_space<vmem>>
      %dma_wait3A_242 = arith.constant 0 : i32
      %dma_wait3A_243 = arith.constant 0 : i32
      %dma_wait3A_244 = tpu.memref_slice %arg10[%dma_wait3A_242, %dma_wait3A_243] : memref<10000x128xf32, #tpu.memory_space<vmem_shared>> -> memref<10000x128xf32, #tpu.memory_space<vmem_shared>>
      tpu.wait_indirect_dma semaphore(%run_scoped3A_224 : memref<!tpu.dma_semaphore, #tpu.memory_space<semaphore_mem>>) src(%dma_wait3A_238 : memref<80x128xf32, #tpu.memory_space<vmem>>) dst(%dma_wait3A_244 : memref<10000x128xf32, #tpu.memory_space<vmem_shared>>)
      tpu.yield
    }) : () -> ()
    %dma_wait3A_180 = arith.constant 1 : i32
    %dma_wait3A_181 = arith.constant 1 : i32
    %dma_wait3A_182 = arith.constant 0 : i32
    %dma_wait3A_183 = tpu.memref_slice %arg7[%dma_wait3A_180, %dma_wait3A_182] : memref<3x80xi32, #tpu.memory_space<vmem>> -> memref<1x80xi32, #tpu.memory_space<vmem>>
    %dma_wait3A_184 = tpu.memref_squeeze %dma_wait3A_183 : memref<1x80xi32, #tpu.memory_space<vmem>> -> memref<80xi32, #tpu.memory_space<vmem>>
    %dma_wait3A_185 = arith.constant 0 : i32
    %dma_wait3A_186 = tpu.memref_slice %arg4[%dma_wait3A_185] : memref<320000xi32, #tpu.memory_space<hbm>> -> memref<80xi32, #tpu.memory_space<hbm>>
    %dma_wait3A_187 = tpu.memref_slice %arg12[%dma_wait3A_181] : memref<3x!tpu.dma_semaphore, #tpu.memory_space<semaphore_mem>> -> memref<1x!tpu.dma_semaphore, #tpu.memory_space<semaphore_mem>>
    %dma_wait3A_188 = tpu.memref_squeeze %dma_wait3A_187 : memref<1x!tpu.dma_semaphore, #tpu.memory_space<semaphore_mem>> -> memref<!tpu.dma_semaphore, #tpu.memory_space<semaphore_mem>>
    %dma_wait3A_189 = arith.constant 0 : i32
    %dma_wait3A_190 = tpu.memref_slice %arg7[%dma_wait3A_180, %dma_wait3A_189] : memref<3x80xi32, #tpu.memory_space<vmem>> -> memref<1x80xi32, #tpu.memory_space<vmem>>
    %dma_wait3A_191 = tpu.memref_squeeze %dma_wait3A_190 : memref<1x80xi32, #tpu.memory_space<vmem>> -> memref<80xi32, #tpu.memory_space<vmem>>
    %dma_wait3A_192 = arith.constant 0 : i32
    %dma_wait3A_193 = tpu.memref_slice %arg4[%dma_wait3A_192] : memref<320000xi32, #tpu.memory_space<hbm>> -> memref<80xi32, #tpu.memory_space<hbm>>
    tpu.wait_dma2 semaphore(%dma_wait3A_188 : memref<!tpu.dma_semaphore, #tpu.memory_space<semaphore_mem>>) src(%dma_wait3A_193 : memref<80xi32, #tpu.memory_space<hbm>>) dst(%dma_wait3A_191 : memref<80xi32, #tpu.memory_space<vmem>>)
    %dma_wait3A_194 = arith.constant 1 : i32
    %dma_wait3A_195 = arith.constant 1 : i32
    %dma_wait3A_196 = arith.constant 0 : i32
    %dma_wait3A_197 = arith.constant 0 : i32
    %dma_wait3A_198 = tpu.memref_slice %arg8[%dma_wait3A_194, %dma_wait3A_196, %dma_wait3A_197] : memref<3x80x128xf32, #tpu.memory_space<vmem>> -> memref<1x80x128xf32, #tpu.memory_space<vmem>>
    %dma_wait3A_199 = tpu.memref_squeeze %dma_wait3A_198 : memref<1x80x128xf32, #tpu.memory_space<vmem>> -> memref<80x128xf32, #tpu.memory_space<vmem>>
    %dma_wait3A_200 = arith.constant 0 : i32
    %dma_wait3A_201 = arith.constant 0 : i32
    %dma_wait3A_202 = tpu.memref_slice %arg2[%dma_wait3A_200, %dma_wait3A_201] : memref<10000x128xf32, #tpu.memory_space<hbm>> -> memref<80x128xf32, #tpu.memory_space<hbm>>
    %dma_wait3A_203 = tpu.memref_slice %arg11[%dma_wait3A_195] : memref<3x!tpu.dma_semaphore, #tpu.memory_space<semaphore_mem>> -> memref<1x!tpu.dma_semaphore, #tpu.memory_space<semaphore_mem>>
    %dma_wait3A_204 = tpu.memref_squeeze %dma_wait3A_203 : memref<1x!tpu.dma_semaphore, #tpu.memory_space<semaphore_mem>> -> memref<!tpu.dma_semaphore, #tpu.memory_space<semaphore_mem>>
    %dma_wait3A_205 = arith.constant 0 : i32
    %dma_wait3A_206 = arith.constant 0 : i32
    %dma_wait3A_207 = tpu.memref_slice %arg8[%dma_wait3A_194, %dma_wait3A_205, %dma_wait3A_206] : memref<3x80x128xf32, #tpu.memory_space<vmem>> -> memref<1x80x128xf32, #tpu.memory_space<vmem>>
    %dma_wait3A_208 = tpu.memref_squeeze %dma_wait3A_207 : memref<1x80x128xf32, #tpu.memory_space<vmem>> -> memref<80x128xf32, #tpu.memory_space<vmem>>
    %dma_wait3A_209 = arith.constant 0 : i32
    %dma_wait3A_210 = arith.constant 0 : i32
    %dma_wait3A_211 = tpu.memref_slice %arg2[%dma_wait3A_209, %dma_wait3A_210] : memref<10000x128xf32, #tpu.memory_space<hbm>> -> memref<80x128xf32, #tpu.memory_space<hbm>>
    tpu.wait_dma2 semaphore(%dma_wait3A_204 : memref<!tpu.dma_semaphore, #tpu.memory_space<semaphore_mem>>) src(%dma_wait3A_211 : memref<80x128xf32, #tpu.memory_space<hbm>>) dst(%dma_wait3A_208 : memref<80x128xf32, #tpu.memory_space<vmem>>)
    %run_scoped3A_212 = arith.constant 1 : i32
    %run_scoped3A_213 = arith.constant 1 : i32
    "tpu.region"() ({
      %run_scoped3A_224 = tpu.sem_alloc : memref<!tpu.dma_semaphore, #tpu.memory_space<semaphore_mem>>
      %dma_start3A_225 = arith.constant 0 : i32
      %dma_start3A_226 = arith.constant 0 : i32
      %dma_start3A_227 = tpu.memref_slice %arg8[%run_scoped3A_212, %dma_start3A_225, %dma_start3A_226] : memref<3x80x128xf32, #tpu.memory_space<vmem>> -> memref<1x80x128xf32, #tpu.memory_space<vmem>>
      %dma_start3A_228 = tpu.memref_squeeze %dma_start3A_227 : memref<1x80x128xf32, #tpu.memory_space<vmem>> -> memref<80x128xf32, #tpu.memory_space<vmem>>
      %dma_start3A_229 = arith.constant 0 : i32
      %dma_start3A_230 = tpu.memref_slice %arg7[%run_scoped3A_213, %dma_start3A_229] : memref<3x80xi32, #tpu.memory_space<vmem>> -> memref<1x80xi32, #tpu.memory_space<vmem>>
      %dma_start3A_231 = tpu.memref_squeeze %dma_start3A_230 : memref<1x80xi32, #tpu.memory_space<vmem>> -> memref<80xi32, #tpu.memory_space<vmem>>
      %dma_start3A_232 = arith.constant 0 : i32
      %dma_start3A_233 = arith.constant 0 : i32
      %dma_start3A_234 = tpu.memref_slice %arg10[%dma_start3A_232, %dma_start3A_233] : memref<10000x128xf32, #tpu.memory_space<vmem_shared>> -> memref<10000x128xf32, #tpu.memory_space<vmem_shared>>
      tpu.enqueue_indirect_dma source(%dma_start3A_228 : memref<80x128xf32, #tpu.memory_space<vmem>>) target(%dma_start3A_234 : memref<10000x128xf32, #tpu.memory_space<vmem_shared>>) offsets(%dma_start3A_231 : memref<80xi32, #tpu.memory_space<vmem>>) semaphore(%run_scoped3A_224 : memref<!tpu.dma_semaphore, #tpu.memory_space<semaphore_mem>>) {add = true}
      %dma_wait3A_235 = arith.constant 0 : i32
      %dma_wait3A_236 = arith.constant 0 : i32
      %dma_wait3A_237 = tpu.memref_slice %arg8[%run_scoped3A_212, %dma_wait3A_235, %dma_wait3A_236] : memref<3x80x128xf32, #tpu.memory_space<vmem>> -> memref<1x80x128xf32, #tpu.memory_space<vmem>>
      %dma_wait3A_238 = tpu.memref_squeeze %dma_wait3A_237 : memref<1x80x128xf32, #tpu.memory_space<vmem>> -> memref<80x128xf32, #tpu.memory_space<vmem>>
      %dma_wait3A_239 = arith.constant 0 : i32
      %dma_wait3A_240 = tpu.memref_slice %arg7[%run_scoped3A_213, %dma_wait3A_239] : memref<3x80xi32, #tpu.memory_space<vmem>> -> memref<1x80xi32, #tpu.memory_space<vmem>>
      %dma_wait3A_241 = tpu.memref_squeeze %dma_wait3A_240 : memref<1x80xi32, #tpu.memory_space<vmem>> -> memref<80xi32, #tpu.memory_space<vmem>>
      %dma_wait3A_242 = arith.constant 0 : i32
      %dma_wait3A_243 = arith.constant 0 : i32
      %dma_wait3A_244 = tpu.memref_slice %arg10[%dma_wait3A_242, %dma_wait3A_243] : memref<10000x128xf32, #tpu.memory_space<vmem_shared>> -> memref<10000x128xf32, #tpu.memory_space<vmem_shared>>
      tpu.wait_indirect_dma semaphore(%run_scoped3A_224 : memref<!tpu.dma_semaphore, #tpu.memory_space<semaphore_mem>>) src(%dma_wait3A_238 : memref<80x128xf32, #tpu.memory_space<vmem>>) dst(%dma_wait3A_244 : memref<10000x128xf32, #tpu.memory_space<vmem_shared>>)
      tpu.yield
    }) : () -> ()
    %barrier3A_214 = arith.constant 0 : index
    tpu.barrier barrier_id(%barrier3A_214)
    %mul3A_215 = arith.constant 624 : i32
    %mul3A_216 = arith.muli %arg1, %mul3A_215 : i32
    %mul3A_217 = arith.constant 624 : i32
    %mul3A_218 = arith.muli %arg1, %mul3A_217 : i32
    "tpu.region"() ({
      %run_scoped3A_224 = tpu.sem_alloc : memref<!tpu.dma_semaphore, #tpu.memory_space<semaphore_mem>>
      %dma_start3A_225 = arith.constant 0 : i32
      %dma_start3A_226 = tpu.memref_slice %arg5[%arg0, %mul3A_218, %dma_start3A_225] : memref<2x10000x128xf32, #tpu.memory_space<hbm>> -> memref<1x624x128xf32, #tpu.memory_space<hbm>>
      %dma_start3A_227 = tpu.memref_squeeze %dma_start3A_226 : memref<1x624x128xf32, #tpu.memory_space<hbm>> -> memref<624x128xf32, #tpu.memory_space<hbm>>
      %dma_start3A_228 = arith.constant 0 : i32
      %dma_start3A_229 = tpu.memref_slice %arg10[%mul3A_216, %dma_start3A_228] : memref<10000x128xf32, #tpu.memory_space<vmem_shared>> -> memref<624x128xf32, #tpu.memory_space<vmem_shared>>
      tpu.enqueue_dma source(%dma_start3A_229 : memref<624x128xf32, #tpu.memory_space<vmem_shared>>) target(%dma_start3A_227 : memref<624x128xf32, #tpu.memory_space<hbm>>) target_semaphore(%run_scoped3A_224 : memref<!tpu.dma_semaphore, #tpu.memory_space<semaphore_mem>>)
      %dma_wait3A_230 = arith.constant 0 : i32
      %dma_wait3A_231 = tpu.memref_slice %arg5[%arg0, %mul3A_218, %dma_wait3A_230] : memref<2x10000x128xf32, #tpu.memory_space<hbm>> -> memref<1x624x128xf32, #tpu.memory_space<hbm>>
      %dma_wait3A_232 = tpu.memref_squeeze %dma_wait3A_231 : memref<1x624x128xf32, #tpu.memory_space<hbm>> -> memref<624x128xf32, #tpu.memory_space<hbm>>
      %dma_wait3A_233 = arith.constant 0 : i32
      %dma_wait3A_234 = tpu.memref_slice %arg10[%mul3A_216, %dma_wait3A_233] : memref<10000x128xf32, #tpu.memory_space<vmem_shared>> -> memref<624x128xf32, #tpu.memory_space<vmem_shared>>
      tpu.wait_dma2 semaphore(%run_scoped3A_224 : memref<!tpu.dma_semaphore, #tpu.memory_space<semaphore_mem>>) src(%dma_wait3A_234 : memref<624x128xf32, #tpu.memory_space<vmem_shared>>) dst(%dma_wait3A_232 : memref<624x128xf32, #tpu.memory_space<hbm>>)
      tpu.yield
    }) : () -> ()
    %eq3A_219 = arith.constant 0 : i32
    %eq3A_220 = arith.cmpi eq, %arg1, %eq3A_219 : i32
    %convert_element_type3A_221 = arith.extui %eq3A_220 : i1 to i32
    %cond3A_222 = arith.constant 0 : i32
    %cond3A_223 = arith.cmpi ne, %convert_element_type3A_221, %cond3A_222 : i32
    scf.if %cond3A_223 {
      "tpu.region"() ({
        %run_scoped3A_224 = tpu.sem_alloc : memref<!tpu.dma_semaphore, #tpu.memory_space<semaphore_mem>>
        %dma_start3A_225 = arith.constant 9984 : i32
        %dma_start3A_226 = arith.constant 0 : i32
        %dma_start3A_227 = tpu.memref_slice %arg5[%arg0, %dma_start3A_225, %dma_start3A_226] : memref<2x10000x128xf32, #tpu.memory_space<hbm>> -> memref<1x16x128xf32, #tpu.memory_space<hbm>>
        %dma_start3A_228 = tpu.memref_squeeze %dma_start3A_227 : memref<1x16x128xf32, #tpu.memory_space<hbm>> -> memref<16x128xf32, #tpu.memory_space<hbm>>
        %dma_start3A_229 = arith.constant 9984 : i32
        %dma_start3A_230 = arith.constant 0 : i32
        %dma_start3A_231 = tpu.memref_slice %arg10[%dma_start3A_229, %dma_start3A_230] : memref<10000x128xf32, #tpu.memory_space<vmem_shared>> -> memref<16x128xf32, #tpu.memory_space<vmem_shared>>
        tpu.enqueue_dma source(%dma_start3A_231 : memref<16x128xf32, #tpu.memory_space<vmem_shared>>) target(%dma_start3A_228 : memref<16x128xf32, #tpu.memory_space<hbm>>) target_semaphore(%run_scoped3A_224 : memref<!tpu.dma_semaphore, #tpu.memory_space<semaphore_mem>>)
        %dma_wait3A_232 = arith.constant 9984 : i32
        %dma_wait3A_233 = arith.constant 0 : i32
        %dma_wait3A_234 = tpu.memref_slice %arg5[%arg0, %dma_wait3A_232, %dma_wait3A_233] : memref<2x10000x128xf32, #tpu.memory_space<hbm>> -> memref<1x16x128xf32, #tpu.memory_space<hbm>>
        %dma_wait3A_235 = tpu.memref_squeeze %dma_wait3A_234 : memref<1x16x128xf32, #tpu.memory_space<hbm>> -> memref<16x128xf32, #tpu.memory_space<hbm>>
        %dma_wait3A_236 = arith.constant 9984 : i32
        %dma_wait3A_237 = arith.constant 0 : i32
        %dma_wait3A_238 = tpu.memref_slice %arg10[%dma_wait3A_236, %dma_wait3A_237] : memref<10000x128xf32, #tpu.memory_space<vmem_shared>> -> memref<16x128xf32, #tpu.memory_space<vmem_shared>>
        tpu.wait_dma2 semaphore(%run_scoped3A_224 : memref<!tpu.dma_semaphore, #tpu.memory_space<semaphore_mem>>) src(%dma_wait3A_238 : memref<16x128xf32, #tpu.memory_space<vmem_shared>>) dst(%dma_wait3A_235 : memref<16x128xf32, #tpu.memory_space<hbm>>)
        tpu.yield
      }) : () -> ()
    } else {
    }
    return
  }
}

#map = affine_map<(d0, d1) -> (0, 0)>
#map1 = affine_map<(d0, d1) -> (0)>
#map2 = affine_map<(d0, d1) -> (0, 0, 0)>
module attributes {stable_mosaic.version = 14 : i64} {
  func.func @k(%arg0: i32, %arg1: i32, %arg2: memref<10000x128xf32, #tpu.memory_space<hbm>>, %arg3: memref<320000xi32, #tpu.memory_space<hbm>>, %arg4: memref<320000xi32, #tpu.memory_space<hbm>>, %arg5: memref<2x10000x128xf32, #tpu.memory_space<hbm>>, %arg6: memref<10000xi32, #tpu.memory_space<vmem>>, %arg7: memref<3x80xi32, #tpu.memory_space<vmem>>, %arg8: memref<3x80x128xf32, #tpu.memory_space<vmem>>, %arg9: memref<48x128xf32, #tpu.memory_space<vmem>>, %arg10: memref<10000x128xf32, #tpu.memory_space<vmem_shared>>, %arg11: memref<3x!tpu.dma_semaphore, #tpu.memory_space<semaphore_mem>>, %arg12: memref<3x!tpu.dma_semaphore, #tpu.memory_space<semaphore_mem>>) attributes {dimension_semantics = [#tpu.dimension_semantics<core_parallel>, #tpu.dimension_semantics<subcore_parallel>], iteration_bounds = array<i64: 2, 16>, scalar_prefetch = 0 : i64, scratch_operands = 7 : i64, tpu.core_type = #tpu.core_type<sc_vector_subcore>, window_params = [{transform_indices = #map}, {transform_indices = #map1}, {transform_indices = #map1}, {transform_indices = #map2}]} {
    %mul3A = arith.constant 16 : i32
    %mul3A_0 = arith.muli %arg0, %mul3A : i32
    %add3A = arith.addi %mul3A_0, %arg1 : i32
    %mul3A_1 = arith.constant 10000 : i32
    %mul3A_2 = arith.muli %add3A, %mul3A_1 : i32
    "tpu.region"() ({
      %run_scoped3A_224 = tpu.sem_alloc : memref<!tpu.dma_semaphore, #tpu.memory_space<semaphore_mem>>
      %dma_start3A_225 = tpu.memref_slice %arg3[%mul3A_2] : memref<320000xi32, #tpu.memory_space<hbm>> -> memref<10000xi32, #tpu.memory_space<hbm>>
      %dma_start3A_226 = tpu.memref_slice %arg3[%mul3A_2] : memref<320000xi32, #tpu.memory_space<hbm>> -> memref<10000xi32, #tpu.memory_space<hbm>>
      tpu.enqueue_dma source(%dma_start3A_226 : memref<10000xi32, #tpu.memory_space<hbm>>) target(%arg6 : memref<10000xi32, #tpu.memory_space<vmem>>) target_semaphore(%run_scoped3A_224 : memref<!tpu.dma_semaphore, #tpu.memory_space<semaphore_mem>>)
      %dma_wait3A_227 = tpu.memref_slice %arg3[%mul3A_2] : memref<320000xi32, #tpu.memory_space<hbm>> -> memref<10000xi32, #tpu.memory_space<hbm>>
      %dma_wait3A_228 = tpu.memref_slice %arg3[%mul3A_2] : memref<320000xi32, #tpu.memory_space<hbm>> -> memref<10000xi32, #tpu.memory_space<hbm>>
      tpu.wait_dma2 semaphore(%run_scoped3A_224 : memref<!tpu.dma_semaphore, #tpu.memory_space<semaphore_mem>>) src(%dma_wait3A_228 : memref<10000xi32, #tpu.memory_space<hbm>>) dst(%arg6 : memref<10000xi32, #tpu.memory_space<vmem>>)
      tpu.yield
    }) : () -> ()
    %add3A_3 = arith.constant 0 : i32
    %add3A_4 = arith.addi %mul3A_2, %add3A_3 : i32
    %dma_start3A = arith.constant 0 : i32
    %dma_start3A_5 = arith.constant 0 : i32
    %dma_start3A_6 = arith.constant 0 : i32
    %dma_start3A_7 = tpu.memref_slice %arg7[%dma_start3A, %dma_start3A_6] : memref<3x80xi32, #tpu.memory_space<vmem>> -> memref<1x80xi32, #tpu.memory_space<vmem>>
    %dma_start3A_8 = tpu.memref_squeeze %dma_start3A_7 : memref<1x80xi32, #tpu.memory_space<vmem>> -> memref<80xi32, #tpu.memory_space<vmem>>
    %dma_start3A_9 = tpu.memref_slice %arg4[%add3A_4] : memref<320000xi32, #tpu.memory_space<hbm>> -> memref<80xi32, #tpu.memory_space<hbm>>
    %dma_start3A_10 = tpu.memref_slice %arg12[%dma_start3A_5] : memref<3x!tpu.dma_semaphore, #tpu.memory_space<semaphore_mem>> -> memref<1x!tpu.dma_semaphore, #tpu.memory_space<semaphore_mem>>
    %dma_start3A_11 = tpu.memref_squeeze %dma_start3A_10 : memref<1x!tpu.dma_semaphore, #tpu.memory_space<semaphore_mem>> -> memref<!tpu.dma_semaphore, #tpu.memory_space<semaphore_mem>>
    %dma_start3A_12 = arith.constant 0 : i32
    %dma_start3A_13 = tpu.memref_slice %arg7[%dma_start3A, %dma_start3A_12] : memref<3x80xi32, #tpu.memory_space<vmem>> -> memref<1x80xi32, #tpu.memory_space<vmem>>
    %dma_start3A_14 = tpu.memref_squeeze %dma_start3A_13 : memref<1x80xi32, #tpu.memory_space<vmem>> -> memref<80xi32, #tpu.memory_space<vmem>>
    %dma_start3A_15 = tpu.memref_slice %arg4[%add3A_4] : memref<320000xi32, #tpu.memory_space<hbm>> -> memref<80xi32, #tpu.memory_space<hbm>>
    tpu.enqueue_dma source(%dma_start3A_15 : memref<80xi32, #tpu.memory_space<hbm>>) target(%dma_start3A_14 : memref<80xi32, #tpu.memory_space<vmem>>) target_semaphore(%dma_start3A_11 : memref<!tpu.dma_semaphore, #tpu.memory_space<semaphore_mem>>)
    %dma_start3A_16 = arith.constant 0 : i32
    %dma_start3A_17 = arith.constant 0 : i32
    %dma_start3A_18 = arith.constant 0 : i32
    %dma_start3A_19 = arith.constant 0 : i32
    %dma_start3A_20 = tpu.memref_slice %arg8[%dma_start3A_16, %dma_start3A_18, %dma_start3A_19] : memref<3x80x128xf32, #tpu.memory_space<vmem>> -> memref<1x80x128xf32, #tpu.memory_space<vmem>>
    %dma_start3A_21 = tpu.memref_squeeze %dma_start3A_20 : memref<1x80x128xf32, #tpu.memory_space<vmem>> -> memref<80x128xf32, #tpu.memory_space<vmem>>
    %dma_start3A_22 = arith.constant 0 : i32
    %dma_start3A_23 = tpu.memref_slice %arg6[%dma_start3A_22] : memref<10000xi32, #tpu.memory_space<vmem>> -> memref<80xi32, #tpu.memory_space<vmem>>
    %dma_start3A_24 = arith.constant 0 : i32
    %dma_start3A_25 = arith.constant 0 : i32
    %dma_start3A_26 = tpu.memref_slice %arg2[%dma_start3A_24, %dma_start3A_25] : memref<10000x128xf32, #tpu.memory_space<hbm>> -> memref<10000x128xf32, #tpu.memory_space<hbm>>
    %dma_start3A_27 = tpu.memref_slice %arg11[%dma_start3A_17] : memref<3x!tpu.dma_semaphore, #tpu.memory_space<semaphore_mem>> -> memref<1x!tpu.dma_semaphore, #tpu.memory_space<semaphore_mem>>
    %dma_start3A_28 = tpu.memref_squeeze %dma_start3A_27 : memref<1x!tpu.dma_semaphore, #tpu.memory_space<semaphore_mem>> -> memref<!tpu.dma_semaphore, #tpu.memory_space<semaphore_mem>>
    tpu.enqueue_indirect_dma source(%dma_start3A_26 : memref<10000x128xf32, #tpu.memory_space<hbm>>) target(%dma_start3A_21 : memref<80x128xf32, #tpu.memory_space<vmem>>) offsets(%dma_start3A_23 : memref<80xi32, #tpu.memory_space<vmem>>) semaphore(%dma_start3A_28 : memref<!tpu.dma_semaphore, #tpu.memory_space<semaphore_mem>>)
    %add3A_29 = arith.constant 80 : i32
    %add3A_30 = arith.addi %mul3A_2, %add3A_29 : i32
    %dma_start3A_31 = arith.constant 1 : i32
    %dma_start3A_32 = arith.constant 1 : i32
    %dma_start3A_33 = arith.constant 0 : i32
    %dma_start3A_34 = tpu.memref_slice %arg7[%dma_start3A_31, %dma_start3A_33] : memref<3x80xi32, #tpu.memory_space<vmem>> -> memref<1x80xi32, #tpu.memory_space<vmem>>
    %dma_start3A_35 = tpu.memref_squeeze %dma_start3A_34 : memref<1x80xi32, #tpu.memory_space<vmem>> -> memref<80xi32, #tpu.memory_space<vmem>>
    %dma_start3A_36 = tpu.memref_slice %arg4[%add3A_30] : memref<320000xi32, #tpu.memory_space<hbm>> -> memref<80xi32, #tpu.memory_space<hbm>>
    %dma_start3A_37 = tpu.memref_slice %arg12[%dma_start3A_32] : memref<3x!tpu.dma_semaphore, #tpu.memory_space<semaphore_mem>> -> memref<1x!tpu.dma_semaphore, #tpu.memory_space<semaphore_mem>>
    %dma_start3A_38 = tpu.memref_squeeze %dma_start3A_37 : memref<1x!tpu.dma_semaphore, #tpu.memory_space<semaphore_mem>> -> memref<!tpu.dma_semaphore, #tpu.memory_space<semaphore_mem>>
    %dma_start3A_39 = arith.constant 0 : i32
    %dma_start3A_40 = tpu.memref_slice %arg7[%dma_start3A_31, %dma_start3A_39] : memref<3x80xi32, #tpu.memory_space<vmem>> -> memref<1x80xi32, #tpu.memory_space<vmem>>
    %dma_start3A_41 = tpu.memref_squeeze %dma_start3A_40 : memref<1x80xi32, #tpu.memory_space<vmem>> -> memref<80xi32, #tpu.memory_space<vmem>>
    %dma_start3A_42 = tpu.memref_slice %arg4[%add3A_30] : memref<320000xi32, #tpu.memory_space<hbm>> -> memref<80xi32, #tpu.memory_space<hbm>>
    tpu.enqueue_dma source(%dma_start3A_42 : memref<80xi32, #tpu.memory_space<hbm>>) target(%dma_start3A_41 : memref<80xi32, #tpu.memory_space<vmem>>) target_semaphore(%dma_start3A_38 : memref<!tpu.dma_semaphore, #tpu.memory_space<semaphore_mem>>)
    %dma_start3A_43 = arith.constant 1 : i32
    %dma_start3A_44 = arith.constant 1 : i32
    %dma_start3A_45 = arith.constant 0 : i32
    %dma_start3A_46 = arith.constant 0 : i32
    %dma_start3A_47 = tpu.memref_slice %arg8[%dma_start3A_43, %dma_start3A_45, %dma_start3A_46] : memref<3x80x128xf32, #tpu.memory_space<vmem>> -> memref<1x80x128xf32, #tpu.memory_space<vmem>>
    %dma_start3A_48 = tpu.memref_squeeze %dma_start3A_47 : memref<1x80x128xf32, #tpu.memory_space<vmem>> -> memref<80x128xf32, #tpu.memory_space<vmem>>
    %dma_start3A_49 = arith.constant 80 : i32
    %dma_start3A_50 = tpu.memref_slice %arg6[%dma_start3A_49] : memref<10000xi32, #tpu.memory_space<vmem>> -> memref<80xi32, #tpu.memory_space<vmem>>
    %dma_start3A_51 = arith.constant 0 : i32
    %dma_start3A_52 = arith.constant 0 : i32
    %dma_start3A_53 = tpu.memref_slice %arg2[%dma_start3A_51, %dma_start3A_52] : memref<10000x128xf32, #tpu.memory_space<hbm>> -> memref<10000x128xf32, #tpu.memory_space<hbm>>
    %dma_start3A_54 = tpu.memref_slice %arg11[%dma_start3A_44] : memref<3x!tpu.dma_semaphore, #tpu.memory_space<semaphore_mem>> -> memref<1x!tpu.dma_semaphore, #tpu.memory_space<semaphore_mem>>
    %dma_start3A_55 = tpu.memref_squeeze %dma_start3A_54 : memref<1x!tpu.dma_semaphore, #tpu.memory_space<semaphore_mem>> -> memref<!tpu.dma_semaphore, #tpu.memory_space<semaphore_mem>>
    tpu.enqueue_indirect_dma source(%dma_start3A_53 : memref<10000x128xf32, #tpu.memory_space<hbm>>) target(%dma_start3A_48 : memref<80x128xf32, #tpu.memory_space<vmem>>) offsets(%dma_start3A_50 : memref<80xi32, #tpu.memory_space<vmem>>) semaphore(%dma_start3A_55 : memref<!tpu.dma_semaphore, #tpu.memory_space<semaphore_mem>>)
    %add3A_56 = arith.constant 160 : i32
    %add3A_57 = arith.addi %mul3A_2, %add3A_56 : i32
    %dma_start3A_58 = arith.constant 2 : i32
    %dma_start3A_59 = arith.constant 2 : i32
    %dma_start3A_60 = arith.constant 0 : i32
    %dma_start3A_61 = tpu.memref_slice %arg7[%dma_start3A_58, %dma_start3A_60] : memref<3x80xi32, #tpu.memory_space<vmem>> -> memref<1x80xi32, #tpu.memory_space<vmem>>
    %dma_start3A_62 = tpu.memref_squeeze %dma_start3A_61 : memref<1x80xi32, #tpu.memory_space<vmem>> -> memref<80xi32, #tpu.memory_space<vmem>>
    %dma_start3A_63 = tpu.memref_slice %arg4[%add3A_57] : memref<320000xi32, #tpu.memory_space<hbm>> -> memref<80xi32, #tpu.memory_space<hbm>>
    %dma_start3A_64 = tpu.memref_slice %arg12[%dma_start3A_59] : memref<3x!tpu.dma_semaphore, #tpu.memory_space<semaphore_mem>> -> memref<1x!tpu.dma_semaphore, #tpu.memory_space<semaphore_mem>>
    %dma_start3A_65 = tpu.memref_squeeze %dma_start3A_64 : memref<1x!tpu.dma_semaphore, #tpu.memory_space<semaphore_mem>> -> memref<!tpu.dma_semaphore, #tpu.memory_space<semaphore_mem>>
    %dma_start3A_66 = arith.constant 0 : i32
    %dma_start3A_67 = tpu.memref_slice %arg7[%dma_start3A_58, %dma_start3A_66] : memref<3x80xi32, #tpu.memory_space<vmem>> -> memref<1x80xi32, #tpu.memory_space<vmem>>
    %dma_start3A_68 = tpu.memref_squeeze %dma_start3A_67 : memref<1x80xi32, #tpu.memory_space<vmem>> -> memref<80xi32, #tpu.memory_space<vmem>>
    %dma_start3A_69 = tpu.memref_slice %arg4[%add3A_57] : memref<320000xi32, #tpu.memory_space<hbm>> -> memref<80xi32, #tpu.memory_space<hbm>>
    tpu.enqueue_dma source(%dma_start3A_69 : memref<80xi32, #tpu.memory_space<hbm>>) target(%dma_start3A_68 : memref<80xi32, #tpu.memory_space<vmem>>) target_semaphore(%dma_start3A_65 : memref<!tpu.dma_semaphore, #tpu.memory_space<semaphore_mem>>)
    %dma_start3A_70 = arith.constant 2 : i32
    %dma_start3A_71 = arith.constant 2 : i32
    %dma_start3A_72 = arith.constant 0 : i32
    %dma_start3A_73 = arith.constant 0 : i32
    %dma_start3A_74 = tpu.memref_slice %arg8[%dma_start3A_70, %dma_start3A_72, %dma_start3A_73] : memref<3x80x128xf32, #tpu.memory_space<vmem>> -> memref<1x80x128xf32, #tpu.memory_space<vmem>>
    %dma_start3A_75 = tpu.memref_squeeze %dma_start3A_74 : memref<1x80x128xf32, #tpu.memory_space<vmem>> -> memref<80x128xf32, #tpu.memory_space<vmem>>
    %dma_start3A_76 = arith.constant 160 : i32
    %dma_start3A_77 = tpu.memref_slice %arg6[%dma_start3A_76] : memref<10000xi32, #tpu.memory_space<vmem>> -> memref<80xi32, #tpu.memory_space<vmem>>
    %dma_start3A_78 = arith.constant 0 : i32
    %dma_start3A_79 = arith.constant 0 : i32
    %dma_start3A_80 = tpu.memref_slice %arg2[%dma_start3A_78, %dma_start3A_79] : memref<10000x128xf32, #tpu.memory_space<hbm>> -> memref<10000x128xf32, #tpu.memory_space<hbm>>
    %dma_start3A_81 = tpu.memref_slice %arg11[%dma_start3A_71] : memref<3x!tpu.dma_semaphore, #tpu.memory_space<semaphore_mem>> -> memref<1x!tpu.dma_semaphore, #tpu.memory_space<semaphore_mem>>
    %dma_start3A_82 = tpu.memref_squeeze %dma_start3A_81 : memref<1x!tpu.dma_semaphore, #tpu.memory_space<semaphore_mem>> -> memref<!tpu.dma_semaphore, #tpu.memory_space<semaphore_mem>>
    tpu.enqueue_indirect_dma source(%dma_start3A_80 : memref<10000x128xf32, #tpu.memory_space<hbm>>) target(%dma_start3A_75 : memref<80x128xf32, #tpu.memory_space<vmem>>) offsets(%dma_start3A_77 : memref<80xi32, #tpu.memory_space<vmem>>) semaphore(%dma_start3A_82 : memref<!tpu.dma_semaphore, #tpu.memory_space<semaphore_mem>>)
    %scan3A = arith.constant 0 : i32
    %scan3A_83 = arith.constant 0 : i32
    %scan3A_84 = arith.constant 48 : i32
    %scan3A_85 = arith.addi %scan3A_83, %scan3A_84 : i32
    %scan3A_86 = arith.constant 1 : i32
    scf.for %scan3A_224 = %scan3A_83 to %scan3A_85 step %scan3A_86  : i32 {
      %broadcast_in_dim3A = arith.constant 0.000000e+00 : f32
      %broadcast_in_dim3A_225 = vector.broadcast %broadcast_in_dim3A : f32 to vector<16xf32>
      %swap3A = arith.index_cast %scan3A_224 : i32 to index
      %swap3A_226 = arith.constant 0 : index
      %swap3A_227 = tpu.vector_load %arg9[%swap3A, %swap3A_226] {strides = array<i32>} : memref<48x128xf32, #tpu.memory_space<vmem>>, vector<1x16xf32>,
      %swap3A_228 = vector.shape_cast %swap3A_227 : vector<1x16xf32> to vector<16xf32>
      %swap3A_229 = vector.shape_cast %broadcast_in_dim3A_225 : vector<16xf32> to vector<1x16xf32>
      tpu.vector_store %arg9[%swap3A, %swap3A_226], %swap3A_229 {strides = array<i32>} : memref<48x128xf32, #tpu.memory_space<vmem>>, vector<1x16xf32>,
      %broadcast_in_dim3A_230 = arith.constant 0.000000e+00 : f32
      %broadcast_in_dim3A_231 = vector.broadcast %broadcast_in_dim3A_230 : f32 to vector<16xf32>
      %swap3A_232 = arith.index_cast %scan3A_224 : i32 to index
      %swap3A_233 = arith.constant 16 : index
      %swap3A_234 = tpu.vector_load %arg9[%swap3A_232, %swap3A_233] {strides = array<i32>} : memref<48x128xf32, #tpu.memory_space<vmem>>, vector<1x16xf32>,
      %swap3A_235 = vector.shape_cast %swap3A_234 : vector<1x16xf32> to vector<16xf32>
      %swap3A_236 = vector.shape_cast %broadcast_in_dim3A_231 : vector<16xf32> to vector<1x16xf32>
      tpu.vector_store %arg9[%swap3A_232, %swap3A_233], %swap3A_236 {strides = array<i32>} : memref<48x128xf32, #tpu.memory_space<vmem>>, vector<1x16xf32>,
      %broadcast_in_dim3A_237 = arith.constant 0.000000e+00 : f32
      %broadcast_in_dim3A_238 = vector.broadcast %broadcast_in_dim3A_237 : f32 to vector<16xf32>
      %swap3A_239 = arith.index_cast %scan3A_224 : i32 to index
      %swap3A_240 = arith.constant 32 : index
      %swap3A_241 = tpu.vector_load %arg9[%swap3A_239, %swap3A_240] {strides = array<i32>} : memref<48x128xf32, #tpu.memory_space<vmem>>, vector<1x16xf32>,
      %swap3A_242 = vector.shape_cast %swap3A_241 : vector<1x16xf32> to vector<16xf32>
      %swap3A_243 = vector.shape_cast %broadcast_in_dim3A_238 : vector<16xf32> to vector<1x16xf32>
      tpu.vector_store %arg9[%swap3A_239, %swap3A_240], %swap3A_243 {strides = array<i32>} : memref<48x128xf32, #tpu.memory_space<vmem>>, vector<1x16xf32>,
      %broadcast_in_dim3A_244 = arith.constant 0.000000e+00 : f32
      %broadcast_in_dim3A_245 = vector.broadcast %broadcast_in_dim3A_244 : f32 to vector<16xf32>
      %swap3A_246 = arith.index_cast %scan3A_224 : i32 to index
      %swap3A_247 = arith.constant 48 : index
      %swap3A_248 = tpu.vector_load %arg9[%swap3A_246, %swap3A_247] {strides = array<i32>} : memref<48x128xf32, #tpu.memory_space<vmem>>, vector<1x16xf32>,
      %swap3A_249 = vector.shape_cast %swap3A_248 : vector<1x16xf32> to vector<16xf32>
      %swap3A_250 = vector.shape_cast %broadcast_in_dim3A_245 : vector<16xf32> to vector<1x16xf32>
      tpu.vector_store %arg9[%swap3A_246, %swap3A_247], %swap3A_250 {strides = array<i32>} : memref<48x128xf32, #tpu.memory_space<vmem>>, vector<1x16xf32>,
      %broadcast_in_dim3A_251 = arith.constant 0.000000e+00 : f32
      %broadcast_in_dim3A_252 = vector.broadcast %broadcast_in_dim3A_251 : f32 to vector<16xf32>
      %swap3A_253 = arith.index_cast %scan3A_224 : i32 to index
      %swap3A_254 = arith.constant 64 : index
      %swap3A_255 = tpu.vector_load %arg9[%swap3A_253, %swap3A_254] {strides = array<i32>} : memref<48x128xf32, #tpu.memory_space<vmem>>, vector<1x16xf32>,
      %swap3A_256 = vector.shape_cast %swap3A_255 : vector<1x16xf32> to vector<16xf32>
      %swap3A_257 = vector.shape_cast %broadcast_in_dim3A_252 : vector<16xf32> to vector<1x16xf32>
      tpu.vector_store %arg9[%swap3A_253, %swap3A_254], %swap3A_257 {strides = array<i32>} : memref<48x128xf32, #tpu.memory_space<vmem>>, vector<1x16xf32>,
      %broadcast_in_dim3A_258 = arith.constant 0.000000e+00 : f32
      %broadcast_in_dim3A_259 = vector.broadcast %broadcast_in_dim3A_258 : f32 to vector<16xf32>
      %swap3A_260 = arith.index_cast %scan3A_224 : i32 to index
      %swap3A_261 = arith.constant 80 : index
      %swap3A_262 = tpu.vector_load %arg9[%swap3A_260, %swap3A_261] {strides = array<i32>} : memref<48x128xf32, #tpu.memory_space<vmem>>, vector<1x16xf32>,
      %swap3A_263 = vector.shape_cast %swap3A_262 : vector<1x16xf32> to vector<16xf32>
      %swap3A_264 = vector.shape_cast %broadcast_in_dim3A_259 : vector<16xf32> to vector<1x16xf32>
      tpu.vector_store %arg9[%swap3A_260, %swap3A_261], %swap3A_264 {strides = array<i32>} : memref<48x128xf32, #tpu.memory_space<vmem>>, vector<1x16xf32>,
      %broadcast_in_dim3A_265 = arith.constant 0.000000e+00 : f32
      %broadcast_in_dim3A_266 = vector.broadcast %broadcast_in_dim3A_265 : f32 to vector<16xf32>
      %swap3A_267 = arith.index_cast %scan3A_224 : i32 to index
      %swap3A_268 = arith.constant 96 : index
      %swap3A_269 = tpu.vector_load %arg9[%swap3A_267, %swap3A_268] {strides = array<i32>} : memref<48x128xf32, #tpu.memory_space<vmem>>, vector<1x16xf32>,
      %swap3A_270 = vector.shape_cast %swap3A_269 : vector<1x16xf32> to vector<16xf32>
      %swap3A_271 = vector.shape_cast %broadcast_in_dim3A_266 : vector<16xf32> to vector<1x16xf32>
      tpu.vector_store %arg9[%swap3A_267, %swap3A_268], %swap3A_271 {strides = array<i32>} : memref<48x128xf32, #tpu.memory_space<vmem>>, vector<1x16xf32>,
      %broadcast_in_dim3A_272 = arith.constant 0.000000e+00 : f32
      %broadcast_in_dim3A_273 = vector.broadcast %broadcast_in_dim3A_272 : f32 to vector<16xf32>
      %swap3A_274 = arith.index_cast %scan3A_224 : i32 to index
      %swap3A_275 = arith.constant 112 : index
      %swap3A_276 = tpu.vector_load %arg9[%swap3A_274, %swap3A_275] {strides = array<i32>} : memref<48x128xf32, #tpu.memory_space<vmem>>, vector<1x16xf32>,
      %swap3A_277 = vector.shape_cast %swap3A_276 : vector<1x16xf32> to vector<16xf32>
      %swap3A_278 = vector.shape_cast %broadcast_in_dim3A_273 : vector<16xf32> to vector<1x16xf32>
      tpu.vector_store %arg9[%swap3A_274, %swap3A_275], %swap3A_278 {strides = array<i32>} : memref<48x128xf32, #tpu.memory_space<vmem>>, vector<1x16xf32>,
    }
    %scan3A_87 = arith.constant 48 : i32
    %mul3A_88 = arith.constant 624 : i32
    %mul3A_89 = arith.muli %arg1, %mul3A_88 : i32
    %add3A_90 = arith.constant 0 : i32
    %add3A_91 = arith.addi %mul3A_89, %add3A_90 : i32
    "tpu.region"() ({
      %run_scoped3A_224 = tpu.sem_alloc : memref<!tpu.dma_semaphore, #tpu.memory_space<semaphore_mem>>
      %dma_start3A_225 = arith.constant 0 : i32
      %dma_start3A_226 = tpu.memref_slice %arg10[%add3A_91, %dma_start3A_225] : memref<10000x128xf32, #tpu.memory_space<vmem_shared>> -> memref<48x128xf32, #tpu.memory_space<vmem_shared>>
      %dma_start3A_227 = arith.constant 0 : i32
      %dma_start3A_228 = tpu.memref_slice %arg10[%add3A_91, %dma_start3A_227] : memref<10000x128xf32, #tpu.memory_space<vmem_shared>> -> memref<48x128xf32, #tpu.memory_space<vmem_shared>>
      tpu.enqueue_dma source(%arg9 : memref<48x128xf32, #tpu.memory_space<vmem>>) target(%dma_start3A_228 : memref<48x128xf32, #tpu.memory_space<vmem_shared>>) target_semaphore(%run_scoped3A_224 : memref<!tpu.dma_semaphore, #tpu.memory_space<semaphore_mem>>)
      %dma_wait3A_229 = arith.constant 0 : i32
      %dma_wait3A_230 = tpu.memref_slice %arg10[%add3A_91, %dma_wait3A_229] : memref<10000x128xf32, #tpu.memory_space<vmem_shared>> -> memref<48x128xf32, #tpu.memory_space<vmem_shared>>
      %dma_wait3A_231 = arith.constant 0 : i32
      %dma_wait3A_232 = tpu.memref_slice %arg10[%add3A_91, %dma_wait3A_231] : memref<10000x128xf32, #tpu.memory_space<vmem_shared>> -> memref<48x128xf32, #tpu.memory_space<vmem_shared>>
      tpu.wait_dma2 semaphore(%run_scoped3A_224 : memref<!tpu.dma_semaphore, #tpu.memory_space<semaphore_mem>>) src(%arg9 : memref<48x128xf32, #tpu.memory_space<vmem>>) dst(%dma_wait3A_232 : memref<48x128xf32, #tpu.memory_space<vmem_shared>>)
      tpu.yield
    }) : () -> ()
    %mul3A_92 = arith.constant 624 : i32
    %mul3A_93 = arith.muli %arg1, %mul3A_92 : i32
    %add3A_94 = arith.constant 48 : i32
    %add3A_95 = arith.addi %mul3A_93, %add3A_94 : i32
    "tpu.region"() ({
      %run_scoped3A_224 = tpu.sem_alloc : memref<!tpu.dma_semaphore, #tpu.memory_space<semaphore_mem>>
      %dma_start3A_225 = arith.constant 0 : i32
      %dma_start3A_226 = tpu.memref_slice %arg10[%add3A_95, %dma_start3A_225] : memref<10000x128xf32, #tpu.memory_space<vmem_shared>> -> memref<48x128xf32, #tpu.memory_space<vmem_shared>>
      %dma_start3A_227 = arith.constant 0 : i32
      %dma_start3A_228 = tpu.memref_slice %arg10[%add3A_95, %dma_start3A_227] : memref<10000x128xf32, #tpu.memory_space<vmem_shared>> -> memref<48x128xf32, #tpu.memory_space<vmem_shared>>
      tpu.enqueue_dma source(%arg9 : memref<48x128xf32, #tpu.memory_space<vmem>>) target(%dma_start3A_228 : memref<48x128xf32, #tpu.memory_space<vmem_shared>>) target_semaphore(%run_scoped3A_224 : memref<!tpu.dma_semaphore, #tpu.memory_space<semaphore_mem>>)
      %dma_wait3A_229 = arith.constant 0 : i32
      %dma_wait3A_230 = tpu.memref_slice %arg10[%add3A_95, %dma_wait3A_229] : memref<10000x128xf32, #tpu.memory_space<vmem_shared>> -> memref<48x128xf32, #tpu.memory_space<vmem_shared>>
      %dma_wait3A_231 = arith.constant 0 : i32
      %dma_wait3A_232 = tpu.memref_slice %arg10[%add3A_95, %dma_wait3A_231] : memref<10000x128xf32, #tpu.memory_space<vmem_shared>> -> memref<48x128xf32, #tpu.memory_space<vmem_shared>>
      tpu.wait_dma2 semaphore(%run_scoped3A_224 : memref<!tpu.dma_semaphore, #tpu.memory_space<semaphore_mem>>) src(%arg9 : memref<48x128xf32, #tpu.memory_space<vmem>>) dst(%dma_wait3A_232 : memref<48x128xf32, #tpu.memory_space<vmem_shared>>)
      tpu.yield
    }) : () -> ()
    %mul3A_96 = arith.constant 624 : i32
    %mul3A_97 = arith.muli %arg1, %mul3A_96 : i32
    %add3A_98 = arith.constant 96 : i32
    %add3A_99 = arith.addi %mul3A_97, %add3A_98 : i32
    "tpu.region"() ({
      %run_scoped3A_224 = tpu.sem_alloc : memref<!tpu.dma_semaphore, #tpu.memory_space<semaphore_mem>>
      %dma_start3A_225 = arith.constant 0 : i32
      %dma_start3A_226 = tpu.memref_slice %arg10[%add3A_99, %dma_start3A_225] : memref<10000x128xf32, #tpu.memory_space<vmem_shared>> -> memref<48x128xf32, #tpu.memory_space<vmem_shared>>
      %dma_start3A_227 = arith.constant 0 : i32
      %dma_start3A_228 = tpu.memref_slice %arg10[%add3A_99, %dma_start3A_227] : memref<10000x128xf32, #tpu.memory_space<vmem_shared>> -> memref<48x128xf32, #tpu.memory_space<vmem_shared>>
      tpu.enqueue_dma source(%arg9 : memref<48x128xf32, #tpu.memory_space<vmem>>) target(%dma_start3A_228 : memref<48x128xf32, #tpu.memory_space<vmem_shared>>) target_semaphore(%run_scoped3A_224 : memref<!tpu.dma_semaphore, #tpu.memory_space<semaphore_mem>>)
      %dma_wait3A_229 = arith.constant 0 : i32
      %dma_wait3A_230 = tpu.memref_slice %arg10[%add3A_99, %dma_wait3A_229] : memref<10000x128xf32, #tpu.memory_space<vmem_shared>> -> memref<48x128xf32, #tpu.memory_space<vmem_shared>>
      %dma_wait3A_231 = arith.constant 0 : i32
      %dma_wait3A_232 = tpu.memref_slice %arg10[%add3A_99, %dma_wait3A_231] : memref<10000x128xf32, #tpu.memory_space<vmem_shared>> -> memref<48x128xf32, #tpu.memory_space<vmem_shared>>
      tpu.wait_dma2 semaphore(%run_scoped3A_224 : memref<!tpu.dma_semaphore, #tpu.memory_space<semaphore_mem>>) src(%arg9 : memref<48x128xf32, #tpu.memory_space<vmem>>) dst(%dma_wait3A_232 : memref<48x128xf32, #tpu.memory_space<vmem_shared>>)
      tpu.yield
    }) : () -> ()
    %mul3A_100 = arith.constant 624 : i32
    %mul3A_101 = arith.muli %arg1, %mul3A_100 : i32
    %add3A_102 = arith.constant 144 : i32
    %add3A_103 = arith.addi %mul3A_101, %add3A_102 : i32
    "tpu.region"() ({
      %run_scoped3A_224 = tpu.sem_alloc : memref<!tpu.dma_semaphore, #tpu.memory_space<semaphore_mem>>
      %dma_start3A_225 = arith.constant 0 : i32
      %dma_start3A_226 = tpu.memref_slice %arg10[%add3A_103, %dma_start3A_225] : memref<10000x128xf32, #tpu.memory_space<vmem_shared>> -> memref<48x128xf32, #tpu.memory_space<vmem_shared>>
      %dma_start3A_227 = arith.constant 0 : i32
      %dma_start3A_228 = tpu.memref_slice %arg10[%add3A_103, %dma_start3A_227] : memref<10000x128xf32, #tpu.memory_space<vmem_shared>> -> memref<48x128xf32, #tpu.memory_space<vmem_shared>>
      tpu.enqueue_dma source(%arg9 : memref<48x128xf32, #tpu.memory_space<vmem>>) target(%dma_start3A_228 : memref<48x128xf32, #tpu.memory_space<vmem_shared>>) target_semaphore(%run_scoped3A_224 : memref<!tpu.dma_semaphore, #tpu.memory_space<semaphore_mem>>)
      %dma_wait3A_229 = arith.constant 0 : i32
      %dma_wait3A_230 = tpu.memref_slice %arg10[%add3A_103, %dma_wait3A_229] : memref<10000x128xf32, #tpu.memory_space<vmem_shared>> -> memref<48x128xf32, #tpu.memory_space<vmem_shared>>
      %dma_wait3A_231 = arith.constant 0 : i32
      %dma_wait3A_232 = tpu.memref_slice %arg10[%add3A_103, %dma_wait3A_231] : memref<10000x128xf32, #tpu.memory_space<vmem_shared>> -> memref<48x128xf32, #tpu.memory_space<vmem_shared>>
      tpu.wait_dma2 semaphore(%run_scoped3A_224 : memref<!tpu.dma_semaphore, #tpu.memory_space<semaphore_mem>>) src(%arg9 : memref<48x128xf32, #tpu.memory_space<vmem>>) dst(%dma_wait3A_232 : memref<48x128xf32, #tpu.memory_space<vmem_shared>>)
      tpu.yield
    }) : () -> ()
    %mul3A_104 = arith.constant 624 : i32
    %mul3A_105 = arith.muli %arg1, %mul3A_104 : i32
    %add3A_106 = arith.constant 192 : i32
    %add3A_107 = arith.addi %mul3A_105, %add3A_106 : i32
    "tpu.region"() ({
      %run_scoped3A_224 = tpu.sem_alloc : memref<!tpu.dma_semaphore, #tpu.memory_space<semaphore_mem>>
      %dma_start3A_225 = arith.constant 0 : i32
      %dma_start3A_226 = tpu.memref_slice %arg10[%add3A_107, %dma_start3A_225] : memref<10000x128xf32, #tpu.memory_space<vmem_shared>> -> memref<48x128xf32, #tpu.memory_space<vmem_shared>>
      %dma_start3A_227 = arith.constant 0 : i32
      %dma_start3A_228 = tpu.memref_slice %arg10[%add3A_107, %dma_start3A_227] : memref<10000x128xf32, #tpu.memory_space<vmem_shared>> -> memref<48x128xf32, #tpu.memory_space<vmem_shared>>
      tpu.enqueue_dma source(%arg9 : memref<48x128xf32, #tpu.memory_space<vmem>>) target(%dma_start3A_228 : memref<48x128xf32, #tpu.memory_space<vmem_shared>>) target_semaphore(%run_scoped3A_224 : memref<!tpu.dma_semaphore, #tpu.memory_space<semaphore_mem>>)
      %dma_wait3A_229 = arith.constant 0 : i32
      %dma_wait3A_230 = tpu.memref_slice %arg10[%add3A_107, %dma_wait3A_229] : memref<10000x128xf32, #tpu.memory_space<vmem_shared>> -> memref<48x128xf32, #tpu.memory_space<vmem_shared>>
      %dma_wait3A_231 = arith.constant 0 : i32
      %dma_wait3A_232 = tpu.memref_slice %arg10[%add3A_107, %dma_wait3A_231] : memref<10000x128xf32, #tpu.memory_space<vmem_shared>> -> memref<48x128xf32, #tpu.memory_space<vmem_shared>>
      tpu.wait_dma2 semaphore(%run_scoped3A_224 : memref<!tpu.dma_semaphore, #tpu.memory_space<semaphore_mem>>) src(%arg9 : memref<48x128xf32, #tpu.memory_space<vmem>>) dst(%dma_wait3A_232 : memref<48x128xf32, #tpu.memory_space<vmem_shared>>)
      tpu.yield
    }) : () -> ()
    %mul3A_108 = arith.constant 624 : i32
    %mul3A_109 = arith.muli %arg1, %mul3A_108 : i32
    %add3A_110 = arith.constant 240 : i32
    %add3A_111 = arith.addi %mul3A_109, %add3A_110 : i32
    "tpu.region"() ({
      %run_scoped3A_224 = tpu.sem_alloc : memref<!tpu.dma_semaphore, #tpu.memory_space<semaphore_mem>>
      %dma_start3A_225 = arith.constant 0 : i32
      %dma_start3A_226 = tpu.memref_slice %arg10[%add3A_111, %dma_start3A_225] : memref<10000x128xf32, #tpu.memory_space<vmem_shared>> -> memref<48x128xf32, #tpu.memory_space<vmem_shared>>
      %dma_start3A_227 = arith.constant 0 : i32
      %dma_start3A_228 = tpu.memref_slice %arg10[%add3A_111, %dma_start3A_227] : memref<10000x128xf32, #tpu.memory_space<vmem_shared>> -> memref<48x128xf32, #tpu.memory_space<vmem_shared>>
      tpu.enqueue_dma source(%arg9 : memref<48x128xf32, #tpu.memory_space<vmem>>) target(%dma_start3A_228 : memref<48x128xf32, #tpu.memory_space<vmem_shared>>) target_semaphore(%run_scoped3A_224 : memref<!tpu.dma_semaphore, #tpu.memory_space<semaphore_mem>>)
      %dma_wait3A_229 = arith.constant 0 : i32
      %dma_wait3A_230 = tpu.memref_slice %arg10[%add3A_111, %dma_wait3A_229] : memref<10000x128xf32, #tpu.memory_space<vmem_shared>> -> memref<48x128xf32, #tpu.memory_space<vmem_shared>>
      %dma_wait3A_231 = arith.constant 0 : i32
      %dma_wait3A_232 = tpu.memref_slice %arg10[%add3A_111, %dma_wait3A_231] : memref<10000x128xf32, #tpu.memory_space<vmem_shared>> -> memref<48x128xf32, #tpu.memory_space<vmem_shared>>
      tpu.wait_dma2 semaphore(%run_scoped3A_224 : memref<!tpu.dma_semaphore, #tpu.memory_space<semaphore_mem>>) src(%arg9 : memref<48x128xf32, #tpu.memory_space<vmem>>) dst(%dma_wait3A_232 : memref<48x128xf32, #tpu.memory_space<vmem_shared>>)
      tpu.yield
    }) : () -> ()
    %mul3A_112 = arith.constant 624 : i32
    %mul3A_113 = arith.muli %arg1, %mul3A_112 : i32
    %add3A_114 = arith.constant 288 : i32
    %add3A_115 = arith.addi %mul3A_113, %add3A_114 : i32
    "tpu.region"() ({
      %run_scoped3A_224 = tpu.sem_alloc : memref<!tpu.dma_semaphore, #tpu.memory_space<semaphore_mem>>
      %dma_start3A_225 = arith.constant 0 : i32
      %dma_start3A_226 = tpu.memref_slice %arg10[%add3A_115, %dma_start3A_225] : memref<10000x128xf32, #tpu.memory_space<vmem_shared>> -> memref<48x128xf32, #tpu.memory_space<vmem_shared>>
      %dma_start3A_227 = arith.constant 0 : i32
      %dma_start3A_228 = tpu.memref_slice %arg10[%add3A_115, %dma_start3A_227] : memref<10000x128xf32, #tpu.memory_space<vmem_shared>> -> memref<48x128xf32, #tpu.memory_space<vmem_shared>>
      tpu.enqueue_dma source(%arg9 : memref<48x128xf32, #tpu.memory_space<vmem>>) target(%dma_start3A_228 : memref<48x128xf32, #tpu.memory_space<vmem_shared>>) target_semaphore(%run_scoped3A_224 : memref<!tpu.dma_semaphore, #tpu.memory_space<semaphore_mem>>)
      %dma_wait3A_229 = arith.constant 0 : i32
      %dma_wait3A_230 = tpu.memref_slice %arg10[%add3A_115, %dma_wait3A_229] : memref<10000x128xf32, #tpu.memory_space<vmem_shared>> -> memref<48x128xf32, #tpu.memory_space<vmem_shared>>
      %dma_wait3A_231 = arith.constant 0 : i32
      %dma_wait3A_232 = tpu.memref_slice %arg10[%add3A_115, %dma_wait3A_231] : memref<10000x128xf32, #tpu.memory_space<vmem_shared>> -> memref<48x128xf32, #tpu.memory_space<vmem_shared>>
      tpu.wait_dma2 semaphore(%run_scoped3A_224 : memref<!tpu.dma_semaphore, #tpu.memory_space<semaphore_mem>>) src(%arg9 : memref<48x128xf32, #tpu.memory_space<vmem>>) dst(%dma_wait3A_232 : memref<48x128xf32, #tpu.memory_space<vmem_shared>>)
      tpu.yield
    }) : () -> ()
    %mul3A_116 = arith.constant 624 : i32
    %mul3A_117 = arith.muli %arg1, %mul3A_116 : i32
    %add3A_118 = arith.constant 336 : i32
    %add3A_119 = arith.addi %mul3A_117, %add3A_118 : i32
    "tpu.region"() ({
      %run_scoped3A_224 = tpu.sem_alloc : memref<!tpu.dma_semaphore, #tpu.memory_space<semaphore_mem>>
      %dma_start3A_225 = arith.constant 0 : i32
      %dma_start3A_226 = tpu.memref_slice %arg10[%add3A_119, %dma_start3A_225] : memref<10000x128xf32, #tpu.memory_space<vmem_shared>> -> memref<48x128xf32, #tpu.memory_space<vmem_shared>>
      %dma_start3A_227 = arith.constant 0 : i32
      %dma_start3A_228 = tpu.memref_slice %arg10[%add3A_119, %dma_start3A_227] : memref<10000x128xf32, #tpu.memory_space<vmem_shared>> -> memref<48x128xf32, #tpu.memory_space<vmem_shared>>
      tpu.enqueue_dma source(%arg9 : memref<48x128xf32, #tpu.memory_space<vmem>>) target(%dma_start3A_228 : memref<48x128xf32, #tpu.memory_space<vmem_shared>>) target_semaphore(%run_scoped3A_224 : memref<!tpu.dma_semaphore, #tpu.memory_space<semaphore_mem>>)
      %dma_wait3A_229 = arith.constant 0 : i32
      %dma_wait3A_230 = tpu.memref_slice %arg10[%add3A_119, %dma_wait3A_229] : memref<10000x128xf32, #tpu.memory_space<vmem_shared>> -> memref<48x128xf32, #tpu.memory_space<vmem_shared>>
      %dma_wait3A_231 = arith.constant 0 : i32
      %dma_wait3A_232 = tpu.memref_slice %arg10[%add3A_119, %dma_wait3A_231] : memref<10000x128xf32, #tpu.memory_space<vmem_shared>> -> memref<48x128xf32, #tpu.memory_space<vmem_shared>>
      tpu.wait_dma2 semaphore(%run_scoped3A_224 : memref<!tpu.dma_semaphore, #tpu.memory_space<semaphore_mem>>) src(%arg9 : memref<48x128xf32, #tpu.memory_space<vmem>>) dst(%dma_wait3A_232 : memref<48x128xf32, #tpu.memory_space<vmem_shared>>)
      tpu.yield
    }) : () -> ()
    %mul3A_120 = arith.constant 624 : i32
    %mul3A_121 = arith.muli %arg1, %mul3A_120 : i32
    %add3A_122 = arith.constant 384 : i32
    %add3A_123 = arith.addi %mul3A_121, %add3A_122 : i32
    "tpu.region"() ({
      %run_scoped3A_224 = tpu.sem_alloc : memref<!tpu.dma_semaphore, #tpu.memory_space<semaphore_mem>>
      %dma_start3A_225 = arith.constant 0 : i32
      %dma_start3A_226 = tpu.memref_slice %arg10[%add3A_123, %dma_start3A_225] : memref<10000x128xf32, #tpu.memory_space<vmem_shared>> -> memref<48x128xf32, #tpu.memory_space<vmem_shared>>
      %dma_start3A_227 = arith.constant 0 : i32
      %dma_start3A_228 = tpu.memref_slice %arg10[%add3A_123, %dma_start3A_227] : memref<10000x128xf32, #tpu.memory_space<vmem_shared>> -> memref<48x128xf32, #tpu.memory_space<vmem_shared>>
      tpu.enqueue_dma source(%arg9 : memref<48x128xf32, #tpu.memory_space<vmem>>) target(%dma_start3A_228 : memref<48x128xf32, #tpu.memory_space<vmem_shared>>) target_semaphore(%run_scoped3A_224 : memref<!tpu.dma_semaphore, #tpu.memory_space<semaphore_mem>>)
      %dma_wait3A_229 = arith.constant 0 : i32
      %dma_wait3A_230 = tpu.memref_slice %arg10[%add3A_123, %dma_wait3A_229] : memref<10000x128xf32, #tpu.memory_space<vmem_shared>> -> memref<48x128xf32, #tpu.memory_space<vmem_shared>>
      %dma_wait3A_231 = arith.constant 0 : i32
      %dma_wait3A_232 = tpu.memref_slice %arg10[%add3A_123, %dma_wait3A_231] : memref<10000x128xf32, #tpu.memory_space<vmem_shared>> -> memref<48x128xf32, #tpu.memory_space<vmem_shared>>
      tpu.wait_dma2 semaphore(%run_scoped3A_224 : memref<!tpu.dma_semaphore, #tpu.memory_space<semaphore_mem>>) src(%arg9 : memref<48x128xf32, #tpu.memory_space<vmem>>) dst(%dma_wait3A_232 : memref<48x128xf32, #tpu.memory_space<vmem_shared>>)
      tpu.yield
    }) : () -> ()
    %mul3A_124 = arith.constant 624 : i32
    %mul3A_125 = arith.muli %arg1, %mul3A_124 : i32
    %add3A_126 = arith.constant 432 : i32
    %add3A_127 = arith.addi %mul3A_125, %add3A_126 : i32
    "tpu.region"() ({
      %run_scoped3A_224 = tpu.sem_alloc : memref<!tpu.dma_semaphore, #tpu.memory_space<semaphore_mem>>
      %dma_start3A_225 = arith.constant 0 : i32
      %dma_start3A_226 = tpu.memref_slice %arg10[%add3A_127, %dma_start3A_225] : memref<10000x128xf32, #tpu.memory_space<vmem_shared>> -> memref<48x128xf32, #tpu.memory_space<vmem_shared>>
      %dma_start3A_227 = arith.constant 0 : i32
      %dma_start3A_228 = tpu.memref_slice %arg10[%add3A_127, %dma_start3A_227] : memref<10000x128xf32, #tpu.memory_space<vmem_shared>> -> memref<48x128xf32, #tpu.memory_space<vmem_shared>>
      tpu.enqueue_dma source(%arg9 : memref<48x128xf32, #tpu.memory_space<vmem>>) target(%dma_start3A_228 : memref<48x128xf32, #tpu.memory_space<vmem_shared>>) target_semaphore(%run_scoped3A_224 : memref<!tpu.dma_semaphore, #tpu.memory_space<semaphore_mem>>)
      %dma_wait3A_229 = arith.constant 0 : i32
      %dma_wait3A_230 = tpu.memref_slice %arg10[%add3A_127, %dma_wait3A_229] : memref<10000x128xf32, #tpu.memory_space<vmem_shared>> -> memref<48x128xf32, #tpu.memory_space<vmem_shared>>
      %dma_wait3A_231 = arith.constant 0 : i32
      %dma_wait3A_232 = tpu.memref_slice %arg10[%add3A_127, %dma_wait3A_231] : memref<10000x128xf32, #tpu.memory_space<vmem_shared>> -> memref<48x128xf32, #tpu.memory_space<vmem_shared>>
      tpu.wait_dma2 semaphore(%run_scoped3A_224 : memref<!tpu.dma_semaphore, #tpu.memory_space<semaphore_mem>>) src(%arg9 : memref<48x128xf32, #tpu.memory_space<vmem>>) dst(%dma_wait3A_232 : memref<48x128xf32, #tpu.memory_space<vmem_shared>>)
      tpu.yield
    }) : () -> ()
    %mul3A_128 = arith.constant 624 : i32
    %mul3A_129 = arith.muli %arg1, %mul3A_128 : i32
    %add3A_130 = arith.constant 480 : i32
    %add3A_131 = arith.addi %mul3A_129, %add3A_130 : i32
    "tpu.region"() ({
      %run_scoped3A_224 = tpu.sem_alloc : memref<!tpu.dma_semaphore, #tpu.memory_space<semaphore_mem>>
      %dma_start3A_225 = arith.constant 0 : i32
      %dma_start3A_226 = tpu.memref_slice %arg10[%add3A_131, %dma_start3A_225] : memref<10000x128xf32, #tpu.memory_space<vmem_shared>> -> memref<48x128xf32, #tpu.memory_space<vmem_shared>>
      %dma_start3A_227 = arith.constant 0 : i32
      %dma_start3A_228 = tpu.memref_slice %arg10[%add3A_131, %dma_start3A_227] : memref<10000x128xf32, #tpu.memory_space<vmem_shared>> -> memref<48x128xf32, #tpu.memory_space<vmem_shared>>
      tpu.enqueue_dma source(%arg9 : memref<48x128xf32, #tpu.memory_space<vmem>>) target(%dma_start3A_228 : memref<48x128xf32, #tpu.memory_space<vmem_shared>>) target_semaphore(%run_scoped3A_224 : memref<!tpu.dma_semaphore, #tpu.memory_space<semaphore_mem>>)
      %dma_wait3A_229 = arith.constant 0 : i32
      %dma_wait3A_230 = tpu.memref_slice %arg10[%add3A_131, %dma_wait3A_229] : memref<10000x128xf32, #tpu.memory_space<vmem_shared>> -> memref<48x128xf32, #tpu.memory_space<vmem_shared>>
      %dma_wait3A_231 = arith.constant 0 : i32
      %dma_wait3A_232 = tpu.memref_slice %arg10[%add3A_131, %dma_wait3A_231] : memref<10000x128xf32, #tpu.memory_space<vmem_shared>> -> memref<48x128xf32, #tpu.memory_space<vmem_shared>>
      tpu.wait_dma2 semaphore(%run_scoped3A_224 : memref<!tpu.dma_semaphore, #tpu.memory_space<semaphore_mem>>) src(%arg9 : memref<48x128xf32, #tpu.memory_space<vmem>>) dst(%dma_wait3A_232 : memref<48x128xf32, #tpu.memory_space<vmem_shared>>)
      tpu.yield
    }) : () -> ()
    %mul3A_132 = arith.constant 624 : i32
    %mul3A_133 = arith.muli %arg1, %mul3A_132 : i32
    %add3A_134 = arith.constant 528 : i32
    %add3A_135 = arith.addi %mul3A_133, %add3A_134 : i32
    "tpu.region"() ({
      %run_scoped3A_224 = tpu.sem_alloc : memref<!tpu.dma_semaphore, #tpu.memory_space<semaphore_mem>>
      %dma_start3A_225 = arith.constant 0 : i32
      %dma_start3A_226 = tpu.memref_slice %arg10[%add3A_135, %dma_start3A_225] : memref<10000x128xf32, #tpu.memory_space<vmem_shared>> -> memref<48x128xf32, #tpu.memory_space<vmem_shared>>
      %dma_start3A_227 = arith.constant 0 : i32
      %dma_start3A_228 = tpu.memref_slice %arg10[%add3A_135, %dma_start3A_227] : memref<10000x128xf32, #tpu.memory_space<vmem_shared>> -> memref<48x128xf32, #tpu.memory_space<vmem_shared>>
      tpu.enqueue_dma source(%arg9 : memref<48x128xf32, #tpu.memory_space<vmem>>) target(%dma_start3A_228 : memref<48x128xf32, #tpu.memory_space<vmem_shared>>) target_semaphore(%run_scoped3A_224 : memref<!tpu.dma_semaphore, #tpu.memory_space<semaphore_mem>>)
      %dma_wait3A_229 = arith.constant 0 : i32
      %dma_wait3A_230 = tpu.memref_slice %arg10[%add3A_135, %dma_wait3A_229] : memref<10000x128xf32, #tpu.memory_space<vmem_shared>> -> memref<48x128xf32, #tpu.memory_space<vmem_shared>>
      %dma_wait3A_231 = arith.constant 0 : i32
      %dma_wait3A_232 = tpu.memref_slice %arg10[%add3A_135, %dma_wait3A_231] : memref<10000x128xf32, #tpu.memory_space<vmem_shared>> -> memref<48x128xf32, #tpu.memory_space<vmem_shared>>
      tpu.wait_dma2 semaphore(%run_scoped3A_224 : memref<!tpu.dma_semaphore, #tpu.memory_space<semaphore_mem>>) src(%arg9 : memref<48x128xf32, #tpu.memory_space<vmem>>) dst(%dma_wait3A_232 : memref<48x128xf32, #tpu.memory_space<vmem_shared>>)
      tpu.yield
    }) : () -> ()
    %mul3A_136 = arith.constant 624 : i32
    %mul3A_137 = arith.muli %arg1, %mul3A_136 : i32
    %add3A_138 = arith.constant 576 : i32
    %add3A_139 = arith.addi %mul3A_137, %add3A_138 : i32
    "tpu.region"() ({
      %run_scoped3A_224 = tpu.sem_alloc : memref<!tpu.dma_semaphore, #tpu.memory_space<semaphore_mem>>
      %dma_start3A_225 = arith.constant 0 : i32
      %dma_start3A_226 = tpu.memref_slice %arg10[%add3A_139, %dma_start3A_225] : memref<10000x128xf32, #tpu.memory_space<vmem_shared>> -> memref<48x128xf32, #tpu.memory_space<vmem_shared>>
      %dma_start3A_227 = arith.constant 0 : i32
      %dma_start3A_228 = tpu.memref_slice %arg10[%add3A_139, %dma_start3A_227] : memref<10000x128xf32, #tpu.memory_space<vmem_shared>> -> memref<48x128xf32, #tpu.memory_space<vmem_shared>>
      tpu.enqueue_dma source(%arg9 : memref<48x128xf32, #tpu.memory_space<vmem>>) target(%dma_start3A_228 : memref<48x128xf32, #tpu.memory_space<vmem_shared>>) target_semaphore(%run_scoped3A_224 : memref<!tpu.dma_semaphore, #tpu.memory_space<semaphore_mem>>)
      %dma_wait3A_229 = arith.constant 0 : i32
      %dma_wait3A_230 = tpu.memref_slice %arg10[%add3A_139, %dma_wait3A_229] : memref<10000x128xf32, #tpu.memory_space<vmem_shared>> -> memref<48x128xf32, #tpu.memory_space<vmem_shared>>
      %dma_wait3A_231 = arith.constant 0 : i32
      %dma_wait3A_232 = tpu.memref_slice %arg10[%add3A_139, %dma_wait3A_231] : memref<10000x128xf32, #tpu.memory_space<vmem_shared>> -> memref<48x128xf32, #tpu.memory_space<vmem_shared>>
      tpu.wait_dma2 semaphore(%run_scoped3A_224 : memref<!tpu.dma_semaphore, #tpu.memory_space<semaphore_mem>>) src(%arg9 : memref<48x128xf32, #tpu.memory_space<vmem>>) dst(%dma_wait3A_232 : memref<48x128xf32, #tpu.memory_space<vmem_shared>>)
      tpu.yield
    }) : () -> ()
    %eq3A = arith.constant 0 : i32
    %eq3A_140 = arith.cmpi eq, %arg1, %eq3A : i32
    %convert_element_type3A = arith.extui %eq3A_140 : i1 to i32
    %cond3A = arith.constant 0 : i32
    %cond3A_141 = arith.cmpi ne, %convert_element_type3A, %cond3A : i32
    scf.if %cond3A_141 {
      "tpu.region"() ({
        %run_scoped3A_224 = tpu.sem_alloc : memref<!tpu.dma_semaphore, #tpu.memory_space<semaphore_mem>>
        %dma_start3A_225 = arith.constant 0 : i32
        %dma_start3A_226 = arith.constant 0 : i32
        %dma_start3A_227 = tpu.memref_slice %arg9[%dma_start3A_225, %dma_start3A_226] : memref<48x128xf32, #tpu.memory_space<vmem>> -> memref<16x128xf32, #tpu.memory_space<vmem>>
        %dma_start3A_228 = arith.constant 9984 : i32
        %dma_start3A_229 = arith.constant 0 : i32
        %dma_start3A_230 = tpu.memref_slice %arg10[%dma_start3A_228, %dma_start3A_229] : memref<10000x128xf32, #tpu.memory_space<vmem_shared>> -> memref<16x128xf32, #tpu.memory_space<vmem_shared>>
        %dma_start3A_231 = arith.constant 9984 : i32
        %dma_start3A_232 = arith.constant 0 : i32
        %dma_start3A_233 = tpu.memref_slice %arg10[%dma_start3A_231, %dma_start3A_232] : memref<10000x128xf32, #tpu.memory_space<vmem_shared>> -> memref<16x128xf32, #tpu.memory_space<vmem_shared>>
        %dma_start3A_234 = arith.constant 0 : i32
        %dma_start3A_235 = arith.constant 0 : i32
        %dma_start3A_236 = tpu.memref_slice %arg9[%dma_start3A_234, %dma_start3A_235] : memref<48x128xf32, #tpu.memory_space<vmem>> -> memref<16x128xf32, #tpu.memory_space<vmem>>
        tpu.enqueue_dma source(%dma_start3A_236 : memref<16x128xf32, #tpu.memory_space<vmem>>) target(%dma_start3A_233 : memref<16x128xf32, #tpu.memory_space<vmem_shared>>) target_semaphore(%run_scoped3A_224 : memref<!tpu.dma_semaphore, #tpu.memory_space<semaphore_mem>>)
        %dma_wait3A_237 = arith.constant 0 : i32
        %dma_wait3A_238 = arith.constant 0 : i32
        %dma_wait3A_239 = tpu.memref_slice %arg9[%dma_wait3A_237, %dma_wait3A_238] : memref<48x128xf32, #tpu.memory_space<vmem>> -> memref<16x128xf32, #tpu.memory_space<vmem>>
        %dma_wait3A_240 = arith.constant 9984 : i32
        %dma_wait3A_241 = arith.constant 0 : i32
        %dma_wait3A_242 = tpu.memref_slice %arg10[%dma_wait3A_240, %dma_wait3A_241] : memref<10000x128xf32, #tpu.memory_space<vmem_shared>> -> memref<16x128xf32, #tpu.memory_space<vmem_shared>>
        %dma_wait3A_243 = arith.constant 9984 : i32
        %dma_wait3A_244 = arith.constant 0 : i32
        %dma_wait3A_245 = tpu.memref_slice %arg10[%dma_wait3A_243, %dma_wait3A_244] : memref<10000x128xf32, #tpu.memory_space<vmem_shared>> -> memref<16x128xf32, #tpu.memory_space<vmem_shared>>
        %dma_wait3A_246 = arith.constant 0 : i32
        %dma_wait3A_247 = arith.constant 0 : i32
        %dma_wait3A_248 = tpu.memref_slice %arg9[%dma_wait3A_246, %dma_wait3A_247] : memref<48x128xf32, #tpu.memory_space<vmem>> -> memref<16x128xf32, #tpu.memory_space<vmem>>
        tpu.wait_dma2 semaphore(%run_scoped3A_224 : memref<!tpu.dma_semaphore, #tpu.memory_space<semaphore_mem>>) src(%dma_wait3A_248 : memref<16x128xf32, #tpu.memory_space<vmem>>) dst(%dma_wait3A_245 : memref<16x128xf32, #tpu.memory_space<vmem_shared>>)
        tpu.yield
      }) : () -> ()
    } else {
    }
    %barrier3A = arith.constant 0 : index
    tpu.barrier barrier_id(%barrier3A)
    %scan3A_142 = arith.constant 0 : i32
    %scan3A_143 = arith.constant 0 : i32
    %scan3A_144 = arith.constant 41 : i32
    %scan3A_145 = arith.addi %scan3A_143, %scan3A_144 : i32
    %scan3A_146 = arith.constant 1 : i32
    scf.for %scan3A_224 = %scan3A_143 to %scan3A_145 step %scan3A_146  : i32 {
      %mul3A_225 = arith.constant 3 : i32
      %mul3A_226 = arith.muli %scan3A_224, %mul3A_225 : i32
      %add3A_227 = arith.constant 0 : i32
      %add3A_228 = arith.addi %mul3A_226, %add3A_227 : i32
      %dma_wait3A_229 = arith.constant 0 : i32
      %dma_wait3A_230 = arith.constant 0 : i32
      %dma_wait3A_231 = arith.constant 0 : i32
      %dma_wait3A_232 = tpu.memref_slice %arg7[%dma_wait3A_229, %dma_wait3A_231] : memref<3x80xi32, #tpu.memory_space<vmem>> -> memref<1x80xi32, #tpu.memory_space<vmem>>
      %dma_wait3A_233 = tpu.memref_squeeze %dma_wait3A_232 : memref<1x80xi32, #tpu.memory_space<vmem>> -> memref<80xi32, #tpu.memory_space<vmem>>
      %dma_wait3A_234 = arith.constant 0 : i32
      %dma_wait3A_235 = tpu.memref_slice %arg4[%dma_wait3A_234] : memref<320000xi32, #tpu.memory_space<hbm>> -> memref<80xi32, #tpu.memory_space<hbm>>
      %dma_wait3A_236 = tpu.memref_slice %arg12[%dma_wait3A_230] : memref<3x!tpu.dma_semaphore, #tpu.memory_space<semaphore_mem>> -> memref<1x!tpu.dma_semaphore, #tpu.memory_space<semaphore_mem>>
      %dma_wait3A_237 = tpu.memref_squeeze %dma_wait3A_236 : memref<1x!tpu.dma_semaphore, #tpu.memory_space<semaphore_mem>> -> memref<!tpu.dma_semaphore, #tpu.memory_space<semaphore_mem>>
      %dma_wait3A_238 = arith.constant 0 : i32
      %dma_wait3A_239 = tpu.memref_slice %arg7[%dma_wait3A_229, %dma_wait3A_238] : memref<3x80xi32, #tpu.memory_space<vmem>> -> memref<1x80xi32, #tpu.memory_space<vmem>>
      %dma_wait3A_240 = tpu.memref_squeeze %dma_wait3A_239 : memref<1x80xi32, #tpu.memory_space<vmem>> -> memref<80xi32, #tpu.memory_space<vmem>>
      %dma_wait3A_241 = arith.constant 0 : i32
      %dma_wait3A_242 = tpu.memref_slice %arg4[%dma_wait3A_241] : memref<320000xi32, #tpu.memory_space<hbm>> -> memref<80xi32, #tpu.memory_space<hbm>>
      tpu.wait_dma2 semaphore(%dma_wait3A_237 : memref<!tpu.dma_semaphore, #tpu.memory_space<semaphore_mem>>) src(%dma_wait3A_242 : memref<80xi32, #tpu.memory_space<hbm>>) dst(%dma_wait3A_240 : memref<80xi32, #tpu.memory_space<vmem>>)
      %dma_wait3A_243 = arith.constant 0 : i32
      %dma_wait3A_244 = arith.constant 0 : i32
      %dma_wait3A_245 = arith.constant 0 : i32
      %dma_wait3A_246 = arith.constant 0 : i32
      %dma_wait3A_247 = tpu.memref_slice %arg8[%dma_wait3A_243, %dma_wait3A_245, %dma_wait3A_246] : memref<3x80x128xf32, #tpu.memory_space<vmem>> -> memref<1x80x128xf32, #tpu.memory_space<vmem>>
      %dma_wait3A_248 = tpu.memref_squeeze %dma_wait3A_247 : memref<1x80x128xf32, #tpu.memory_space<vmem>> -> memref<80x128xf32, #tpu.memory_space<vmem>>
      %dma_wait3A_249 = arith.constant 0 : i32
      %dma_wait3A_250 = arith.constant 0 : i32
      %dma_wait3A_251 = tpu.memref_slice %arg2[%dma_wait3A_249, %dma_wait3A_250] : memref<10000x128xf32, #tpu.memory_space<hbm>> -> memref<80x128xf32, #tpu.memory_space<hbm>>
      %dma_wait3A_252 = tpu.memref_slice %arg11[%dma_wait3A_244] : memref<3x!tpu.dma_semaphore, #tpu.memory_space<semaphore_mem>> -> memref<1x!tpu.dma_semaphore, #tpu.memory_space<semaphore_mem>>
      %dma_wait3A_253 = tpu.memref_squeeze %dma_wait3A_252 : memref<1x!tpu.dma_semaphore, #tpu.memory_space<semaphore_mem>> -> memref<!tpu.dma_semaphore, #tpu.memory_space<semaphore_mem>>
      %dma_wait3A_254 = arith.constant 0 : i32
      %dma_wait3A_255 = arith.constant 0 : i32
      %dma_wait3A_256 = tpu.memref_slice %arg8[%dma_wait3A_243, %dma_wait3A_254, %dma_wait3A_255] : memref<3x80x128xf32, #tpu.memory_space<vmem>> -> memref<1x80x128xf32, #tpu.memory_space<vmem>>
      %dma_wait3A_257 = tpu.memref_squeeze %dma_wait3A_256 : memref<1x80x128xf32, #tpu.memory_space<vmem>> -> memref<80x128xf32, #tpu.memory_space<vmem>>
      %dma_wait3A_258 = arith.constant 0 : i32
      %dma_wait3A_259 = arith.constant 0 : i32
      %dma_wait3A_260 = tpu.memref_slice %arg2[%dma_wait3A_258, %dma_wait3A_259] : memref<10000x128xf32, #tpu.memory_space<hbm>> -> memref<80x128xf32, #tpu.memory_space<hbm>>
      tpu.wait_dma2 semaphore(%dma_wait3A_253 : memref<!tpu.dma_semaphore, #tpu.memory_space<semaphore_mem>>) src(%dma_wait3A_260 : memref<80x128xf32, #tpu.memory_space<hbm>>) dst(%dma_wait3A_257 : memref<80x128xf32, #tpu.memory_space<vmem>>)
      %run_scoped3A_261 = arith.constant 0 : i32
      %run_scoped3A_262 = arith.constant 0 : i32
      "tpu.region"() ({
        %run_scoped3A_359 = tpu.sem_alloc : memref<!tpu.dma_semaphore, #tpu.memory_space<semaphore_mem>>
        %dma_start3A_360 = arith.constant 0 : i32
        %dma_start3A_361 = arith.constant 0 : i32
        %dma_start3A_362 = tpu.memref_slice %arg8[%run_scoped3A_261, %dma_start3A_360, %dma_start3A_361] : memref<3x80x128xf32, #tpu.memory_space<vmem>> -> memref<1x80x128xf32, #tpu.memory_space<vmem>>
        %dma_start3A_363 = tpu.memref_squeeze %dma_start3A_362 : memref<1x80x128xf32, #tpu.memory_space<vmem>> -> memref<80x128xf32, #tpu.memory_space<vmem>>
        %dma_start3A_364 = arith.constant 0 : i32
        %dma_start3A_365 = tpu.memref_slice %arg7[%run_scoped3A_262, %dma_start3A_364] : memref<3x80xi32, #tpu.memory_space<vmem>> -> memref<1x80xi32, #tpu.memory_space<vmem>>
        %dma_start3A_366 = tpu.memref_squeeze %dma_start3A_365 : memref<1x80xi32, #tpu.memory_space<vmem>> -> memref<80xi32, #tpu.memory_space<vmem>>
        %dma_start3A_367 = arith.constant 0 : i32
        %dma_start3A_368 = arith.constant 0 : i32
        %dma_start3A_369 = tpu.memref_slice %arg10[%dma_start3A_367, %dma_start3A_368] : memref<10000x128xf32, #tpu.memory_space<vmem_shared>> -> memref<10000x128xf32, #tpu.memory_space<vmem_shared>>
        tpu.enqueue_indirect_dma source(%dma_start3A_363 : memref<80x128xf32, #tpu.memory_space<vmem>>) target(%dma_start3A_369 : memref<10000x128xf32, #tpu.memory_space<vmem_shared>>) offsets(%dma_start3A_366 : memref<80xi32, #tpu.memory_space<vmem>>) semaphore(%run_scoped3A_359 : memref<!tpu.dma_semaphore, #tpu.memory_space<semaphore_mem>>) {add = true}
        %dma_wait3A_370 = arith.constant 0 : i32
        %dma_wait3A_371 = arith.constant 0 : i32
        %dma_wait3A_372 = tpu.memref_slice %arg8[%run_scoped3A_261, %dma_wait3A_370, %dma_wait3A_371] : memref<3x80x128xf32, #tpu.memory_space<vmem>> -> memref<1x80x128xf32, #tpu.memory_space<vmem>>
        %dma_wait3A_373 = tpu.memref_squeeze %dma_wait3A_372 : memref<1x80x128xf32, #tpu.memory_space<vmem>> -> memref<80x128xf32, #tpu.memory_space<vmem>>
        %dma_wait3A_374 = arith.constant 0 : i32
        %dma_wait3A_375 = tpu.memref_slice %arg7[%run_scoped3A_262, %dma_wait3A_374] : memref<3x80xi32, #tpu.memory_space<vmem>> -> memref<1x80xi32, #tpu.memory_space<vmem>>
        %dma_wait3A_376 = tpu.memref_squeeze %dma_wait3A_375 : memref<1x80xi32, #tpu.memory_space<vmem>> -> memref<80xi32, #tpu.memory_space<vmem>>
        %dma_wait3A_377 = arith.constant 0 : i32
        %dma_wait3A_378 = arith.constant 0 : i32
        %dma_wait3A_379 = tpu.memref_slice %arg10[%dma_wait3A_377, %dma_wait3A_378] : memref<10000x128xf32, #tpu.memory_space<vmem_shared>> -> memref<10000x128xf32, #tpu.memory_space<vmem_shared>>
        tpu.wait_indirect_dma semaphore(%run_scoped3A_359 : memref<!tpu.dma_semaphore, #tpu.memory_space<semaphore_mem>>) src(%dma_wait3A_373 : memref<80x128xf32, #tpu.memory_space<vmem>>) dst(%dma_wait3A_379 : memref<10000x128xf32, #tpu.memory_space<vmem_shared>>)
        tpu.yield
      }) : () -> ()
      %add3A_263 = arith.constant 3 : i32
      %add3A_264 = arith.addi %add3A_228, %add3A_263 : i32
      %lt3A = arith.constant 125 : i32
      %lt3A_265 = arith.cmpi slt, %add3A_264, %lt3A : i32
      %convert_element_type3A_266 = arith.extui %lt3A_265 : i1 to i32
      %cond3A_267 = arith.constant 0 : i32
      %cond3A_268 = arith.cmpi ne, %convert_element_type3A_266, %cond3A_267 : i32
      scf.if %cond3A_268 {
        %add3A_359 = arith.constant 3 : i32
        %add3A_360 = arith.addi %add3A_228, %add3A_359 : i32
        %mul3A_361 = arith.constant 80 : i32
        %mul3A_362 = arith.muli %add3A_360, %mul3A_361 : i32
        %add3A_363 = arith.addi %mul3A_2, %mul3A_362 : i32
        %dma_start3A_364 = arith.constant 0 : i32
        %dma_start3A_365 = arith.constant 0 : i32
        %dma_start3A_366 = arith.constant 0 : i32
        %dma_start3A_367 = tpu.memref_slice %arg7[%dma_start3A_364, %dma_start3A_366] : memref<3x80xi32, #tpu.memory_space<vmem>> -> memref<1x80xi32, #tpu.memory_space<vmem>>
        %dma_start3A_368 = tpu.memref_squeeze %dma_start3A_367 : memref<1x80xi32, #tpu.memory_space<vmem>> -> memref<80xi32, #tpu.memory_space<vmem>>
        %dma_start3A_369 = tpu.memref_slice %arg4[%add3A_363] : memref<320000xi32, #tpu.memory_space<hbm>> -> memref<80xi32, #tpu.memory_space<hbm>>
        %dma_start3A_370 = tpu.memref_slice %arg12[%dma_start3A_365] : memref<3x!tpu.dma_semaphore, #tpu.memory_space<semaphore_mem>> -> memref<1x!tpu.dma_semaphore, #tpu.memory_space<semaphore_mem>>
        %dma_start3A_371 = tpu.memref_squeeze %dma_start3A_370 : memref<1x!tpu.dma_semaphore, #tpu.memory_space<semaphore_mem>> -> memref<!tpu.dma_semaphore, #tpu.memory_space<semaphore_mem>>
        %dma_start3A_372 = arith.constant 0 : i32
        %dma_start3A_373 = tpu.memref_slice %arg7[%dma_start3A_364, %dma_start3A_372] : memref<3x80xi32, #tpu.memory_space<vmem>> -> memref<1x80xi32, #tpu.memory_space<vmem>>
        %dma_start3A_374 = tpu.memref_squeeze %dma_start3A_373 : memref<1x80xi32, #tpu.memory_space<vmem>> -> memref<80xi32, #tpu.memory_space<vmem>>
        %dma_start3A_375 = tpu.memref_slice %arg4[%add3A_363] : memref<320000xi32, #tpu.memory_space<hbm>> -> memref<80xi32, #tpu.memory_space<hbm>>
        tpu.enqueue_dma source(%dma_start3A_375 : memref<80xi32, #tpu.memory_space<hbm>>) target(%dma_start3A_374 : memref<80xi32, #tpu.memory_space<vmem>>) target_semaphore(%dma_start3A_371 : memref<!tpu.dma_semaphore, #tpu.memory_space<semaphore_mem>>)
        %mul3A_376 = arith.constant 80 : i32
        %mul3A_377 = arith.muli %add3A_360, %mul3A_376 : i32
        %dma_start3A_378 = arith.constant 0 : i32
        %dma_start3A_379 = arith.constant 0 : i32
        %dma_start3A_380 = arith.constant 0 : i32
        %dma_start3A_381 = arith.constant 0 : i32
        %dma_start3A_382 = tpu.memref_slice %arg8[%dma_start3A_378, %dma_start3A_380, %dma_start3A_381] : memref<3x80x128xf32, #tpu.memory_space<vmem>> -> memref<1x80x128xf32, #tpu.memory_space<vmem>>
        %dma_start3A_383 = tpu.memref_squeeze %dma_start3A_382 : memref<1x80x128xf32, #tpu.memory_space<vmem>> -> memref<80x128xf32, #tpu.memory_space<vmem>>
        %dma_start3A_384 = tpu.memref_slice %arg6[%mul3A_377] : memref<10000xi32, #tpu.memory_space<vmem>> -> memref<80xi32, #tpu.memory_space<vmem>>
        %dma_start3A_385 = arith.constant 0 : i32
        %dma_start3A_386 = arith.constant 0 : i32
        %dma_start3A_387 = tpu.memref_slice %arg2[%dma_start3A_385, %dma_start3A_386] : memref<10000x128xf32, #tpu.memory_space<hbm>> -> memref<10000x128xf32, #tpu.memory_space<hbm>>
        %dma_start3A_388 = tpu.memref_slice %arg11[%dma_start3A_379] : memref<3x!tpu.dma_semaphore, #tpu.memory_space<semaphore_mem>> -> memref<1x!tpu.dma_semaphore, #tpu.memory_space<semaphore_mem>>
        %dma_start3A_389 = tpu.memref_squeeze %dma_start3A_388 : memref<1x!tpu.dma_semaphore, #tpu.memory_space<semaphore_mem>> -> memref<!tpu.dma_semaphore, #tpu.memory_space<semaphore_mem>>
        tpu.enqueue_indirect_dma source(%dma_start3A_387 : memref<10000x128xf32, #tpu.memory_space<hbm>>) target(%dma_start3A_383 : memref<80x128xf32, #tpu.memory_space<vmem>>) offsets(%dma_start3A_384 : memref<80xi32, #tpu.memory_space<vmem>>) semaphore(%dma_start3A_389 : memref<!tpu.dma_semaphore, #tpu.memory_space<semaphore_mem>>)
      } else {
      }
      %mul3A_269 = arith.constant 3 : i32
      %mul3A_270 = arith.muli %scan3A_224, %mul3A_269 : i32
      %add3A_271 = arith.constant 1 : i32
      %add3A_272 = arith.addi %mul3A_270, %add3A_271 : i32
      %dma_wait3A_273 = arith.constant 1 : i32
      %dma_wait3A_274 = arith.constant 1 : i32
      %dma_wait3A_275 = arith.constant 0 : i32
      %dma_wait3A_276 = tpu.memref_slice %arg7[%dma_wait3A_273, %dma_wait3A_275] : memref<3x80xi32, #tpu.memory_space<vmem>> -> memref<1x80xi32, #tpu.memory_space<vmem>>
      %dma_wait3A_277 = tpu.memref_squeeze %dma_wait3A_276 : memref<1x80xi32, #tpu.memory_space<vmem>> -> memref<80xi32, #tpu.memory_space<vmem>>
      %dma_wait3A_278 = arith.constant 0 : i32
      %dma_wait3A_279 = tpu.memref_slice %arg4[%dma_wait3A_278] : memref<320000xi32, #tpu.memory_space<hbm>> -> memref<80xi32, #tpu.memory_space<hbm>>
      %dma_wait3A_280 = tpu.memref_slice %arg12[%dma_wait3A_274] : memref<3x!tpu.dma_semaphore, #tpu.memory_space<semaphore_mem>> -> memref<1x!tpu.dma_semaphore, #tpu.memory_space<semaphore_mem>>
      %dma_wait3A_281 = tpu.memref_squeeze %dma_wait3A_280 : memref<1x!tpu.dma_semaphore, #tpu.memory_space<semaphore_mem>> -> memref<!tpu.dma_semaphore, #tpu.memory_space<semaphore_mem>>
      %dma_wait3A_282 = arith.constant 0 : i32
      %dma_wait3A_283 = tpu.memref_slice %arg7[%dma_wait3A_273, %dma_wait3A_282] : memref<3x80xi32, #tpu.memory_space<vmem>> -> memref<1x80xi32, #tpu.memory_space<vmem>>
      %dma_wait3A_284 = tpu.memref_squeeze %dma_wait3A_283 : memref<1x80xi32, #tpu.memory_space<vmem>> -> memref<80xi32, #tpu.memory_space<vmem>>
      %dma_wait3A_285 = arith.constant 0 : i32
      %dma_wait3A_286 = tpu.memref_slice %arg4[%dma_wait3A_285] : memref<320000xi32, #tpu.memory_space<hbm>> -> memref<80xi32, #tpu.memory_space<hbm>>
      tpu.wait_dma2 semaphore(%dma_wait3A_281 : memref<!tpu.dma_semaphore, #tpu.memory_space<semaphore_mem>>) src(%dma_wait3A_286 : memref<80xi32, #tpu.memory_space<hbm>>) dst(%dma_wait3A_284 : memref<80xi32, #tpu.memory_space<vmem>>)
      %dma_wait3A_287 = arith.constant 1 : i32
      %dma_wait3A_288 = arith.constant 1 : i32
      %dma_wait3A_289 = arith.constant 0 : i32
      %dma_wait3A_290 = arith.constant 0 : i32
      %dma_wait3A_291 = tpu.memref_slice %arg8[%dma_wait3A_287, %dma_wait3A_289, %dma_wait3A_290] : memref<3x80x128xf32, #tpu.memory_space<vmem>> -> memref<1x80x128xf32, #tpu.memory_space<vmem>>
      %dma_wait3A_292 = tpu.memref_squeeze %dma_wait3A_291 : memref<1x80x128xf32, #tpu.memory_space<vmem>> -> memref<80x128xf32, #tpu.memory_space<vmem>>
      %dma_wait3A_293 = arith.constant 0 : i32
      %dma_wait3A_294 = arith.constant 0 : i32
      %dma_wait3A_295 = tpu.memref_slice %arg2[%dma_wait3A_293, %dma_wait3A_294] : memref<10000x128xf32, #tpu.memory_space<hbm>> -> memref<80x128xf32, #tpu.memory_space<hbm>>
      %dma_wait3A_296 = tpu.memref_slice %arg11[%dma_wait3A_288] : memref<3x!tpu.dma_semaphore, #tpu.memory_space<semaphore_mem>> -> memref<1x!tpu.dma_semaphore, #tpu.memory_space<semaphore_mem>>
      %dma_wait3A_297 = tpu.memref_squeeze %dma_wait3A_296 : memref<1x!tpu.dma_semaphore, #tpu.memory_space<semaphore_mem>> -> memref<!tpu.dma_semaphore, #tpu.memory_space<semaphore_mem>>
      %dma_wait3A_298 = arith.constant 0 : i32
      %dma_wait3A_299 = arith.constant 0 : i32
      %dma_wait3A_300 = tpu.memref_slice %arg8[%dma_wait3A_287, %dma_wait3A_298, %dma_wait3A_299] : memref<3x80x128xf32, #tpu.memory_space<vmem>> -> memref<1x80x128xf32, #tpu.memory_space<vmem>>
      %dma_wait3A_301 = tpu.memref_squeeze %dma_wait3A_300 : memref<1x80x128xf32, #tpu.memory_space<vmem>> -> memref<80x128xf32, #tpu.memory_space<vmem>>
      %dma_wait3A_302 = arith.constant 0 : i32
      %dma_wait3A_303 = arith.constant 0 : i32
      %dma_wait3A_304 = tpu.memref_slice %arg2[%dma_wait3A_302, %dma_wait3A_303] : memref<10000x128xf32, #tpu.memory_space<hbm>> -> memref<80x128xf32, #tpu.memory_space<hbm>>
      tpu.wait_dma2 semaphore(%dma_wait3A_297 : memref<!tpu.dma_semaphore, #tpu.memory_space<semaphore_mem>>) src(%dma_wait3A_304 : memref<80x128xf32, #tpu.memory_space<hbm>>) dst(%dma_wait3A_301 : memref<80x128xf32, #tpu.memory_space<vmem>>)
      %run_scoped3A_305 = arith.constant 1 : i32
      %run_scoped3A_306 = arith.constant 1 : i32
      "tpu.region"() ({
        %run_scoped3A_359 = tpu.sem_alloc : memref<!tpu.dma_semaphore, #tpu.memory_space<semaphore_mem>>
        %dma_start3A_360 = arith.constant 0 : i32
        %dma_start3A_361 = arith.constant 0 : i32
        %dma_start3A_362 = tpu.memref_slice %arg8[%run_scoped3A_305, %dma_start3A_360, %dma_start3A_361] : memref<3x80x128xf32, #tpu.memory_space<vmem>> -> memref<1x80x128xf32, #tpu.memory_space<vmem>>
        %dma_start3A_363 = tpu.memref_squeeze %dma_start3A_362 : memref<1x80x128xf32, #tpu.memory_space<vmem>> -> memref<80x128xf32, #tpu.memory_space<vmem>>
        %dma_start3A_364 = arith.constant 0 : i32
        %dma_start3A_365 = tpu.memref_slice %arg7[%run_scoped3A_306, %dma_start3A_364] : memref<3x80xi32, #tpu.memory_space<vmem>> -> memref<1x80xi32, #tpu.memory_space<vmem>>
        %dma_start3A_366 = tpu.memref_squeeze %dma_start3A_365 : memref<1x80xi32, #tpu.memory_space<vmem>> -> memref<80xi32, #tpu.memory_space<vmem>>
        %dma_start3A_367 = arith.constant 0 : i32
        %dma_start3A_368 = arith.constant 0 : i32
        %dma_start3A_369 = tpu.memref_slice %arg10[%dma_start3A_367, %dma_start3A_368] : memref<10000x128xf32, #tpu.memory_space<vmem_shared>> -> memref<10000x128xf32, #tpu.memory_space<vmem_shared>>
        tpu.enqueue_indirect_dma source(%dma_start3A_363 : memref<80x128xf32, #tpu.memory_space<vmem>>) target(%dma_start3A_369 : memref<10000x128xf32, #tpu.memory_space<vmem_shared>>) offsets(%dma_start3A_366 : memref<80xi32, #tpu.memory_space<vmem>>) semaphore(%run_scoped3A_359 : memref<!tpu.dma_semaphore, #tpu.memory_space<semaphore_mem>>) {add = true}
        %dma_wait3A_370 = arith.constant 0 : i32
        %dma_wait3A_371 = arith.constant 0 : i32
        %dma_wait3A_372 = tpu.memref_slice %arg8[%run_scoped3A_305, %dma_wait3A_370, %dma_wait3A_371] : memref<3x80x128xf32, #tpu.memory_space<vmem>> -> memref<1x80x128xf32, #tpu.memory_space<vmem>>
        %dma_wait3A_373 = tpu.memref_squeeze %dma_wait3A_372 : memref<1x80x128xf32, #tpu.memory_space<vmem>> -> memref<80x128xf32, #tpu.memory_space<vmem>>
        %dma_wait3A_374 = arith.constant 0 : i32
        %dma_wait3A_375 = tpu.memref_slice %arg7[%run_scoped3A_306, %dma_wait3A_374] : memref<3x80xi32, #tpu.memory_space<vmem>> -> memref<1x80xi32, #tpu.memory_space<vmem>>
        %dma_wait3A_376 = tpu.memref_squeeze %dma_wait3A_375 : memref<1x80xi32, #tpu.memory_space<vmem>> -> memref<80xi32, #tpu.memory_space<vmem>>
        %dma_wait3A_377 = arith.constant 0 : i32
        %dma_wait3A_378 = arith.constant 0 : i32
        %dma_wait3A_379 = tpu.memref_slice %arg10[%dma_wait3A_377, %dma_wait3A_378] : memref<10000x128xf32, #tpu.memory_space<vmem_shared>> -> memref<10000x128xf32, #tpu.memory_space<vmem_shared>>
        tpu.wait_indirect_dma semaphore(%run_scoped3A_359 : memref<!tpu.dma_semaphore, #tpu.memory_space<semaphore_mem>>) src(%dma_wait3A_373 : memref<80x128xf32, #tpu.memory_space<vmem>>) dst(%dma_wait3A_379 : memref<10000x128xf32, #tpu.memory_space<vmem_shared>>)
        tpu.yield
      }) : () -> ()
      %add3A_307 = arith.constant 3 : i32
      %add3A_308 = arith.addi %add3A_272, %add3A_307 : i32
      %lt3A_309 = arith.constant 125 : i32
      %lt3A_310 = arith.cmpi slt, %add3A_308, %lt3A_309 : i32
      %convert_element_type3A_311 = arith.extui %lt3A_310 : i1 to i32
      %cond3A_312 = arith.constant 0 : i32
      %cond3A_313 = arith.cmpi ne, %convert_element_type3A_311, %cond3A_312 : i32
      scf.if %cond3A_313 {
        %add3A_359 = arith.constant 3 : i32
        %add3A_360 = arith.addi %add3A_272, %add3A_359 : i32
        %mul3A_361 = arith.constant 80 : i32
        %mul3A_362 = arith.muli %add3A_360, %mul3A_361 : i32
        %add3A_363 = arith.addi %mul3A_2, %mul3A_362 : i32
        %dma_start3A_364 = arith.constant 1 : i32
        %dma_start3A_365 = arith.constant 1 : i32
        %dma_start3A_366 = arith.constant 0 : i32
        %dma_start3A_367 = tpu.memref_slice %arg7[%dma_start3A_364, %dma_start3A_366] : memref<3x80xi32, #tpu.memory_space<vmem>> -> memref<1x80xi32, #tpu.memory_space<vmem>>
        %dma_start3A_368 = tpu.memref_squeeze %dma_start3A_367 : memref<1x80xi32, #tpu.memory_space<vmem>> -> memref<80xi32, #tpu.memory_space<vmem>>
        %dma_start3A_369 = tpu.memref_slice %arg4[%add3A_363] : memref<320000xi32, #tpu.memory_space<hbm>> -> memref<80xi32, #tpu.memory_space<hbm>>
        %dma_start3A_370 = tpu.memref_slice %arg12[%dma_start3A_365] : memref<3x!tpu.dma_semaphore, #tpu.memory_space<semaphore_mem>> -> memref<1x!tpu.dma_semaphore, #tpu.memory_space<semaphore_mem>>
        %dma_start3A_371 = tpu.memref_squeeze %dma_start3A_370 : memref<1x!tpu.dma_semaphore, #tpu.memory_space<semaphore_mem>> -> memref<!tpu.dma_semaphore, #tpu.memory_space<semaphore_mem>>
        %dma_start3A_372 = arith.constant 0 : i32
        %dma_start3A_373 = tpu.memref_slice %arg7[%dma_start3A_364, %dma_start3A_372] : memref<3x80xi32, #tpu.memory_space<vmem>> -> memref<1x80xi32, #tpu.memory_space<vmem>>
        %dma_start3A_374 = tpu.memref_squeeze %dma_start3A_373 : memref<1x80xi32, #tpu.memory_space<vmem>> -> memref<80xi32, #tpu.memory_space<vmem>>
        %dma_start3A_375 = tpu.memref_slice %arg4[%add3A_363] : memref<320000xi32, #tpu.memory_space<hbm>> -> memref<80xi32, #tpu.memory_space<hbm>>
        tpu.enqueue_dma source(%dma_start3A_375 : memref<80xi32, #tpu.memory_space<hbm>>) target(%dma_start3A_374 : memref<80xi32, #tpu.memory_space<vmem>>) target_semaphore(%dma_start3A_371 : memref<!tpu.dma_semaphore, #tpu.memory_space<semaphore_mem>>)
        %mul3A_376 = arith.constant 80 : i32
        %mul3A_377 = arith.muli %add3A_360, %mul3A_376 : i32
        %dma_start3A_378 = arith.constant 1 : i32
        %dma_start3A_379 = arith.constant 1 : i32
        %dma_start3A_380 = arith.constant 0 : i32
        %dma_start3A_381 = arith.constant 0 : i32
        %dma_start3A_382 = tpu.memref_slice %arg8[%dma_start3A_378, %dma_start3A_380, %dma_start3A_381] : memref<3x80x128xf32, #tpu.memory_space<vmem>> -> memref<1x80x128xf32, #tpu.memory_space<vmem>>
        %dma_start3A_383 = tpu.memref_squeeze %dma_start3A_382 : memref<1x80x128xf32, #tpu.memory_space<vmem>> -> memref<80x128xf32, #tpu.memory_space<vmem>>
        %dma_start3A_384 = tpu.memref_slice %arg6[%mul3A_377] : memref<10000xi32, #tpu.memory_space<vmem>> -> memref<80xi32, #tpu.memory_space<vmem>>
        %dma_start3A_385 = arith.constant 0 : i32
        %dma_start3A_386 = arith.constant 0 : i32
        %dma_start3A_387 = tpu.memref_slice %arg2[%dma_start3A_385, %dma_start3A_386] : memref<10000x128xf32, #tpu.memory_space<hbm>> -> memref<10000x128xf32, #tpu.memory_space<hbm>>
        %dma_start3A_388 = tpu.memref_slice %arg11[%dma_start3A_379] : memref<3x!tpu.dma_semaphore, #tpu.memory_space<semaphore_mem>> -> memref<1x!tpu.dma_semaphore, #tpu.memory_space<semaphore_mem>>
        %dma_start3A_389 = tpu.memref_squeeze %dma_start3A_388 : memref<1x!tpu.dma_semaphore, #tpu.memory_space<semaphore_mem>> -> memref<!tpu.dma_semaphore, #tpu.memory_space<semaphore_mem>>
        tpu.enqueue_indirect_dma source(%dma_start3A_387 : memref<10000x128xf32, #tpu.memory_space<hbm>>) target(%dma_start3A_383 : memref<80x128xf32, #tpu.memory_space<vmem>>) offsets(%dma_start3A_384 : memref<80xi32, #tpu.memory_space<vmem>>) semaphore(%dma_start3A_389 : memref<!tpu.dma_semaphore, #tpu.memory_space<semaphore_mem>>)
      } else {
      }
      %mul3A_314 = arith.constant 3 : i32
      %mul3A_315 = arith.muli %scan3A_224, %mul3A_314 : i32
      %add3A_316 = arith.constant 2 : i32
      %add3A_317 = arith.addi %mul3A_315, %add3A_316 : i32
      %dma_wait3A_318 = arith.constant 2 : i32
      %dma_wait3A_319 = arith.constant 2 : i32
      %dma_wait3A_320 = arith.constant 0 : i32
      %dma_wait3A_321 = tpu.memref_slice %arg7[%dma_wait3A_318, %dma_wait3A_320] : memref<3x80xi32, #tpu.memory_space<vmem>> -> memref<1x80xi32, #tpu.memory_space<vmem>>
      %dma_wait3A_322 = tpu.memref_squeeze %dma_wait3A_321 : memref<1x80xi32, #tpu.memory_space<vmem>> -> memref<80xi32, #tpu.memory_space<vmem>>
      %dma_wait3A_323 = arith.constant 0 : i32
      %dma_wait3A_324 = tpu.memref_slice %arg4[%dma_wait3A_323] : memref<320000xi32, #tpu.memory_space<hbm>> -> memref<80xi32, #tpu.memory_space<hbm>>
      %dma_wait3A_325 = tpu.memref_slice %arg12[%dma_wait3A_319] : memref<3x!tpu.dma_semaphore, #tpu.memory_space<semaphore_mem>> -> memref<1x!tpu.dma_semaphore, #tpu.memory_space<semaphore_mem>>
      %dma_wait3A_326 = tpu.memref_squeeze %dma_wait3A_325 : memref<1x!tpu.dma_semaphore, #tpu.memory_space<semaphore_mem>> -> memref<!tpu.dma_semaphore, #tpu.memory_space<semaphore_mem>>
      %dma_wait3A_327 = arith.constant 0 : i32
      %dma_wait3A_328 = tpu.memref_slice %arg7[%dma_wait3A_318, %dma_wait3A_327] : memref<3x80xi32, #tpu.memory_space<vmem>> -> memref<1x80xi32, #tpu.memory_space<vmem>>
      %dma_wait3A_329 = tpu.memref_squeeze %dma_wait3A_328 : memref<1x80xi32, #tpu.memory_space<vmem>> -> memref<80xi32, #tpu.memory_space<vmem>>
      %dma_wait3A_330 = arith.constant 0 : i32
      %dma_wait3A_331 = tpu.memref_slice %arg4[%dma_wait3A_330] : memref<320000xi32, #tpu.memory_space<hbm>> -> memref<80xi32, #tpu.memory_space<hbm>>
      tpu.wait_dma2 semaphore(%dma_wait3A_326 : memref<!tpu.dma_semaphore, #tpu.memory_space<semaphore_mem>>) src(%dma_wait3A_331 : memref<80xi32, #tpu.memory_space<hbm>>) dst(%dma_wait3A_329 : memref<80xi32, #tpu.memory_space<vmem>>)
      %dma_wait3A_332 = arith.constant 2 : i32
      %dma_wait3A_333 = arith.constant 2 : i32
      %dma_wait3A_334 = arith.constant 0 : i32
      %dma_wait3A_335 = arith.constant 0 : i32
      %dma_wait3A_336 = tpu.memref_slice %arg8[%dma_wait3A_332, %dma_wait3A_334, %dma_wait3A_335] : memref<3x80x128xf32, #tpu.memory_space<vmem>> -> memref<1x80x128xf32, #tpu.memory_space<vmem>>
      %dma_wait3A_337 = tpu.memref_squeeze %dma_wait3A_336 : memref<1x80x128xf32, #tpu.memory_space<vmem>> -> memref<80x128xf32, #tpu.memory_space<vmem>>
      %dma_wait3A_338 = arith.constant 0 : i32
      %dma_wait3A_339 = arith.constant 0 : i32
      %dma_wait3A_340 = tpu.memref_slice %arg2[%dma_wait3A_338, %dma_wait3A_339] : memref<10000x128xf32, #tpu.memory_space<hbm>> -> memref<80x128xf32, #tpu.memory_space<hbm>>
      %dma_wait3A_341 = tpu.memref_slice %arg11[%dma_wait3A_333] : memref<3x!tpu.dma_semaphore, #tpu.memory_space<semaphore_mem>> -> memref<1x!tpu.dma_semaphore, #tpu.memory_space<semaphore_mem>>
      %dma_wait3A_342 = tpu.memref_squeeze %dma_wait3A_341 : memref<1x!tpu.dma_semaphore, #tpu.memory_space<semaphore_mem>> -> memref<!tpu.dma_semaphore, #tpu.memory_space<semaphore_mem>>
      %dma_wait3A_343 = arith.constant 0 : i32
      %dma_wait3A_344 = arith.constant 0 : i32
      %dma_wait3A_345 = tpu.memref_slice %arg8[%dma_wait3A_332, %dma_wait3A_343, %dma_wait3A_344] : memref<3x80x128xf32, #tpu.memory_space<vmem>> -> memref<1x80x128xf32, #tpu.memory_space<vmem>>
      %dma_wait3A_346 = tpu.memref_squeeze %dma_wait3A_345 : memref<1x80x128xf32, #tpu.memory_space<vmem>> -> memref<80x128xf32, #tpu.memory_space<vmem>>
      %dma_wait3A_347 = arith.constant 0 : i32
      %dma_wait3A_348 = arith.constant 0 : i32
      %dma_wait3A_349 = tpu.memref_slice %arg2[%dma_wait3A_347, %dma_wait3A_348] : memref<10000x128xf32, #tpu.memory_space<hbm>> -> memref<80x128xf32, #tpu.memory_space<hbm>>
      tpu.wait_dma2 semaphore(%dma_wait3A_342 : memref<!tpu.dma_semaphore, #tpu.memory_space<semaphore_mem>>) src(%dma_wait3A_349 : memref<80x128xf32, #tpu.memory_space<hbm>>) dst(%dma_wait3A_346 : memref<80x128xf32, #tpu.memory_space<vmem>>)
      %run_scoped3A_350 = arith.constant 2 : i32
      %run_scoped3A_351 = arith.constant 2 : i32
      "tpu.region"() ({
        %run_scoped3A_359 = tpu.sem_alloc : memref<!tpu.dma_semaphore, #tpu.memory_space<semaphore_mem>>
        %dma_start3A_360 = arith.constant 0 : i32
        %dma_start3A_361 = arith.constant 0 : i32
        %dma_start3A_362 = tpu.memref_slice %arg8[%run_scoped3A_350, %dma_start3A_360, %dma_start3A_361] : memref<3x80x128xf32, #tpu.memory_space<vmem>> -> memref<1x80x128xf32, #tpu.memory_space<vmem>>
        %dma_start3A_363 = tpu.memref_squeeze %dma_start3A_362 : memref<1x80x128xf32, #tpu.memory_space<vmem>> -> memref<80x128xf32, #tpu.memory_space<vmem>>
        %dma_start3A_364 = arith.constant 0 : i32
        %dma_start3A_365 = tpu.memref_slice %arg7[%run_scoped3A_351, %dma_start3A_364] : memref<3x80xi32, #tpu.memory_space<vmem>> -> memref<1x80xi32, #tpu.memory_space<vmem>>
        %dma_start3A_366 = tpu.memref_squeeze %dma_start3A_365 : memref<1x80xi32, #tpu.memory_space<vmem>> -> memref<80xi32, #tpu.memory_space<vmem>>
        %dma_start3A_367 = arith.constant 0 : i32
        %dma_start3A_368 = arith.constant 0 : i32
        %dma_start3A_369 = tpu.memref_slice %arg10[%dma_start3A_367, %dma_start3A_368] : memref<10000x128xf32, #tpu.memory_space<vmem_shared>> -> memref<10000x128xf32, #tpu.memory_space<vmem_shared>>
        tpu.enqueue_indirect_dma source(%dma_start3A_363 : memref<80x128xf32, #tpu.memory_space<vmem>>) target(%dma_start3A_369 : memref<10000x128xf32, #tpu.memory_space<vmem_shared>>) offsets(%dma_start3A_366 : memref<80xi32, #tpu.memory_space<vmem>>) semaphore(%run_scoped3A_359 : memref<!tpu.dma_semaphore, #tpu.memory_space<semaphore_mem>>) {add = true}
        %dma_wait3A_370 = arith.constant 0 : i32
        %dma_wait3A_371 = arith.constant 0 : i32
        %dma_wait3A_372 = tpu.memref_slice %arg8[%run_scoped3A_350, %dma_wait3A_370, %dma_wait3A_371] : memref<3x80x128xf32, #tpu.memory_space<vmem>> -> memref<1x80x128xf32, #tpu.memory_space<vmem>>
        %dma_wait3A_373 = tpu.memref_squeeze %dma_wait3A_372 : memref<1x80x128xf32, #tpu.memory_space<vmem>> -> memref<80x128xf32, #tpu.memory_space<vmem>>
        %dma_wait3A_374 = arith.constant 0 : i32
        %dma_wait3A_375 = tpu.memref_slice %arg7[%run_scoped3A_351, %dma_wait3A_374] : memref<3x80xi32, #tpu.memory_space<vmem>> -> memref<1x80xi32, #tpu.memory_space<vmem>>
        %dma_wait3A_376 = tpu.memref_squeeze %dma_wait3A_375 : memref<1x80xi32, #tpu.memory_space<vmem>> -> memref<80xi32, #tpu.memory_space<vmem>>
        %dma_wait3A_377 = arith.constant 0 : i32
        %dma_wait3A_378 = arith.constant 0 : i32
        %dma_wait3A_379 = tpu.memref_slice %arg10[%dma_wait3A_377, %dma_wait3A_378] : memref<10000x128xf32, #tpu.memory_space<vmem_shared>> -> memref<10000x128xf32, #tpu.memory_space<vmem_shared>>
        tpu.wait_indirect_dma semaphore(%run_scoped3A_359 : memref<!tpu.dma_semaphore, #tpu.memory_space<semaphore_mem>>) src(%dma_wait3A_373 : memref<80x128xf32, #tpu.memory_space<vmem>>) dst(%dma_wait3A_379 : memref<10000x128xf32, #tpu.memory_space<vmem_shared>>)
        tpu.yield
      }) : () -> ()
      %add3A_352 = arith.constant 3 : i32
      %add3A_353 = arith.addi %add3A_317, %add3A_352 : i32
      %lt3A_354 = arith.constant 125 : i32
      %lt3A_355 = arith.cmpi slt, %add3A_353, %lt3A_354 : i32
      %convert_element_type3A_356 = arith.extui %lt3A_355 : i1 to i32
      %cond3A_357 = arith.constant 0 : i32
      %cond3A_358 = arith.cmpi ne, %convert_element_type3A_356, %cond3A_357 : i32
      scf.if %cond3A_358 {
        %add3A_359 = arith.constant 3 : i32
        %add3A_360 = arith.addi %add3A_317, %add3A_359 : i32
        %mul3A_361 = arith.constant 80 : i32
        %mul3A_362 = arith.muli %add3A_360, %mul3A_361 : i32
        %add3A_363 = arith.addi %mul3A_2, %mul3A_362 : i32
        %dma_start3A_364 = arith.constant 2 : i32
        %dma_start3A_365 = arith.constant 2 : i32
        %dma_start3A_366 = arith.constant 0 : i32
        %dma_start3A_367 = tpu.memref_slice %arg7[%dma_start3A_364, %dma_start3A_366] : memref<3x80xi32, #tpu.memory_space<vmem>> -> memref<1x80xi32, #tpu.memory_space<vmem>>
        %dma_start3A_368 = tpu.memref_squeeze %dma_start3A_367 : memref<1x80xi32, #tpu.memory_space<vmem>> -> memref<80xi32, #tpu.memory_space<vmem>>
        %dma_start3A_369 = tpu.memref_slice %arg4[%add3A_363] : memref<320000xi32, #tpu.memory_space<hbm>> -> memref<80xi32, #tpu.memory_space<hbm>>
        %dma_start3A_370 = tpu.memref_slice %arg12[%dma_start3A_365] : memref<3x!tpu.dma_semaphore, #tpu.memory_space<semaphore_mem>> -> memref<1x!tpu.dma_semaphore, #tpu.memory_space<semaphore_mem>>
        %dma_start3A_371 = tpu.memref_squeeze %dma_start3A_370 : memref<1x!tpu.dma_semaphore, #tpu.memory_space<semaphore_mem>> -> memref<!tpu.dma_semaphore, #tpu.memory_space<semaphore_mem>>
        %dma_start3A_372 = arith.constant 0 : i32
        %dma_start3A_373 = tpu.memref_slice %arg7[%dma_start3A_364, %dma_start3A_372] : memref<3x80xi32, #tpu.memory_space<vmem>> -> memref<1x80xi32, #tpu.memory_space<vmem>>
        %dma_start3A_374 = tpu.memref_squeeze %dma_start3A_373 : memref<1x80xi32, #tpu.memory_space<vmem>> -> memref<80xi32, #tpu.memory_space<vmem>>
        %dma_start3A_375 = tpu.memref_slice %arg4[%add3A_363] : memref<320000xi32, #tpu.memory_space<hbm>> -> memref<80xi32, #tpu.memory_space<hbm>>
        tpu.enqueue_dma source(%dma_start3A_375 : memref<80xi32, #tpu.memory_space<hbm>>) target(%dma_start3A_374 : memref<80xi32, #tpu.memory_space<vmem>>) target_semaphore(%dma_start3A_371 : memref<!tpu.dma_semaphore, #tpu.memory_space<semaphore_mem>>)
        %mul3A_376 = arith.constant 80 : i32
        %mul3A_377 = arith.muli %add3A_360, %mul3A_376 : i32
        %dma_start3A_378 = arith.constant 2 : i32
        %dma_start3A_379 = arith.constant 2 : i32
        %dma_start3A_380 = arith.constant 0 : i32
        %dma_start3A_381 = arith.constant 0 : i32
        %dma_start3A_382 = tpu.memref_slice %arg8[%dma_start3A_378, %dma_start3A_380, %dma_start3A_381] : memref<3x80x128xf32, #tpu.memory_space<vmem>> -> memref<1x80x128xf32, #tpu.memory_space<vmem>>
        %dma_start3A_383 = tpu.memref_squeeze %dma_start3A_382 : memref<1x80x128xf32, #tpu.memory_space<vmem>> -> memref<80x128xf32, #tpu.memory_space<vmem>>
        %dma_start3A_384 = tpu.memref_slice %arg6[%mul3A_377] : memref<10000xi32, #tpu.memory_space<vmem>> -> memref<80xi32, #tpu.memory_space<vmem>>
        %dma_start3A_385 = arith.constant 0 : i32
        %dma_start3A_386 = arith.constant 0 : i32
        %dma_start3A_387 = tpu.memref_slice %arg2[%dma_start3A_385, %dma_start3A_386] : memref<10000x128xf32, #tpu.memory_space<hbm>> -> memref<10000x128xf32, #tpu.memory_space<hbm>>
        %dma_start3A_388 = tpu.memref_slice %arg11[%dma_start3A_379] : memref<3x!tpu.dma_semaphore, #tpu.memory_space<semaphore_mem>> -> memref<1x!tpu.dma_semaphore, #tpu.memory_space<semaphore_mem>>
        %dma_start3A_389 = tpu.memref_squeeze %dma_start3A_388 : memref<1x!tpu.dma_semaphore, #tpu.memory_space<semaphore_mem>> -> memref<!tpu.dma_semaphore, #tpu.memory_space<semaphore_mem>>
        tpu.enqueue_indirect_dma source(%dma_start3A_387 : memref<10000x128xf32, #tpu.memory_space<hbm>>) target(%dma_start3A_383 : memref<80x128xf32, #tpu.memory_space<vmem>>) offsets(%dma_start3A_384 : memref<80xi32, #tpu.memory_space<vmem>>) semaphore(%dma_start3A_389 : memref<!tpu.dma_semaphore, #tpu.memory_space<semaphore_mem>>)
      } else {
      }
    }
    %scan3A_147 = arith.constant 41 : i32
    %dma_wait3A = arith.constant 0 : i32
    %dma_wait3A_148 = arith.constant 0 : i32
    %dma_wait3A_149 = arith.constant 0 : i32
    %dma_wait3A_150 = tpu.memref_slice %arg7[%dma_wait3A, %dma_wait3A_149] : memref<3x80xi32, #tpu.memory_space<vmem>> -> memref<1x80xi32, #tpu.memory_space<vmem>>
    %dma_wait3A_151 = tpu.memref_squeeze %dma_wait3A_150 : memref<1x80xi32, #tpu.memory_space<vmem>> -> memref<80xi32, #tpu.memory_space<vmem>>
    %dma_wait3A_152 = arith.constant 0 : i32
    %dma_wait3A_153 = tpu.memref_slice %arg4[%dma_wait3A_152] : memref<320000xi32, #tpu.memory_space<hbm>> -> memref<80xi32, #tpu.memory_space<hbm>>
    %dma_wait3A_154 = tpu.memref_slice %arg12[%dma_wait3A_148] : memref<3x!tpu.dma_semaphore, #tpu.memory_space<semaphore_mem>> -> memref<1x!tpu.dma_semaphore, #tpu.memory_space<semaphore_mem>>
    %dma_wait3A_155 = tpu.memref_squeeze %dma_wait3A_154 : memref<1x!tpu.dma_semaphore, #tpu.memory_space<semaphore_mem>> -> memref<!tpu.dma_semaphore, #tpu.memory_space<semaphore_mem>>
    %dma_wait3A_156 = arith.constant 0 : i32
    %dma_wait3A_157 = tpu.memref_slice %arg7[%dma_wait3A, %dma_wait3A_156] : memref<3x80xi32, #tpu.memory_space<vmem>> -> memref<1x80xi32, #tpu.memory_space<vmem>>
    %dma_wait3A_158 = tpu.memref_squeeze %dma_wait3A_157 : memref<1x80xi32, #tpu.memory_space<vmem>> -> memref<80xi32, #tpu.memory_space<vmem>>
    %dma_wait3A_159 = arith.constant 0 : i32
    %dma_wait3A_160 = tpu.memref_slice %arg4[%dma_wait3A_159] : memref<320000xi32, #tpu.memory_space<hbm>> -> memref<80xi32, #tpu.memory_space<hbm>>
    tpu.wait_dma2 semaphore(%dma_wait3A_155 : memref<!tpu.dma_semaphore, #tpu.memory_space<semaphore_mem>>) src(%dma_wait3A_160 : memref<80xi32, #tpu.memory_space<hbm>>) dst(%dma_wait3A_158 : memref<80xi32, #tpu.memory_space<vmem>>)
    %dma_wait3A_161 = arith.constant 0 : i32
    %dma_wait3A_162 = arith.constant 0 : i32
    %dma_wait3A_163 = arith.constant 0 : i32
    %dma_wait3A_164 = arith.constant 0 : i32
    %dma_wait3A_165 = tpu.memref_slice %arg8[%dma_wait3A_161, %dma_wait3A_163, %dma_wait3A_164] : memref<3x80x128xf32, #tpu.memory_space<vmem>> -> memref<1x80x128xf32, #tpu.memory_space<vmem>>
    %dma_wait3A_166 = tpu.memref_squeeze %dma_wait3A_165 : memref<1x80x128xf32, #tpu.memory_space<vmem>> -> memref<80x128xf32, #tpu.memory_space<vmem>>
    %dma_wait3A_167 = arith.constant 0 : i32
    %dma_wait3A_168 = arith.constant 0 : i32
    %dma_wait3A_169 = tpu.memref_slice %arg2[%dma_wait3A_167, %dma_wait3A_168] : memref<10000x128xf32, #tpu.memory_space<hbm>> -> memref<80x128xf32, #tpu.memory_space<hbm>>
    %dma_wait3A_170 = tpu.memref_slice %arg11[%dma_wait3A_162] : memref<3x!tpu.dma_semaphore, #tpu.memory_space<semaphore_mem>> -> memref<1x!tpu.dma_semaphore, #tpu.memory_space<semaphore_mem>>
    %dma_wait3A_171 = tpu.memref_squeeze %dma_wait3A_170 : memref<1x!tpu.dma_semaphore, #tpu.memory_space<semaphore_mem>> -> memref<!tpu.dma_semaphore, #tpu.memory_space<semaphore_mem>>
    %dma_wait3A_172 = arith.constant 0 : i32
    %dma_wait3A_173 = arith.constant 0 : i32
    %dma_wait3A_174 = tpu.memref_slice %arg8[%dma_wait3A_161, %dma_wait3A_172, %dma_wait3A_173] : memref<3x80x128xf32, #tpu.memory_space<vmem>> -> memref<1x80x128xf32, #tpu.memory_space<vmem>>
    %dma_wait3A_175 = tpu.memref_squeeze %dma_wait3A_174 : memref<1x80x128xf32, #tpu.memory_space<vmem>> -> memref<80x128xf32, #tpu.memory_space<vmem>>
    %dma_wait3A_176 = arith.constant 0 : i32
    %dma_wait3A_177 = arith.constant 0 : i32
    %dma_wait3A_178 = tpu.memref_slice %arg2[%dma_wait3A_176, %dma_wait3A_177] : memref<10000x128xf32, #tpu.memory_space<hbm>> -> memref<80x128xf32, #tpu.memory_space<hbm>>
    tpu.wait_dma2 semaphore(%dma_wait3A_171 : memref<!tpu.dma_semaphore, #tpu.memory_space<semaphore_mem>>) src(%dma_wait3A_178 : memref<80x128xf32, #tpu.memory_space<hbm>>) dst(%dma_wait3A_175 : memref<80x128xf32, #tpu.memory_space<vmem>>)
    %run_scoped3A = arith.constant 0 : i32
    %run_scoped3A_179 = arith.constant 0 : i32
    "tpu.region"() ({
      %run_scoped3A_224 = tpu.sem_alloc : memref<!tpu.dma_semaphore, #tpu.memory_space<semaphore_mem>>
      %dma_start3A_225 = arith.constant 0 : i32
      %dma_start3A_226 = arith.constant 0 : i32
      %dma_start3A_227 = tpu.memref_slice %arg8[%run_scoped3A, %dma_start3A_225, %dma_start3A_226] : memref<3x80x128xf32, #tpu.memory_space<vmem>> -> memref<1x80x128xf32, #tpu.memory_space<vmem>>
      %dma_start3A_228 = tpu.memref_squeeze %dma_start3A_227 : memref<1x80x128xf32, #tpu.memory_space<vmem>> -> memref<80x128xf32, #tpu.memory_space<vmem>>
      %dma_start3A_229 = arith.constant 0 : i32
      %dma_start3A_230 = tpu.memref_slice %arg7[%run_scoped3A_179, %dma_start3A_229] : memref<3x80xi32, #tpu.memory_space<vmem>> -> memref<1x80xi32, #tpu.memory_space<vmem>>
      %dma_start3A_231 = tpu.memref_squeeze %dma_start3A_230 : memref<1x80xi32, #tpu.memory_space<vmem>> -> memref<80xi32, #tpu.memory_space<vmem>>
      %dma_start3A_232 = arith.constant 0 : i32
      %dma_start3A_233 = arith.constant 0 : i32
      %dma_start3A_234 = tpu.memref_slice %arg10[%dma_start3A_232, %dma_start3A_233] : memref<10000x128xf32, #tpu.memory_space<vmem_shared>> -> memref<10000x128xf32, #tpu.memory_space<vmem_shared>>
      tpu.enqueue_indirect_dma source(%dma_start3A_228 : memref<80x128xf32, #tpu.memory_space<vmem>>) target(%dma_start3A_234 : memref<10000x128xf32, #tpu.memory_space<vmem_shared>>) offsets(%dma_start3A_231 : memref<80xi32, #tpu.memory_space<vmem>>) semaphore(%run_scoped3A_224 : memref<!tpu.dma_semaphore, #tpu.memory_space<semaphore_mem>>) {add = true}
      %dma_wait3A_235 = arith.constant 0 : i32
      %dma_wait3A_236 = arith.constant 0 : i32
      %dma_wait3A_237 = tpu.memref_slice %arg8[%run_scoped3A, %dma_wait3A_235, %dma_wait3A_236] : memref<3x80x128xf32, #tpu.memory_space<vmem>> -> memref<1x80x128xf32, #tpu.memory_space<vmem>>
      %dma_wait3A_238 = tpu.memref_squeeze %dma_wait3A_237 : memref<1x80x128xf32, #tpu.memory_space<vmem>> -> memref<80x128xf32, #tpu.memory_space<vmem>>
      %dma_wait3A_239 = arith.constant 0 : i32
      %dma_wait3A_240 = tpu.memref_slice %arg7[%run_scoped3A_179, %dma_wait3A_239] : memref<3x80xi32, #tpu.memory_space<vmem>> -> memref<1x80xi32, #tpu.memory_space<vmem>>
      %dma_wait3A_241 = tpu.memref_squeeze %dma_wait3A_240 : memref<1x80xi32, #tpu.memory_space<vmem>> -> memref<80xi32, #tpu.memory_space<vmem>>
      %dma_wait3A_242 = arith.constant 0 : i32
      %dma_wait3A_243 = arith.constant 0 : i32
      %dma_wait3A_244 = tpu.memref_slice %arg10[%dma_wait3A_242, %dma_wait3A_243] : memref<10000x128xf32, #tpu.memory_space<vmem_shared>> -> memref<10000x128xf32, #tpu.memory_space<vmem_shared>>
      tpu.wait_indirect_dma semaphore(%run_scoped3A_224 : memref<!tpu.dma_semaphore, #tpu.memory_space<semaphore_mem>>) src(%dma_wait3A_238 : memref<80x128xf32, #tpu.memory_space<vmem>>) dst(%dma_wait3A_244 : memref<10000x128xf32, #tpu.memory_space<vmem_shared>>)
      tpu.yield
    }) : () -> ()
    %dma_wait3A_180 = arith.constant 1 : i32
    %dma_wait3A_181 = arith.constant 1 : i32
    %dma_wait3A_182 = arith.constant 0 : i32
    %dma_wait3A_183 = tpu.memref_slice %arg7[%dma_wait3A_180, %dma_wait3A_182] : memref<3x80xi32, #tpu.memory_space<vmem>> -> memref<1x80xi32, #tpu.memory_space<vmem>>
    %dma_wait3A_184 = tpu.memref_squeeze %dma_wait3A_183 : memref<1x80xi32, #tpu.memory_space<vmem>> -> memref<80xi32, #tpu.memory_space<vmem>>
    %dma_wait3A_185 = arith.constant 0 : i32
    %dma_wait3A_186 = tpu.memref_slice %arg4[%dma_wait3A_185] : memref<320000xi32, #tpu.memory_space<hbm>> -> memref<80xi32, #tpu.memory_space<hbm>>
    %dma_wait3A_187 = tpu.memref_slice %arg12[%dma_wait3A_181] : memref<3x!tpu.dma_semaphore, #tpu.memory_space<semaphore_mem>> -> memref<1x!tpu.dma_semaphore, #tpu.memory_space<semaphore_mem>>
    %dma_wait3A_188 = tpu.memref_squeeze %dma_wait3A_187 : memref<1x!tpu.dma_semaphore, #tpu.memory_space<semaphore_mem>> -> memref<!tpu.dma_semaphore, #tpu.memory_space<semaphore_mem>>
    %dma_wait3A_189 = arith.constant 0 : i32
    %dma_wait3A_190 = tpu.memref_slice %arg7[%dma_wait3A_180, %dma_wait3A_189] : memref<3x80xi32, #tpu.memory_space<vmem>> -> memref<1x80xi32, #tpu.memory_space<vmem>>
    %dma_wait3A_191 = tpu.memref_squeeze %dma_wait3A_190 : memref<1x80xi32, #tpu.memory_space<vmem>> -> memref<80xi32, #tpu.memory_space<vmem>>
    %dma_wait3A_192 = arith.constant 0 : i32
    %dma_wait3A_193 = tpu.memref_slice %arg4[%dma_wait3A_192] : memref<320000xi32, #tpu.memory_space<hbm>> -> memref<80xi32, #tpu.memory_space<hbm>>
    tpu.wait_dma2 semaphore(%dma_wait3A_188 : memref<!tpu.dma_semaphore, #tpu.memory_space<semaphore_mem>>) src(%dma_wait3A_193 : memref<80xi32, #tpu.memory_space<hbm>>) dst(%dma_wait3A_191 : memref<80xi32, #tpu.memory_space<vmem>>)
    %dma_wait3A_194 = arith.constant 1 : i32
    %dma_wait3A_195 = arith.constant 1 : i32
    %dma_wait3A_196 = arith.constant 0 : i32
    %dma_wait3A_197 = arith.constant 0 : i32
    %dma_wait3A_198 = tpu.memref_slice %arg8[%dma_wait3A_194, %dma_wait3A_196, %dma_wait3A_197] : memref<3x80x128xf32, #tpu.memory_space<vmem>> -> memref<1x80x128xf32, #tpu.memory_space<vmem>>
    %dma_wait3A_199 = tpu.memref_squeeze %dma_wait3A_198 : memref<1x80x128xf32, #tpu.memory_space<vmem>> -> memref<80x128xf32, #tpu.memory_space<vmem>>
    %dma_wait3A_200 = arith.constant 0 : i32
    %dma_wait3A_201 = arith.constant 0 : i32
    %dma_wait3A_202 = tpu.memref_slice %arg2[%dma_wait3A_200, %dma_wait3A_201] : memref<10000x128xf32, #tpu.memory_space<hbm>> -> memref<80x128xf32, #tpu.memory_space<hbm>>
    %dma_wait3A_203 = tpu.memref_slice %arg11[%dma_wait3A_195] : memref<3x!tpu.dma_semaphore, #tpu.memory_space<semaphore_mem>> -> memref<1x!tpu.dma_semaphore, #tpu.memory_space<semaphore_mem>>
    %dma_wait3A_204 = tpu.memref_squeeze %dma_wait3A_203 : memref<1x!tpu.dma_semaphore, #tpu.memory_space<semaphore_mem>> -> memref<!tpu.dma_semaphore, #tpu.memory_space<semaphore_mem>>
    %dma_wait3A_205 = arith.constant 0 : i32
    %dma_wait3A_206 = arith.constant 0 : i32
    %dma_wait3A_207 = tpu.memref_slice %arg8[%dma_wait3A_194, %dma_wait3A_205, %dma_wait3A_206] : memref<3x80x128xf32, #tpu.memory_space<vmem>> -> memref<1x80x128xf32, #tpu.memory_space<vmem>>
    %dma_wait3A_208 = tpu.memref_squeeze %dma_wait3A_207 : memref<1x80x128xf32, #tpu.memory_space<vmem>> -> memref<80x128xf32, #tpu.memory_space<vmem>>
    %dma_wait3A_209 = arith.constant 0 : i32
    %dma_wait3A_210 = arith.constant 0 : i32
    %dma_wait3A_211 = tpu.memref_slice %arg2[%dma_wait3A_209, %dma_wait3A_210] : memref<10000x128xf32, #tpu.memory_space<hbm>> -> memref<80x128xf32, #tpu.memory_space<hbm>>
    tpu.wait_dma2 semaphore(%dma_wait3A_204 : memref<!tpu.dma_semaphore, #tpu.memory_space<semaphore_mem>>) src(%dma_wait3A_211 : memref<80x128xf32, #tpu.memory_space<hbm>>) dst(%dma_wait3A_208 : memref<80x128xf32, #tpu.memory_space<vmem>>)
    %run_scoped3A_212 = arith.constant 1 : i32
    %run_scoped3A_213 = arith.constant 1 : i32
    "tpu.region"() ({
      %run_scoped3A_224 = tpu.sem_alloc : memref<!tpu.dma_semaphore, #tpu.memory_space<semaphore_mem>>
      %dma_start3A_225 = arith.constant 0 : i32
      %dma_start3A_226 = arith.constant 0 : i32
      %dma_start3A_227 = tpu.memref_slice %arg8[%run_scoped3A_212, %dma_start3A_225, %dma_start3A_226] : memref<3x80x128xf32, #tpu.memory_space<vmem>> -> memref<1x80x128xf32, #tpu.memory_space<vmem>>
      %dma_start3A_228 = tpu.memref_squeeze %dma_start3A_227 : memref<1x80x128xf32, #tpu.memory_space<vmem>> -> memref<80x128xf32, #tpu.memory_space<vmem>>
      %dma_start3A_229 = arith.constant 0 : i32
      %dma_start3A_230 = tpu.memref_slice %arg7[%run_scoped3A_213, %dma_start3A_229] : memref<3x80xi32, #tpu.memory_space<vmem>> -> memref<1x80xi32, #tpu.memory_space<vmem>>
      %dma_start3A_231 = tpu.memref_squeeze %dma_start3A_230 : memref<1x80xi32, #tpu.memory_space<vmem>> -> memref<80xi32, #tpu.memory_space<vmem>>
      %dma_start3A_232 = arith.constant 0 : i32
      %dma_start3A_233 = arith.constant 0 : i32
      %dma_start3A_234 = tpu.memref_slice %arg10[%dma_start3A_232, %dma_start3A_233] : memref<10000x128xf32, #tpu.memory_space<vmem_shared>> -> memref<10000x128xf32, #tpu.memory_space<vmem_shared>>
      tpu.enqueue_indirect_dma source(%dma_start3A_228 : memref<80x128xf32, #tpu.memory_space<vmem>>) target(%dma_start3A_234 : memref<10000x128xf32, #tpu.memory_space<vmem_shared>>) offsets(%dma_start3A_231 : memref<80xi32, #tpu.memory_space<vmem>>) semaphore(%run_scoped3A_224 : memref<!tpu.dma_semaphore, #tpu.memory_space<semaphore_mem>>) {add = true}
      %dma_wait3A_235 = arith.constant 0 : i32
      %dma_wait3A_236 = arith.constant 0 : i32
      %dma_wait3A_237 = tpu.memref_slice %arg8[%run_scoped3A_212, %dma_wait3A_235, %dma_wait3A_236] : memref<3x80x128xf32, #tpu.memory_space<vmem>> -> memref<1x80x128xf32, #tpu.memory_space<vmem>>
      %dma_wait3A_238 = tpu.memref_squeeze %dma_wait3A_237 : memref<1x80x128xf32, #tpu.memory_space<vmem>> -> memref<80x128xf32, #tpu.memory_space<vmem>>
      %dma_wait3A_239 = arith.constant 0 : i32
      %dma_wait3A_240 = tpu.memref_slice %arg7[%run_scoped3A_213, %dma_wait3A_239] : memref<3x80xi32, #tpu.memory_space<vmem>> -> memref<1x80xi32, #tpu.memory_space<vmem>>
      %dma_wait3A_241 = tpu.memref_squeeze %dma_wait3A_240 : memref<1x80xi32, #tpu.memory_space<vmem>> -> memref<80xi32, #tpu.memory_space<vmem>>
      %dma_wait3A_242 = arith.constant 0 : i32
      %dma_wait3A_243 = arith.constant 0 : i32
      %dma_wait3A_244 = tpu.memref_slice %arg10[%dma_wait3A_242, %dma_wait3A_243] : memref<10000x128xf32, #tpu.memory_space<vmem_shared>> -> memref<10000x128xf32, #tpu.memory_space<vmem_shared>>
      tpu.wait_indirect_dma semaphore(%run_scoped3A_224 : memref<!tpu.dma_semaphore, #tpu.memory_space<semaphore_mem>>) src(%dma_wait3A_238 : memref<80x128xf32, #tpu.memory_space<vmem>>) dst(%dma_wait3A_244 : memref<10000x128xf32, #tpu.memory_space<vmem_shared>>)
      tpu.yield
    }) : () -> ()
    %barrier3A_214 = arith.constant 0 : index
    tpu.barrier barrier_id(%barrier3A_214)
    %mul3A_215 = arith.constant 624 : i32
    %mul3A_216 = arith.muli %arg1, %mul3A_215 : i32
    %mul3A_217 = arith.constant 624 : i32
    %mul3A_218 = arith.muli %arg1, %mul3A_217 : i32
    "tpu.region"() ({
      %run_scoped3A_224 = tpu.sem_alloc : memref<!tpu.dma_semaphore, #tpu.memory_space<semaphore_mem>>
      %dma_start3A_225 = arith.constant 0 : i32
      %dma_start3A_226 = tpu.memref_slice %arg5[%arg0, %mul3A_218, %dma_start3A_225] : memref<2x10000x128xf32, #tpu.memory_space<hbm>> -> memref<1x624x128xf32, #tpu.memory_space<hbm>>
      %dma_start3A_227 = tpu.memref_squeeze %dma_start3A_226 : memref<1x624x128xf32, #tpu.memory_space<hbm>> -> memref<624x128xf32, #tpu.memory_space<hbm>>
      %dma_start3A_228 = arith.constant 0 : i32
      %dma_start3A_229 = tpu.memref_slice %arg10[%mul3A_216, %dma_start3A_228] : memref<10000x128xf32, #tpu.memory_space<vmem_shared>> -> memref<624x128xf32, #tpu.memory_space<vmem_shared>>
      tpu.enqueue_dma source(%dma_start3A_229 : memref<624x128xf32, #tpu.memory_space<vmem_shared>>) target(%dma_start3A_227 : memref<624x128xf32, #tpu.memory_space<hbm>>) target_semaphore(%run_scoped3A_224 : memref<!tpu.dma_semaphore, #tpu.memory_space<semaphore_mem>>)
      %dma_wait3A_230 = arith.constant 0 : i32
      %dma_wait3A_231 = tpu.memref_slice %arg5[%arg0, %mul3A_218, %dma_wait3A_230] : memref<2x10000x128xf32, #tpu.memory_space<hbm>> -> memref<1x624x128xf32, #tpu.memory_space<hbm>>
      %dma_wait3A_232 = tpu.memref_squeeze %dma_wait3A_231 : memref<1x624x128xf32, #tpu.memory_space<hbm>> -> memref<624x128xf32, #tpu.memory_space<hbm>>
      %dma_wait3A_233 = arith.constant 0 : i32
      %dma_wait3A_234 = tpu.memref_slice %arg10[%mul3A_216, %dma_wait3A_233] : memref<10000x128xf32, #tpu.memory_space<vmem_shared>> -> memref<624x128xf32, #tpu.memory_space<vmem_shared>>
      tpu.wait_dma2 semaphore(%run_scoped3A_224 : memref<!tpu.dma_semaphore, #tpu.memory_space<semaphore_mem>>) src(%dma_wait3A_234 : memref<624x128xf32, #tpu.memory_space<vmem_shared>>) dst(%dma_wait3A_232 : memref<624x128xf32, #tpu.memory_space<hbm>>)
      tpu.yield
    }) : () -> ()
    %eq3A_219 = arith.constant 0 : i32
    %eq3A_220 = arith.cmpi eq, %arg1, %eq3A_219 : i32
    %convert_element_type3A_221 = arith.extui %eq3A_220 : i1 to i32
    %cond3A_222 = arith.constant 0 : i32
    %cond3A_223 = arith.cmpi ne, %convert_element_type3A_221, %cond3A_222 : i32
    scf.if %cond3A_223 {
      "tpu.region"() ({
        %run_scoped3A_224 = tpu.sem_alloc : memref<!tpu.dma_semaphore, #tpu.memory_space<semaphore_mem>>
        %dma_start3A_225 = arith.constant 9984 : i32
        %dma_start3A_226 = arith.constant 0 : i32
        %dma_start3A_227 = tpu.memref_slice %arg5[%arg0, %dma_start3A_225, %dma_start3A_226] : memref<2x10000x128xf32, #tpu.memory_space<hbm>> -> memref<1x16x128xf32, #tpu.memory_space<hbm>>
        %dma_start3A_228 = tpu.memref_squeeze %dma_start3A_227 : memref<1x16x128xf32, #tpu.memory_space<hbm>> -> memref<16x128xf32, #tpu.memory_space<hbm>>
        %dma_start3A_229 = arith.constant 9984 : i32
        %dma_start3A_230 = arith.constant 0 : i32
        %dma_start3A_231 = tpu.memref_slice %arg10[%dma_start3A_229, %dma_start3A_230] : memref<10000x128xf32, #tpu.memory_space<vmem_shared>> -> memref<16x128xf32, #tpu.memory_space<vmem_shared>>
        tpu.enqueue_dma source(%dma_start3A_231 : memref<16x128xf32, #tpu.memory_space<vmem_shared>>) target(%dma_start3A_228 : memref<16x128xf32, #tpu.memory_space<hbm>>) target_semaphore(%run_scoped3A_224 : memref<!tpu.dma_semaphore, #tpu.memory_space<semaphore_mem>>)
        %dma_wait3A_232 = arith.constant 9984 : i32
        %dma_wait3A_233 = arith.constant 0 : i32
        %dma_wait3A_234 = tpu.memref_slice %arg5[%arg0, %dma_wait3A_232, %dma_wait3A_233] : memref<2x10000x128xf32, #tpu.memory_space<hbm>> -> memref<1x16x128xf32, #tpu.memory_space<hbm>>
        %dma_wait3A_235 = tpu.memref_squeeze %dma_wait3A_234 : memref<1x16x128xf32, #tpu.memory_space<hbm>> -> memref<16x128xf32, #tpu.memory_space<hbm>>
        %dma_wait3A_236 = arith.constant 9984 : i32
        %dma_wait3A_237 = arith.constant 0 : i32
        %dma_wait3A_238 = tpu.memref_slice %arg10[%dma_wait3A_236, %dma_wait3A_237] : memref<10000x128xf32, #tpu.memory_space<vmem_shared>> -> memref<16x128xf32, #tpu.memory_space<vmem_shared>>
        tpu.wait_dma2 semaphore(%run_scoped3A_224 : memref<!tpu.dma_semaphore, #tpu.memory_space<semaphore_mem>>) src(%dma_wait3A_238 : memref<16x128xf32, #tpu.memory_space<vmem_shared>>) dst(%dma_wait3A_235 : memref<16x128xf32, #tpu.memory_space<hbm>>)
        tpu.yield
      }) : () -> ()
    } else {
    }
    return
  }
}

#map = affine_map<(d0, d1) -> (0, 0)>
#map1 = affine_map<(d0, d1) -> (0)>
#map2 = affine_map<(d0, d1) -> (0, 0, 0)>
module attributes {stable_mosaic.version = 14 : i64} {
  func.func @k(%arg0: i32, %arg1: i32, %arg2: memref<10000x128xf32, #tpu.memory_space<hbm>>, %arg3: memref<320000xi32, #tpu.memory_space<hbm>>, %arg4: memref<320000xi32, #tpu.memory_space<hbm>>, %arg5: memref<2x10000x128xf32, #tpu.memory_space<hbm>>, %arg6: memref<10000xi32, #tpu.memory_space<vmem>>, %arg7: memref<3x80xi32, #tpu.memory_space<vmem>>, %arg8: memref<3x80x128xf32, #tpu.memory_space<vmem>>, %arg9: memref<48x128xf32, #tpu.memory_space<vmem>>, %arg10: memref<10000x128xf32, #tpu.memory_space<vmem_shared>>, %arg11: memref<3x!tpu.dma_semaphore, #tpu.memory_space<semaphore_mem>>, %arg12: memref<3x!tpu.dma_semaphore, #tpu.memory_space<semaphore_mem>>) attributes {dimension_semantics = [#tpu.dimension_semantics<core_parallel>, #tpu.dimension_semantics<subcore_parallel>], iteration_bounds = array<i64: 2, 16>, scalar_prefetch = 0 : i64, scratch_operands = 7 : i64, tpu.core_type = #tpu.core_type<sc_vector_subcore>, window_params = [{transform_indices = #map}, {transform_indices = #map1}, {transform_indices = #map1}, {transform_indices = #map2}]} {
    %mul3A = arith.constant 16 : i32
    %mul3A_0 = arith.muli %arg0, %mul3A : i32
    %add3A = arith.addi %mul3A_0, %arg1 : i32
    %mul3A_1 = arith.constant 10000 : i32
    %mul3A_2 = arith.muli %add3A, %mul3A_1 : i32
    "tpu.region"() ({
      %run_scoped3A_224 = tpu.sem_alloc : memref<!tpu.dma_semaphore, #tpu.memory_space<semaphore_mem>>
      %dma_start3A_225 = tpu.memref_slice %arg3[%mul3A_2] : memref<320000xi32, #tpu.memory_space<hbm>> -> memref<10000xi32, #tpu.memory_space<hbm>>
      %dma_start3A_226 = tpu.memref_slice %arg3[%mul3A_2] : memref<320000xi32, #tpu.memory_space<hbm>> -> memref<10000xi32, #tpu.memory_space<hbm>>
      tpu.enqueue_dma source(%dma_start3A_226 : memref<10000xi32, #tpu.memory_space<hbm>>) target(%arg6 : memref<10000xi32, #tpu.memory_space<vmem>>) target_semaphore(%run_scoped3A_224 : memref<!tpu.dma_semaphore, #tpu.memory_space<semaphore_mem>>)
      %dma_wait3A_227 = tpu.memref_slice %arg3[%mul3A_2] : memref<320000xi32, #tpu.memory_space<hbm>> -> memref<10000xi32, #tpu.memory_space<hbm>>
      %dma_wait3A_228 = tpu.memref_slice %arg3[%mul3A_2] : memref<320000xi32, #tpu.memory_space<hbm>> -> memref<10000xi32, #tpu.memory_space<hbm>>
      tpu.wait_dma2 semaphore(%run_scoped3A_224 : memref<!tpu.dma_semaphore, #tpu.memory_space<semaphore_mem>>) src(%dma_wait3A_228 : memref<10000xi32, #tpu.memory_space<hbm>>) dst(%arg6 : memref<10000xi32, #tpu.memory_space<vmem>>)
      tpu.yield
    }) : () -> ()
    %add3A_3 = arith.constant 0 : i32
    %add3A_4 = arith.addi %mul3A_2, %add3A_3 : i32
    %dma_start3A = arith.constant 0 : i32
    %dma_start3A_5 = arith.constant 0 : i32
    %dma_start3A_6 = arith.constant 0 : i32
    %dma_start3A_7 = tpu.memref_slice %arg7[%dma_start3A, %dma_start3A_6] : memref<3x80xi32, #tpu.memory_space<vmem>> -> memref<1x80xi32, #tpu.memory_space<vmem>>
    %dma_start3A_8 = tpu.memref_squeeze %dma_start3A_7 : memref<1x80xi32, #tpu.memory_space<vmem>> -> memref<80xi32, #tpu.memory_space<vmem>>
    %dma_start3A_9 = tpu.memref_slice %arg4[%add3A_4] : memref<320000xi32, #tpu.memory_space<hbm>> -> memref<80xi32, #tpu.memory_space<hbm>>
    %dma_start3A_10 = tpu.memref_slice %arg12[%dma_start3A_5] : memref<3x!tpu.dma_semaphore, #tpu.memory_space<semaphore_mem>> -> memref<1x!tpu.dma_semaphore, #tpu.memory_space<semaphore_mem>>
    %dma_start3A_11 = tpu.memref_squeeze %dma_start3A_10 : memref<1x!tpu.dma_semaphore, #tpu.memory_space<semaphore_mem>> -> memref<!tpu.dma_semaphore, #tpu.memory_space<semaphore_mem>>
    %dma_start3A_12 = arith.constant 0 : i32
    %dma_start3A_13 = tpu.memref_slice %arg7[%dma_start3A, %dma_start3A_12] : memref<3x80xi32, #tpu.memory_space<vmem>> -> memref<1x80xi32, #tpu.memory_space<vmem>>
    %dma_start3A_14 = tpu.memref_squeeze %dma_start3A_13 : memref<1x80xi32, #tpu.memory_space<vmem>> -> memref<80xi32, #tpu.memory_space<vmem>>
    %dma_start3A_15 = tpu.memref_slice %arg4[%add3A_4] : memref<320000xi32, #tpu.memory_space<hbm>> -> memref<80xi32, #tpu.memory_space<hbm>>
    tpu.enqueue_dma source(%dma_start3A_15 : memref<80xi32, #tpu.memory_space<hbm>>) target(%dma_start3A_14 : memref<80xi32, #tpu.memory_space<vmem>>) target_semaphore(%dma_start3A_11 : memref<!tpu.dma_semaphore, #tpu.memory_space<semaphore_mem>>)
    %dma_start3A_16 = arith.constant 0 : i32
    %dma_start3A_17 = arith.constant 0 : i32
    %dma_start3A_18 = arith.constant 0 : i32
    %dma_start3A_19 = arith.constant 0 : i32
    %dma_start3A_20 = tpu.memref_slice %arg8[%dma_start3A_16, %dma_start3A_18, %dma_start3A_19] : memref<3x80x128xf32, #tpu.memory_space<vmem>> -> memref<1x80x128xf32, #tpu.memory_space<vmem>>
    %dma_start3A_21 = tpu.memref_squeeze %dma_start3A_20 : memref<1x80x128xf32, #tpu.memory_space<vmem>> -> memref<80x128xf32, #tpu.memory_space<vmem>>
    %dma_start3A_22 = arith.constant 0 : i32
    %dma_start3A_23 = tpu.memref_slice %arg6[%dma_start3A_22] : memref<10000xi32, #tpu.memory_space<vmem>> -> memref<80xi32, #tpu.memory_space<vmem>>
    %dma_start3A_24 = arith.constant 0 : i32
    %dma_start3A_25 = arith.constant 0 : i32
    %dma_start3A_26 = tpu.memref_slice %arg2[%dma_start3A_24, %dma_start3A_25] : memref<10000x128xf32, #tpu.memory_space<hbm>> -> memref<10000x128xf32, #tpu.memory_space<hbm>>
    %dma_start3A_27 = tpu.memref_slice %arg11[%dma_start3A_17] : memref<3x!tpu.dma_semaphore, #tpu.memory_space<semaphore_mem>> -> memref<1x!tpu.dma_semaphore, #tpu.memory_space<semaphore_mem>>
    %dma_start3A_28 = tpu.memref_squeeze %dma_start3A_27 : memref<1x!tpu.dma_semaphore, #tpu.memory_space<semaphore_mem>> -> memref<!tpu.dma_semaphore, #tpu.memory_space<semaphore_mem>>
    tpu.enqueue_indirect_dma source(%dma_start3A_26 : memref<10000x128xf32, #tpu.memory_space<hbm>>) target(%dma_start3A_21 : memref<80x128xf32, #tpu.memory_space<vmem>>) offsets(%dma_start3A_23 : memref<80xi32, #tpu.memory_space<vmem>>) semaphore(%dma_start3A_28 : memref<!tpu.dma_semaphore, #tpu.memory_space<semaphore_mem>>)
    %add3A_29 = arith.constant 80 : i32
    %add3A_30 = arith.addi %mul3A_2, %add3A_29 : i32
    %dma_start3A_31 = arith.constant 1 : i32
    %dma_start3A_32 = arith.constant 1 : i32
    %dma_start3A_33 = arith.constant 0 : i32
    %dma_start3A_34 = tpu.memref_slice %arg7[%dma_start3A_31, %dma_start3A_33] : memref<3x80xi32, #tpu.memory_space<vmem>> -> memref<1x80xi32, #tpu.memory_space<vmem>>
    %dma_start3A_35 = tpu.memref_squeeze %dma_start3A_34 : memref<1x80xi32, #tpu.memory_space<vmem>> -> memref<80xi32, #tpu.memory_space<vmem>>
    %dma_start3A_36 = tpu.memref_slice %arg4[%add3A_30] : memref<320000xi32, #tpu.memory_space<hbm>> -> memref<80xi32, #tpu.memory_space<hbm>>
    %dma_start3A_37 = tpu.memref_slice %arg12[%dma_start3A_32] : memref<3x!tpu.dma_semaphore, #tpu.memory_space<semaphore_mem>> -> memref<1x!tpu.dma_semaphore, #tpu.memory_space<semaphore_mem>>
    %dma_start3A_38 = tpu.memref_squeeze %dma_start3A_37 : memref<1x!tpu.dma_semaphore, #tpu.memory_space<semaphore_mem>> -> memref<!tpu.dma_semaphore, #tpu.memory_space<semaphore_mem>>
    %dma_start3A_39 = arith.constant 0 : i32
    %dma_start3A_40 = tpu.memref_slice %arg7[%dma_start3A_31, %dma_start3A_39] : memref<3x80xi32, #tpu.memory_space<vmem>> -> memref<1x80xi32, #tpu.memory_space<vmem>>
    %dma_start3A_41 = tpu.memref_squeeze %dma_start3A_40 : memref<1x80xi32, #tpu.memory_space<vmem>> -> memref<80xi32, #tpu.memory_space<vmem>>
    %dma_start3A_42 = tpu.memref_slice %arg4[%add3A_30] : memref<320000xi32, #tpu.memory_space<hbm>> -> memref<80xi32, #tpu.memory_space<hbm>>
    tpu.enqueue_dma source(%dma_start3A_42 : memref<80xi32, #tpu.memory_space<hbm>>) target(%dma_start3A_41 : memref<80xi32, #tpu.memory_space<vmem>>) target_semaphore(%dma_start3A_38 : memref<!tpu.dma_semaphore, #tpu.memory_space<semaphore_mem>>)
    %dma_start3A_43 = arith.constant 1 : i32
    %dma_start3A_44 = arith.constant 1 : i32
    %dma_start3A_45 = arith.constant 0 : i32
    %dma_start3A_46 = arith.constant 0 : i32
    %dma_start3A_47 = tpu.memref_slice %arg8[%dma_start3A_43, %dma_start3A_45, %dma_start3A_46] : memref<3x80x128xf32, #tpu.memory_space<vmem>> -> memref<1x80x128xf32, #tpu.memory_space<vmem>>
    %dma_start3A_48 = tpu.memref_squeeze %dma_start3A_47 : memref<1x80x128xf32, #tpu.memory_space<vmem>> -> memref<80x128xf32, #tpu.memory_space<vmem>>
    %dma_start3A_49 = arith.constant 80 : i32
    %dma_start3A_50 = tpu.memref_slice %arg6[%dma_start3A_49] : memref<10000xi32, #tpu.memory_space<vmem>> -> memref<80xi32, #tpu.memory_space<vmem>>
    %dma_start3A_51 = arith.constant 0 : i32
    %dma_start3A_52 = arith.constant 0 : i32
    %dma_start3A_53 = tpu.memref_slice %arg2[%dma_start3A_51, %dma_start3A_52] : memref<10000x128xf32, #tpu.memory_space<hbm>> -> memref<10000x128xf32, #tpu.memory_space<hbm>>
    %dma_start3A_54 = tpu.memref_slice %arg11[%dma_start3A_44] : memref<3x!tpu.dma_semaphore, #tpu.memory_space<semaphore_mem>> -> memref<1x!tpu.dma_semaphore, #tpu.memory_space<semaphore_mem>>
    %dma_start3A_55 = tpu.memref_squeeze %dma_start3A_54 : memref<1x!tpu.dma_semaphore, #tpu.memory_space<semaphore_mem>> -> memref<!tpu.dma_semaphore, #tpu.memory_space<semaphore_mem>>
    tpu.enqueue_indirect_dma source(%dma_start3A_53 : memref<10000x128xf32, #tpu.memory_space<hbm>>) target(%dma_start3A_48 : memref<80x128xf32, #tpu.memory_space<vmem>>) offsets(%dma_start3A_50 : memref<80xi32, #tpu.memory_space<vmem>>) semaphore(%dma_start3A_55 : memref<!tpu.dma_semaphore, #tpu.memory_space<semaphore_mem>>)
    %add3A_56 = arith.constant 160 : i32
    %add3A_57 = arith.addi %mul3A_2, %add3A_56 : i32
    %dma_start3A_58 = arith.constant 2 : i32
    %dma_start3A_59 = arith.constant 2 : i32
    %dma_start3A_60 = arith.constant 0 : i32
    %dma_start3A_61 = tpu.memref_slice %arg7[%dma_start3A_58, %dma_start3A_60] : memref<3x80xi32, #tpu.memory_space<vmem>> -> memref<1x80xi32, #tpu.memory_space<vmem>>
    %dma_start3A_62 = tpu.memref_squeeze %dma_start3A_61 : memref<1x80xi32, #tpu.memory_space<vmem>> -> memref<80xi32, #tpu.memory_space<vmem>>
    %dma_start3A_63 = tpu.memref_slice %arg4[%add3A_57] : memref<320000xi32, #tpu.memory_space<hbm>> -> memref<80xi32, #tpu.memory_space<hbm>>
    %dma_start3A_64 = tpu.memref_slice %arg12[%dma_start3A_59] : memref<3x!tpu.dma_semaphore, #tpu.memory_space<semaphore_mem>> -> memref<1x!tpu.dma_semaphore, #tpu.memory_space<semaphore_mem>>
    %dma_start3A_65 = tpu.memref_squeeze %dma_start3A_64 : memref<1x!tpu.dma_semaphore, #tpu.memory_space<semaphore_mem>> -> memref<!tpu.dma_semaphore, #tpu.memory_space<semaphore_mem>>
    %dma_start3A_66 = arith.constant 0 : i32
    %dma_start3A_67 = tpu.memref_slice %arg7[%dma_start3A_58, %dma_start3A_66] : memref<3x80xi32, #tpu.memory_space<vmem>> -> memref<1x80xi32, #tpu.memory_space<vmem>>
    %dma_start3A_68 = tpu.memref_squeeze %dma_start3A_67 : memref<1x80xi32, #tpu.memory_space<vmem>> -> memref<80xi32, #tpu.memory_space<vmem>>
    %dma_start3A_69 = tpu.memref_slice %arg4[%add3A_57] : memref<320000xi32, #tpu.memory_space<hbm>> -> memref<80xi32, #tpu.memory_space<hbm>>
    tpu.enqueue_dma source(%dma_start3A_69 : memref<80xi32, #tpu.memory_space<hbm>>) target(%dma_start3A_68 : memref<80xi32, #tpu.memory_space<vmem>>) target_semaphore(%dma_start3A_65 : memref<!tpu.dma_semaphore, #tpu.memory_space<semaphore_mem>>)
    %dma_start3A_70 = arith.constant 2 : i32
    %dma_start3A_71 = arith.constant 2 : i32
    %dma_start3A_72 = arith.constant 0 : i32
    %dma_start3A_73 = arith.constant 0 : i32
    %dma_start3A_74 = tpu.memref_slice %arg8[%dma_start3A_70, %dma_start3A_72, %dma_start3A_73] : memref<3x80x128xf32, #tpu.memory_space<vmem>> -> memref<1x80x128xf32, #tpu.memory_space<vmem>>
    %dma_start3A_75 = tpu.memref_squeeze %dma_start3A_74 : memref<1x80x128xf32, #tpu.memory_space<vmem>> -> memref<80x128xf32, #tpu.memory_space<vmem>>
    %dma_start3A_76 = arith.constant 160 : i32
    %dma_start3A_77 = tpu.memref_slice %arg6[%dma_start3A_76] : memref<10000xi32, #tpu.memory_space<vmem>> -> memref<80xi32, #tpu.memory_space<vmem>>
    %dma_start3A_78 = arith.constant 0 : i32
    %dma_start3A_79 = arith.constant 0 : i32
    %dma_start3A_80 = tpu.memref_slice %arg2[%dma_start3A_78, %dma_start3A_79] : memref<10000x128xf32, #tpu.memory_space<hbm>> -> memref<10000x128xf32, #tpu.memory_space<hbm>>
    %dma_start3A_81 = tpu.memref_slice %arg11[%dma_start3A_71] : memref<3x!tpu.dma_semaphore, #tpu.memory_space<semaphore_mem>> -> memref<1x!tpu.dma_semaphore, #tpu.memory_space<semaphore_mem>>
    %dma_start3A_82 = tpu.memref_squeeze %dma_start3A_81 : memref<1x!tpu.dma_semaphore, #tpu.memory_space<semaphore_mem>> -> memref<!tpu.dma_semaphore, #tpu.memory_space<semaphore_mem>>
    tpu.enqueue_indirect_dma source(%dma_start3A_80 : memref<10000x128xf32, #tpu.memory_space<hbm>>) target(%dma_start3A_75 : memref<80x128xf32, #tpu.memory_space<vmem>>) offsets(%dma_start3A_77 : memref<80xi32, #tpu.memory_space<vmem>>) semaphore(%dma_start3A_82 : memref<!tpu.dma_semaphore, #tpu.memory_space<semaphore_mem>>)
    %scan3A = arith.constant 0 : i32
    %scan3A_83 = arith.constant 0 : i32
    %scan3A_84 = arith.constant 48 : i32
    %scan3A_85 = arith.addi %scan3A_83, %scan3A_84 : i32
    %scan3A_86 = arith.constant 1 : i32
    scf.for %scan3A_224 = %scan3A_83 to %scan3A_85 step %scan3A_86  : i32 {
      %broadcast_in_dim3A = arith.constant 0.000000e+00 : f32
      %broadcast_in_dim3A_225 = vector.broadcast %broadcast_in_dim3A : f32 to vector<16xf32>
      %swap3A = arith.index_cast %scan3A_224 : i32 to index
      %swap3A_226 = arith.constant 0 : index
      %swap3A_227 = tpu.vector_load %arg9[%swap3A, %swap3A_226] {strides = array<i32>} : memref<48x128xf32, #tpu.memory_space<vmem>>, vector<1x16xf32>,
      %swap3A_228 = vector.shape_cast %swap3A_227 : vector<1x16xf32> to vector<16xf32>
      %swap3A_229 = vector.shape_cast %broadcast_in_dim3A_225 : vector<16xf32> to vector<1x16xf32>
      tpu.vector_store %arg9[%swap3A, %swap3A_226], %swap3A_229 {strides = array<i32>} : memref<48x128xf32, #tpu.memory_space<vmem>>, vector<1x16xf32>,
      %broadcast_in_dim3A_230 = arith.constant 0.000000e+00 : f32
      %broadcast_in_dim3A_231 = vector.broadcast %broadcast_in_dim3A_230 : f32 to vector<16xf32>
      %swap3A_232 = arith.index_cast %scan3A_224 : i32 to index
      %swap3A_233 = arith.constant 16 : index
      %swap3A_234 = tpu.vector_load %arg9[%swap3A_232, %swap3A_233] {strides = array<i32>} : memref<48x128xf32, #tpu.memory_space<vmem>>, vector<1x16xf32>,
      %swap3A_235 = vector.shape_cast %swap3A_234 : vector<1x16xf32> to vector<16xf32>
      %swap3A_236 = vector.shape_cast %broadcast_in_dim3A_231 : vector<16xf32> to vector<1x16xf32>
      tpu.vector_store %arg9[%swap3A_232, %swap3A_233], %swap3A_236 {strides = array<i32>} : memref<48x128xf32, #tpu.memory_space<vmem>>, vector<1x16xf32>,
      %broadcast_in_dim3A_237 = arith.constant 0.000000e+00 : f32
      %broadcast_in_dim3A_238 = vector.broadcast %broadcast_in_dim3A_237 : f32 to vector<16xf32>
      %swap3A_239 = arith.index_cast %scan3A_224 : i32 to index
      %swap3A_240 = arith.constant 32 : index
      %swap3A_241 = tpu.vector_load %arg9[%swap3A_239, %swap3A_240] {strides = array<i32>} : memref<48x128xf32, #tpu.memory_space<vmem>>, vector<1x16xf32>,
      %swap3A_242 = vector.shape_cast %swap3A_241 : vector<1x16xf32> to vector<16xf32>
      %swap3A_243 = vector.shape_cast %broadcast_in_dim3A_238 : vector<16xf32> to vector<1x16xf32>
      tpu.vector_store %arg9[%swap3A_239, %swap3A_240], %swap3A_243 {strides = array<i32>} : memref<48x128xf32, #tpu.memory_space<vmem>>, vector<1x16xf32>,
      %broadcast_in_dim3A_244 = arith.constant 0.000000e+00 : f32
      %broadcast_in_dim3A_245 = vector.broadcast %broadcast_in_dim3A_244 : f32 to vector<16xf32>
      %swap3A_246 = arith.index_cast %scan3A_224 : i32 to index
      %swap3A_247 = arith.constant 48 : index
      %swap3A_248 = tpu.vector_load %arg9[%swap3A_246, %swap3A_247] {strides = array<i32>} : memref<48x128xf32, #tpu.memory_space<vmem>>, vector<1x16xf32>,
      %swap3A_249 = vector.shape_cast %swap3A_248 : vector<1x16xf32> to vector<16xf32>
      %swap3A_250 = vector.shape_cast %broadcast_in_dim3A_245 : vector<16xf32> to vector<1x16xf32>
      tpu.vector_store %arg9[%swap3A_246, %swap3A_247], %swap3A_250 {strides = array<i32>} : memref<48x128xf32, #tpu.memory_space<vmem>>, vector<1x16xf32>,
      %broadcast_in_dim3A_251 = arith.constant 0.000000e+00 : f32
      %broadcast_in_dim3A_252 = vector.broadcast %broadcast_in_dim3A_251 : f32 to vector<16xf32>
      %swap3A_253 = arith.index_cast %scan3A_224 : i32 to index
      %swap3A_254 = arith.constant 64 : index
      %swap3A_255 = tpu.vector_load %arg9[%swap3A_253, %swap3A_254] {strides = array<i32>} : memref<48x128xf32, #tpu.memory_space<vmem>>, vector<1x16xf32>,
      %swap3A_256 = vector.shape_cast %swap3A_255 : vector<1x16xf32> to vector<16xf32>
      %swap3A_257 = vector.shape_cast %broadcast_in_dim3A_252 : vector<16xf32> to vector<1x16xf32>
      tpu.vector_store %arg9[%swap3A_253, %swap3A_254], %swap3A_257 {strides = array<i32>} : memref<48x128xf32, #tpu.memory_space<vmem>>, vector<1x16xf32>,
      %broadcast_in_dim3A_258 = arith.constant 0.000000e+00 : f32
      %broadcast_in_dim3A_259 = vector.broadcast %broadcast_in_dim3A_258 : f32 to vector<16xf32>
      %swap3A_260 = arith.index_cast %scan3A_224 : i32 to index
      %swap3A_261 = arith.constant 80 : index
      %swap3A_262 = tpu.vector_load %arg9[%swap3A_260, %swap3A_261] {strides = array<i32>} : memref<48x128xf32, #tpu.memory_space<vmem>>, vector<1x16xf32>,
      %swap3A_263 = vector.shape_cast %swap3A_262 : vector<1x16xf32> to vector<16xf32>
      %swap3A_264 = vector.shape_cast %broadcast_in_dim3A_259 : vector<16xf32> to vector<1x16xf32>
      tpu.vector_store %arg9[%swap3A_260, %swap3A_261], %swap3A_264 {strides = array<i32>} : memref<48x128xf32, #tpu.memory_space<vmem>>, vector<1x16xf32>,
      %broadcast_in_dim3A_265 = arith.constant 0.000000e+00 : f32
      %broadcast_in_dim3A_266 = vector.broadcast %broadcast_in_dim3A_265 : f32 to vector<16xf32>
      %swap3A_267 = arith.index_cast %scan3A_224 : i32 to index
      %swap3A_268 = arith.constant 96 : index
      %swap3A_269 = tpu.vector_load %arg9[%swap3A_267, %swap3A_268] {strides = array<i32>} : memref<48x128xf32, #tpu.memory_space<vmem>>, vector<1x16xf32>,
      %swap3A_270 = vector.shape_cast %swap3A_269 : vector<1x16xf32> to vector<16xf32>
      %swap3A_271 = vector.shape_cast %broadcast_in_dim3A_266 : vector<16xf32> to vector<1x16xf32>
      tpu.vector_store %arg9[%swap3A_267, %swap3A_268], %swap3A_271 {strides = array<i32>} : memref<48x128xf32, #tpu.memory_space<vmem>>, vector<1x16xf32>,
      %broadcast_in_dim3A_272 = arith.constant 0.000000e+00 : f32
      %broadcast_in_dim3A_273 = vector.broadcast %broadcast_in_dim3A_272 : f32 to vector<16xf32>
      %swap3A_274 = arith.index_cast %scan3A_224 : i32 to index
      %swap3A_275 = arith.constant 112 : index
      %swap3A_276 = tpu.vector_load %arg9[%swap3A_274, %swap3A_275] {strides = array<i32>} : memref<48x128xf32, #tpu.memory_space<vmem>>, vector<1x16xf32>,
      %swap3A_277 = vector.shape_cast %swap3A_276 : vector<1x16xf32> to vector<16xf32>
      %swap3A_278 = vector.shape_cast %broadcast_in_dim3A_273 : vector<16xf32> to vector<1x16xf32>
      tpu.vector_store %arg9[%swap3A_274, %swap3A_275], %swap3A_278 {strides = array<i32>} : memref<48x128xf32, #tpu.memory_space<vmem>>, vector<1x16xf32>,
    }
    %scan3A_87 = arith.constant 48 : i32
    %mul3A_88 = arith.constant 624 : i32
    %mul3A_89 = arith.muli %arg1, %mul3A_88 : i32
    %add3A_90 = arith.constant 0 : i32
    %add3A_91 = arith.addi %mul3A_89, %add3A_90 : i32
    "tpu.region"() ({
      %run_scoped3A_224 = tpu.sem_alloc : memref<!tpu.dma_semaphore, #tpu.memory_space<semaphore_mem>>
      %dma_start3A_225 = arith.constant 0 : i32
      %dma_start3A_226 = tpu.memref_slice %arg10[%add3A_91, %dma_start3A_225] : memref<10000x128xf32, #tpu.memory_space<vmem_shared>> -> memref<48x128xf32, #tpu.memory_space<vmem_shared>>
      %dma_start3A_227 = arith.constant 0 : i32
      %dma_start3A_228 = tpu.memref_slice %arg10[%add3A_91, %dma_start3A_227] : memref<10000x128xf32, #tpu.memory_space<vmem_shared>> -> memref<48x128xf32, #tpu.memory_space<vmem_shared>>
      tpu.enqueue_dma source(%arg9 : memref<48x128xf32, #tpu.memory_space<vmem>>) target(%dma_start3A_228 : memref<48x128xf32, #tpu.memory_space<vmem_shared>>) target_semaphore(%run_scoped3A_224 : memref<!tpu.dma_semaphore, #tpu.memory_space<semaphore_mem>>)
      %dma_wait3A_229 = arith.constant 0 : i32
      %dma_wait3A_230 = tpu.memref_slice %arg10[%add3A_91, %dma_wait3A_229] : memref<10000x128xf32, #tpu.memory_space<vmem_shared>> -> memref<48x128xf32, #tpu.memory_space<vmem_shared>>
      %dma_wait3A_231 = arith.constant 0 : i32
      %dma_wait3A_232 = tpu.memref_slice %arg10[%add3A_91, %dma_wait3A_231] : memref<10000x128xf32, #tpu.memory_space<vmem_shared>> -> memref<48x128xf32, #tpu.memory_space<vmem_shared>>
      tpu.wait_dma2 semaphore(%run_scoped3A_224 : memref<!tpu.dma_semaphore, #tpu.memory_space<semaphore_mem>>) src(%arg9 : memref<48x128xf32, #tpu.memory_space<vmem>>) dst(%dma_wait3A_232 : memref<48x128xf32, #tpu.memory_space<vmem_shared>>)
      tpu.yield
    }) : () -> ()
    %mul3A_92 = arith.constant 624 : i32
    %mul3A_93 = arith.muli %arg1, %mul3A_92 : i32
    %add3A_94 = arith.constant 48 : i32
    %add3A_95 = arith.addi %mul3A_93, %add3A_94 : i32
    "tpu.region"() ({
      %run_scoped3A_224 = tpu.sem_alloc : memref<!tpu.dma_semaphore, #tpu.memory_space<semaphore_mem>>
      %dma_start3A_225 = arith.constant 0 : i32
      %dma_start3A_226 = tpu.memref_slice %arg10[%add3A_95, %dma_start3A_225] : memref<10000x128xf32, #tpu.memory_space<vmem_shared>> -> memref<48x128xf32, #tpu.memory_space<vmem_shared>>
      %dma_start3A_227 = arith.constant 0 : i32
      %dma_start3A_228 = tpu.memref_slice %arg10[%add3A_95, %dma_start3A_227] : memref<10000x128xf32, #tpu.memory_space<vmem_shared>> -> memref<48x128xf32, #tpu.memory_space<vmem_shared>>
      tpu.enqueue_dma source(%arg9 : memref<48x128xf32, #tpu.memory_space<vmem>>) target(%dma_start3A_228 : memref<48x128xf32, #tpu.memory_space<vmem_shared>>) target_semaphore(%run_scoped3A_224 : memref<!tpu.dma_semaphore, #tpu.memory_space<semaphore_mem>>)
      %dma_wait3A_229 = arith.constant 0 : i32
      %dma_wait3A_230 = tpu.memref_slice %arg10[%add3A_95, %dma_wait3A_229] : memref<10000x128xf32, #tpu.memory_space<vmem_shared>> -> memref<48x128xf32, #tpu.memory_space<vmem_shared>>
      %dma_wait3A_231 = arith.constant 0 : i32
      %dma_wait3A_232 = tpu.memref_slice %arg10[%add3A_95, %dma_wait3A_231] : memref<10000x128xf32, #tpu.memory_space<vmem_shared>> -> memref<48x128xf32, #tpu.memory_space<vmem_shared>>
      tpu.wait_dma2 semaphore(%run_scoped3A_224 : memref<!tpu.dma_semaphore, #tpu.memory_space<semaphore_mem>>) src(%arg9 : memref<48x128xf32, #tpu.memory_space<vmem>>) dst(%dma_wait3A_232 : memref<48x128xf32, #tpu.memory_space<vmem_shared>>)
      tpu.yield
    }) : () -> ()
    %mul3A_96 = arith.constant 624 : i32
    %mul3A_97 = arith.muli %arg1, %mul3A_96 : i32
    %add3A_98 = arith.constant 96 : i32
    %add3A_99 = arith.addi %mul3A_97, %add3A_98 : i32
    "tpu.region"() ({
      %run_scoped3A_224 = tpu.sem_alloc : memref<!tpu.dma_semaphore, #tpu.memory_space<semaphore_mem>>
      %dma_start3A_225 = arith.constant 0 : i32
      %dma_start3A_226 = tpu.memref_slice %arg10[%add3A_99, %dma_start3A_225] : memref<10000x128xf32, #tpu.memory_space<vmem_shared>> -> memref<48x128xf32, #tpu.memory_space<vmem_shared>>
      %dma_start3A_227 = arith.constant 0 : i32
      %dma_start3A_228 = tpu.memref_slice %arg10[%add3A_99, %dma_start3A_227] : memref<10000x128xf32, #tpu.memory_space<vmem_shared>> -> memref<48x128xf32, #tpu.memory_space<vmem_shared>>
      tpu.enqueue_dma source(%arg9 : memref<48x128xf32, #tpu.memory_space<vmem>>) target(%dma_start3A_228 : memref<48x128xf32, #tpu.memory_space<vmem_shared>>) target_semaphore(%run_scoped3A_224 : memref<!tpu.dma_semaphore, #tpu.memory_space<semaphore_mem>>)
      %dma_wait3A_229 = arith.constant 0 : i32
      %dma_wait3A_230 = tpu.memref_slice %arg10[%add3A_99, %dma_wait3A_229] : memref<10000x128xf32, #tpu.memory_space<vmem_shared>> -> memref<48x128xf32, #tpu.memory_space<vmem_shared>>
      %dma_wait3A_231 = arith.constant 0 : i32
      %dma_wait3A_232 = tpu.memref_slice %arg10[%add3A_99, %dma_wait3A_231] : memref<10000x128xf32, #tpu.memory_space<vmem_shared>> -> memref<48x128xf32, #tpu.memory_space<vmem_shared>>
      tpu.wait_dma2 semaphore(%run_scoped3A_224 : memref<!tpu.dma_semaphore, #tpu.memory_space<semaphore_mem>>) src(%arg9 : memref<48x128xf32, #tpu.memory_space<vmem>>) dst(%dma_wait3A_232 : memref<48x128xf32, #tpu.memory_space<vmem_shared>>)
      tpu.yield
    }) : () -> ()
    %mul3A_100 = arith.constant 624 : i32
    %mul3A_101 = arith.muli %arg1, %mul3A_100 : i32
    %add3A_102 = arith.constant 144 : i32
    %add3A_103 = arith.addi %mul3A_101, %add3A_102 : i32
    "tpu.region"() ({
      %run_scoped3A_224 = tpu.sem_alloc : memref<!tpu.dma_semaphore, #tpu.memory_space<semaphore_mem>>
      %dma_start3A_225 = arith.constant 0 : i32
      %dma_start3A_226 = tpu.memref_slice %arg10[%add3A_103, %dma_start3A_225] : memref<10000x128xf32, #tpu.memory_space<vmem_shared>> -> memref<48x128xf32, #tpu.memory_space<vmem_shared>>
      %dma_start3A_227 = arith.constant 0 : i32
      %dma_start3A_228 = tpu.memref_slice %arg10[%add3A_103, %dma_start3A_227] : memref<10000x128xf32, #tpu.memory_space<vmem_shared>> -> memref<48x128xf32, #tpu.memory_space<vmem_shared>>
      tpu.enqueue_dma source(%arg9 : memref<48x128xf32, #tpu.memory_space<vmem>>) target(%dma_start3A_228 : memref<48x128xf32, #tpu.memory_space<vmem_shared>>) target_semaphore(%run_scoped3A_224 : memref<!tpu.dma_semaphore, #tpu.memory_space<semaphore_mem>>)
      %dma_wait3A_229 = arith.constant 0 : i32
      %dma_wait3A_230 = tpu.memref_slice %arg10[%add3A_103, %dma_wait3A_229] : memref<10000x128xf32, #tpu.memory_space<vmem_shared>> -> memref<48x128xf32, #tpu.memory_space<vmem_shared>>
      %dma_wait3A_231 = arith.constant 0 : i32
      %dma_wait3A_232 = tpu.memref_slice %arg10[%add3A_103, %dma_wait3A_231] : memref<10000x128xf32, #tpu.memory_space<vmem_shared>> -> memref<48x128xf32, #tpu.memory_space<vmem_shared>>
      tpu.wait_dma2 semaphore(%run_scoped3A_224 : memref<!tpu.dma_semaphore, #tpu.memory_space<semaphore_mem>>) src(%arg9 : memref<48x128xf32, #tpu.memory_space<vmem>>) dst(%dma_wait3A_232 : memref<48x128xf32, #tpu.memory_space<vmem_shared>>)
      tpu.yield
    }) : () -> ()
    %mul3A_104 = arith.constant 624 : i32
    %mul3A_105 = arith.muli %arg1, %mul3A_104 : i32
    %add3A_106 = arith.constant 192 : i32
    %add3A_107 = arith.addi %mul3A_105, %add3A_106 : i32
    "tpu.region"() ({
      %run_scoped3A_224 = tpu.sem_alloc : memref<!tpu.dma_semaphore, #tpu.memory_space<semaphore_mem>>
      %dma_start3A_225 = arith.constant 0 : i32
      %dma_start3A_226 = tpu.memref_slice %arg10[%add3A_107, %dma_start3A_225] : memref<10000x128xf32, #tpu.memory_space<vmem_shared>> -> memref<48x128xf32, #tpu.memory_space<vmem_shared>>
      %dma_start3A_227 = arith.constant 0 : i32
      %dma_start3A_228 = tpu.memref_slice %arg10[%add3A_107, %dma_start3A_227] : memref<10000x128xf32, #tpu.memory_space<vmem_shared>> -> memref<48x128xf32, #tpu.memory_space<vmem_shared>>
      tpu.enqueue_dma source(%arg9 : memref<48x128xf32, #tpu.memory_space<vmem>>) target(%dma_start3A_228 : memref<48x128xf32, #tpu.memory_space<vmem_shared>>) target_semaphore(%run_scoped3A_224 : memref<!tpu.dma_semaphore, #tpu.memory_space<semaphore_mem>>)
      %dma_wait3A_229 = arith.constant 0 : i32
      %dma_wait3A_230 = tpu.memref_slice %arg10[%add3A_107, %dma_wait3A_229] : memref<10000x128xf32, #tpu.memory_space<vmem_shared>> -> memref<48x128xf32, #tpu.memory_space<vmem_shared>>
      %dma_wait3A_231 = arith.constant 0 : i32
      %dma_wait3A_232 = tpu.memref_slice %arg10[%add3A_107, %dma_wait3A_231] : memref<10000x128xf32, #tpu.memory_space<vmem_shared>> -> memref<48x128xf32, #tpu.memory_space<vmem_shared>>
      tpu.wait_dma2 semaphore(%run_scoped3A_224 : memref<!tpu.dma_semaphore, #tpu.memory_space<semaphore_mem>>) src(%arg9 : memref<48x128xf32, #tpu.memory_space<vmem>>) dst(%dma_wait3A_232 : memref<48x128xf32, #tpu.memory_space<vmem_shared>>)
      tpu.yield
    }) : () -> ()
    %mul3A_108 = arith.constant 624 : i32
    %mul3A_109 = arith.muli %arg1, %mul3A_108 : i32
    %add3A_110 = arith.constant 240 : i32
    %add3A_111 = arith.addi %mul3A_109, %add3A_110 : i32
    "tpu.region"() ({
      %run_scoped3A_224 = tpu.sem_alloc : memref<!tpu.dma_semaphore, #tpu.memory_space<semaphore_mem>>
      %dma_start3A_225 = arith.constant 0 : i32
      %dma_start3A_226 = tpu.memref_slice %arg10[%add3A_111, %dma_start3A_225] : memref<10000x128xf32, #tpu.memory_space<vmem_shared>> -> memref<48x128xf32, #tpu.memory_space<vmem_shared>>
      %dma_start3A_227 = arith.constant 0 : i32
      %dma_start3A_228 = tpu.memref_slice %arg10[%add3A_111, %dma_start3A_227] : memref<10000x128xf32, #tpu.memory_space<vmem_shared>> -> memref<48x128xf32, #tpu.memory_space<vmem_shared>>
      tpu.enqueue_dma source(%arg9 : memref<48x128xf32, #tpu.memory_space<vmem>>) target(%dma_start3A_228 : memref<48x128xf32, #tpu.memory_space<vmem_shared>>) target_semaphore(%run_scoped3A_224 : memref<!tpu.dma_semaphore, #tpu.memory_space<semaphore_mem>>)
      %dma_wait3A_229 = arith.constant 0 : i32
      %dma_wait3A_230 = tpu.memref_slice %arg10[%add3A_111, %dma_wait3A_229] : memref<10000x128xf32, #tpu.memory_space<vmem_shared>> -> memref<48x128xf32, #tpu.memory_space<vmem_shared>>
      %dma_wait3A_231 = arith.constant 0 : i32
      %dma_wait3A_232 = tpu.memref_slice %arg10[%add3A_111, %dma_wait3A_231] : memref<10000x128xf32, #tpu.memory_space<vmem_shared>> -> memref<48x128xf32, #tpu.memory_space<vmem_shared>>
      tpu.wait_dma2 semaphore(%run_scoped3A_224 : memref<!tpu.dma_semaphore, #tpu.memory_space<semaphore_mem>>) src(%arg9 : memref<48x128xf32, #tpu.memory_space<vmem>>) dst(%dma_wait3A_232 : memref<48x128xf32, #tpu.memory_space<vmem_shared>>)
      tpu.yield
    }) : () -> ()
    %mul3A_112 = arith.constant 624 : i32
    %mul3A_113 = arith.muli %arg1, %mul3A_112 : i32
    %add3A_114 = arith.constant 288 : i32
    %add3A_115 = arith.addi %mul3A_113, %add3A_114 : i32
    "tpu.region"() ({
      %run_scoped3A_224 = tpu.sem_alloc : memref<!tpu.dma_semaphore, #tpu.memory_space<semaphore_mem>>
      %dma_start3A_225 = arith.constant 0 : i32
      %dma_start3A_226 = tpu.memref_slice %arg10[%add3A_115, %dma_start3A_225] : memref<10000x128xf32, #tpu.memory_space<vmem_shared>> -> memref<48x128xf32, #tpu.memory_space<vmem_shared>>
      %dma_start3A_227 = arith.constant 0 : i32
      %dma_start3A_228 = tpu.memref_slice %arg10[%add3A_115, %dma_start3A_227] : memref<10000x128xf32, #tpu.memory_space<vmem_shared>> -> memref<48x128xf32, #tpu.memory_space<vmem_shared>>
      tpu.enqueue_dma source(%arg9 : memref<48x128xf32, #tpu.memory_space<vmem>>) target(%dma_start3A_228 : memref<48x128xf32, #tpu.memory_space<vmem_shared>>) target_semaphore(%run_scoped3A_224 : memref<!tpu.dma_semaphore, #tpu.memory_space<semaphore_mem>>)
      %dma_wait3A_229 = arith.constant 0 : i32
      %dma_wait3A_230 = tpu.memref_slice %arg10[%add3A_115, %dma_wait3A_229] : memref<10000x128xf32, #tpu.memory_space<vmem_shared>> -> memref<48x128xf32, #tpu.memory_space<vmem_shared>>
      %dma_wait3A_231 = arith.constant 0 : i32
      %dma_wait3A_232 = tpu.memref_slice %arg10[%add3A_115, %dma_wait3A_231] : memref<10000x128xf32, #tpu.memory_space<vmem_shared>> -> memref<48x128xf32, #tpu.memory_space<vmem_shared>>
      tpu.wait_dma2 semaphore(%run_scoped3A_224 : memref<!tpu.dma_semaphore, #tpu.memory_space<semaphore_mem>>) src(%arg9 : memref<48x128xf32, #tpu.memory_space<vmem>>) dst(%dma_wait3A_232 : memref<48x128xf32, #tpu.memory_space<vmem_shared>>)
      tpu.yield
    }) : () -> ()
    %mul3A_116 = arith.constant 624 : i32
    %mul3A_117 = arith.muli %arg1, %mul3A_116 : i32
    %add3A_118 = arith.constant 336 : i32
    %add3A_119 = arith.addi %mul3A_117, %add3A_118 : i32
    "tpu.region"() ({
      %run_scoped3A_224 = tpu.sem_alloc : memref<!tpu.dma_semaphore, #tpu.memory_space<semaphore_mem>>
      %dma_start3A_225 = arith.constant 0 : i32
      %dma_start3A_226 = tpu.memref_slice %arg10[%add3A_119, %dma_start3A_225] : memref<10000x128xf32, #tpu.memory_space<vmem_shared>> -> memref<48x128xf32, #tpu.memory_space<vmem_shared>>
      %dma_start3A_227 = arith.constant 0 : i32
      %dma_start3A_228 = tpu.memref_slice %arg10[%add3A_119, %dma_start3A_227] : memref<10000x128xf32, #tpu.memory_space<vmem_shared>> -> memref<48x128xf32, #tpu.memory_space<vmem_shared>>
      tpu.enqueue_dma source(%arg9 : memref<48x128xf32, #tpu.memory_space<vmem>>) target(%dma_start3A_228 : memref<48x128xf32, #tpu.memory_space<vmem_shared>>) target_semaphore(%run_scoped3A_224 : memref<!tpu.dma_semaphore, #tpu.memory_space<semaphore_mem>>)
      %dma_wait3A_229 = arith.constant 0 : i32
      %dma_wait3A_230 = tpu.memref_slice %arg10[%add3A_119, %dma_wait3A_229] : memref<10000x128xf32, #tpu.memory_space<vmem_shared>> -> memref<48x128xf32, #tpu.memory_space<vmem_shared>>
      %dma_wait3A_231 = arith.constant 0 : i32
      %dma_wait3A_232 = tpu.memref_slice %arg10[%add3A_119, %dma_wait3A_231] : memref<10000x128xf32, #tpu.memory_space<vmem_shared>> -> memref<48x128xf32, #tpu.memory_space<vmem_shared>>
      tpu.wait_dma2 semaphore(%run_scoped3A_224 : memref<!tpu.dma_semaphore, #tpu.memory_space<semaphore_mem>>) src(%arg9 : memref<48x128xf32, #tpu.memory_space<vmem>>) dst(%dma_wait3A_232 : memref<48x128xf32, #tpu.memory_space<vmem_shared>>)
      tpu.yield
    }) : () -> ()
    %mul3A_120 = arith.constant 624 : i32
    %mul3A_121 = arith.muli %arg1, %mul3A_120 : i32
    %add3A_122 = arith.constant 384 : i32
    %add3A_123 = arith.addi %mul3A_121, %add3A_122 : i32
    "tpu.region"() ({
      %run_scoped3A_224 = tpu.sem_alloc : memref<!tpu.dma_semaphore, #tpu.memory_space<semaphore_mem>>
      %dma_start3A_225 = arith.constant 0 : i32
      %dma_start3A_226 = tpu.memref_slice %arg10[%add3A_123, %dma_start3A_225] : memref<10000x128xf32, #tpu.memory_space<vmem_shared>> -> memref<48x128xf32, #tpu.memory_space<vmem_shared>>
      %dma_start3A_227 = arith.constant 0 : i32
      %dma_start3A_228 = tpu.memref_slice %arg10[%add3A_123, %dma_start3A_227] : memref<10000x128xf32, #tpu.memory_space<vmem_shared>> -> memref<48x128xf32, #tpu.memory_space<vmem_shared>>
      tpu.enqueue_dma source(%arg9 : memref<48x128xf32, #tpu.memory_space<vmem>>) target(%dma_start3A_228 : memref<48x128xf32, #tpu.memory_space<vmem_shared>>) target_semaphore(%run_scoped3A_224 : memref<!tpu.dma_semaphore, #tpu.memory_space<semaphore_mem>>)
      %dma_wait3A_229 = arith.constant 0 : i32
      %dma_wait3A_230 = tpu.memref_slice %arg10[%add3A_123, %dma_wait3A_229] : memref<10000x128xf32, #tpu.memory_space<vmem_shared>> -> memref<48x128xf32, #tpu.memory_space<vmem_shared>>
      %dma_wait3A_231 = arith.constant 0 : i32
      %dma_wait3A_232 = tpu.memref_slice %arg10[%add3A_123, %dma_wait3A_231] : memref<10000x128xf32, #tpu.memory_space<vmem_shared>> -> memref<48x128xf32, #tpu.memory_space<vmem_shared>>
      tpu.wait_dma2 semaphore(%run_scoped3A_224 : memref<!tpu.dma_semaphore, #tpu.memory_space<semaphore_mem>>) src(%arg9 : memref<48x128xf32, #tpu.memory_space<vmem>>) dst(%dma_wait3A_232 : memref<48x128xf32, #tpu.memory_space<vmem_shared>>)
      tpu.yield
    }) : () -> ()
    %mul3A_124 = arith.constant 624 : i32
    %mul3A_125 = arith.muli %arg1, %mul3A_124 : i32
    %add3A_126 = arith.constant 432 : i32
    %add3A_127 = arith.addi %mul3A_125, %add3A_126 : i32
    "tpu.region"() ({
      %run_scoped3A_224 = tpu.sem_alloc : memref<!tpu.dma_semaphore, #tpu.memory_space<semaphore_mem>>
      %dma_start3A_225 = arith.constant 0 : i32
      %dma_start3A_226 = tpu.memref_slice %arg10[%add3A_127, %dma_start3A_225] : memref<10000x128xf32, #tpu.memory_space<vmem_shared>> -> memref<48x128xf32, #tpu.memory_space<vmem_shared>>
      %dma_start3A_227 = arith.constant 0 : i32
      %dma_start3A_228 = tpu.memref_slice %arg10[%add3A_127, %dma_start3A_227] : memref<10000x128xf32, #tpu.memory_space<vmem_shared>> -> memref<48x128xf32, #tpu.memory_space<vmem_shared>>
      tpu.enqueue_dma source(%arg9 : memref<48x128xf32, #tpu.memory_space<vmem>>) target(%dma_start3A_228 : memref<48x128xf32, #tpu.memory_space<vmem_shared>>) target_semaphore(%run_scoped3A_224 : memref<!tpu.dma_semaphore, #tpu.memory_space<semaphore_mem>>)
      %dma_wait3A_229 = arith.constant 0 : i32
      %dma_wait3A_230 = tpu.memref_slice %arg10[%add3A_127, %dma_wait3A_229] : memref<10000x128xf32, #tpu.memory_space<vmem_shared>> -> memref<48x128xf32, #tpu.memory_space<vmem_shared>>
      %dma_wait3A_231 = arith.constant 0 : i32
      %dma_wait3A_232 = tpu.memref_slice %arg10[%add3A_127, %dma_wait3A_231] : memref<10000x128xf32, #tpu.memory_space<vmem_shared>> -> memref<48x128xf32, #tpu.memory_space<vmem_shared>>
      tpu.wait_dma2 semaphore(%run_scoped3A_224 : memref<!tpu.dma_semaphore, #tpu.memory_space<semaphore_mem>>) src(%arg9 : memref<48x128xf32, #tpu.memory_space<vmem>>) dst(%dma_wait3A_232 : memref<48x128xf32, #tpu.memory_space<vmem_shared>>)
      tpu.yield
    }) : () -> ()
    %mul3A_128 = arith.constant 624 : i32
    %mul3A_129 = arith.muli %arg1, %mul3A_128 : i32
    %add3A_130 = arith.constant 480 : i32
    %add3A_131 = arith.addi %mul3A_129, %add3A_130 : i32
    "tpu.region"() ({
      %run_scoped3A_224 = tpu.sem_alloc : memref<!tpu.dma_semaphore, #tpu.memory_space<semaphore_mem>>
      %dma_start3A_225 = arith.constant 0 : i32
      %dma_start3A_226 = tpu.memref_slice %arg10[%add3A_131, %dma_start3A_225] : memref<10000x128xf32, #tpu.memory_space<vmem_shared>> -> memref<48x128xf32, #tpu.memory_space<vmem_shared>>
      %dma_start3A_227 = arith.constant 0 : i32
      %dma_start3A_228 = tpu.memref_slice %arg10[%add3A_131, %dma_start3A_227] : memref<10000x128xf32, #tpu.memory_space<vmem_shared>> -> memref<48x128xf32, #tpu.memory_space<vmem_shared>>
      tpu.enqueue_dma source(%arg9 : memref<48x128xf32, #tpu.memory_space<vmem>>) target(%dma_start3A_228 : memref<48x128xf32, #tpu.memory_space<vmem_shared>>) target_semaphore(%run_scoped3A_224 : memref<!tpu.dma_semaphore, #tpu.memory_space<semaphore_mem>>)
      %dma_wait3A_229 = arith.constant 0 : i32
      %dma_wait3A_230 = tpu.memref_slice %arg10[%add3A_131, %dma_wait3A_229] : memref<10000x128xf32, #tpu.memory_space<vmem_shared>> -> memref<48x128xf32, #tpu.memory_space<vmem_shared>>
      %dma_wait3A_231 = arith.constant 0 : i32
      %dma_wait3A_232 = tpu.memref_slice %arg10[%add3A_131, %dma_wait3A_231] : memref<10000x128xf32, #tpu.memory_space<vmem_shared>> -> memref<48x128xf32, #tpu.memory_space<vmem_shared>>
      tpu.wait_dma2 semaphore(%run_scoped3A_224 : memref<!tpu.dma_semaphore, #tpu.memory_space<semaphore_mem>>) src(%arg9 : memref<48x128xf32, #tpu.memory_space<vmem>>) dst(%dma_wait3A_232 : memref<48x128xf32, #tpu.memory_space<vmem_shared>>)
      tpu.yield
    }) : () -> ()
    %mul3A_132 = arith.constant 624 : i32
    %mul3A_133 = arith.muli %arg1, %mul3A_132 : i32
    %add3A_134 = arith.constant 528 : i32
    %add3A_135 = arith.addi %mul3A_133, %add3A_134 : i32
    "tpu.region"() ({
      %run_scoped3A_224 = tpu.sem_alloc : memref<!tpu.dma_semaphore, #tpu.memory_space<semaphore_mem>>
      %dma_start3A_225 = arith.constant 0 : i32
      %dma_start3A_226 = tpu.memref_slice %arg10[%add3A_135, %dma_start3A_225] : memref<10000x128xf32, #tpu.memory_space<vmem_shared>> -> memref<48x128xf32, #tpu.memory_space<vmem_shared>>
      %dma_start3A_227 = arith.constant 0 : i32
      %dma_start3A_228 = tpu.memref_slice %arg10[%add3A_135, %dma_start3A_227] : memref<10000x128xf32, #tpu.memory_space<vmem_shared>> -> memref<48x128xf32, #tpu.memory_space<vmem_shared>>
      tpu.enqueue_dma source(%arg9 : memref<48x128xf32, #tpu.memory_space<vmem>>) target(%dma_start3A_228 : memref<48x128xf32, #tpu.memory_space<vmem_shared>>) target_semaphore(%run_scoped3A_224 : memref<!tpu.dma_semaphore, #tpu.memory_space<semaphore_mem>>)
      %dma_wait3A_229 = arith.constant 0 : i32
      %dma_wait3A_230 = tpu.memref_slice %arg10[%add3A_135, %dma_wait3A_229] : memref<10000x128xf32, #tpu.memory_space<vmem_shared>> -> memref<48x128xf32, #tpu.memory_space<vmem_shared>>
      %dma_wait3A_231 = arith.constant 0 : i32
      %dma_wait3A_232 = tpu.memref_slice %arg10[%add3A_135, %dma_wait3A_231] : memref<10000x128xf32, #tpu.memory_space<vmem_shared>> -> memref<48x128xf32, #tpu.memory_space<vmem_shared>>
      tpu.wait_dma2 semaphore(%run_scoped3A_224 : memref<!tpu.dma_semaphore, #tpu.memory_space<semaphore_mem>>) src(%arg9 : memref<48x128xf32, #tpu.memory_space<vmem>>) dst(%dma_wait3A_232 : memref<48x128xf32, #tpu.memory_space<vmem_shared>>)
      tpu.yield
    }) : () -> ()
    %mul3A_136 = arith.constant 624 : i32
    %mul3A_137 = arith.muli %arg1, %mul3A_136 : i32
    %add3A_138 = arith.constant 576 : i32
    %add3A_139 = arith.addi %mul3A_137, %add3A_138 : i32
    "tpu.region"() ({
      %run_scoped3A_224 = tpu.sem_alloc : memref<!tpu.dma_semaphore, #tpu.memory_space<semaphore_mem>>
      %dma_start3A_225 = arith.constant 0 : i32
      %dma_start3A_226 = tpu.memref_slice %arg10[%add3A_139, %dma_start3A_225] : memref<10000x128xf32, #tpu.memory_space<vmem_shared>> -> memref<48x128xf32, #tpu.memory_space<vmem_shared>>
      %dma_start3A_227 = arith.constant 0 : i32
      %dma_start3A_228 = tpu.memref_slice %arg10[%add3A_139, %dma_start3A_227] : memref<10000x128xf32, #tpu.memory_space<vmem_shared>> -> memref<48x128xf32, #tpu.memory_space<vmem_shared>>
      tpu.enqueue_dma source(%arg9 : memref<48x128xf32, #tpu.memory_space<vmem>>) target(%dma_start3A_228 : memref<48x128xf32, #tpu.memory_space<vmem_shared>>) target_semaphore(%run_scoped3A_224 : memref<!tpu.dma_semaphore, #tpu.memory_space<semaphore_mem>>)
      %dma_wait3A_229 = arith.constant 0 : i32
      %dma_wait3A_230 = tpu.memref_slice %arg10[%add3A_139, %dma_wait3A_229] : memref<10000x128xf32, #tpu.memory_space<vmem_shared>> -> memref<48x128xf32, #tpu.memory_space<vmem_shared>>
      %dma_wait3A_231 = arith.constant 0 : i32
      %dma_wait3A_232 = tpu.memref_slice %arg10[%add3A_139, %dma_wait3A_231] : memref<10000x128xf32, #tpu.memory_space<vmem_shared>> -> memref<48x128xf32, #tpu.memory_space<vmem_shared>>
      tpu.wait_dma2 semaphore(%run_scoped3A_224 : memref<!tpu.dma_semaphore, #tpu.memory_space<semaphore_mem>>) src(%arg9 : memref<48x128xf32, #tpu.memory_space<vmem>>) dst(%dma_wait3A_232 : memref<48x128xf32, #tpu.memory_space<vmem_shared>>)
      tpu.yield
    }) : () -> ()
    %eq3A = arith.constant 0 : i32
    %eq3A_140 = arith.cmpi eq, %arg1, %eq3A : i32
    %convert_element_type3A = arith.extui %eq3A_140 : i1 to i32
    %cond3A = arith.constant 0 : i32
    %cond3A_141 = arith.cmpi ne, %convert_element_type3A, %cond3A : i32
    scf.if %cond3A_141 {
      "tpu.region"() ({
        %run_scoped3A_224 = tpu.sem_alloc : memref<!tpu.dma_semaphore, #tpu.memory_space<semaphore_mem>>
        %dma_start3A_225 = arith.constant 0 : i32
        %dma_start3A_226 = arith.constant 0 : i32
        %dma_start3A_227 = tpu.memref_slice %arg9[%dma_start3A_225, %dma_start3A_226] : memref<48x128xf32, #tpu.memory_space<vmem>> -> memref<16x128xf32, #tpu.memory_space<vmem>>
        %dma_start3A_228 = arith.constant 9984 : i32
        %dma_start3A_229 = arith.constant 0 : i32
        %dma_start3A_230 = tpu.memref_slice %arg10[%dma_start3A_228, %dma_start3A_229] : memref<10000x128xf32, #tpu.memory_space<vmem_shared>> -> memref<16x128xf32, #tpu.memory_space<vmem_shared>>
        %dma_start3A_231 = arith.constant 9984 : i32
        %dma_start3A_232 = arith.constant 0 : i32
        %dma_start3A_233 = tpu.memref_slice %arg10[%dma_start3A_231, %dma_start3A_232] : memref<10000x128xf32, #tpu.memory_space<vmem_shared>> -> memref<16x128xf32, #tpu.memory_space<vmem_shared>>
        %dma_start3A_234 = arith.constant 0 : i32
        %dma_start3A_235 = arith.constant 0 : i32
        %dma_start3A_236 = tpu.memref_slice %arg9[%dma_start3A_234, %dma_start3A_235] : memref<48x128xf32, #tpu.memory_space<vmem>> -> memref<16x128xf32, #tpu.memory_space<vmem>>
        tpu.enqueue_dma source(%dma_start3A_236 : memref<16x128xf32, #tpu.memory_space<vmem>>) target(%dma_start3A_233 : memref<16x128xf32, #tpu.memory_space<vmem_shared>>) target_semaphore(%run_scoped3A_224 : memref<!tpu.dma_semaphore, #tpu.memory_space<semaphore_mem>>)
        %dma_wait3A_237 = arith.constant 0 : i32
        %dma_wait3A_238 = arith.constant 0 : i32
        %dma_wait3A_239 = tpu.memref_slice %arg9[%dma_wait3A_237, %dma_wait3A_238] : memref<48x128xf32, #tpu.memory_space<vmem>> -> memref<16x128xf32, #tpu.memory_space<vmem>>
        %dma_wait3A_240 = arith.constant 9984 : i32
        %dma_wait3A_241 = arith.constant 0 : i32
        %dma_wait3A_242 = tpu.memref_slice %arg10[%dma_wait3A_240, %dma_wait3A_241] : memref<10000x128xf32, #tpu.memory_space<vmem_shared>> -> memref<16x128xf32, #tpu.memory_space<vmem_shared>>
        %dma_wait3A_243 = arith.constant 9984 : i32
        %dma_wait3A_244 = arith.constant 0 : i32
        %dma_wait3A_245 = tpu.memref_slice %arg10[%dma_wait3A_243, %dma_wait3A_244] : memref<10000x128xf32, #tpu.memory_space<vmem_shared>> -> memref<16x128xf32, #tpu.memory_space<vmem_shared>>
        %dma_wait3A_246 = arith.constant 0 : i32
        %dma_wait3A_247 = arith.constant 0 : i32
        %dma_wait3A_248 = tpu.memref_slice %arg9[%dma_wait3A_246, %dma_wait3A_247] : memref<48x128xf32, #tpu.memory_space<vmem>> -> memref<16x128xf32, #tpu.memory_space<vmem>>
        tpu.wait_dma2 semaphore(%run_scoped3A_224 : memref<!tpu.dma_semaphore, #tpu.memory_space<semaphore_mem>>) src(%dma_wait3A_248 : memref<16x128xf32, #tpu.memory_space<vmem>>) dst(%dma_wait3A_245 : memref<16x128xf32, #tpu.memory_space<vmem_shared>>)
        tpu.yield
      }) : () -> ()
    } else {
    }
    %barrier3A = arith.constant 0 : index
    tpu.barrier barrier_id(%barrier3A)
    %scan3A_142 = arith.constant 0 : i32
    %scan3A_143 = arith.constant 0 : i32
    %scan3A_144 = arith.constant 41 : i32
    %scan3A_145 = arith.addi %scan3A_143, %scan3A_144 : i32
    %scan3A_146 = arith.constant 1 : i32
    scf.for %scan3A_224 = %scan3A_143 to %scan3A_145 step %scan3A_146  : i32 {
      %mul3A_225 = arith.constant 3 : i32
      %mul3A_226 = arith.muli %scan3A_224, %mul3A_225 : i32
      %add3A_227 = arith.constant 0 : i32
      %add3A_228 = arith.addi %mul3A_226, %add3A_227 : i32
      %dma_wait3A_229 = arith.constant 0 : i32
      %dma_wait3A_230 = arith.constant 0 : i32
      %dma_wait3A_231 = arith.constant 0 : i32
      %dma_wait3A_232 = tpu.memref_slice %arg7[%dma_wait3A_229, %dma_wait3A_231] : memref<3x80xi32, #tpu.memory_space<vmem>> -> memref<1x80xi32, #tpu.memory_space<vmem>>
      %dma_wait3A_233 = tpu.memref_squeeze %dma_wait3A_232 : memref<1x80xi32, #tpu.memory_space<vmem>> -> memref<80xi32, #tpu.memory_space<vmem>>
      %dma_wait3A_234 = arith.constant 0 : i32
      %dma_wait3A_235 = tpu.memref_slice %arg4[%dma_wait3A_234] : memref<320000xi32, #tpu.memory_space<hbm>> -> memref<80xi32, #tpu.memory_space<hbm>>
      %dma_wait3A_236 = tpu.memref_slice %arg12[%dma_wait3A_230] : memref<3x!tpu.dma_semaphore, #tpu.memory_space<semaphore_mem>> -> memref<1x!tpu.dma_semaphore, #tpu.memory_space<semaphore_mem>>
      %dma_wait3A_237 = tpu.memref_squeeze %dma_wait3A_236 : memref<1x!tpu.dma_semaphore, #tpu.memory_space<semaphore_mem>> -> memref<!tpu.dma_semaphore, #tpu.memory_space<semaphore_mem>>
      %dma_wait3A_238 = arith.constant 0 : i32
      %dma_wait3A_239 = tpu.memref_slice %arg7[%dma_wait3A_229, %dma_wait3A_238] : memref<3x80xi32, #tpu.memory_space<vmem>> -> memref<1x80xi32, #tpu.memory_space<vmem>>
      %dma_wait3A_240 = tpu.memref_squeeze %dma_wait3A_239 : memref<1x80xi32, #tpu.memory_space<vmem>> -> memref<80xi32, #tpu.memory_space<vmem>>
      %dma_wait3A_241 = arith.constant 0 : i32
      %dma_wait3A_242 = tpu.memref_slice %arg4[%dma_wait3A_241] : memref<320000xi32, #tpu.memory_space<hbm>> -> memref<80xi32, #tpu.memory_space<hbm>>
      tpu.wait_dma2 semaphore(%dma_wait3A_237 : memref<!tpu.dma_semaphore, #tpu.memory_space<semaphore_mem>>) src(%dma_wait3A_242 : memref<80xi32, #tpu.memory_space<hbm>>) dst(%dma_wait3A_240 : memref<80xi32, #tpu.memory_space<vmem>>)
      %dma_wait3A_243 = arith.constant 0 : i32
      %dma_wait3A_244 = arith.constant 0 : i32
      %dma_wait3A_245 = arith.constant 0 : i32
      %dma_wait3A_246 = arith.constant 0 : i32
      %dma_wait3A_247 = tpu.memref_slice %arg8[%dma_wait3A_243, %dma_wait3A_245, %dma_wait3A_246] : memref<3x80x128xf32, #tpu.memory_space<vmem>> -> memref<1x80x128xf32, #tpu.memory_space<vmem>>
      %dma_wait3A_248 = tpu.memref_squeeze %dma_wait3A_247 : memref<1x80x128xf32, #tpu.memory_space<vmem>> -> memref<80x128xf32, #tpu.memory_space<vmem>>
      %dma_wait3A_249 = arith.constant 0 : i32
      %dma_wait3A_250 = arith.constant 0 : i32
      %dma_wait3A_251 = tpu.memref_slice %arg2[%dma_wait3A_249, %dma_wait3A_250] : memref<10000x128xf32, #tpu.memory_space<hbm>> -> memref<80x128xf32, #tpu.memory_space<hbm>>
      %dma_wait3A_252 = tpu.memref_slice %arg11[%dma_wait3A_244] : memref<3x!tpu.dma_semaphore, #tpu.memory_space<semaphore_mem>> -> memref<1x!tpu.dma_semaphore, #tpu.memory_space<semaphore_mem>>
      %dma_wait3A_253 = tpu.memref_squeeze %dma_wait3A_252 : memref<1x!tpu.dma_semaphore, #tpu.memory_space<semaphore_mem>> -> memref<!tpu.dma_semaphore, #tpu.memory_space<semaphore_mem>>
      %dma_wait3A_254 = arith.constant 0 : i32
      %dma_wait3A_255 = arith.constant 0 : i32
      %dma_wait3A_256 = tpu.memref_slice %arg8[%dma_wait3A_243, %dma_wait3A_254, %dma_wait3A_255] : memref<3x80x128xf32, #tpu.memory_space<vmem>> -> memref<1x80x128xf32, #tpu.memory_space<vmem>>
      %dma_wait3A_257 = tpu.memref_squeeze %dma_wait3A_256 : memref<1x80x128xf32, #tpu.memory_space<vmem>> -> memref<80x128xf32, #tpu.memory_space<vmem>>
      %dma_wait3A_258 = arith.constant 0 : i32
      %dma_wait3A_259 = arith.constant 0 : i32
      %dma_wait3A_260 = tpu.memref_slice %arg2[%dma_wait3A_258, %dma_wait3A_259] : memref<10000x128xf32, #tpu.memory_space<hbm>> -> memref<80x128xf32, #tpu.memory_space<hbm>>
      tpu.wait_dma2 semaphore(%dma_wait3A_253 : memref<!tpu.dma_semaphore, #tpu.memory_space<semaphore_mem>>) src(%dma_wait3A_260 : memref<80x128xf32, #tpu.memory_space<hbm>>) dst(%dma_wait3A_257 : memref<80x128xf32, #tpu.memory_space<vmem>>)
      %run_scoped3A_261 = arith.constant 0 : i32
      %run_scoped3A_262 = arith.constant 0 : i32
      "tpu.region"() ({
        %run_scoped3A_359 = tpu.sem_alloc : memref<!tpu.dma_semaphore, #tpu.memory_space<semaphore_mem>>
        %dma_start3A_360 = arith.constant 0 : i32
        %dma_start3A_361 = arith.constant 0 : i32
        %dma_start3A_362 = tpu.memref_slice %arg8[%run_scoped3A_261, %dma_start3A_360, %dma_start3A_361] : memref<3x80x128xf32, #tpu.memory_space<vmem>> -> memref<1x80x128xf32, #tpu.memory_space<vmem>>
        %dma_start3A_363 = tpu.memref_squeeze %dma_start3A_362 : memref<1x80x128xf32, #tpu.memory_space<vmem>> -> memref<80x128xf32, #tpu.memory_space<vmem>>
        %dma_start3A_364 = arith.constant 0 : i32
        %dma_start3A_365 = tpu.memref_slice %arg7[%run_scoped3A_262, %dma_start3A_364] : memref<3x80xi32, #tpu.memory_space<vmem>> -> memref<1x80xi32, #tpu.memory_space<vmem>>
        %dma_start3A_366 = tpu.memref_squeeze %dma_start3A_365 : memref<1x80xi32, #tpu.memory_space<vmem>> -> memref<80xi32, #tpu.memory_space<vmem>>
        %dma_start3A_367 = arith.constant 0 : i32
        %dma_start3A_368 = arith.constant 0 : i32
        %dma_start3A_369 = tpu.memref_slice %arg10[%dma_start3A_367, %dma_start3A_368] : memref<10000x128xf32, #tpu.memory_space<vmem_shared>> -> memref<10000x128xf32, #tpu.memory_space<vmem_shared>>
        tpu.enqueue_indirect_dma source(%dma_start3A_363 : memref<80x128xf32, #tpu.memory_space<vmem>>) target(%dma_start3A_369 : memref<10000x128xf32, #tpu.memory_space<vmem_shared>>) offsets(%dma_start3A_366 : memref<80xi32, #tpu.memory_space<vmem>>) semaphore(%run_scoped3A_359 : memref<!tpu.dma_semaphore, #tpu.memory_space<semaphore_mem>>) {add = true}
        %dma_wait3A_370 = arith.constant 0 : i32
        %dma_wait3A_371 = arith.constant 0 : i32
        %dma_wait3A_372 = tpu.memref_slice %arg8[%run_scoped3A_261, %dma_wait3A_370, %dma_wait3A_371] : memref<3x80x128xf32, #tpu.memory_space<vmem>> -> memref<1x80x128xf32, #tpu.memory_space<vmem>>
        %dma_wait3A_373 = tpu.memref_squeeze %dma_wait3A_372 : memref<1x80x128xf32, #tpu.memory_space<vmem>> -> memref<80x128xf32, #tpu.memory_space<vmem>>
        %dma_wait3A_374 = arith.constant 0 : i32
        %dma_wait3A_375 = tpu.memref_slice %arg7[%run_scoped3A_262, %dma_wait3A_374] : memref<3x80xi32, #tpu.memory_space<vmem>> -> memref<1x80xi32, #tpu.memory_space<vmem>>
        %dma_wait3A_376 = tpu.memref_squeeze %dma_wait3A_375 : memref<1x80xi32, #tpu.memory_space<vmem>> -> memref<80xi32, #tpu.memory_space<vmem>>
        %dma_wait3A_377 = arith.constant 0 : i32
        %dma_wait3A_378 = arith.constant 0 : i32
        %dma_wait3A_379 = tpu.memref_slice %arg10[%dma_wait3A_377, %dma_wait3A_378] : memref<10000x128xf32, #tpu.memory_space<vmem_shared>> -> memref<10000x128xf32, #tpu.memory_space<vmem_shared>>
        tpu.wait_indirect_dma semaphore(%run_scoped3A_359 : memref<!tpu.dma_semaphore, #tpu.memory_space<semaphore_mem>>) src(%dma_wait3A_373 : memref<80x128xf32, #tpu.memory_space<vmem>>) dst(%dma_wait3A_379 : memref<10000x128xf32, #tpu.memory_space<vmem_shared>>)
        tpu.yield
      }) : () -> ()
      %add3A_263 = arith.constant 3 : i32
      %add3A_264 = arith.addi %add3A_228, %add3A_263 : i32
      %lt3A = arith.constant 125 : i32
      %lt3A_265 = arith.cmpi slt, %add3A_264, %lt3A : i32
      %convert_element_type3A_266 = arith.extui %lt3A_265 : i1 to i32
      %cond3A_267 = arith.constant 0 : i32
      %cond3A_268 = arith.cmpi ne, %convert_element_type3A_266, %cond3A_267 : i32
      scf.if %cond3A_268 {
        %add3A_359 = arith.constant 3 : i32
        %add3A_360 = arith.addi %add3A_228, %add3A_359 : i32
        %mul3A_361 = arith.constant 80 : i32
        %mul3A_362 = arith.muli %add3A_360, %mul3A_361 : i32
        %add3A_363 = arith.addi %mul3A_2, %mul3A_362 : i32
        %dma_start3A_364 = arith.constant 0 : i32
        %dma_start3A_365 = arith.constant 0 : i32
        %dma_start3A_366 = arith.constant 0 : i32
        %dma_start3A_367 = tpu.memref_slice %arg7[%dma_start3A_364, %dma_start3A_366] : memref<3x80xi32, #tpu.memory_space<vmem>> -> memref<1x80xi32, #tpu.memory_space<vmem>>
        %dma_start3A_368 = tpu.memref_squeeze %dma_start3A_367 : memref<1x80xi32, #tpu.memory_space<vmem>> -> memref<80xi32, #tpu.memory_space<vmem>>
        %dma_start3A_369 = tpu.memref_slice %arg4[%add3A_363] : memref<320000xi32, #tpu.memory_space<hbm>> -> memref<80xi32, #tpu.memory_space<hbm>>
        %dma_start3A_370 = tpu.memref_slice %arg12[%dma_start3A_365] : memref<3x!tpu.dma_semaphore, #tpu.memory_space<semaphore_mem>> -> memref<1x!tpu.dma_semaphore, #tpu.memory_space<semaphore_mem>>
        %dma_start3A_371 = tpu.memref_squeeze %dma_start3A_370 : memref<1x!tpu.dma_semaphore, #tpu.memory_space<semaphore_mem>> -> memref<!tpu.dma_semaphore, #tpu.memory_space<semaphore_mem>>
        %dma_start3A_372 = arith.constant 0 : i32
        %dma_start3A_373 = tpu.memref_slice %arg7[%dma_start3A_364, %dma_start3A_372] : memref<3x80xi32, #tpu.memory_space<vmem>> -> memref<1x80xi32, #tpu.memory_space<vmem>>
        %dma_start3A_374 = tpu.memref_squeeze %dma_start3A_373 : memref<1x80xi32, #tpu.memory_space<vmem>> -> memref<80xi32, #tpu.memory_space<vmem>>
        %dma_start3A_375 = tpu.memref_slice %arg4[%add3A_363] : memref<320000xi32, #tpu.memory_space<hbm>> -> memref<80xi32, #tpu.memory_space<hbm>>
        tpu.enqueue_dma source(%dma_start3A_375 : memref<80xi32, #tpu.memory_space<hbm>>) target(%dma_start3A_374 : memref<80xi32, #tpu.memory_space<vmem>>) target_semaphore(%dma_start3A_371 : memref<!tpu.dma_semaphore, #tpu.memory_space<semaphore_mem>>)
        %mul3A_376 = arith.constant 80 : i32
        %mul3A_377 = arith.muli %add3A_360, %mul3A_376 : i32
        %dma_start3A_378 = arith.constant 0 : i32
        %dma_start3A_379 = arith.constant 0 : i32
        %dma_start3A_380 = arith.constant 0 : i32
        %dma_start3A_381 = arith.constant 0 : i32
        %dma_start3A_382 = tpu.memref_slice %arg8[%dma_start3A_378, %dma_start3A_380, %dma_start3A_381] : memref<3x80x128xf32, #tpu.memory_space<vmem>> -> memref<1x80x128xf32, #tpu.memory_space<vmem>>
        %dma_start3A_383 = tpu.memref_squeeze %dma_start3A_382 : memref<1x80x128xf32, #tpu.memory_space<vmem>> -> memref<80x128xf32, #tpu.memory_space<vmem>>
        %dma_start3A_384 = tpu.memref_slice %arg6[%mul3A_377] : memref<10000xi32, #tpu.memory_space<vmem>> -> memref<80xi32, #tpu.memory_space<vmem>>
        %dma_start3A_385 = arith.constant 0 : i32
        %dma_start3A_386 = arith.constant 0 : i32
        %dma_start3A_387 = tpu.memref_slice %arg2[%dma_start3A_385, %dma_start3A_386] : memref<10000x128xf32, #tpu.memory_space<hbm>> -> memref<10000x128xf32, #tpu.memory_space<hbm>>
        %dma_start3A_388 = tpu.memref_slice %arg11[%dma_start3A_379] : memref<3x!tpu.dma_semaphore, #tpu.memory_space<semaphore_mem>> -> memref<1x!tpu.dma_semaphore, #tpu.memory_space<semaphore_mem>>
        %dma_start3A_389 = tpu.memref_squeeze %dma_start3A_388 : memref<1x!tpu.dma_semaphore, #tpu.memory_space<semaphore_mem>> -> memref<!tpu.dma_semaphore, #tpu.memory_space<semaphore_mem>>
        tpu.enqueue_indirect_dma source(%dma_start3A_387 : memref<10000x128xf32, #tpu.memory_space<hbm>>) target(%dma_start3A_383 : memref<80x128xf32, #tpu.memory_space<vmem>>) offsets(%dma_start3A_384 : memref<80xi32, #tpu.memory_space<vmem>>) semaphore(%dma_start3A_389 : memref<!tpu.dma_semaphore, #tpu.memory_space<semaphore_mem>>)
      } else {
      }
      %mul3A_269 = arith.constant 3 : i32
      %mul3A_270 = arith.muli %scan3A_224, %mul3A_269 : i32
      %add3A_271 = arith.constant 1 : i32
      %add3A_272 = arith.addi %mul3A_270, %add3A_271 : i32
      %dma_wait3A_273 = arith.constant 1 : i32
      %dma_wait3A_274 = arith.constant 1 : i32
      %dma_wait3A_275 = arith.constant 0 : i32
      %dma_wait3A_276 = tpu.memref_slice %arg7[%dma_wait3A_273, %dma_wait3A_275] : memref<3x80xi32, #tpu.memory_space<vmem>> -> memref<1x80xi32, #tpu.memory_space<vmem>>
      %dma_wait3A_277 = tpu.memref_squeeze %dma_wait3A_276 : memref<1x80xi32, #tpu.memory_space<vmem>> -> memref<80xi32, #tpu.memory_space<vmem>>
      %dma_wait3A_278 = arith.constant 0 : i32
      %dma_wait3A_279 = tpu.memref_slice %arg4[%dma_wait3A_278] : memref<320000xi32, #tpu.memory_space<hbm>> -> memref<80xi32, #tpu.memory_space<hbm>>
      %dma_wait3A_280 = tpu.memref_slice %arg12[%dma_wait3A_274] : memref<3x!tpu.dma_semaphore, #tpu.memory_space<semaphore_mem>> -> memref<1x!tpu.dma_semaphore, #tpu.memory_space<semaphore_mem>>
      %dma_wait3A_281 = tpu.memref_squeeze %dma_wait3A_280 : memref<1x!tpu.dma_semaphore, #tpu.memory_space<semaphore_mem>> -> memref<!tpu.dma_semaphore, #tpu.memory_space<semaphore_mem>>
      %dma_wait3A_282 = arith.constant 0 : i32
      %dma_wait3A_283 = tpu.memref_slice %arg7[%dma_wait3A_273, %dma_wait3A_282] : memref<3x80xi32, #tpu.memory_space<vmem>> -> memref<1x80xi32, #tpu.memory_space<vmem>>
      %dma_wait3A_284 = tpu.memref_squeeze %dma_wait3A_283 : memref<1x80xi32, #tpu.memory_space<vmem>> -> memref<80xi32, #tpu.memory_space<vmem>>
      %dma_wait3A_285 = arith.constant 0 : i32
      %dma_wait3A_286 = tpu.memref_slice %arg4[%dma_wait3A_285] : memref<320000xi32, #tpu.memory_space<hbm>> -> memref<80xi32, #tpu.memory_space<hbm>>
      tpu.wait_dma2 semaphore(%dma_wait3A_281 : memref<!tpu.dma_semaphore, #tpu.memory_space<semaphore_mem>>) src(%dma_wait3A_286 : memref<80xi32, #tpu.memory_space<hbm>>) dst(%dma_wait3A_284 : memref<80xi32, #tpu.memory_space<vmem>>)
      %dma_wait3A_287 = arith.constant 1 : i32
      %dma_wait3A_288 = arith.constant 1 : i32
      %dma_wait3A_289 = arith.constant 0 : i32
      %dma_wait3A_290 = arith.constant 0 : i32
      %dma_wait3A_291 = tpu.memref_slice %arg8[%dma_wait3A_287, %dma_wait3A_289, %dma_wait3A_290] : memref<3x80x128xf32, #tpu.memory_space<vmem>> -> memref<1x80x128xf32, #tpu.memory_space<vmem>>
      %dma_wait3A_292 = tpu.memref_squeeze %dma_wait3A_291 : memref<1x80x128xf32, #tpu.memory_space<vmem>> -> memref<80x128xf32, #tpu.memory_space<vmem>>
      %dma_wait3A_293 = arith.constant 0 : i32
      %dma_wait3A_294 = arith.constant 0 : i32
      %dma_wait3A_295 = tpu.memref_slice %arg2[%dma_wait3A_293, %dma_wait3A_294] : memref<10000x128xf32, #tpu.memory_space<hbm>> -> memref<80x128xf32, #tpu.memory_space<hbm>>
      %dma_wait3A_296 = tpu.memref_slice %arg11[%dma_wait3A_288] : memref<3x!tpu.dma_semaphore, #tpu.memory_space<semaphore_mem>> -> memref<1x!tpu.dma_semaphore, #tpu.memory_space<semaphore_mem>>
      %dma_wait3A_297 = tpu.memref_squeeze %dma_wait3A_296 : memref<1x!tpu.dma_semaphore, #tpu.memory_space<semaphore_mem>> -> memref<!tpu.dma_semaphore, #tpu.memory_space<semaphore_mem>>
      %dma_wait3A_298 = arith.constant 0 : i32
      %dma_wait3A_299 = arith.constant 0 : i32
      %dma_wait3A_300 = tpu.memref_slice %arg8[%dma_wait3A_287, %dma_wait3A_298, %dma_wait3A_299] : memref<3x80x128xf32, #tpu.memory_space<vmem>> -> memref<1x80x128xf32, #tpu.memory_space<vmem>>
      %dma_wait3A_301 = tpu.memref_squeeze %dma_wait3A_300 : memref<1x80x128xf32, #tpu.memory_space<vmem>> -> memref<80x128xf32, #tpu.memory_space<vmem>>
      %dma_wait3A_302 = arith.constant 0 : i32
      %dma_wait3A_303 = arith.constant 0 : i32
      %dma_wait3A_304 = tpu.memref_slice %arg2[%dma_wait3A_302, %dma_wait3A_303] : memref<10000x128xf32, #tpu.memory_space<hbm>> -> memref<80x128xf32, #tpu.memory_space<hbm>>
      tpu.wait_dma2 semaphore(%dma_wait3A_297 : memref<!tpu.dma_semaphore, #tpu.memory_space<semaphore_mem>>) src(%dma_wait3A_304 : memref<80x128xf32, #tpu.memory_space<hbm>>) dst(%dma_wait3A_301 : memref<80x128xf32, #tpu.memory_space<vmem>>)
      %run_scoped3A_305 = arith.constant 1 : i32
      %run_scoped3A_306 = arith.constant 1 : i32
      "tpu.region"() ({
        %run_scoped3A_359 = tpu.sem_alloc : memref<!tpu.dma_semaphore, #tpu.memory_space<semaphore_mem>>
        %dma_start3A_360 = arith.constant 0 : i32
        %dma_start3A_361 = arith.constant 0 : i32
        %dma_start3A_362 = tpu.memref_slice %arg8[%run_scoped3A_305, %dma_start3A_360, %dma_start3A_361] : memref<3x80x128xf32, #tpu.memory_space<vmem>> -> memref<1x80x128xf32, #tpu.memory_space<vmem>>
        %dma_start3A_363 = tpu.memref_squeeze %dma_start3A_362 : memref<1x80x128xf32, #tpu.memory_space<vmem>> -> memref<80x128xf32, #tpu.memory_space<vmem>>
        %dma_start3A_364 = arith.constant 0 : i32
        %dma_start3A_365 = tpu.memref_slice %arg7[%run_scoped3A_306, %dma_start3A_364] : memref<3x80xi32, #tpu.memory_space<vmem>> -> memref<1x80xi32, #tpu.memory_space<vmem>>
        %dma_start3A_366 = tpu.memref_squeeze %dma_start3A_365 : memref<1x80xi32, #tpu.memory_space<vmem>> -> memref<80xi32, #tpu.memory_space<vmem>>
        %dma_start3A_367 = arith.constant 0 : i32
        %dma_start3A_368 = arith.constant 0 : i32
        %dma_start3A_369 = tpu.memref_slice %arg10[%dma_start3A_367, %dma_start3A_368] : memref<10000x128xf32, #tpu.memory_space<vmem_shared>> -> memref<10000x128xf32, #tpu.memory_space<vmem_shared>>
        tpu.enqueue_indirect_dma source(%dma_start3A_363 : memref<80x128xf32, #tpu.memory_space<vmem>>) target(%dma_start3A_369 : memref<10000x128xf32, #tpu.memory_space<vmem_shared>>) offsets(%dma_start3A_366 : memref<80xi32, #tpu.memory_space<vmem>>) semaphore(%run_scoped3A_359 : memref<!tpu.dma_semaphore, #tpu.memory_space<semaphore_mem>>) {add = true}
        %dma_wait3A_370 = arith.constant 0 : i32
        %dma_wait3A_371 = arith.constant 0 : i32
        %dma_wait3A_372 = tpu.memref_slice %arg8[%run_scoped3A_305, %dma_wait3A_370, %dma_wait3A_371] : memref<3x80x128xf32, #tpu.memory_space<vmem>> -> memref<1x80x128xf32, #tpu.memory_space<vmem>>
        %dma_wait3A_373 = tpu.memref_squeeze %dma_wait3A_372 : memref<1x80x128xf32, #tpu.memory_space<vmem>> -> memref<80x128xf32, #tpu.memory_space<vmem>>
        %dma_wait3A_374 = arith.constant 0 : i32
        %dma_wait3A_375 = tpu.memref_slice %arg7[%run_scoped3A_306, %dma_wait3A_374] : memref<3x80xi32, #tpu.memory_space<vmem>> -> memref<1x80xi32, #tpu.memory_space<vmem>>
        %dma_wait3A_376 = tpu.memref_squeeze %dma_wait3A_375 : memref<1x80xi32, #tpu.memory_space<vmem>> -> memref<80xi32, #tpu.memory_space<vmem>>
        %dma_wait3A_377 = arith.constant 0 : i32
        %dma_wait3A_378 = arith.constant 0 : i32
        %dma_wait3A_379 = tpu.memref_slice %arg10[%dma_wait3A_377, %dma_wait3A_378] : memref<10000x128xf32, #tpu.memory_space<vmem_shared>> -> memref<10000x128xf32, #tpu.memory_space<vmem_shared>>
        tpu.wait_indirect_dma semaphore(%run_scoped3A_359 : memref<!tpu.dma_semaphore, #tpu.memory_space<semaphore_mem>>) src(%dma_wait3A_373 : memref<80x128xf32, #tpu.memory_space<vmem>>) dst(%dma_wait3A_379 : memref<10000x128xf32, #tpu.memory_space<vmem_shared>>)
        tpu.yield
      }) : () -> ()
      %add3A_307 = arith.constant 3 : i32
      %add3A_308 = arith.addi %add3A_272, %add3A_307 : i32
      %lt3A_309 = arith.constant 125 : i32
      %lt3A_310 = arith.cmpi slt, %add3A_308, %lt3A_309 : i32
      %convert_element_type3A_311 = arith.extui %lt3A_310 : i1 to i32
      %cond3A_312 = arith.constant 0 : i32
      %cond3A_313 = arith.cmpi ne, %convert_element_type3A_311, %cond3A_312 : i32
      scf.if %cond3A_313 {
        %add3A_359 = arith.constant 3 : i32
        %add3A_360 = arith.addi %add3A_272, %add3A_359 : i32
        %mul3A_361 = arith.constant 80 : i32
        %mul3A_362 = arith.muli %add3A_360, %mul3A_361 : i32
        %add3A_363 = arith.addi %mul3A_2, %mul3A_362 : i32
        %dma_start3A_364 = arith.constant 1 : i32
        %dma_start3A_365 = arith.constant 1 : i32
        %dma_start3A_366 = arith.constant 0 : i32
        %dma_start3A_367 = tpu.memref_slice %arg7[%dma_start3A_364, %dma_start3A_366] : memref<3x80xi32, #tpu.memory_space<vmem>> -> memref<1x80xi32, #tpu.memory_space<vmem>>
        %dma_start3A_368 = tpu.memref_squeeze %dma_start3A_367 : memref<1x80xi32, #tpu.memory_space<vmem>> -> memref<80xi32, #tpu.memory_space<vmem>>
        %dma_start3A_369 = tpu.memref_slice %arg4[%add3A_363] : memref<320000xi32, #tpu.memory_space<hbm>> -> memref<80xi32, #tpu.memory_space<hbm>>
        %dma_start3A_370 = tpu.memref_slice %arg12[%dma_start3A_365] : memref<3x!tpu.dma_semaphore, #tpu.memory_space<semaphore_mem>> -> memref<1x!tpu.dma_semaphore, #tpu.memory_space<semaphore_mem>>
        %dma_start3A_371 = tpu.memref_squeeze %dma_start3A_370 : memref<1x!tpu.dma_semaphore, #tpu.memory_space<semaphore_mem>> -> memref<!tpu.dma_semaphore, #tpu.memory_space<semaphore_mem>>
        %dma_start3A_372 = arith.constant 0 : i32
        %dma_start3A_373 = tpu.memref_slice %arg7[%dma_start3A_364, %dma_start3A_372] : memref<3x80xi32, #tpu.memory_space<vmem>> -> memref<1x80xi32, #tpu.memory_space<vmem>>
        %dma_start3A_374 = tpu.memref_squeeze %dma_start3A_373 : memref<1x80xi32, #tpu.memory_space<vmem>> -> memref<80xi32, #tpu.memory_space<vmem>>
        %dma_start3A_375 = tpu.memref_slice %arg4[%add3A_363] : memref<320000xi32, #tpu.memory_space<hbm>> -> memref<80xi32, #tpu.memory_space<hbm>>
        tpu.enqueue_dma source(%dma_start3A_375 : memref<80xi32, #tpu.memory_space<hbm>>) target(%dma_start3A_374 : memref<80xi32, #tpu.memory_space<vmem>>) target_semaphore(%dma_start3A_371 : memref<!tpu.dma_semaphore, #tpu.memory_space<semaphore_mem>>)
        %mul3A_376 = arith.constant 80 : i32
        %mul3A_377 = arith.muli %add3A_360, %mul3A_376 : i32
        %dma_start3A_378 = arith.constant 1 : i32
        %dma_start3A_379 = arith.constant 1 : i32
        %dma_start3A_380 = arith.constant 0 : i32
        %dma_start3A_381 = arith.constant 0 : i32
        %dma_start3A_382 = tpu.memref_slice %arg8[%dma_start3A_378, %dma_start3A_380, %dma_start3A_381] : memref<3x80x128xf32, #tpu.memory_space<vmem>> -> memref<1x80x128xf32, #tpu.memory_space<vmem>>
        %dma_start3A_383 = tpu.memref_squeeze %dma_start3A_382 : memref<1x80x128xf32, #tpu.memory_space<vmem>> -> memref<80x128xf32, #tpu.memory_space<vmem>>
        %dma_start3A_384 = tpu.memref_slice %arg6[%mul3A_377] : memref<10000xi32, #tpu.memory_space<vmem>> -> memref<80xi32, #tpu.memory_space<vmem>>
        %dma_start3A_385 = arith.constant 0 : i32
        %dma_start3A_386 = arith.constant 0 : i32
        %dma_start3A_387 = tpu.memref_slice %arg2[%dma_start3A_385, %dma_start3A_386] : memref<10000x128xf32, #tpu.memory_space<hbm>> -> memref<10000x128xf32, #tpu.memory_space<hbm>>
        %dma_start3A_388 = tpu.memref_slice %arg11[%dma_start3A_379] : memref<3x!tpu.dma_semaphore, #tpu.memory_space<semaphore_mem>> -> memref<1x!tpu.dma_semaphore, #tpu.memory_space<semaphore_mem>>
        %dma_start3A_389 = tpu.memref_squeeze %dma_start3A_388 : memref<1x!tpu.dma_semaphore, #tpu.memory_space<semaphore_mem>> -> memref<!tpu.dma_semaphore, #tpu.memory_space<semaphore_mem>>
        tpu.enqueue_indirect_dma source(%dma_start3A_387 : memref<10000x128xf32, #tpu.memory_space<hbm>>) target(%dma_start3A_383 : memref<80x128xf32, #tpu.memory_space<vmem>>) offsets(%dma_start3A_384 : memref<80xi32, #tpu.memory_space<vmem>>) semaphore(%dma_start3A_389 : memref<!tpu.dma_semaphore, #tpu.memory_space<semaphore_mem>>)
      } else {
      }
      %mul3A_314 = arith.constant 3 : i32
      %mul3A_315 = arith.muli %scan3A_224, %mul3A_314 : i32
      %add3A_316 = arith.constant 2 : i32
      %add3A_317 = arith.addi %mul3A_315, %add3A_316 : i32
      %dma_wait3A_318 = arith.constant 2 : i32
      %dma_wait3A_319 = arith.constant 2 : i32
      %dma_wait3A_320 = arith.constant 0 : i32
      %dma_wait3A_321 = tpu.memref_slice %arg7[%dma_wait3A_318, %dma_wait3A_320] : memref<3x80xi32, #tpu.memory_space<vmem>> -> memref<1x80xi32, #tpu.memory_space<vmem>>
      %dma_wait3A_322 = tpu.memref_squeeze %dma_wait3A_321 : memref<1x80xi32, #tpu.memory_space<vmem>> -> memref<80xi32, #tpu.memory_space<vmem>>
      %dma_wait3A_323 = arith.constant 0 : i32
      %dma_wait3A_324 = tpu.memref_slice %arg4[%dma_wait3A_323] : memref<320000xi32, #tpu.memory_space<hbm>> -> memref<80xi32, #tpu.memory_space<hbm>>
      %dma_wait3A_325 = tpu.memref_slice %arg12[%dma_wait3A_319] : memref<3x!tpu.dma_semaphore, #tpu.memory_space<semaphore_mem>> -> memref<1x!tpu.dma_semaphore, #tpu.memory_space<semaphore_mem>>
      %dma_wait3A_326 = tpu.memref_squeeze %dma_wait3A_325 : memref<1x!tpu.dma_semaphore, #tpu.memory_space<semaphore_mem>> -> memref<!tpu.dma_semaphore, #tpu.memory_space<semaphore_mem>>
      %dma_wait3A_327 = arith.constant 0 : i32
      %dma_wait3A_328 = tpu.memref_slice %arg7[%dma_wait3A_318, %dma_wait3A_327] : memref<3x80xi32, #tpu.memory_space<vmem>> -> memref<1x80xi32, #tpu.memory_space<vmem>>
      %dma_wait3A_329 = tpu.memref_squeeze %dma_wait3A_328 : memref<1x80xi32, #tpu.memory_space<vmem>> -> memref<80xi32, #tpu.memory_space<vmem>>
      %dma_wait3A_330 = arith.constant 0 : i32
      %dma_wait3A_331 = tpu.memref_slice %arg4[%dma_wait3A_330] : memref<320000xi32, #tpu.memory_space<hbm>> -> memref<80xi32, #tpu.memory_space<hbm>>
      tpu.wait_dma2 semaphore(%dma_wait3A_326 : memref<!tpu.dma_semaphore, #tpu.memory_space<semaphore_mem>>) src(%dma_wait3A_331 : memref<80xi32, #tpu.memory_space<hbm>>) dst(%dma_wait3A_329 : memref<80xi32, #tpu.memory_space<vmem>>)
      %dma_wait3A_332 = arith.constant 2 : i32
      %dma_wait3A_333 = arith.constant 2 : i32
      %dma_wait3A_334 = arith.constant 0 : i32
      %dma_wait3A_335 = arith.constant 0 : i32
      %dma_wait3A_336 = tpu.memref_slice %arg8[%dma_wait3A_332, %dma_wait3A_334, %dma_wait3A_335] : memref<3x80x128xf32, #tpu.memory_space<vmem>> -> memref<1x80x128xf32, #tpu.memory_space<vmem>>
      %dma_wait3A_337 = tpu.memref_squeeze %dma_wait3A_336 : memref<1x80x128xf32, #tpu.memory_space<vmem>> -> memref<80x128xf32, #tpu.memory_space<vmem>>
      %dma_wait3A_338 = arith.constant 0 : i32
      %dma_wait3A_339 = arith.constant 0 : i32
      %dma_wait3A_340 = tpu.memref_slice %arg2[%dma_wait3A_338, %dma_wait3A_339] : memref<10000x128xf32, #tpu.memory_space<hbm>> -> memref<80x128xf32, #tpu.memory_space<hbm>>
      %dma_wait3A_341 = tpu.memref_slice %arg11[%dma_wait3A_333] : memref<3x!tpu.dma_semaphore, #tpu.memory_space<semaphore_mem>> -> memref<1x!tpu.dma_semaphore, #tpu.memory_space<semaphore_mem>>
      %dma_wait3A_342 = tpu.memref_squeeze %dma_wait3A_341 : memref<1x!tpu.dma_semaphore, #tpu.memory_space<semaphore_mem>> -> memref<!tpu.dma_semaphore, #tpu.memory_space<semaphore_mem>>
      %dma_wait3A_343 = arith.constant 0 : i32
      %dma_wait3A_344 = arith.constant 0 : i32
      %dma_wait3A_345 = tpu.memref_slice %arg8[%dma_wait3A_332, %dma_wait3A_343, %dma_wait3A_344] : memref<3x80x128xf32, #tpu.memory_space<vmem>> -> memref<1x80x128xf32, #tpu.memory_space<vmem>>
      %dma_wait3A_346 = tpu.memref_squeeze %dma_wait3A_345 : memref<1x80x128xf32, #tpu.memory_space<vmem>> -> memref<80x128xf32, #tpu.memory_space<vmem>>
      %dma_wait3A_347 = arith.constant 0 : i32
      %dma_wait3A_348 = arith.constant 0 : i32
      %dma_wait3A_349 = tpu.memref_slice %arg2[%dma_wait3A_347, %dma_wait3A_348] : memref<10000x128xf32, #tpu.memory_space<hbm>> -> memref<80x128xf32, #tpu.memory_space<hbm>>
      tpu.wait_dma2 semaphore(%dma_wait3A_342 : memref<!tpu.dma_semaphore, #tpu.memory_space<semaphore_mem>>) src(%dma_wait3A_349 : memref<80x128xf32, #tpu.memory_space<hbm>>) dst(%dma_wait3A_346 : memref<80x128xf32, #tpu.memory_space<vmem>>)
      %run_scoped3A_350 = arith.constant 2 : i32
      %run_scoped3A_351 = arith.constant 2 : i32
      "tpu.region"() ({
        %run_scoped3A_359 = tpu.sem_alloc : memref<!tpu.dma_semaphore, #tpu.memory_space<semaphore_mem>>
        %dma_start3A_360 = arith.constant 0 : i32
        %dma_start3A_361 = arith.constant 0 : i32
        %dma_start3A_362 = tpu.memref_slice %arg8[%run_scoped3A_350, %dma_start3A_360, %dma_start3A_361] : memref<3x80x128xf32, #tpu.memory_space<vmem>> -> memref<1x80x128xf32, #tpu.memory_space<vmem>>
        %dma_start3A_363 = tpu.memref_squeeze %dma_start3A_362 : memref<1x80x128xf32, #tpu.memory_space<vmem>> -> memref<80x128xf32, #tpu.memory_space<vmem>>
        %dma_start3A_364 = arith.constant 0 : i32
        %dma_start3A_365 = tpu.memref_slice %arg7[%run_scoped3A_351, %dma_start3A_364] : memref<3x80xi32, #tpu.memory_space<vmem>> -> memref<1x80xi32, #tpu.memory_space<vmem>>
        %dma_start3A_366 = tpu.memref_squeeze %dma_start3A_365 : memref<1x80xi32, #tpu.memory_space<vmem>> -> memref<80xi32, #tpu.memory_space<vmem>>
        %dma_start3A_367 = arith.constant 0 : i32
        %dma_start3A_368 = arith.constant 0 : i32
        %dma_start3A_369 = tpu.memref_slice %arg10[%dma_start3A_367, %dma_start3A_368] : memref<10000x128xf32, #tpu.memory_space<vmem_shared>> -> memref<10000x128xf32, #tpu.memory_space<vmem_shared>>
        tpu.enqueue_indirect_dma source(%dma_start3A_363 : memref<80x128xf32, #tpu.memory_space<vmem>>) target(%dma_start3A_369 : memref<10000x128xf32, #tpu.memory_space<vmem_shared>>) offsets(%dma_start3A_366 : memref<80xi32, #tpu.memory_space<vmem>>) semaphore(%run_scoped3A_359 : memref<!tpu.dma_semaphore, #tpu.memory_space<semaphore_mem>>) {add = true}
        %dma_wait3A_370 = arith.constant 0 : i32
        %dma_wait3A_371 = arith.constant 0 : i32
        %dma_wait3A_372 = tpu.memref_slice %arg8[%run_scoped3A_350, %dma_wait3A_370, %dma_wait3A_371] : memref<3x80x128xf32, #tpu.memory_space<vmem>> -> memref<1x80x128xf32, #tpu.memory_space<vmem>>
        %dma_wait3A_373 = tpu.memref_squeeze %dma_wait3A_372 : memref<1x80x128xf32, #tpu.memory_space<vmem>> -> memref<80x128xf32, #tpu.memory_space<vmem>>
        %dma_wait3A_374 = arith.constant 0 : i32
        %dma_wait3A_375 = tpu.memref_slice %arg7[%run_scoped3A_351, %dma_wait3A_374] : memref<3x80xi32, #tpu.memory_space<vmem>> -> memref<1x80xi32, #tpu.memory_space<vmem>>
        %dma_wait3A_376 = tpu.memref_squeeze %dma_wait3A_375 : memref<1x80xi32, #tpu.memory_space<vmem>> -> memref<80xi32, #tpu.memory_space<vmem>>
        %dma_wait3A_377 = arith.constant 0 : i32
        %dma_wait3A_378 = arith.constant 0 : i32
        %dma_wait3A_379 = tpu.memref_slice %arg10[%dma_wait3A_377, %dma_wait3A_378] : memref<10000x128xf32, #tpu.memory_space<vmem_shared>> -> memref<10000x128xf32, #tpu.memory_space<vmem_shared>>
        tpu.wait_indirect_dma semaphore(%run_scoped3A_359 : memref<!tpu.dma_semaphore, #tpu.memory_space<semaphore_mem>>) src(%dma_wait3A_373 : memref<80x128xf32, #tpu.memory_space<vmem>>) dst(%dma_wait3A_379 : memref<10000x128xf32, #tpu.memory_space<vmem_shared>>)
        tpu.yield
      }) : () -> ()
      %add3A_352 = arith.constant 3 : i32
      %add3A_353 = arith.addi %add3A_317, %add3A_352 : i32
      %lt3A_354 = arith.constant 125 : i32
      %lt3A_355 = arith.cmpi slt, %add3A_353, %lt3A_354 : i32
      %convert_element_type3A_356 = arith.extui %lt3A_355 : i1 to i32
      %cond3A_357 = arith.constant 0 : i32
      %cond3A_358 = arith.cmpi ne, %convert_element_type3A_356, %cond3A_357 : i32
      scf.if %cond3A_358 {
        %add3A_359 = arith.constant 3 : i32
        %add3A_360 = arith.addi %add3A_317, %add3A_359 : i32
        %mul3A_361 = arith.constant 80 : i32
        %mul3A_362 = arith.muli %add3A_360, %mul3A_361 : i32
        %add3A_363 = arith.addi %mul3A_2, %mul3A_362 : i32
        %dma_start3A_364 = arith.constant 2 : i32
        %dma_start3A_365 = arith.constant 2 : i32
        %dma_start3A_366 = arith.constant 0 : i32
        %dma_start3A_367 = tpu.memref_slice %arg7[%dma_start3A_364, %dma_start3A_366] : memref<3x80xi32, #tpu.memory_space<vmem>> -> memref<1x80xi32, #tpu.memory_space<vmem>>
        %dma_start3A_368 = tpu.memref_squeeze %dma_start3A_367 : memref<1x80xi32, #tpu.memory_space<vmem>> -> memref<80xi32, #tpu.memory_space<vmem>>
        %dma_start3A_369 = tpu.memref_slice %arg4[%add3A_363] : memref<320000xi32, #tpu.memory_space<hbm>> -> memref<80xi32, #tpu.memory_space<hbm>>
        %dma_start3A_370 = tpu.memref_slice %arg12[%dma_start3A_365] : memref<3x!tpu.dma_semaphore, #tpu.memory_space<semaphore_mem>> -> memref<1x!tpu.dma_semaphore, #tpu.memory_space<semaphore_mem>>
        %dma_start3A_371 = tpu.memref_squeeze %dma_start3A_370 : memref<1x!tpu.dma_semaphore, #tpu.memory_space<semaphore_mem>> -> memref<!tpu.dma_semaphore, #tpu.memory_space<semaphore_mem>>
        %dma_start3A_372 = arith.constant 0 : i32
        %dma_start3A_373 = tpu.memref_slice %arg7[%dma_start3A_364, %dma_start3A_372] : memref<3x80xi32, #tpu.memory_space<vmem>> -> memref<1x80xi32, #tpu.memory_space<vmem>>
        %dma_start3A_374 = tpu.memref_squeeze %dma_start3A_373 : memref<1x80xi32, #tpu.memory_space<vmem>> -> memref<80xi32, #tpu.memory_space<vmem>>
        %dma_start3A_375 = tpu.memref_slice %arg4[%add3A_363] : memref<320000xi32, #tpu.memory_space<hbm>> -> memref<80xi32, #tpu.memory_space<hbm>>
        tpu.enqueue_dma source(%dma_start3A_375 : memref<80xi32, #tpu.memory_space<hbm>>) target(%dma_start3A_374 : memref<80xi32, #tpu.memory_space<vmem>>) target_semaphore(%dma_start3A_371 : memref<!tpu.dma_semaphore, #tpu.memory_space<semaphore_mem>>)
        %mul3A_376 = arith.constant 80 : i32
        %mul3A_377 = arith.muli %add3A_360, %mul3A_376 : i32
        %dma_start3A_378 = arith.constant 2 : i32
        %dma_start3A_379 = arith.constant 2 : i32
        %dma_start3A_380 = arith.constant 0 : i32
        %dma_start3A_381 = arith.constant 0 : i32
        %dma_start3A_382 = tpu.memref_slice %arg8[%dma_start3A_378, %dma_start3A_380, %dma_start3A_381] : memref<3x80x128xf32, #tpu.memory_space<vmem>> -> memref<1x80x128xf32, #tpu.memory_space<vmem>>
        %dma_start3A_383 = tpu.memref_squeeze %dma_start3A_382 : memref<1x80x128xf32, #tpu.memory_space<vmem>> -> memref<80x128xf32, #tpu.memory_space<vmem>>
        %dma_start3A_384 = tpu.memref_slice %arg6[%mul3A_377] : memref<10000xi32, #tpu.memory_space<vmem>> -> memref<80xi32, #tpu.memory_space<vmem>>
        %dma_start3A_385 = arith.constant 0 : i32
        %dma_start3A_386 = arith.constant 0 : i32
        %dma_start3A_387 = tpu.memref_slice %arg2[%dma_start3A_385, %dma_start3A_386] : memref<10000x128xf32, #tpu.memory_space<hbm>> -> memref<10000x128xf32, #tpu.memory_space<hbm>>
        %dma_start3A_388 = tpu.memref_slice %arg11[%dma_start3A_379] : memref<3x!tpu.dma_semaphore, #tpu.memory_space<semaphore_mem>> -> memref<1x!tpu.dma_semaphore, #tpu.memory_space<semaphore_mem>>
        %dma_start3A_389 = tpu.memref_squeeze %dma_start3A_388 : memref<1x!tpu.dma_semaphore, #tpu.memory_space<semaphore_mem>> -> memref<!tpu.dma_semaphore, #tpu.memory_space<semaphore_mem>>
        tpu.enqueue_indirect_dma source(%dma_start3A_387 : memref<10000x128xf32, #tpu.memory_space<hbm>>) target(%dma_start3A_383 : memref<80x128xf32, #tpu.memory_space<vmem>>) offsets(%dma_start3A_384 : memref<80xi32, #tpu.memory_space<vmem>>) semaphore(%dma_start3A_389 : memref<!tpu.dma_semaphore, #tpu.memory_space<semaphore_mem>>)
      } else {
      }
    }
    %scan3A_147 = arith.constant 41 : i32
    %dma_wait3A = arith.constant 0 : i32
    %dma_wait3A_148 = arith.constant 0 : i32
    %dma_wait3A_149 = arith.constant 0 : i32
    %dma_wait3A_150 = tpu.memref_slice %arg7[%dma_wait3A, %dma_wait3A_149] : memref<3x80xi32, #tpu.memory_space<vmem>> -> memref<1x80xi32, #tpu.memory_space<vmem>>
    %dma_wait3A_151 = tpu.memref_squeeze %dma_wait3A_150 : memref<1x80xi32, #tpu.memory_space<vmem>> -> memref<80xi32, #tpu.memory_space<vmem>>
    %dma_wait3A_152 = arith.constant 0 : i32
    %dma_wait3A_153 = tpu.memref_slice %arg4[%dma_wait3A_152] : memref<320000xi32, #tpu.memory_space<hbm>> -> memref<80xi32, #tpu.memory_space<hbm>>
    %dma_wait3A_154 = tpu.memref_slice %arg12[%dma_wait3A_148] : memref<3x!tpu.dma_semaphore, #tpu.memory_space<semaphore_mem>> -> memref<1x!tpu.dma_semaphore, #tpu.memory_space<semaphore_mem>>
    %dma_wait3A_155 = tpu.memref_squeeze %dma_wait3A_154 : memref<1x!tpu.dma_semaphore, #tpu.memory_space<semaphore_mem>> -> memref<!tpu.dma_semaphore, #tpu.memory_space<semaphore_mem>>
    %dma_wait3A_156 = arith.constant 0 : i32
    %dma_wait3A_157 = tpu.memref_slice %arg7[%dma_wait3A, %dma_wait3A_156] : memref<3x80xi32, #tpu.memory_space<vmem>> -> memref<1x80xi32, #tpu.memory_space<vmem>>
    %dma_wait3A_158 = tpu.memref_squeeze %dma_wait3A_157 : memref<1x80xi32, #tpu.memory_space<vmem>> -> memref<80xi32, #tpu.memory_space<vmem>>
    %dma_wait3A_159 = arith.constant 0 : i32
    %dma_wait3A_160 = tpu.memref_slice %arg4[%dma_wait3A_159] : memref<320000xi32, #tpu.memory_space<hbm>> -> memref<80xi32, #tpu.memory_space<hbm>>
    tpu.wait_dma2 semaphore(%dma_wait3A_155 : memref<!tpu.dma_semaphore, #tpu.memory_space<semaphore_mem>>) src(%dma_wait3A_160 : memref<80xi32, #tpu.memory_space<hbm>>) dst(%dma_wait3A_158 : memref<80xi32, #tpu.memory_space<vmem>>)
    %dma_wait3A_161 = arith.constant 0 : i32
    %dma_wait3A_162 = arith.constant 0 : i32
    %dma_wait3A_163 = arith.constant 0 : i32
    %dma_wait3A_164 = arith.constant 0 : i32
    %dma_wait3A_165 = tpu.memref_slice %arg8[%dma_wait3A_161, %dma_wait3A_163, %dma_wait3A_164] : memref<3x80x128xf32, #tpu.memory_space<vmem>> -> memref<1x80x128xf32, #tpu.memory_space<vmem>>
    %dma_wait3A_166 = tpu.memref_squeeze %dma_wait3A_165 : memref<1x80x128xf32, #tpu.memory_space<vmem>> -> memref<80x128xf32, #tpu.memory_space<vmem>>
    %dma_wait3A_167 = arith.constant 0 : i32
    %dma_wait3A_168 = arith.constant 0 : i32
    %dma_wait3A_169 = tpu.memref_slice %arg2[%dma_wait3A_167, %dma_wait3A_168] : memref<10000x128xf32, #tpu.memory_space<hbm>> -> memref<80x128xf32, #tpu.memory_space<hbm>>
    %dma_wait3A_170 = tpu.memref_slice %arg11[%dma_wait3A_162] : memref<3x!tpu.dma_semaphore, #tpu.memory_space<semaphore_mem>> -> memref<1x!tpu.dma_semaphore, #tpu.memory_space<semaphore_mem>>
    %dma_wait3A_171 = tpu.memref_squeeze %dma_wait3A_170 : memref<1x!tpu.dma_semaphore, #tpu.memory_space<semaphore_mem>> -> memref<!tpu.dma_semaphore, #tpu.memory_space<semaphore_mem>>
    %dma_wait3A_172 = arith.constant 0 : i32
    %dma_wait3A_173 = arith.constant 0 : i32
    %dma_wait3A_174 = tpu.memref_slice %arg8[%dma_wait3A_161, %dma_wait3A_172, %dma_wait3A_173] : memref<3x80x128xf32, #tpu.memory_space<vmem>> -> memref<1x80x128xf32, #tpu.memory_space<vmem>>
    %dma_wait3A_175 = tpu.memref_squeeze %dma_wait3A_174 : memref<1x80x128xf32, #tpu.memory_space<vmem>> -> memref<80x128xf32, #tpu.memory_space<vmem>>
    %dma_wait3A_176 = arith.constant 0 : i32
    %dma_wait3A_177 = arith.constant 0 : i32
    %dma_wait3A_178 = tpu.memref_slice %arg2[%dma_wait3A_176, %dma_wait3A_177] : memref<10000x128xf32, #tpu.memory_space<hbm>> -> memref<80x128xf32, #tpu.memory_space<hbm>>
    tpu.wait_dma2 semaphore(%dma_wait3A_171 : memref<!tpu.dma_semaphore, #tpu.memory_space<semaphore_mem>>) src(%dma_wait3A_178 : memref<80x128xf32, #tpu.memory_space<hbm>>) dst(%dma_wait3A_175 : memref<80x128xf32, #tpu.memory_space<vmem>>)
    %run_scoped3A = arith.constant 0 : i32
    %run_scoped3A_179 = arith.constant 0 : i32
    "tpu.region"() ({
      %run_scoped3A_224 = tpu.sem_alloc : memref<!tpu.dma_semaphore, #tpu.memory_space<semaphore_mem>>
      %dma_start3A_225 = arith.constant 0 : i32
      %dma_start3A_226 = arith.constant 0 : i32
      %dma_start3A_227 = tpu.memref_slice %arg8[%run_scoped3A, %dma_start3A_225, %dma_start3A_226] : memref<3x80x128xf32, #tpu.memory_space<vmem>> -> memref<1x80x128xf32, #tpu.memory_space<vmem>>
      %dma_start3A_228 = tpu.memref_squeeze %dma_start3A_227 : memref<1x80x128xf32, #tpu.memory_space<vmem>> -> memref<80x128xf32, #tpu.memory_space<vmem>>
      %dma_start3A_229 = arith.constant 0 : i32
      %dma_start3A_230 = tpu.memref_slice %arg7[%run_scoped3A_179, %dma_start3A_229] : memref<3x80xi32, #tpu.memory_space<vmem>> -> memref<1x80xi32, #tpu.memory_space<vmem>>
      %dma_start3A_231 = tpu.memref_squeeze %dma_start3A_230 : memref<1x80xi32, #tpu.memory_space<vmem>> -> memref<80xi32, #tpu.memory_space<vmem>>
      %dma_start3A_232 = arith.constant 0 : i32
      %dma_start3A_233 = arith.constant 0 : i32
      %dma_start3A_234 = tpu.memref_slice %arg10[%dma_start3A_232, %dma_start3A_233] : memref<10000x128xf32, #tpu.memory_space<vmem_shared>> -> memref<10000x128xf32, #tpu.memory_space<vmem_shared>>
      tpu.enqueue_indirect_dma source(%dma_start3A_228 : memref<80x128xf32, #tpu.memory_space<vmem>>) target(%dma_start3A_234 : memref<10000x128xf32, #tpu.memory_space<vmem_shared>>) offsets(%dma_start3A_231 : memref<80xi32, #tpu.memory_space<vmem>>) semaphore(%run_scoped3A_224 : memref<!tpu.dma_semaphore, #tpu.memory_space<semaphore_mem>>) {add = true}
      %dma_wait3A_235 = arith.constant 0 : i32
      %dma_wait3A_236 = arith.constant 0 : i32
      %dma_wait3A_237 = tpu.memref_slice %arg8[%run_scoped3A, %dma_wait3A_235, %dma_wait3A_236] : memref<3x80x128xf32, #tpu.memory_space<vmem>> -> memref<1x80x128xf32, #tpu.memory_space<vmem>>
      %dma_wait3A_238 = tpu.memref_squeeze %dma_wait3A_237 : memref<1x80x128xf32, #tpu.memory_space<vmem>> -> memref<80x128xf32, #tpu.memory_space<vmem>>
      %dma_wait3A_239 = arith.constant 0 : i32
      %dma_wait3A_240 = tpu.memref_slice %arg7[%run_scoped3A_179, %dma_wait3A_239] : memref<3x80xi32, #tpu.memory_space<vmem>> -> memref<1x80xi32, #tpu.memory_space<vmem>>
      %dma_wait3A_241 = tpu.memref_squeeze %dma_wait3A_240 : memref<1x80xi32, #tpu.memory_space<vmem>> -> memref<80xi32, #tpu.memory_space<vmem>>
      %dma_wait3A_242 = arith.constant 0 : i32
      %dma_wait3A_243 = arith.constant 0 : i32
      %dma_wait3A_244 = tpu.memref_slice %arg10[%dma_wait3A_242, %dma_wait3A_243] : memref<10000x128xf32, #tpu.memory_space<vmem_shared>> -> memref<10000x128xf32, #tpu.memory_space<vmem_shared>>
      tpu.wait_indirect_dma semaphore(%run_scoped3A_224 : memref<!tpu.dma_semaphore, #tpu.memory_space<semaphore_mem>>) src(%dma_wait3A_238 : memref<80x128xf32, #tpu.memory_space<vmem>>) dst(%dma_wait3A_244 : memref<10000x128xf32, #tpu.memory_space<vmem_shared>>)
      tpu.yield
    }) : () -> ()
    %dma_wait3A_180 = arith.constant 1 : i32
    %dma_wait3A_181 = arith.constant 1 : i32
    %dma_wait3A_182 = arith.constant 0 : i32
    %dma_wait3A_183 = tpu.memref_slice %arg7[%dma_wait3A_180, %dma_wait3A_182] : memref<3x80xi32, #tpu.memory_space<vmem>> -> memref<1x80xi32, #tpu.memory_space<vmem>>
    %dma_wait3A_184 = tpu.memref_squeeze %dma_wait3A_183 : memref<1x80xi32, #tpu.memory_space<vmem>> -> memref<80xi32, #tpu.memory_space<vmem>>
    %dma_wait3A_185 = arith.constant 0 : i32
    %dma_wait3A_186 = tpu.memref_slice %arg4[%dma_wait3A_185] : memref<320000xi32, #tpu.memory_space<hbm>> -> memref<80xi32, #tpu.memory_space<hbm>>
    %dma_wait3A_187 = tpu.memref_slice %arg12[%dma_wait3A_181] : memref<3x!tpu.dma_semaphore, #tpu.memory_space<semaphore_mem>> -> memref<1x!tpu.dma_semaphore, #tpu.memory_space<semaphore_mem>>
    %dma_wait3A_188 = tpu.memref_squeeze %dma_wait3A_187 : memref<1x!tpu.dma_semaphore, #tpu.memory_space<semaphore_mem>> -> memref<!tpu.dma_semaphore, #tpu.memory_space<semaphore_mem>>
    %dma_wait3A_189 = arith.constant 0 : i32
    %dma_wait3A_190 = tpu.memref_slice %arg7[%dma_wait3A_180, %dma_wait3A_189] : memref<3x80xi32, #tpu.memory_space<vmem>> -> memref<1x80xi32, #tpu.memory_space<vmem>>
    %dma_wait3A_191 = tpu.memref_squeeze %dma_wait3A_190 : memref<1x80xi32, #tpu.memory_space<vmem>> -> memref<80xi32, #tpu.memory_space<vmem>>
    %dma_wait3A_192 = arith.constant 0 : i32
    %dma_wait3A_193 = tpu.memref_slice %arg4[%dma_wait3A_192] : memref<320000xi32, #tpu.memory_space<hbm>> -> memref<80xi32, #tpu.memory_space<hbm>>
    tpu.wait_dma2 semaphore(%dma_wait3A_188 : memref<!tpu.dma_semaphore, #tpu.memory_space<semaphore_mem>>) src(%dma_wait3A_193 : memref<80xi32, #tpu.memory_space<hbm>>) dst(%dma_wait3A_191 : memref<80xi32, #tpu.memory_space<vmem>>)
    %dma_wait3A_194 = arith.constant 1 : i32
    %dma_wait3A_195 = arith.constant 1 : i32
    %dma_wait3A_196 = arith.constant 0 : i32
    %dma_wait3A_197 = arith.constant 0 : i32
    %dma_wait3A_198 = tpu.memref_slice %arg8[%dma_wait3A_194, %dma_wait3A_196, %dma_wait3A_197] : memref<3x80x128xf32, #tpu.memory_space<vmem>> -> memref<1x80x128xf32, #tpu.memory_space<vmem>>
    %dma_wait3A_199 = tpu.memref_squeeze %dma_wait3A_198 : memref<1x80x128xf32, #tpu.memory_space<vmem>> -> memref<80x128xf32, #tpu.memory_space<vmem>>
    %dma_wait3A_200 = arith.constant 0 : i32
    %dma_wait3A_201 = arith.constant 0 : i32
    %dma_wait3A_202 = tpu.memref_slice %arg2[%dma_wait3A_200, %dma_wait3A_201] : memref<10000x128xf32, #tpu.memory_space<hbm>> -> memref<80x128xf32, #tpu.memory_space<hbm>>
    %dma_wait3A_203 = tpu.memref_slice %arg11[%dma_wait3A_195] : memref<3x!tpu.dma_semaphore, #tpu.memory_space<semaphore_mem>> -> memref<1x!tpu.dma_semaphore, #tpu.memory_space<semaphore_mem>>
    %dma_wait3A_204 = tpu.memref_squeeze %dma_wait3A_203 : memref<1x!tpu.dma_semaphore, #tpu.memory_space<semaphore_mem>> -> memref<!tpu.dma_semaphore, #tpu.memory_space<semaphore_mem>>
    %dma_wait3A_205 = arith.constant 0 : i32
    %dma_wait3A_206 = arith.constant 0 : i32
    %dma_wait3A_207 = tpu.memref_slice %arg8[%dma_wait3A_194, %dma_wait3A_205, %dma_wait3A_206] : memref<3x80x128xf32, #tpu.memory_space<vmem>> -> memref<1x80x128xf32, #tpu.memory_space<vmem>>
    %dma_wait3A_208 = tpu.memref_squeeze %dma_wait3A_207 : memref<1x80x128xf32, #tpu.memory_space<vmem>> -> memref<80x128xf32, #tpu.memory_space<vmem>>
    %dma_wait3A_209 = arith.constant 0 : i32
    %dma_wait3A_210 = arith.constant 0 : i32
    %dma_wait3A_211 = tpu.memref_slice %arg2[%dma_wait3A_209, %dma_wait3A_210] : memref<10000x128xf32, #tpu.memory_space<hbm>> -> memref<80x128xf32, #tpu.memory_space<hbm>>
    tpu.wait_dma2 semaphore(%dma_wait3A_204 : memref<!tpu.dma_semaphore, #tpu.memory_space<semaphore_mem>>) src(%dma_wait3A_211 : memref<80x128xf32, #tpu.memory_space<hbm>>) dst(%dma_wait3A_208 : memref<80x128xf32, #tpu.memory_space<vmem>>)
    %run_scoped3A_212 = arith.constant 1 : i32
    %run_scoped3A_213 = arith.constant 1 : i32
    "tpu.region"() ({
      %run_scoped3A_224 = tpu.sem_alloc : memref<!tpu.dma_semaphore, #tpu.memory_space<semaphore_mem>>
      %dma_start3A_225 = arith.constant 0 : i32
      %dma_start3A_226 = arith.constant 0 : i32
      %dma_start3A_227 = tpu.memref_slice %arg8[%run_scoped3A_212, %dma_start3A_225, %dma_start3A_226] : memref<3x80x128xf32, #tpu.memory_space<vmem>> -> memref<1x80x128xf32, #tpu.memory_space<vmem>>
      %dma_start3A_228 = tpu.memref_squeeze %dma_start3A_227 : memref<1x80x128xf32, #tpu.memory_space<vmem>> -> memref<80x128xf32, #tpu.memory_space<vmem>>
      %dma_start3A_229 = arith.constant 0 : i32
      %dma_start3A_230 = tpu.memref_slice %arg7[%run_scoped3A_213, %dma_start3A_229] : memref<3x80xi32, #tpu.memory_space<vmem>> -> memref<1x80xi32, #tpu.memory_space<vmem>>
      %dma_start3A_231 = tpu.memref_squeeze %dma_start3A_230 : memref<1x80xi32, #tpu.memory_space<vmem>> -> memref<80xi32, #tpu.memory_space<vmem>>
      %dma_start3A_232 = arith.constant 0 : i32
      %dma_start3A_233 = arith.constant 0 : i32
      %dma_start3A_234 = tpu.memref_slice %arg10[%dma_start3A_232, %dma_start3A_233] : memref<10000x128xf32, #tpu.memory_space<vmem_shared>> -> memref<10000x128xf32, #tpu.memory_space<vmem_shared>>
      tpu.enqueue_indirect_dma source(%dma_start3A_228 : memref<80x128xf32, #tpu.memory_space<vmem>>) target(%dma_start3A_234 : memref<10000x128xf32, #tpu.memory_space<vmem_shared>>) offsets(%dma_start3A_231 : memref<80xi32, #tpu.memory_space<vmem>>) semaphore(%run_scoped3A_224 : memref<!tpu.dma_semaphore, #tpu.memory_space<semaphore_mem>>) {add = true}
      %dma_wait3A_235 = arith.constant 0 : i32
      %dma_wait3A_236 = arith.constant 0 : i32
      %dma_wait3A_237 = tpu.memref_slice %arg8[%run_scoped3A_212, %dma_wait3A_235, %dma_wait3A_236] : memref<3x80x128xf32, #tpu.memory_space<vmem>> -> memref<1x80x128xf32, #tpu.memory_space<vmem>>
      %dma_wait3A_238 = tpu.memref_squeeze %dma_wait3A_237 : memref<1x80x128xf32, #tpu.memory_space<vmem>> -> memref<80x128xf32, #tpu.memory_space<vmem>>
      %dma_wait3A_239 = arith.constant 0 : i32
      %dma_wait3A_240 = tpu.memref_slice %arg7[%run_scoped3A_213, %dma_wait3A_239] : memref<3x80xi32, #tpu.memory_space<vmem>> -> memref<1x80xi32, #tpu.memory_space<vmem>>
      %dma_wait3A_241 = tpu.memref_squeeze %dma_wait3A_240 : memref<1x80xi32, #tpu.memory_space<vmem>> -> memref<80xi32, #tpu.memory_space<vmem>>
      %dma_wait3A_242 = arith.constant 0 : i32
      %dma_wait3A_243 = arith.constant 0 : i32
      %dma_wait3A_244 = tpu.memref_slice %arg10[%dma_wait3A_242, %dma_wait3A_243] : memref<10000x128xf32, #tpu.memory_space<vmem_shared>> -> memref<10000x128xf32, #tpu.memory_space<vmem_shared>>
      tpu.wait_indirect_dma semaphore(%run_scoped3A_224 : memref<!tpu.dma_semaphore, #tpu.memory_space<semaphore_mem>>) src(%dma_wait3A_238 : memref<80x128xf32, #tpu.memory_space<vmem>>) dst(%dma_wait3A_244 : memref<10000x128xf32, #tpu.memory_space<vmem_shared>>)
      tpu.yield
    }) : () -> ()
    %barrier3A_214 = arith.constant 0 : index
    tpu.barrier barrier_id(%barrier3A_214)
    %mul3A_215 = arith.constant 624 : i32
    %mul3A_216 = arith.muli %arg1, %mul3A_215 : i32
    %mul3A_217 = arith.constant 624 : i32
    %mul3A_218 = arith.muli %arg1, %mul3A_217 : i32
    "tpu.region"() ({
      %run_scoped3A_224 = tpu.sem_alloc : memref<!tpu.dma_semaphore, #tpu.memory_space<semaphore_mem>>
      %dma_start3A_225 = arith.constant 0 : i32
      %dma_start3A_226 = tpu.memref_slice %arg5[%arg0, %mul3A_218, %dma_start3A_225] : memref<2x10000x128xf32, #tpu.memory_space<hbm>> -> memref<1x624x128xf32, #tpu.memory_space<hbm>>
      %dma_start3A_227 = tpu.memref_squeeze %dma_start3A_226 : memref<1x624x128xf32, #tpu.memory_space<hbm>> -> memref<624x128xf32, #tpu.memory_space<hbm>>
      %dma_start3A_228 = arith.constant 0 : i32
      %dma_start3A_229 = tpu.memref_slice %arg10[%mul3A_216, %dma_start3A_228] : memref<10000x128xf32, #tpu.memory_space<vmem_shared>> -> memref<624x128xf32, #tpu.memory_space<vmem_shared>>
      tpu.enqueue_dma source(%dma_start3A_229 : memref<624x128xf32, #tpu.memory_space<vmem_shared>>) target(%dma_start3A_227 : memref<624x128xf32, #tpu.memory_space<hbm>>) target_semaphore(%run_scoped3A_224 : memref<!tpu.dma_semaphore, #tpu.memory_space<semaphore_mem>>)
      %dma_wait3A_230 = arith.constant 0 : i32
      %dma_wait3A_231 = tpu.memref_slice %arg5[%arg0, %mul3A_218, %dma_wait3A_230] : memref<2x10000x128xf32, #tpu.memory_space<hbm>> -> memref<1x624x128xf32, #tpu.memory_space<hbm>>
      %dma_wait3A_232 = tpu.memref_squeeze %dma_wait3A_231 : memref<1x624x128xf32, #tpu.memory_space<hbm>> -> memref<624x128xf32, #tpu.memory_space<hbm>>
      %dma_wait3A_233 = arith.constant 0 : i32
      %dma_wait3A_234 = tpu.memref_slice %arg10[%mul3A_216, %dma_wait3A_233] : memref<10000x128xf32, #tpu.memory_space<vmem_shared>> -> memref<624x128xf32, #tpu.memory_space<vmem_shared>>
      tpu.wait_dma2 semaphore(%run_scoped3A_224 : memref<!tpu.dma_semaphore, #tpu.memory_space<semaphore_mem>>) src(%dma_wait3A_234 : memref<624x128xf32, #tpu.memory_space<vmem_shared>>) dst(%dma_wait3A_232 : memref<624x128xf32, #tpu.memory_space<hbm>>)
      tpu.yield
    }) : () -> ()
    %eq3A_219 = arith.constant 0 : i32
    %eq3A_220 = arith.cmpi eq, %arg1, %eq3A_219 : i32
    %convert_element_type3A_221 = arith.extui %eq3A_220 : i1 to i32
    %cond3A_222 = arith.constant 0 : i32
    %cond3A_223 = arith.cmpi ne, %convert_element_type3A_221, %cond3A_222 : i32
    scf.if %cond3A_223 {
      "tpu.region"() ({
        %run_scoped3A_224 = tpu.sem_alloc : memref<!tpu.dma_semaphore, #tpu.memory_space<semaphore_mem>>
        %dma_start3A_225 = arith.constant 9984 : i32
        %dma_start3A_226 = arith.constant 0 : i32
        %dma_start3A_227 = tpu.memref_slice %arg5[%arg0, %dma_start3A_225, %dma_start3A_226] : memref<2x10000x128xf32, #tpu.memory_space<hbm>> -> memref<1x16x128xf32, #tpu.memory_space<hbm>>
        %dma_start3A_228 = tpu.memref_squeeze %dma_start3A_227 : memref<1x16x128xf32, #tpu.memory_space<hbm>> -> memref<16x128xf32, #tpu.memory_space<hbm>>
        %dma_start3A_229 = arith.constant 9984 : i32
        %dma_start3A_230 = arith.constant 0 : i32
        %dma_start3A_231 = tpu.memref_slice %arg10[%dma_start3A_229, %dma_start3A_230] : memref<10000x128xf32, #tpu.memory_space<vmem_shared>> -> memref<16x128xf32, #tpu.memory_space<vmem_shared>>
        tpu.enqueue_dma source(%dma_start3A_231 : memref<16x128xf32, #tpu.memory_space<vmem_shared>>) target(%dma_start3A_228 : memref<16x128xf32, #tpu.memory_space<hbm>>) target_semaphore(%run_scoped3A_224 : memref<!tpu.dma_semaphore, #tpu.memory_space<semaphore_mem>>)
        %dma_wait3A_232 = arith.constant 9984 : i32
        %dma_wait3A_233 = arith.constant 0 : i32
        %dma_wait3A_234 = tpu.memref_slice %arg5[%arg0, %dma_wait3A_232, %dma_wait3A_233] : memref<2x10000x128xf32, #tpu.memory_space<hbm>> -> memref<1x16x128xf32, #tpu.memory_space<hbm>>
        %dma_wait3A_235 = tpu.memref_squeeze %dma_wait3A_234 : memref<1x16x128xf32, #tpu.memory_space<hbm>> -> memref<16x128xf32, #tpu.memory_space<hbm>>
        %dma_wait3A_236 = arith.constant 9984 : i32
        %dma_wait3A_237 = arith.constant 0 : i32
        %dma_wait3A_238 = tpu.memref_slice %arg10[%dma_wait3A_236, %dma_wait3A_237] : memref<10000x128xf32, #tpu.memory_space<vmem_shared>> -> memref<16x128xf32, #tpu.memory_space<vmem_shared>>
        tpu.wait_dma2 semaphore(%run_scoped3A_224 : memref<!tpu.dma_semaphore, #tpu.memory_space<semaphore_mem>>) src(%dma_wait3A_238 : memref<16x128xf32, #tpu.memory_space<vmem_shared>>) dst(%dma_wait3A_235 : memref<16x128xf32, #tpu.memory_space<hbm>>)
        tpu.yield
      }) : () -> ()
    } else {
    }
    return
  }
}

module attributes {stable_mosaic.version = 14 : i64} {
  func.func @body(%arg0: i32, %arg1: memref<2x2000x128xf32, #tpu.memory_space<vmem>>, %arg2: memref<1x128xf32, #tpu.memory_space<vmem>>, %arg3: memref<128x128xf32, #tpu.memory_space<vmem>>, %arg4: memref<2000x128xf32, #tpu.memory_space<vmem>>) attributes {dimension_semantics = [#tpu.dimension_semantics<arbitrary>], iteration_bounds = array<i64: 5>, scalar_prefetch = 0 : i64, scratch_operands = 0 : i64, tpu.core_type = #tpu.core_type<tc>, window_params = [{transform_indices = @transform_0, window_bounds = array<i64: 2, 2000, 128>}, {pipeline_mode = #tpu.pipeline_mode<synchronous>, transform_indices = @transform_1, window_bounds = array<i64: 1, 128>}, {pipeline_mode = #tpu.pipeline_mode<synchronous>, transform_indices = @transform_2, window_bounds = array<i64: 128, 128>}, {transform_indices = @transform_3, window_bounds = array<i64: 2000, 128>}]} {
    %get3A = arith.constant 0 : index
    %get3A_0 = arith.constant 0 : index
    %get3A_1 = arith.constant 0 : index
    %get3A_2 = vector.load %arg1[%get3A, %get3A_0, %get3A_1] : memref<2x2000x128xf32, #tpu.memory_space<vmem>>, vector<1x2000x128xf32>
    %get3A_3 = vector.shape_cast %get3A_2 : vector<1x2000x128xf32> to vector<2000x128xf32>
    %get3A_4 = arith.constant 1 : index
    %get3A_5 = arith.constant 0 : index
    %get3A_6 = arith.constant 0 : index
    %get3A_7 = vector.load %arg1[%get3A_4, %get3A_5, %get3A_6] : memref<2x2000x128xf32, #tpu.memory_space<vmem>>, vector<1x2000x128xf32>
    %get3A_8 = vector.shape_cast %get3A_7 : vector<1x2000x128xf32> to vector<2000x128xf32>
    %add3A = arith.addf %get3A_3, %get3A_8 : vector<2000x128xf32>
    %get3A_9 = arith.constant 0 : index
    %get3A_10 = arith.constant 0 : index
    %get3A_11 = vector.load %arg2[%get3A_9, %get3A_10] : memref<1x128xf32, #tpu.memory_space<vmem>>, vector<1x128xf32>
    %add3A_12 = vector.broadcast %get3A_11 : vector<1x128xf32> to vector<2000x128xf32>
    %add3A_13 = arith.addf %add3A, %add3A_12 : vector<2000x128xf32>
    %max3A = arith.constant 0.000000e+00 : f32
    %max3A_14 = vector.broadcast %max3A : f32 to vector<2000x128xf32>
    %max3A_15 = arith.maximumf %add3A_13, %max3A_14 : vector<2000x128xf32>
    %get3A_16 = arith.constant 0 : index
    %get3A_17 = arith.constant 0 : index
    %get3A_18 = vector.load %arg3[%get3A_16, %get3A_17] : memref<128x128xf32, #tpu.memory_space<vmem>>, vector<128x128xf32>
    %dot_general3A = arith.constant dense<0.000000e+00> : vector<2000x128xf32>
    %dot_general3A_19 = tpu.matmul %max3A_15, %get3A_18, %dot_general3A {dimension_numbers = #tpu.dot_dimension_numbers<[1], [0], [0], [1], [0, 0, 1, 1], [], []>, transpose_lhs_hint = false} : vector<2000x128xf32>, vector<128x128xf32>, vector<2000x128xf32> -> vector<2000x128xf32>
    %swap3A = arith.constant 0 : index
    %swap3A_20 = arith.constant 0 : index
    %swap3A_21 = vector.load %arg4[%swap3A, %swap3A_20] : memref<2000x128xf32, #tpu.memory_space<vmem>>, vector<2000x128xf32>
    tpu.vector_store %arg4[%swap3A, %swap3A_20], %dot_general3A_19 {strides = array<i32>} : memref<2000x128xf32, #tpu.memory_space<vmem>>, vector<2000x128xf32>,
    return
  }
  func.func @transform_0(%arg0: i32) -> (i32, i32, i32) {
    %c0_i32 = arith.constant 0 : i32
    %c0_i32_0 = arith.constant 0 : i32
    %c0_i32_1 = arith.constant 0 : i32
    return %c0_i32, %arg0, %c0_i32_0 : i32, i32, i32
  }
  func.func @transform_1(%arg0: i32) -> (i32, i32) {
    %c0_i32 = arith.constant 0 : i32
    %c0_i32_0 = arith.constant 0 : i32
    %c0_i32_1 = arith.constant 0 : i32
    return %c0_i32, %c0_i32_0 : i32, i32
  }
  func.func @transform_2(%arg0: i32) -> (i32, i32) {
    %c0_i32 = arith.constant 0 : i32
    %c0_i32_0 = arith.constant 0 : i32
    %c0_i32_1 = arith.constant 0 : i32
    return %c0_i32, %c0_i32_0 : i32, i32
  }
  func.func @transform_3(%arg0: i32) -> (i32, i32) {
    %c0_i32 = arith.constant 0 : i32
    %c0_i32_0 = arith.constant 0 : i32
    return %arg0, %c0_i32 : i32, i32
  }
}

module attributes {stable_mosaic.version = 14 : i64} {
  func.func @body(%arg0: i32, %arg1: memref<2000x128xf32, #tpu.memory_space<vmem>>, %arg2: memref<128x128xf32, #tpu.memory_space<vmem>>, %arg3: memref<2000x128xf32, #tpu.memory_space<vmem>>) attributes {dimension_semantics = [#tpu.dimension_semantics<arbitrary>], iteration_bounds = array<i64: 5>, scalar_prefetch = 0 : i64, scratch_operands = 0 : i64, tpu.core_type = #tpu.core_type<tc>, window_params = [{transform_indices = @transform_0, window_bounds = array<i64: 2000, 128>}, {pipeline_mode = #tpu.pipeline_mode<synchronous>, transform_indices = @transform_1, window_bounds = array<i64: 128, 128>}, {transform_indices = @transform_2, window_bounds = array<i64: 2000, 128>}]} {
    %get3A = arith.constant 0 : index
    %get3A_0 = arith.constant 0 : index
    %get3A_1 = vector.load %arg1[%get3A, %get3A_0] : memref<2000x128xf32, #tpu.memory_space<vmem>>, vector<2000x128xf32>
    %get3A_2 = arith.constant 0 : index
    %get3A_3 = arith.constant 0 : index
    %get3A_4 = vector.load %arg2[%get3A_2, %get3A_3] : memref<128x128xf32, #tpu.memory_space<vmem>>, vector<128x128xf32>
    %dot_general3A = arith.constant dense<0.000000e+00> : vector<2000x128xf32>
    %dot_general3A_5 = tpu.matmul %get3A_1, %get3A_4, %dot_general3A {dimension_numbers = #tpu.dot_dimension_numbers<[1], [0], [0], [1], [0, 0, 1, 1], [], []>, transpose_lhs_hint = false} : vector<2000x128xf32>, vector<128x128xf32>, vector<2000x128xf32> -> vector<2000x128xf32>
    %swap3A = arith.constant 0 : index
    %swap3A_6 = arith.constant 0 : index
    %swap3A_7 = vector.load %arg3[%swap3A, %swap3A_6] : memref<2000x128xf32, #tpu.memory_space<vmem>>, vector<2000x128xf32>
    tpu.vector_store %arg3[%swap3A, %swap3A_6], %dot_general3A_5 {strides = array<i32>} : memref<2000x128xf32, #tpu.memory_space<vmem>>, vector<2000x128xf32>,
    return
  }
  func.func @transform_0(%arg0: i32) -> (i32, i32) {
    %c0_i32 = arith.constant 0 : i32
    %c0_i32_0 = arith.constant 0 : i32
    return %arg0, %c0_i32 : i32, i32
  }
  func.func @transform_1(%arg0: i32) -> (i32, i32) {
    %c0_i32 = arith.constant 0 : i32
    %c0_i32_0 = arith.constant 0 : i32
    %c0_i32_1 = arith.constant 0 : i32
    return %c0_i32, %c0_i32_0 : i32, i32
  }
  func.func @transform_2(%arg0: i32) -> (i32, i32) {
    %c0_i32 = arith.constant 0 : i32
    %c0_i32_0 = arith.constant 0 : i32
    return %arg0, %c0_i32 : i32, i32
  }
}

module attributes {stable_mosaic.version = 14 : i64} {
  func.func @body(%arg0: i32, %arg1: memref<1x1x2000xi32, #tpu.memory_space<vmem>>, %arg2: memref<2x2000x128xf32, #tpu.memory_space<vmem>>, %arg3: memref<1x128xf32, #tpu.memory_space<vmem>>, %arg4: memref<128x128xf32, #tpu.memory_space<vmem>>, %arg5: memref<1x128xf32, #tpu.memory_space<vmem>>, %arg6: memref<128x128xf32, #tpu.memory_space<vmem>>, %arg7: memref<1x128xf32, #tpu.memory_space<vmem>>, %arg8: memref<128x10xf32, #tpu.memory_space<vmem>>, %arg9: memref<1x10xf32, #tpu.memory_space<vmem>>, %arg10: memref<128x10xf32, #tpu.memory_space<vmem>>, %arg11: memref<128x128xf32, #tpu.memory_space<vmem>>, %arg12: memref<128x1xf32, #tpu.memory_space<vmem>>) attributes {dimension_semantics = [#tpu.dimension_semantics<arbitrary>], iteration_bounds = array<i64: 5>, scalar_prefetch = 0 : i64, scratch_operands = 2 : i64, tpu.core_type = #tpu.core_type<tc>, window_params = [{transform_indices = @transform_0, window_bounds = array<i64: 1, 1, 2000>}, {transform_indices = @transform_1, window_bounds = array<i64: 2, 2000, 128>}, {pipeline_mode = #tpu.pipeline_mode<synchronous>, transform_indices = @transform_2, window_bounds = array<i64: 1, 128>}, {pipeline_mode = #tpu.pipeline_mode<synchronous>, transform_indices = @transform_3, window_bounds = array<i64: 128, 128>}, {pipeline_mode = #tpu.pipeline_mode<synchronous>, transform_indices = @transform_4, window_bounds = array<i64: 1, 128>}, {pipeline_mode = #tpu.pipeline_mode<synchronous>, transform_indices = @transform_5, window_bounds = array<i64: 128, 128>}, {pipeline_mode = #tpu.pipeline_mode<synchronous>, transform_indices = @transform_6, window_bounds = array<i64: 1, 128>}, {pipeline_mode = #tpu.pipeline_mode<synchronous>, transform_indices = @transform_7, window_bounds = array<i64: 128, 10>}, {pipeline_mode = #tpu.pipeline_mode<synchronous>, transform_indices = @transform_8, window_bounds = array<i64: 1, 10>}, {pipeline_mode = #tpu.pipeline_mode<synchronous>, transform_indices = @transform_9, window_bounds = array<i64: 128, 10>}]} {
    %eq3A = arith.constant 0 : i32
    %eq3A_0 = arith.cmpi eq, %arg0, %eq3A : i32
    %convert_element_type3A = arith.extui %eq3A_0 : i1 to i32
    %cond3A = arith.constant 0 : i32
    %cond3A_1 = arith.cmpi ne, %convert_element_type3A, %cond3A : i32
    scf.if %cond3A_1 {
      %broadcast_in_dim3A_47 = arith.constant 0.000000e+00 : f32
      %broadcast_in_dim3A_48 = vector.broadcast %broadcast_in_dim3A_47 : f32 to vector<128x128xf32>
      %swap3A_49 = arith.constant 0 : index
      %swap3A_50 = arith.constant 0 : index
      %swap3A_51 = vector.load %arg11[%swap3A_49, %swap3A_50] : memref<128x128xf32, #tpu.memory_space<vmem>>, vector<128x128xf32>
      tpu.vector_store %arg11[%swap3A_49, %swap3A_50], %broadcast_in_dim3A_48 {strides = array<i32>} : memref<128x128xf32, #tpu.memory_space<vmem>>, vector<128x128xf32>,
      %broadcast_in_dim3A_52 = arith.constant 0.000000e+00 : f32
      %broadcast_in_dim3A_53 = vector.broadcast %broadcast_in_dim3A_52 : f32 to vector<128x1xf32>
      %swap3A_54 = arith.constant 0 : index
      %swap3A_55 = arith.constant 0 : index
      %swap3A_56 = vector.load %arg12[%swap3A_54, %swap3A_55] : memref<128x1xf32, #tpu.memory_space<vmem>>, vector<128x1xf32>
      tpu.vector_store %arg12[%swap3A_54, %swap3A_55], %broadcast_in_dim3A_53 {strides = array<i32>} : memref<128x1xf32, #tpu.memory_space<vmem>>, vector<128x1xf32>,
    } else {
    }
    %get3A = arith.constant 0 : index
    %get3A_2 = arith.constant 0 : index
    %get3A_3 = arith.constant 0 : index
    %get3A_4 = vector.load %arg2[%get3A, %get3A_2, %get3A_3] : memref<2x2000x128xf32, #tpu.memory_space<vmem>>, vector<1x2000x128xf32>
    %get3A_5 = vector.shape_cast %get3A_4 : vector<1x2000x128xf32> to vector<2000x128xf32>
    %get3A_6 = arith.constant 1 : index
    %get3A_7 = arith.constant 0 : index
    %get3A_8 = arith.constant 0 : index
    %get3A_9 = vector.load %arg2[%get3A_6, %get3A_7, %get3A_8] : memref<2x2000x128xf32, #tpu.memory_space<vmem>>, vector<1x2000x128xf32>
    %get3A_10 = vector.shape_cast %get3A_9 : vector<1x2000x128xf32> to vector<2000x128xf32>
    %add3A = arith.addf %get3A_5, %get3A_10 : vector<2000x128xf32>
    %get3A_11 = arith.constant 0 : index
    %get3A_12 = arith.constant 0 : index
    %get3A_13 = vector.load %arg3[%get3A_11, %get3A_12] : memref<1x128xf32, #tpu.memory_space<vmem>>, vector<1x128xf32>
    %add3A_14 = vector.broadcast %get3A_13 : vector<1x128xf32> to vector<2000x128xf32>
    %add3A_15 = arith.addf %add3A, %add3A_14 : vector<2000x128xf32>
    %max3A = arith.constant 0.000000e+00 : f32
    %max3A_16 = vector.broadcast %max3A : f32 to vector<2000x128xf32>
    %max3A_17 = arith.maximumf %add3A_15, %max3A_16 : vector<2000x128xf32>
    %get3A_18 = arith.constant 0 : index
    %get3A_19 = arith.constant 0 : index
    %get3A_20 = arith.constant 0 : index
    %get3A_21 = vector.load %arg1[%get3A_18, %get3A_19, %get3A_20] : memref<1x1x2000xi32, #tpu.memory_space<vmem>>, vector<1x1x2000xi32>
    %get3A_22 = vector.shape_cast %get3A_21 : vector<1x1x2000xi32> to vector<1x2000xi32>
    %iota3A = tpu.iota {dimensions = array<i32: 0>} : vector<128x2000xi32>
    %eq3A_23 = vector.broadcast %get3A_22 : vector<1x2000xi32> to vector<128x2000xi32>
    %eq3A_24 = arith.cmpi eq, %iota3A, %eq3A_23 : vector<128x2000xi32>
    %convert_element_type3A_25 = arith.extui %eq3A_24 : vector<128x2000xi1> to vector<128x2000xi32>
    %convert_element_type3A_26 = arith.sitofp %convert_element_type3A_25 : vector<128x2000xi32> to vector<128x2000xf32>
    %get3A_27 = arith.constant 0 : index
    %get3A_28 = arith.constant 0 : index
    %get3A_29 = vector.load %arg11[%get3A_27, %get3A_28] : memref<128x128xf32, #tpu.memory_space<vmem>>, vector<128x128xf32>
    %dot_general3A = arith.constant dense<0.000000e+00> : vector<128x128xf32>
    %dot_general3A_30 = tpu.matmul %convert_element_type3A_26, %max3A_17, %dot_general3A {dimension_numbers = #tpu.dot_dimension_numbers<[1], [0], [0], [1], [0, 0, 1, 1], [], []>, transpose_lhs_hint = false} : vector<128x2000xf32>, vector<2000x128xf32>, vector<128x128xf32> -> vector<128x128xf32>
    %add3A_31 = arith.addf %get3A_29, %dot_general3A_30 : vector<128x128xf32>
    %swap3A = arith.constant 0 : index
    %swap3A_32 = arith.constant 0 : index
    %swap3A_33 = vector.load %arg11[%swap3A, %swap3A_32] : memref<128x128xf32, #tpu.memory_space<vmem>>, vector<128x128xf32>
    tpu.vector_store %arg11[%swap3A, %swap3A_32], %add3A_31 {strides = array<i32>} : memref<128x128xf32, #tpu.memory_space<vmem>>, vector<128x128xf32>,
    %get3A_34 = arith.constant 0 : index
    %get3A_35 = arith.constant 0 : index
    %get3A_36 = vector.load %arg12[%get3A_34, %get3A_35] : memref<128x1xf32, #tpu.memory_space<vmem>>, vector<128x1xf32>
    %reduce_sum3A = arith.constant dense<0.000000e+00> : vector<128xf32>
    %reduce_sum3A_37 = vector.multi_reduction <add>, %convert_element_type3A_26, %reduce_sum3A [1] : vector<128x2000xf32> to vector<128xf32>
    %broadcast_in_dim3A = vector.shape_cast %reduce_sum3A_37 : vector<128xf32> to vector<128x1xf32>
    %add3A_38 = arith.addf %get3A_36, %broadcast_in_dim3A : vector<128x1xf32>
    %swap3A_39 = arith.constant 0 : index
    %swap3A_40 = arith.constant 0 : index
    %swap3A_41 = vector.load %arg12[%swap3A_39, %swap3A_40] : memref<128x1xf32, #tpu.memory_space<vmem>>, vector<128x1xf32>
    tpu.vector_store %arg12[%swap3A_39, %swap3A_40], %add3A_38 {strides = array<i32>} : memref<128x1xf32, #tpu.memory_space<vmem>>, vector<128x1xf32>,
    %eq3A_42 = arith.constant 4 : i32
    %eq3A_43 = arith.cmpi eq, %arg0, %eq3A_42 : i32
    %convert_element_type3A_44 = arith.extui %eq3A_43 : i1 to i32
    %cond3A_45 = arith.constant 0 : i32
    %cond3A_46 = arith.cmpi ne, %convert_element_type3A_44, %cond3A_45 : i32
    scf.if %cond3A_46 {
      %get3A_47 = arith.constant 0 : index
      %get3A_48 = arith.constant 0 : index
      %get3A_49 = vector.load %arg11[%get3A_47, %get3A_48] : memref<128x128xf32, #tpu.memory_space<vmem>>, vector<128x128xf32>
      %get3A_50 = arith.constant 0 : index
      %get3A_51 = arith.constant 0 : index
      %get3A_52 = vector.load %arg12[%get3A_50, %get3A_51] : memref<128x1xf32, #tpu.memory_space<vmem>>, vector<128x1xf32>
      %max3A_53 = arith.constant 1.000000e+00 : f32
      %max3A_54 = vector.broadcast %max3A_53 : f32 to vector<128x1xf32>
      %max3A_55 = arith.maximumf %get3A_52, %max3A_54 : vector<128x1xf32>
      %div3A = vector.broadcast %max3A_55 : vector<128x1xf32> to vector<128x128xf32>
      %div3A_56 = arith.divf %get3A_49, %div3A : vector<128x128xf32>
      %get3A_57 = arith.constant 0 : index
      %get3A_58 = arith.constant 0 : index
      %get3A_59 = vector.load %arg4[%get3A_57, %get3A_58] : memref<128x128xf32, #tpu.memory_space<vmem>>, vector<128x128xf32>
      %dot_general3A_60 = arith.constant dense<0.000000e+00> : vector<128x128xf32>
      %dot_general3A_61 = tpu.matmul %div3A_56, %get3A_59, %dot_general3A_60 {dimension_numbers = #tpu.dot_dimension_numbers<[1], [0], [0], [1], [0, 0, 1, 1], [], []>, transpose_lhs_hint = false} : vector<128x128xf32>, vector<128x128xf32>, vector<128x128xf32> -> vector<128x128xf32>
      %get3A_62 = arith.constant 0 : index
      %get3A_63 = arith.constant 0 : index
      %get3A_64 = vector.load %arg5[%get3A_62, %get3A_63] : memref<1x128xf32, #tpu.memory_space<vmem>>, vector<1x128xf32>
      %add3A_65 = vector.broadcast %get3A_64 : vector<1x128xf32> to vector<128x128xf32>
      %add3A_66 = arith.addf %dot_general3A_61, %add3A_65 : vector<128x128xf32>
      %max3A_67 = arith.constant 0.000000e+00 : f32
      %max3A_68 = vector.broadcast %max3A_67 : f32 to vector<128x128xf32>
      %max3A_69 = arith.maximumf %add3A_66, %max3A_68 : vector<128x128xf32>
      %get3A_70 = arith.constant 0 : index
      %get3A_71 = arith.constant 0 : index
      %get3A_72 = vector.load %arg6[%get3A_70, %get3A_71] : memref<128x128xf32, #tpu.memory_space<vmem>>, vector<128x128xf32>
      %dot_general3A_73 = arith.constant dense<0.000000e+00> : vector<128x128xf32>
      %dot_general3A_74 = tpu.matmul %max3A_69, %get3A_72, %dot_general3A_73 {dimension_numbers = #tpu.dot_dimension_numbers<[1], [0], [0], [1], [0, 0, 1, 1], [], []>, transpose_lhs_hint = false} : vector<128x128xf32>, vector<128x128xf32>, vector<128x128xf32> -> vector<128x128xf32>
      %get3A_75 = arith.constant 0 : index
      %get3A_76 = arith.constant 0 : index
      %get3A_77 = vector.load %arg7[%get3A_75, %get3A_76] : memref<1x128xf32, #tpu.memory_space<vmem>>, vector<1x128xf32>
      %add3A_78 = vector.broadcast %get3A_77 : vector<1x128xf32> to vector<128x128xf32>
      %add3A_79 = arith.addf %dot_general3A_74, %add3A_78 : vector<128x128xf32>
      %max3A_80 = arith.constant 0.000000e+00 : f32
      %max3A_81 = vector.broadcast %max3A_80 : f32 to vector<128x128xf32>
      %max3A_82 = arith.maximumf %add3A_79, %max3A_81 : vector<128x128xf32>
      %get3A_83 = arith.constant 0 : index
      %get3A_84 = arith.constant 0 : index
      %get3A_85 = vector.load %arg8[%get3A_83, %get3A_84] : memref<128x10xf32, #tpu.memory_space<vmem>>, vector<128x10xf32>
      %dot_general3A_86 = arith.constant dense<0.000000e+00> : vector<128x10xf32>
      %dot_general3A_87 = tpu.matmul %max3A_82, %get3A_85, %dot_general3A_86 {dimension_numbers = #tpu.dot_dimension_numbers<[1], [0], [0], [1], [0, 0, 1, 1], [], []>, transpose_lhs_hint = false} : vector<128x128xf32>, vector<128x10xf32>, vector<128x10xf32> -> vector<128x10xf32>
      %get3A_88 = arith.constant 0 : index
      %get3A_89 = arith.constant 0 : index
      %get3A_90 = vector.load %arg9[%get3A_88, %get3A_89] : memref<1x10xf32, #tpu.memory_space<vmem>>, vector<1x10xf32>
      %add3A_91 = vector.broadcast %get3A_90 : vector<1x10xf32> to vector<128x10xf32>
      %add3A_92 = arith.addf %dot_general3A_87, %add3A_91 : vector<128x10xf32>
      %swap3A_93 = arith.constant 0 : index
      %swap3A_94 = arith.constant 0 : index
      %swap3A_95 = vector.load %arg10[%swap3A_93, %swap3A_94] : memref<128x10xf32, #tpu.memory_space<vmem>>, vector<128x10xf32>
      tpu.vector_store %arg10[%swap3A_93, %swap3A_94], %add3A_92 {strides = array<i32>} : memref<128x10xf32, #tpu.memory_space<vmem>>, vector<128x10xf32>,
    } else {
    }
    return
  }
  func.func @transform_0(%arg0: i32) -> (i32, i32, i32) {
    %c0_i32 = arith.constant 0 : i32
    %c0_i32_0 = arith.constant 0 : i32
    %c0_i32_1 = arith.constant 0 : i32
    return %arg0, %c0_i32, %c0_i32_0 : i32, i32, i32
  }
  func.func @transform_1(%arg0: i32) -> (i32, i32, i32) {
    %c0_i32 = arith.constant 0 : i32
    %c0_i32_0 = arith.constant 0 : i32
    %c0_i32_1 = arith.constant 0 : i32
    return %c0_i32, %arg0, %c0_i32_0 : i32, i32, i32
  }
  func.func @transform_2(%arg0: i32) -> (i32, i32) {
    %c0_i32 = arith.constant 0 : i32
    %c0_i32_0 = arith.constant 0 : i32
    %c0_i32_1 = arith.constant 0 : i32
    return %c0_i32, %c0_i32_0 : i32, i32
  }
  func.func @transform_3(%arg0: i32) -> (i32, i32) {
    %c0_i32 = arith.constant 0 : i32
    %c0_i32_0 = arith.constant 0 : i32
    %c0_i32_1 = arith.constant 0 : i32
    return %c0_i32, %c0_i32_0 : i32, i32
  }
  func.func @transform_4(%arg0: i32) -> (i32, i32) {
    %c0_i32 = arith.constant 0 : i32
    %c0_i32_0 = arith.constant 0 : i32
    %c0_i32_1 = arith.constant 0 : i32
    return %c0_i32, %c0_i32_0 : i32, i32
  }
  func.func @transform_5(%arg0: i32) -> (i32, i32) {
    %c0_i32 = arith.constant 0 : i32
    %c0_i32_0 = arith.constant 0 : i32
    %c0_i32_1 = arith.constant 0 : i32
    return %c0_i32, %c0_i32_0 : i32, i32
  }
  func.func @transform_6(%arg0: i32) -> (i32, i32) {
    %c0_i32 = arith.constant 0 : i32
    %c0_i32_0 = arith.constant 0 : i32
    %c0_i32_1 = arith.constant 0 : i32
    return %c0_i32, %c0_i32_0 : i32, i32
  }
  func.func @transform_7(%arg0: i32) -> (i32, i32) {
    %c0_i32 = arith.constant 0 : i32
    %c0_i32_0 = arith.constant 0 : i32
    %c0_i32_1 = arith.constant 0 : i32
    return %c0_i32, %c0_i32_0 : i32, i32
  }
  func.func @transform_8(%arg0: i32) -> (i32, i32) {
    %c0_i32 = arith.constant 0 : i32
    %c0_i32_0 = arith.constant 0 : i32
    %c0_i32_1 = arith.constant 0 : i32
    return %c0_i32, %c0_i32_0 : i32, i32
  }
  func.func @transform_9(%arg0: i32) -> (i32, i32) {
    %c0_i32 = arith.constant 0 : i32
    %c0_i32_0 = arith.constant 0 : i32
    %c0_i32_1 = arith.constant 0 : i32
    return %c0_i32, %c0_i32_0 : i32, i32
  }
}

</mosaic_0001>

<sc_bundles>
// kernel: kernel.12.cloned.1.call-start
scs
__scs_entry_jumppad:
0x0: {  	(pc) =	sbr.rel $0x88, $3  }
0x1: {  	(tag) =	ssettag $0x0;
	lr =	simm.s32 $0x1  }
0x2: {  	[smem:$0x3F92] =	sst lr;
	_ =	strace $0xD0000000  }
0x3: {  	_ = 	snop  }
0x4: {  	_ = 	snop  }
0x5: {  	_ = 	snop  }
0x6: {  	_ = 	snop  }
0x7: {  	_ = 	snop  }
__scs_overlays_trampoline_lowered:
0x8: {  	[smem:$0x3FA1] =	sst s0  }
0x9: {  	[smem:$0x3FA2] =	sst s1  }
0xa: {  	[smem:$0x3FA3] =	sst s2  }
0xb: {  	[smem:$0x3FA4] =	sst s3  }
0xc: {  	[smem:$0x3FA5] =	sst s4  }
0xd: {  	[smem:$0x3FA6] =	sst s5  }
0xe: {  	[smem:$0x3FA7] =	sst s6  }
0xf: {  	[smem:$0x3FA8] =	sst s7  }
0x10: {  	[smem:$0x3FA9] =	sst s8  }
0x11: {  	[smem:$0x3FAA] =	sst s9;
	s0 =	simm.s32 @!p0 $0x0  }
0x12: {  	s1 =	sld [smem:$0x3F90];
	s0 =	simm.s32 @p0 $0x1  }
0x13: {  	[smem:$0x3FAB] =	sst s0;
	s0 =	simm.s32 @!p1 $0x0  }
0x14: {  	s2 =	sld [smem:$0x3F8F];
	s0 =	simm.s32 @p1 $0x1  }
0x15: {  	[smem:$0x3FAC] =	sst s0;
	s0 =	simm.s32 @!p2 $0x0  }
0x16: {  	s3 =	sld [smem:$0x3FDB];
	s0 =	simm.s32 @p2 $0x1  }
0x17: {  	s4 =	simm.s32 $0x1BF5;
	[smem:$0x3FAE] =	sst s0  }
0x18: {  	s0 =	sld [smem:$0x3F91];
	_ =	swait.ge [sflag:s4], $0x0  }
0x19: {  	s7 =	sld [smem:$0x3F92]  }
0x1a: {  	s8 =	sadd.s32 $0xFFFFE003, lr  }
0x1b: {  	s9 =	sadd.s32 $0xFFFFFEF7, lr;
	s5 =	simm.s32 $0xFFFFFFFF;
	p2 =	slt.u32 s8, $0xFFFFF086  }
0x1c: {  	p1 =	slt.u32 s9, $0xF7A;
	s5 =	simm.s32 @!p2 $0x0  }
0x1d: {  	s5 =	simm.s32 @p1 $0x1;
	p0 =	seq.s32 s7, s2  }
0x1e: {  	s7 =	smul.u32 @!p0 $0xF7A, s2;
	p2 =	seq.s32 @!p0 s5, $0x0  }
0x1f: {  	s9 =	smul.u32 $0xF7A, s1;
	s8 =	simm.s32 @!p0 $0x1BF5;
	p2 =	por !p2, p0  }
0x20: {  	[sflag:s8] =	ssyncset.s32 @!p0 $0xFFFFF086;
	s6 =	sadd.s32 @!p0 s3, s7;
	s7 =	simm.s32 @!p0 $0x108  }
0x21: {  	s3 =	sadd.s32 s3, s9;
	s6 =	sadd.s32 @!p0 $0x88, s6;
	s7 =	simm.s32 @p2 $0x1082  }
0x22: {  	[simem:s7], [sflag:s8] =	dma.local @!p0 [hbm:s6], $0xF7A  }
0x23: {  	s9 =	sor.u32 $0xD0000000, s2;
	s6 =	simm.s32 $0x108;
	_ =	swait.ge @!p0 [sflag:s8], $0x0  }
0x24: {  	s3 =	sadd.s32 $0x88, s3;
	s6 =	simm.s32 @!p1 $0x1082;
	[sflag:s4] =	ssyncset.s32 $0xFFFFF086  }
0x25: {  	[simem:s6], [sflag:s4] =	dma.local [hbm:s3], $0xF7A  }
0x26: {  	[smem:$0x3F92] =	sst s1;
	(tag) =	ssettag s2;
	_ =	strace s9  }
0x27: {  	s1 =	sld [smem:$0x3FA2]  }
0x28: {  	s2 =	sld [smem:$0x3FA3]  }
0x29: {  	s4 =	sld [smem:$0x3FA5]  }
0x2a: {  	p0 =	seq.s32 s5, $0x0;
	s5 =	sld [smem:$0x3FA6]  }
0x2b: {  	s6 =	sld [smem:$0x3FA7]  }
0x2c: {  	s7 =	sld [smem:$0x3FA8]  }
0x2d: {  	s3 =	simm.s32 $0x108;
	s8 =	sld [smem:$0x3FA9]  }
0x2e: {  	s3 =	simm.s32 @!p0 $0x1082;
	s9 =	sld [smem:$0x3FAA]  }
0x2f: {  	lr =	sadd.s32 s0, s3;
	s0 =	sld [smem:$0x3FA1]  }
0x30: {  	s3 =	sld [smem:$0x3FA4]  }
0x31: {  	[smem:$0x3FAD] =	sst s10  }
0x32: {  	s10 =	sld [smem:$0x3FAB];
	_ =	sdelay $0x3  }
0x33: {  	p0 =	seq.s32 s10, $0x1;
	s10 =	sld [smem:$0x3FAD];
	_ =	sdelay $0x3  }
0x34: {  	[smem:$0x3FAD] =	sst s10  }
0x35: {  	s10 =	sld [smem:$0x3FAC];
	_ =	sdelay $0x3  }
0x36: {  	p1 =	seq.s32 s10, $0x1;
	s10 =	sld [smem:$0x3FAD];
	_ =	sdelay $0x3  }
0x37: {  	[smem:$0x3FAD] =	sst s10  }
0x38: {  	s10 =	sld [smem:$0x3FAE]  }
0x39: {  	_ = 	snop;
	(pc) =	sbr.ind lr, $3  }
0x3a: {  	_ = 	snop  }
0x3b: {  	_ = 	snop  }
0x3c: {  	p2 =	seq.s32 s10, $0x1;
	s10 =	sld [smem:$0x3FAD]  }
0x3d: {  	_ =	shalt  }
0x3e: {  	_ =	shalt  }
0x3f: {  	_ =	shalt  }
0x40: {  	_ =	shalt  }
0x41: {  	_ =	shalt  }
0x42: {  	_ =	shalt  }
0x43: {  	_ =	shalt  }
0x44: {  	_ =	shalt  }
0x45: {  	_ =	shalt  }
0x46: {  	_ =	shalt  }
0x47: {  	_ =	shalt  }
0x48: {  	_ =	shalt  }
0x49: {  	_ =	shalt  }
0x4a: {  	_ =	shalt  }
0x4b: {  	_ =	shalt  }
0x4c: {  	_ =	shalt  }
0x4d: {  	_ =	shalt  }
0x4e: {  	_ =	shalt  }
0x4f: {  	_ =	shalt  }
0x50: {  	_ =	shalt  }
0x51: {  	_ =	shalt  }
0x52: {  	_ =	shalt  }
0x53: {  	_ =	shalt  }
0x54: {  	_ =	shalt  }
0x55: {  	_ =	shalt  }
0x56: {  	_ =	shalt  }
0x57: {  	_ =	shalt  }
0x58: {  	_ =	shalt  }
0x59: {  	_ =	shalt  }
0x5a: {  	_ =	shalt  }
0x5b: {  	_ =	shalt  }
0x5c: {  	_ =	shalt  }
0x5d: {  	_ =	shalt  }
0x5e: {  	_ =	shalt  }
0x5f: {  	_ =	shalt  }
0x60: {  	_ =	shalt  }
0x61: {  	_ =	shalt  }
0x62: {  	_ =	shalt  }
0x63: {  	_ =	shalt  }
0x64: {  	_ =	shalt  }
0x65: {  	_ =	shalt  }
0x66: {  	_ =	shalt  }
0x67: {  	_ =	shalt  }
0x68: {  	_ =	shalt  }
0x69: {  	_ =	shalt  }
0x6a: {  	_ =	shalt  }
0x6b: {  	_ =	shalt  }
0x6c: {  	_ =	shalt  }
0x6d: {  	_ =	shalt  }
0x6e: {  	_ =	shalt  }
0x6f: {  	_ =	shalt  }
0x70: {  	_ =	shalt  }
0x71: {  	_ =	shalt  }
0x72: {  	_ =	shalt  }
0x73: {  	_ =	shalt  }
0x74: {  	_ =	shalt  }
0x75: {  	_ =	shalt  }
0x76: {  	_ =	shalt  }
0x77: {  	_ =	shalt  }
0x78: {  	_ =	shalt  }
0x79: {  	_ =	shalt  }
0x7a: {  	_ =	shalt  }
0x7b: {  	_ =	shalt  }
0x7c: {  	_ =	shalt  }
0x7d: {  	_ =	shalt  }
0x7e: {  	_ =	shalt  }
0x7f: {  	_ =	shalt  }
0x80: {  	_ =	shalt  }
0x81: {  	_ =	shalt  }
0x82: {  	_ =	shalt  }
0x83: {  	_ =	shalt  }
0x84: {  	_ =	shalt  }
0x85: {  	_ =	shalt  }
0x86: {  	_ =	shalt  }
0x87: {  	_ =	shalt  }
.Lfunc_end0:
.L_simem_size_0:
called_computation.1_lowered:
.L_overlay_start_0:
0x88: {  	s2 =	sld [smem:$0x3FD9]  }
0x89: {  	s3 =	sld [smem:$0x3FFE];
	_ =	sdelay $0x1  }
0x8a: {  	s1 =	srdreg.scid  }
0x8b: {  	s0 =	sand.u32 $0x1, s1  }
0x8c: {  	s16 =	sshll.u32 s0, $0xA;
	s2 =	sadd.s32 s3, s2  }
0x8d: {  	s2 =	sadd.s32 s2, s16  }
0x8e: {  	[smem:$0x3FB9] =	sst s2  }
0x8f: {  	_ = 	snop  }
0x90: {  	(tm) =	ssettm $0x1  }
0x91: {  	s17 =	sld [smem:$0x3FFB];
	_ =	sdelay $0x3  }
0x92: {  	_ =	strace s17  }
0x93: {  	s2 =	sld [smem:$0x3FFC];
	_ =	sdelay $0x3  }
0x94: {  	_ =	strace s2  }
0x95: {  	s2 =	sld [smem:$0x3FFD];
	_ =	sdelay $0x3  }
0x96: {  	_ =	strace s2  }
0x97: {  	_ =	strace $0x8FFFFFFF  }
0x98: {  	s18 =	sld [smem:$0x3FDB];
	_ =	sdelay $0x1  }
0x99: {  	s19 =	simm.s32 $_scs_section_size  }
0x9a: {  	s4 =	simm.s32 $_size__tile_overlayer_lowered;
	s5 =	simm.s32 $_tile_overlayer_lowered  }
0x9b: {  	s22 =	simm.s32 $0x1BFF;
	s21 =	sshll.u32 s5, $0x1;
	s2 =	sadd.s32 s19, s18  }
0x9c: {  	s6 =	simm.s32 $0x0;
	s20 =	sshll.u32 s4, $0x1;
	s4 =	sadd.s32 s21, s2  }
0x9d: {  	[timem:s6], [sflag:s22] =	dma.local [hbm:s4], s20  }
0x9e: {  	_ =	swait.ge [sflag:s22], s20  }
0x9f: {  	s3 =	ssub.s32 $0x0, s20;
	[sflag:s22] =	ssyncset.done $0x0  }
0xa0: {  	[sflag:s22] =	ssyncadd.s32 s3;
	_ =	sdelay $0x1  }
0xa1: {  	s23 =	simm.s32 $0x1B8B  }
0xa2: {  	_ =	swait.ge [sflag:s23], $0x1  }
0xa3: {  	[sflag:s23] =	ssyncset.done $0x0  }
0xa4: {  	s25 =	simm.s32 $0x1B8E;
	s24 =	sld [smem:$0x3FFE];
	[sflag:s23] =	ssyncadd.s32 $0xFFFFFFFF  }
0xa5: {  	s26 =	simm.s32 $execute0_lowered;
	[smem:$0x3FD2] =	sst s25  }
0xa6: {  	s4 =	sshll.u32 s26, $0x1;
	_ =	strace $0x80000049;
	[dreg:$0x1] =	wrdreg $0xFFFFFFFF  }
0xa7: {  	s28 =	simm.s32 $_size_execute0_lowered;
	s2 =	sadd.s32 s2, s4;
	[dreg:$0x0] =	wrdreg $0x0  }
0xa8: {  	s4 =	sshll.u32 s28, $0x1;
	[dreg:$0x2] =	wrdreg s2  }
0xa9: {  	[dreg:$0x3] =	wrdreg s4  }
0xaa: {  	[dreg:$0x4] =	wrdreg $0xC0  }
0xab: {  	_ =	task [dreg:s6], $0x5FFFF  }
0xac: {  	[dreg:$0x1] =	wrdreg $0xFFFFFFFF  }
0xad: {  	[dreg:$0x0] =	wrdreg $0x60  }
0xae: {  	[dreg:$0x2] =	wrdreg s24  }
0xaf: {  	[dreg:$0x3] =	wrdreg $0xB9800  }
0xb0: {  	[dreg:$0x4] =	wrdreg $0x9  }
0xb1: {  	_ =	task.clear_ibuf [dreg:s6], $0x5FFFF;
	_ =	strace $0x90000049  }
0xb2: {  	s29 =	simm.s32 $0x9;
	_ =	strace $0x8000004B  }
0xb3: {  	_ =	swait.ge [sflag:s29], $0x1  }
0xb4: {  	[sflag:s29] =	ssyncadd.s32 $0xFFFFFFFF  }
0xb5: {  	_ =	strace $0x9000004B  }
0xb6: {  	_ =	sfence  }
0xb7: {  	s30 =	sld [smem:$0x0];
	_ =	sdelay $0x2  }
0xb8: {  	s31 =	sshll.u32 s1, $0xD;
	s1 =	sshrl.u32 s1, $0x2  }
0xb9: {  	s3 =	sand.u32 $0x4000, s31;
	s1 =	sadd.s32 s1, s30  }
0xba: {  	s0 =	sor.u32 s3, s0;
	s1 =	sshll.u32 s1, $0x11  }
0xbb: {  	s0 =	sor.u32 s1, s0  }
0xbc: {  	s0 =	sadd.s32 $0x8F2B, s0  }
0xbd: {  	[sflag:s0] =	ssyncadd.remote.s32 $0x1  }
0xbe: {  	_ =	sfence.sel $0xFFFF  }
0xbf: {  	[dreg:$0x0] =	wrdreg $0xFFFFFFFF;
	(pc) =	sbr.abs _section_cstart, $3  }
0xc0: {  	[dreg:$0x1] =	wrdreg $0xFFFFFFFF  }
0xc1: {  	_ =	task.clear_ibuf [dreg:s6], $0x2FFFF;
	_ =	strace $0x9FFFFFFF  }
0xc2: {  	(tm) =	ssettm $0x7FFFFFFF  }
0xc3: {  	_ =	shalt  }
tec
execute0_lowered:
.L_overlay_start_1:
0x0: {  	(tag) =	ssettag $0x1  }
0x1: {  	s0 =	srdreg.scid  }
0x2: {  	s2 =	rddreg [dreg:$0x0];
	s12 =	stileid.u32  }
0x3: {  	s1 =	rddreg [dreg:$0x1];
	s10 =	smul.u32 $0x4E000, s12  }
0x4: {  	s3 =	simm.s32 $0x0;
	s0 =	sand.u32 $0x1, s0;
	s31 =	smul.u32 $0x13800, s12  }
0x5: {  	[smem:$0x7FF] =	sst s3;
	s15 =	smul.u32 $0x2710, s12;
	p0 =	sne.s32 s12, $0x0  }
0x6: {  	s30 =	sadd.s32 $0x138000, s1;
	s4 =	sshll.u32 s0, $0x4;
	s26 =	smul.u32 $0x138800, s0  }
0x7: {  	_ =	strace $0x8000004A;
	s7 =	ssub.s32 $0x2, s0;
	s0 =	smul.u32 $0x27100, s0  }
0x8: {  	s4 =	sor.u32 s12, s4;
	s9 =	sshrl.u32 s7, $0x1;
	s22 =	sshrl.u32 s10, $0x2  }
0x9: {  	s12 =	simm.s32 $0x5180;
	s5 =	smul.u32 $0x2710, s4;
	s10 =	sadd.s32 s22, s1  }
0xa: {  	s4 =	sadd.s32 $0x16800, s2;
	s9 =	ssub.s32 s7, s9;
	s25 =	sadd.s32 $0x3000, s10  }
0xb: {  	s0 =	sadd.s32 s15, s0;
	s28 =	sadd.s32 $0x4800, s10;
	[dreg:$0x8] =	wrdreg s25  }
0xc: {  	s15 =	simm.s32 $0xA180;
	s29 =	sadd.s32 $0x6000, s10;
	[dreg:$0x9] =	wrdreg s28  }
0xd: {  	s11 =	sadd.s32 $0x7800, s10;
	s13 =	sadd.s32 $0x9000, s10;
	[dreg:$0xa] =	wrdreg s29  }
0xe: {  	s14 =	sadd.s32 $0xA800, s10;
	s16 =	sadd.s32 $0xD800, s10;
	[dreg:$0xb] =	wrdreg s11  }
0xf: {  	s17 =	sadd.s32 $0x190, s0;
	s18 =	sadd.s32 $0x140, s0;
	[dreg:$0xc] =	wrdreg s13  }
0x10: {  	s22 =	sadd.s32 $0xF000, s10;
	s6 =	sshrl.u32 s5, $0x3;
	[dreg:$0xd] =	wrdreg s14  }
0x11: {  	s5 =	sadd.s32 $0x2C00, s2;
	s13 =	sadd.s32 $0xC000, s10;
	[dreg:$0xf] =	wrdreg s16  }
0x12: {  	s19 =	sshrl.u32 s17, $0x3;
	s20 =	sshrl.u32 s18, $0x3;
	s25 =	sadd.s32 $0xF0, s0  }
0x13: {  	[dreg:$0x13] =	wrdreg s22;
	s28 =	sadd.s32 $0x12000, s10;
	s11 =	simm.s32 $0x2800  }
0x14: {  	s14 =	simm.s32 $0x7980;
	s16 =	simm.s32 $0x4;
	s17 =	simm.s32 $0x1  }
0x15: {  	s18 =	simm.s32 $0x5;
	s8 =	sadd.s32 s6, s2;
	[dreg:$0xe] =	wrdreg s13  }
0x16: {  	s7 =	sadd.s32 s5, s6;
	s6 =	sadd.s32 $0x1800, s10;
	[dreg:$0x15] =	wrdreg s28  }
0x17: {  	s22 =	simm.s32 $0x0;
	s2 =	sadd.s32 $0x3DA00, s2;
	[dreg:$0x7] =	wrdreg s6  }
0x18: {  	s13 =	simm.s32 $0x2880;
	s21 =	sadd.s32 $0xCA00, s8;
	[dreg:$0x4] =	wrdreg s7  }
0x19: {  	s23 =	sadd.s32 $0xA, s7;
	s24 =	sadd.s32 $0x14, s7;
	[dreg:$0x3] =	wrdreg s21  }
0x1a: {  	s8 =	sadd.s32 s31, s26;
	s6 =	sshrl.u32 s26, $0x3;
	[dreg:$0x5] =	wrdreg s23  }
0x1b: {  	s26 =	sadd.s32 $0x10800, s10;
	s29 =	sadd.s32 $0x4CE, s7;
	[dreg:$0x6] =	wrdreg s24  }
0x1c: {  	s31 =	sadd.s32 $0x4D8, s7;
	s8 =	sshrl.u32 s8, $0x3;
	[dreg:$0x14] =	wrdreg s26  }
0x1d: {  	s21 =	smax.u32 s9, $0x1;
	s23 =	sadd.s32 s19, s5;
	[dreg:$0x16] =	wrdreg s29  }
0x1e: {  	s24 =	sadd.s32 s20, s5;
	[dreg:$0x17] =	wrdreg s31;
	s9 =	simm.s32 $0x2980  }
0x1f: {  	s19 =	simm.s32 $0x2;
	s20 =	simm.s32 $0x6;
	s8 =	sadd.s32 s2, s8  }
0x20: {  	s2 =	sadd.s32 s2, s6;
	[dreg:$0x12] =	wrdreg s21;
	s6 =	simm.s32 $0x2780  }
0x21: {  	s21 =	simm.s32 $0x3;
	[dreg:$0x10] =	wrdreg s8;
	s2 =	sadd.s32 $0x27000, s2  }
0x22: {  	v0 =	vimm.f32 $0.0e+00;
	s8 =	simm.s32 $0x50;
	[dreg:$0x11] =	wrdreg s2;
	s2 =	simm.s32 $0x7  }
.LBB2_1:
0x23: {  	s0 =	rddreg [dreg:$0x3]  }
0x24: {  	[tilespmem:s3], [sflag:$0x7] =	stream.linear.gather [hbm4b:s0+s3], $0x2710, $0x38;
	[tilespmem:$0x1F200] =	vst v63  }
0x25: {  	_ =	swait.ge [sflag:s2], $0x2710  }
0x26: {  	[sflag:s2] =	ssyncset.done $0x0  }
0x27: {  	s7 =	rddreg [dreg:$0x4];
	[sflag:s2] =	ssyncadd.s32 $0xFFFFD8F0  }
0x28: {  	[tilespmem:s6], [sflag:$0x4] =	stream.linear.gather [hbm4b:s7+s3], $0x50, $0x38;
	[tilespmem:$0x1F200] =	vst v63  }
0x29: {  	_ = 	snop  }
0x2a: {  	[tilespmem:s9], [sflag:$0x1] =	stream.indirect.gather [hbm4b:s4+s8], $0x80, s3, s8, $0xb8;
	[tilespmem:$0x1F200] =	vst v63  }
0x2b: {  	s26 =	rddreg [dreg:$0x5]  }
0x2c: {  	[tilespmem:s11], [sflag:$0x5] =	stream.linear.gather [hbm4b:s26+s3], $0x50, $0x38;
	[tilespmem:$0x1F200] =	vst v63  }
0x2d: {  	_ = 	snop  }
0x2e: {  	[tilespmem:s12], [sflag:$0x2] =	stream.indirect.gather [hbm4b:s4+s8], $0x80, s8, s8, $0xb8;
	[tilespmem:$0x1F200] =	vst v63  }
0x2f: {  	s29 =	rddreg [dreg:$0x6]  }
0x30: {  	[tilespmem:s13], [sflag:$0x6] =	stream.linear.gather [hbm4b:s29+s3], $0x50, $0x38;
	[tilespmem:$0x1F200] =	vst v63  }
0x31: {  	s31 =	simm.s32 $0xA0;
	s28 =	simm.s32 $0x200;
	s26 =	simm.s32 $0x0  }
0x32: {  	[tilespmem:s14], [sflag:$0x3] =	stream.indirect.gather [hbm4b:s4+s8], $0x80, s31, s8, $0xb8;
	[tilespmem:$0x1F200] =	vst v63  }
.LBB2_2:
0x33: {  	p1 =	sne.s32 s28, $0x5E00;
	[tilespmem:s26+$0xA1F0] =	vst v0  }
0x34: {  	[tilespmem:s26+$0xA180] =	vst v0  }
0x35: {  	[tilespmem:s26+$0xA190] =	vst v0  }
.Ltmp0:
0x36: {  	[tilespmem:s26+$0xA1A0] =	vst v0;
	(pc) =	sbr.rel @p1 .LBB2_2-.Ltmp0, $4  }
0x37: {  	[tilespmem:s26+$0xA1B0] =	vst v0  }
0x38: {  	[tilespmem:s26+$0xA1C0] =	vst v0  }
0x39: {  	[tilespmem:s26+$0xA1D0] =	vst v0  }
0x3a: {  	[tilespmem:s26+$0xA1E0] =	vst v0;
	s26 =	sshra.s32 s28, $0x2;
	s28 =	sadd.s32 $0x200, s28  }
0x3b: {  	[tilespmem:s26+$0xA1F0] =	vst v0  }
0x3c: {  	[tilespmem:s26+$0xA180] =	vst v0  }
0x3d: {  	[tilespmem:s26+$0xA190] =	vst v0  }
0x3e: {  	[tilespmem:s26+$0xA1A0] =	vst v0  }
0x3f: {  	[tilespmem:s26+$0xA1B0] =	vst v0  }
0x40: {  	[tilespmem:s26+$0xA1C0] =	vst v0  }
0x41: {  	[tilespmem:s26+$0xA1D0] =	vst v0  }
0x42: {  	[tilespmem:s26+$0xA1E0] =	vst v0  }
0x43: {  	[spmem:s10] =	stream.linear.scatter [tilespmem:s15], [sflag:$0x7], $0x1800, $0x38;
	[tilespmem:$0x1F200] =	vst v63  }
0x44: {  	_ =	swait.ge [sflag:s2], $0x1800  }
0x45: {  	[sflag:s2] =	ssyncset.done $0x0  }
0x46: {  	s0 =	rddreg [dreg:$0x7];
	[sflag:s2] =	ssyncadd.s32 $0xFFFFE800  }
0x47: {  	[spmem:s0] =	stream.linear.scatter [tilespmem:s15], [sflag:$0x7], $0x1800, $0x38;
	[tilespmem:$0x1F200] =	vst v63  }
0x48: {  	_ =	swait.ge [sflag:s2], $0x1800  }
0x49: {  	[sflag:s2] =	ssyncset.done $0x0  }
0x4a: {  	s7 =	rddreg [dreg:$0x8];
	[sflag:s2] =	ssyncadd.s32 $0xFFFFE800  }
0x4b: {  	[spmem:s7] =	stream.linear.scatter [tilespmem:s15], [sflag:$0x7], $0x1800, $0x38;
	[tilespmem:$0x1F200] =	vst v63  }
0x4c: {  	_ =	swait.ge [sflag:s2], $0x1800  }
0x4d: {  	[sflag:s2] =	ssyncset.done $0x0  }
0x4e: {  	s26 =	rddreg [dreg:$0x9];
	[sflag:s2] =	ssyncadd.s32 $0xFFFFE800  }
0x4f: {  	[spmem:s26] =	stream.linear.scatter [tilespmem:s15], [sflag:$0x7], $0x1800, $0x38;
	[tilespmem:$0x1F200] =	vst v63  }
0x50: {  	_ =	swait.ge [sflag:s2], $0x1800  }
0x51: {  	[sflag:s2] =	ssyncset.done $0x0  }
0x52: {  	s7 =	rddreg [dreg:$0xa];
	[sflag:s2] =	ssyncadd.s32 $0xFFFFE800  }
0x53: {  	[spmem:s7] =	stream.linear.scatter [tilespmem:s15], [sflag:$0x7], $0x1800, $0x38;
	[tilespmem:$0x1F200] =	vst v63  }
0x54: {  	_ =	swait.ge [sflag:s2], $0x1800  }
0x55: {  	[sflag:s2] =	ssyncset.done $0x0  }
0x56: {  	s26 =	rddreg [dreg:$0xb];
	[sflag:s2] =	ssyncadd.s32 $0xFFFFE800  }
0x57: {  	[spmem:s26] =	stream.linear.scatter [tilespmem:s15], [sflag:$0x7], $0x1800, $0x38;
	[tilespmem:$0x1F200] =	vst v63  }
0x58: {  	_ =	swait.ge [sflag:s2], $0x1800  }
0x59: {  	[sflag:s2] =	ssyncset.done $0x0  }
0x5a: {  	s7 =	rddreg [dreg:$0xc];
	[sflag:s2] =	ssyncadd.s32 $0xFFFFE800  }
0x5b: {  	[spmem:s7] =	stream.linear.scatter [tilespmem:s15], [sflag:$0x7], $0x1800, $0x38;
	[tilespmem:$0x1F200] =	vst v63  }
0x5c: {  	_ =	swait.ge [sflag:s2], $0x1800  }
0x5d: {  	[sflag:s2] =	ssyncset.done $0x0  }
0x5e: {  	s26 =	rddreg [dreg:$0xd];
	[sflag:s2] =	ssyncadd.s32 $0xFFFFE800  }
0x5f: {  	[spmem:s26] =	stream.linear.scatter [tilespmem:s15], [sflag:$0x7], $0x1800, $0x38;
	[tilespmem:$0x1F200] =	vst v63  }
0x60: {  	_ =	swait.ge [sflag:s2], $0x1800  }
0x61: {  	[sflag:s2] =	ssyncset.done $0x0  }
0x62: {  	s7 =	rddreg [dreg:$0xe];
	[sflag:s2] =	ssyncadd.s32 $0xFFFFE800  }
0x63: {  	[spmem:s7] =	stream.linear.scatter [tilespmem:s15], [sflag:$0x7], $0x1800, $0x38;
	[tilespmem:$0x1F200] =	vst v63  }
0x64: {  	_ =	swait.ge [sflag:s2], $0x1800  }
0x65: {  	[sflag:s2] =	ssyncset.done $0x0  }
0x66: {  	s26 =	rddreg [dreg:$0xf];
	[sflag:s2] =	ssyncadd.s32 $0xFFFFE800  }
0x67: {  	[spmem:s26] =	stream.linear.scatter [tilespmem:s15], [sflag:$0x7], $0x1800, $0x38;
	[tilespmem:$0x1F200] =	vst v63  }
0x68: {  	_ =	swait.ge [sflag:s2], $0x1800  }
0x69: {  	[sflag:s2] =	ssyncset.done $0x0  }
0x6a: {  	s7 =	rddreg [dreg:$0x13];
	[sflag:s2] =	ssyncadd.s32 $0xFFFFE800  }
0x6b: {  	[spmem:s7] =	stream.linear.scatter [tilespmem:s15], [sflag:$0x7], $0x1800, $0x38;
	[tilespmem:$0x1F200] =	vst v63  }
0x6c: {  	_ =	swait.ge [sflag:s2], $0x1800  }
0x6d: {  	[sflag:s2] =	ssyncset.done $0x0  }
0x6e: {  	s26 =	rddreg [dreg:$0x14];
	[sflag:s2] =	ssyncadd.s32 $0xFFFFE800  }
0x6f: {  	[spmem:s26] =	stream.linear.scatter [tilespmem:s15], [sflag:$0x7], $0x1800, $0x38;
	[tilespmem:$0x1F200] =	vst v63  }
0x70: {  	_ =	swait.ge [sflag:s2], $0x1800  }
0x71: {  	[sflag:s2] =	ssyncset.done $0x0  }
0x72: {  	s7 =	rddreg [dreg:$0x15];
	[sflag:s2] =	ssyncadd.s32 $0xFFFFE800  }
0x73: {  	[spmem:s7] =	stream.linear.scatter [tilespmem:s15], [sflag:$0x7], $0x1800, $0x38;
	[tilespmem:$0x1F200] =	vst v63  }
0x74: {  	_ =	swait.ge [sflag:s2], $0x1800  }
0x75: {  	[sflag:s2] =	ssyncset.done $0x0  }
0x76: {  	s0 =	simm.s32 @!p0 $0xA180;
	[sflag:s2] =	ssyncadd.s32 $0xFFFFE800  }
0x77: {  	[spmem:s30] =	stream.linear.scatter @!p0 [tilespmem:s0], [sflag:$0x7], $0x800, $0x38;
	[tilespmem:$0x1F200] =	vst v63  }
0x78: {  	s0 =	simm.s32 @!p0 $0x7  }
0x79: {  	_ =	swait.ge @!p0 [sflag:s0], $0x800  }
0x7a: {  	[sflag:s0] =	ssyncset.done @!p0 $0x0  }
0x7b: {  	[sflag:s0] =	ssyncadd.s32 @!p0 $0xFFFFF800  }
0x7c: {  	[bflag:$0x0] =	sbarrier.arrive $0xFFFF  }
0x7d: {  	_ =	swait.ge [sflag:s16], $0x50  }
0x7e: {  	[sflag:s16] =	ssyncset.done $0x0  }
0x7f: {  	[sflag:s16] =	ssyncadd.s32 $0xFFFFFFB0  }
0x80: {  	_ =	swait.ge [sflag:s17], $0x2800  }
0x81: {  	[sflag:s17] =	ssyncset.done $0x0  }
0x82: {  	[sflag:s17] =	ssyncadd.s32 $0xFFFFD800  }
0x83: {  	[spmem:s1] =	stream.indirect.scatter.add.f32 [tilespmem:s9], [sflag:$0x7], $0x80, s6, s8, $0xb8;
	[tilespmem:$0x1F200] =	vst v63  }
0x84: {  	_ =	swait.ge [sflag:s2], $0x2800  }
0x85: {  	s26 =	sshrl.u32 s25, $0x3;
	[sflag:s2] =	ssyncset.done $0x0  }
0x86: {  	s0 =	sadd.s32 s5, s26;
	[sflag:s2] =	ssyncadd.s32 $0xFFFFD800  }
0x87: {  	[tilespmem:s6], [sflag:$0x4] =	stream.linear.gather [hbm4b:s0+s3], $0x50, $0x38;
	[tilespmem:$0x1F200] =	vst v63  }
0x88: {  	s7 =	simm.s32 $0xF0  }
0x89: {  	[tilespmem:s9], [sflag:$0x1] =	stream.indirect.gather [hbm4b:s4+s8], $0x80, s7, s8, $0xb8;
	[tilespmem:$0x1F200] =	vst v63  }
0x8a: {  	_ =	swait.ge [sflag:s18], $0x50  }
0x8b: {  	[sflag:s18] =	ssyncset.done $0x0  }
0x8c: {  	[sflag:s18] =	ssyncadd.s32 $0xFFFFFFB0  }
0x8d: {  	_ =	swait.ge [sflag:s19], $0x2800  }
0x8e: {  	[sflag:s19] =	ssyncset.done $0x0  }
0x8f: {  	[sflag:s19] =	ssyncadd.s32 $0xFFFFD800  }
0x90: {  	[spmem:s1] =	stream.indirect.scatter.add.f32 [tilespmem:s12], [sflag:$0x7], $0x80, s11, s8, $0xb8;
	[tilespmem:$0x1F200] =	vst v63  }
0x91: {  	_ =	swait.ge [sflag:s2], $0x2800  }
0x92: {  	[sflag:s2] =	ssyncset.done $0x0  }
0x93: {  	[sflag:s2] =	ssyncadd.s32 $0xFFFFD800  }
0x94: {  	[tilespmem:s11], [sflag:$0x5] =	stream.linear.gather [hbm4b:s24+s3], $0x50, $0x38;
	[tilespmem:$0x1F200] =	vst v63  }
0x95: {  	s26 =	simm.s32 $0x140  }
0x96: {  	[tilespmem:s12], [sflag:$0x2] =	stream.indirect.gather [hbm4b:s4+s8], $0x80, s26, s8, $0xb8;
	[tilespmem:$0x1F200] =	vst v63  }
0x97: {  	_ =	swait.ge [sflag:s20], $0x50  }
0x98: {  	[sflag:s20] =	ssyncset.done $0x0  }
0x99: {  	[sflag:s20] =	ssyncadd.s32 $0xFFFFFFB0  }
0x9a: {  	_ =	swait.ge [sflag:s21], $0x2800  }
0x9b: {  	[sflag:s21] =	ssyncset.done $0x0  }
0x9c: {  	[sflag:s21] =	ssyncadd.s32 $0xFFFFD800  }
0x9d: {  	[spmem:s1] =	stream.indirect.scatter.add.f32 [tilespmem:s14], [sflag:$0x7], $0x80, s13, s8, $0xb8;
	[tilespmem:$0x1F200] =	vst v63  }
0x9e: {  	s28 =	sadd.s32 $0xF0, s25;
	_ =	swait.ge [sflag:s2], $0x2800  }
0x9f: {  	s29 =	sadd.s32 $0x1E, s23;
	s31 =	sadd.s32 $0x1E, s24;
	[sflag:s2] =	ssyncset.done $0x0  }
0xa0: {  	s0 =	simm.s32 $0x190;
	s26 =	simm.s32 $0x3C0;
	[sflag:s2] =	ssyncadd.s32 $0xFFFFD800  }
0xa1: {  	[tilespmem:s13], [sflag:$0x6] =	stream.linear.gather [hbm4b:s23+s3], $0x50, $0x38;
	[tilespmem:$0x1F200] =	vst v63  }
.LBB2_4:
0xa2: {  	[tilespmem:s14], [sflag:$0x3] =	stream.indirect.gather [hbm4b:s4+s8], $0x80, s0, s8, $0xb8;
	[tilespmem:$0x1F200] =	vst v63  }
0xa3: {  	s0 =	smov.u32 s26  }
0xa4: {  	p1 =	sne.s32 s26, $0x9240;
	s26 =	sadd.s32 $0x3C0, s26;
	_ =	swait.ge [sflag:s16], $0x50  }
0xa5: {  	[sflag:s16] =	ssyncset.done $0x0  }
0xa6: {  	[sflag:s16] =	ssyncadd.s32 $0xFFFFFFB0  }
0xa7: {  	_ =	swait.ge [sflag:s17], $0x2800  }
0xa8: {  	[sflag:s17] =	ssyncset.done $0x0  }
0xa9: {  	[sflag:s17] =	ssyncadd.s32 $0xFFFFD800  }
0xaa: {  	[spmem:s1] =	stream.indirect.scatter.add.f32 [tilespmem:s9], [sflag:$0x7], $0x80, s6, s8, $0xb8;
	[tilespmem:$0x1F200] =	vst v63  }
0xab: {  	_ =	swait.ge [sflag:s2], $0x2800  }
0xac: {  	s7 =	sshrl.u32 s28, $0x3;
	[sflag:s2] =	ssyncset.done $0x0  }
0xad: {  	s7 =	sadd.s32 s5, s7;
	s0 =	sshra.s32 s0, $0x2;
	[sflag:s2] =	ssyncadd.s32 $0xFFFFD800  }
0xae: {  	[tilespmem:s6], [sflag:$0x4] =	stream.linear.gather [hbm4b:s7+s3], $0x50, $0x38;
	[tilespmem:$0x1F200] =	vst v63  }
0xaf: {  	s7 =	sadd.s32 $0xF0, s0  }
0xb0: {  	[tilespmem:s9], [sflag:$0x1] =	stream.indirect.gather [hbm4b:s4+s8], $0x80, s7, s8, $0xb8;
	[tilespmem:$0x1F200] =	vst v63  }
0xb1: {  	_ =	swait.ge [sflag:s18], $0x50  }
0xb2: {  	[sflag:s18] =	ssyncset.done $0x0  }
0xb3: {  	[sflag:s18] =	ssyncadd.s32 $0xFFFFFFB0  }
0xb4: {  	_ =	swait.ge [sflag:s19], $0x2800  }
0xb5: {  	[sflag:s19] =	ssyncset.done $0x0  }
0xb6: {  	[sflag:s19] =	ssyncadd.s32 $0xFFFFD800  }
0xb7: {  	[spmem:s1] =	stream.indirect.scatter.add.f32 [tilespmem:s12], [sflag:$0x7], $0x80, s11, s8, $0xb8;
	[tilespmem:$0x1F200] =	vst v63  }
0xb8: {  	_ =	swait.ge [sflag:s2], $0x2800  }
0xb9: {  	[sflag:s2] =	ssyncset.done $0x0  }
0xba: {  	[sflag:s2] =	ssyncadd.s32 $0xFFFFD800  }
0xbb: {  	[tilespmem:s11], [sflag:$0x5] =	stream.linear.gather [hbm4b:s31+s3], $0x50, $0x38;
	[tilespmem:$0x1F200] =	vst v63  }
0xbc: {  	s7 =	sadd.s32 $0x140, s0  }
0xbd: {  	[tilespmem:s12], [sflag:$0x2] =	stream.indirect.gather [hbm4b:s4+s8], $0x80, s7, s8, $0xb8;
	[tilespmem:$0x1F200] =	vst v63  }
0xbe: {  	_ =	swait.ge [sflag:s20], $0x50  }
0xbf: {  	[sflag:s20] =	ssyncset.done $0x0  }
0xc0: {  	[sflag:s20] =	ssyncadd.s32 $0xFFFFFFB0  }
0xc1: {  	_ =	swait.ge [sflag:s21], $0x2800  }
0xc2: {  	[sflag:s21] =	ssyncset.done $0x0  }
0xc3: {  	[sflag:s21] =	ssyncadd.s32 $0xFFFFD800  }
0xc4: {  	[spmem:s1] =	stream.indirect.scatter.add.f32 [tilespmem:s14], [sflag:$0x7], $0x80, s13, s8, $0xb8;
	[tilespmem:$0x1F200] =	vst v63  }
.Ltmp1:
0xc5: {  	_ =	swait.ge [sflag:s2], $0x2800;
	(pc) =	sbr.rel @p1 .LBB2_4-.Ltmp1, $4  }
0xc6: {  	[sflag:s2] =	ssyncset.done $0x0  }
0xc7: {  	s28 =	sadd.s32 $0xF0, s28;
	[sflag:s2] =	ssyncadd.s32 $0xFFFFD800  }
0xc8: {  	[tilespmem:s13], [sflag:$0x6] =	stream.linear.gather [hbm4b:s29+s3], $0x50, $0x38;
	[tilespmem:$0x1F200] =	vst v63  }
0xc9: {  	s0 =	sadd.s32 $0x190, s0;
	s31 =	sadd.s32 $0x1E, s31;
	s29 =	sadd.s32 $0x1E, s29  }
0xca: {  	[tilespmem:s14], [sflag:$0x3] =	stream.indirect.gather [hbm4b:s4+s8], $0x80, s0, s8, $0xb8;
	[tilespmem:$0x1F200] =	vst v63  }
0xcb: {  	_ =	swait.ge [sflag:s16], $0x50  }
0xcc: {  	[sflag:s16] =	ssyncset.done $0x0  }
0xcd: {  	[sflag:s16] =	ssyncadd.s32 $0xFFFFFFB0  }
0xce: {  	_ =	swait.ge [sflag:s17], $0x2800  }
0xcf: {  	[sflag:s17] =	ssyncset.done $0x0  }
0xd0: {  	[sflag:s17] =	ssyncadd.s32 $0xFFFFD800  }
0xd1: {  	[spmem:s1] =	stream.indirect.scatter.add.f32 [tilespmem:s9], [sflag:$0x7], $0x80, s6, s8, $0xb8;
	[tilespmem:$0x1F200] =	vst v63  }
0xd2: {  	_ =	swait.ge [sflag:s2], $0x2800  }
0xd3: {  	[sflag:s2] =	ssyncset.done $0x0  }
0xd4: {  	s31 =	rddreg [dreg:$0x16];
	[sflag:s2] =	ssyncadd.s32 $0xFFFFD800  }
0xd5: {  	[tilespmem:s6], [sflag:$0x4] =	stream.linear.gather [hbm4b:s31+s3], $0x50, $0x38;
	[tilespmem:$0x1F200] =	vst v63  }
0xd6: {  	s7 =	simm.s32 $0x2670  }
0xd7: {  	[tilespmem:s9], [sflag:$0x1] =	stream.indirect.gather [hbm4b:s4+s8], $0x80, s7, s8, $0xb8;
	[tilespmem:$0x1F200] =	vst v63  }
0xd8: {  	_ =	swait.ge [sflag:s18], $0x50  }
0xd9: {  	[sflag:s18] =	ssyncset.done $0x0  }
0xda: {  	[sflag:s18] =	ssyncadd.s32 $0xFFFFFFB0  }
0xdb: {  	_ =	swait.ge [sflag:s19], $0x2800  }
0xdc: {  	[sflag:s19] =	ssyncset.done $0x0  }
0xdd: {  	[sflag:s19] =	ssyncadd.s32 $0xFFFFD800  }
0xde: {  	[spmem:s1] =	stream.indirect.scatter.add.f32 [tilespmem:s12], [sflag:$0x7], $0x80, s11, s8, $0xb8;
	[tilespmem:$0x1F200] =	vst v63  }
0xdf: {  	_ =	swait.ge [sflag:s2], $0x2800  }
0xe0: {  	[sflag:s2] =	ssyncset.done $0x0  }
0xe1: {  	s26 =	rddreg [dreg:$0x17];
	[sflag:s2] =	ssyncadd.s32 $0xFFFFD800  }
0xe2: {  	[tilespmem:s11], [sflag:$0x5] =	stream.linear.gather [hbm4b:s26+s3], $0x50, $0x38;
	[tilespmem:$0x1F200] =	vst v63  }
0xe3: {  	s28 =	simm.s32 $0x26C0  }
0xe4: {  	[tilespmem:s12], [sflag:$0x2] =	stream.indirect.gather [hbm4b:s4+s8], $0x80, s28, s8, $0xb8;
	[tilespmem:$0x1F200] =	vst v63  }
0xe5: {  	_ =	swait.ge [sflag:s20], $0x50  }
0xe6: {  	[sflag:s20] =	ssyncset.done $0x0  }
0xe7: {  	[sflag:s20] =	ssyncadd.s32 $0xFFFFFFB0  }
0xe8: {  	_ =	swait.ge [sflag:s21], $0x2800  }
0xe9: {  	[sflag:s21] =	ssyncset.done $0x0  }
0xea: {  	[sflag:s21] =	ssyncadd.s32 $0xFFFFD800  }
0xeb: {  	[spmem:s1] =	stream.indirect.scatter.add.f32 [tilespmem:s14], [sflag:$0x7], $0x80, s13, s8, $0xb8;
	[tilespmem:$0x1F200] =	vst v63  }
0xec: {  	_ =	swait.ge [sflag:s2], $0x2800  }
0xed: {  	[sflag:s2] =	ssyncset.done $0x0  }
0xee: {  	[sflag:s2] =	ssyncadd.s32 $0xFFFFD800  }
0xef: {  	_ =	swait.ge [sflag:s16], $0x50  }
0xf0: {  	[sflag:s16] =	ssyncset.done $0x0  }
0xf1: {  	[sflag:s16] =	ssyncadd.s32 $0xFFFFFFB0  }
0xf2: {  	_ =	swait.ge [sflag:s17], $0x2800  }
0xf3: {  	[sflag:s17] =	ssyncset.done $0x0  }
0xf4: {  	[sflag:s17] =	ssyncadd.s32 $0xFFFFD800  }
0xf5: {  	[spmem:s1] =	stream.indirect.scatter.add.f32 [tilespmem:s9], [sflag:$0x7], $0x80, s6, s8, $0xb8;
	[tilespmem:$0x1F200] =	vst v63  }
0xf6: {  	_ =	swait.ge [sflag:s2], $0x2800  }
0xf7: {  	[sflag:s2] =	ssyncset.done $0x0  }
0xf8: {  	[sflag:s2] =	ssyncadd.s32 $0xFFFFD800  }
0xf9: {  	_ =	swait.ge [sflag:s18], $0x50  }
0xfa: {  	[sflag:s18] =	ssyncset.done $0x0  }
0xfb: {  	[sflag:s18] =	ssyncadd.s32 $0xFFFFFFB0  }
0xfc: {  	_ =	swait.ge [sflag:s19], $0x2800  }
0xfd: {  	[sflag:s19] =	ssyncset.done $0x0  }
0xfe: {  	[sflag:s19] =	ssyncadd.s32 $0xFFFFD800  }
0xff: {  	[spmem:s1] =	stream.indirect.scatter.add.f32 [tilespmem:s12], [sflag:$0x7], $0x80, s11, s8, $0xb8;
	[tilespmem:$0x1F200] =	vst v63  }
0x100: {  	_ =	swait.ge [sflag:s2], $0x2800  }
0x101: {  	[sflag:s2] =	ssyncset.done $0x0  }
0x102: {  	s29 =	stileid.u32;
	[sflag:s2] =	ssyncadd.s32 $0xFFFFD800  }
0x103: {  	s0 =	sshll.u32 s29, $0x6;
	[bflag:$0x0] =	sbarrier.arrive $0xFFFF  }
0x104: {  	s0 =	sor.u32 $0x1C07, s0;
	s7 =	sshrl.u32 s10, $0x3;
	s26 =	rddreg [dreg:$0x10]  }
0x105: {  	[hbm:s26], [sflag:s0] =	dma.local [spmem:s7], $0x2700  }
0x106: {  	_ =	swait.ge [sflag:s2], $0x2700  }
0x107: {  	[sflag:s2] =	ssyncset.done $0x0  }
0x108: {  	s7 =	sshrl.u32 @!p0 s30, $0x3;
	s26 =	rddreg [dreg:$0x11];
	[sflag:s2] =	ssyncadd.s32 $0xFFFFD900  }
0x109: {  	[hbm:s26], [sflag:s0] =	dma.local @!p0 [spmem:s7], $0x100  }
0x10a: {  	s0 =	simm.s32 @!p0 $0x7  }
0x10b: {  	_ =	swait.ge @!p0 [sflag:s0], $0x100  }
0x10c: {  	s22 =	sadd.s32 $0x1, s22;
	s31 =	rddreg [dreg:$0x12]  }
0x10d: {  	p1 =	sne.s32 s22, s31  }
.Ltmp2:
0x10e: {  	_ = 	snop;
	(pc) =	sbr.rel @p1 .LBB2_1-.Ltmp2, $3  }
0x10f: {  	_ =	sdelay $0x1  }
0x110: {  	[sflag:s0] =	ssyncset.done @!p0 $0x0  }
0x111: {  	[sflag:s0] =	ssyncadd.s32 @!p0 $0xFFFFFF00  }
0x112: {  	_ =	sfence.sel $0x180000  }
0x113: {  	[bflag:$0x0] =	sbarrier.arrive $0xFFFF  }
0x114: {  	_ =	strace $0x9000004A  }
0x115: {  	[bflag:$0x2] =	sbarrier.arrive $0xFFFF  }
0x116: {  	s0 =	rddreg [dreg:$0x2]  }
0x117: {  	s0 =	sadd.s32 @!p0 $0x100000, s0  }
0x118: {  	[sflag:s0] =	ssyncadd.tile.s32 @!p0 $0x1;
	_ =	shalt  }
.Lfunc_end2:
_tile_overlayer_lowered:
.L_overlay_start_2:
0x119: {  	(tag) =	ssettag $0x2  }
0x11a: {  	s0 =	rddreg [dreg:$0x0];
	s2 =	stileid.u32  }
0x11b: {  	s1 =	rddreg [dreg:$0x1];
	p0 =	sne.s32 s2, $0x0  }
0x11c: {  	s3 =	rddreg [dreg:$0x2];
	[bflag:$0x3] =	sbarrier.arrive $0xFFFF;
	s2 =	simm.s32 @!p0 $0x1C07  }
0x11d: {  	[timem:s3], [sflag:s2] =	dma.local @!p0 [hbm:s0], s1  }
0x11e: {  	s0 =	simm.s32 @!p0 $0x7  }
0x11f: {  	_ =	swait.ge @!p0 [sflag:s0], s1  }
0x120: {  	s1 =	ssub.s32 @!p0 $0x0, s1;
	[sflag:s0] =	ssyncset.done @!p0 $0x0  }
0x121: {  	[sflag:s0] =	ssyncadd.s32 @!p0 s1  }
0x122: {  	[bflag:$0x3] =	sbarrier.arrive $0xFFFF  }
0x123: {  	_ =	shalt  }

// kernel: kernel.15.cloned.1.call-start
scs
__scs_entry_jumppad:
0x0: {  	(pc) =	sbr.rel $0x88, $3  }
0x1: {  	(tag) =	ssettag $0x0;
	lr =	simm.s32 $0x1  }
0x2: {  	[smem:$0x3F92] =	sst lr;
	_ =	strace $0xD0000000  }
0x3: {  	_ = 	snop  }
0x4: {  	_ = 	snop  }
0x5: {  	_ = 	snop  }
0x6: {  	_ = 	snop  }
0x7: {  	_ = 	snop  }
__scs_overlays_trampoline_lowered:
0x8: {  	[smem:$0x3FA1] =	sst s0  }
0x9: {  	[smem:$0x3FA2] =	sst s1  }
0xa: {  	[smem:$0x3FA3] =	sst s2  }
0xb: {  	[smem:$0x3FA4] =	sst s3  }
0xc: {  	[smem:$0x3FA5] =	sst s4  }
0xd: {  	[smem:$0x3FA6] =	sst s5  }
0xe: {  	[smem:$0x3FA7] =	sst s6  }
0xf: {  	[smem:$0x3FA8] =	sst s7  }
0x10: {  	[smem:$0x3FA9] =	sst s8  }
0x11: {  	[smem:$0x3FAA] =	sst s9;
	s0 =	simm.s32 @!p0 $0x0  }
0x12: {  	s1 =	sld [smem:$0x3F90];
	s0 =	simm.s32 @p0 $0x1  }
0x13: {  	[smem:$0x3FAB] =	sst s0;
	s0 =	simm.s32 @!p1 $0x0  }
0x14: {  	s2 =	sld [smem:$0x3F8F];
	s0 =	simm.s32 @p1 $0x1  }
0x15: {  	[smem:$0x3FAC] =	sst s0;
	s0 =	simm.s32 @!p2 $0x0  }
0x16: {  	s3 =	sld [smem:$0x3FDB];
	s0 =	simm.s32 @p2 $0x1  }
0x17: {  	s4 =	simm.s32 $0x1BF5;
	[smem:$0x3FAE] =	sst s0  }
0x18: {  	s0 =	sld [smem:$0x3F91];
	_ =	swait.ge [sflag:s4], $0x0  }
0x19: {  	s7 =	sld [smem:$0x3F92]  }
0x1a: {  	s8 =	sadd.s32 $0xFFFFE003, lr  }
0x1b: {  	s9 =	sadd.s32 $0xFFFFFEF7, lr;
	s5 =	simm.s32 $0xFFFFFFFF;
	p2 =	slt.u32 s8, $0xFFFFF086  }
0x1c: {  	p1 =	slt.u32 s9, $0xF7A;
	s5 =	simm.s32 @!p2 $0x0  }
0x1d: {  	s5 =	simm.s32 @p1 $0x1;
	p0 =	seq.s32 s7, s2  }
0x1e: {  	s7 =	smul.u32 @!p0 $0xF7A, s2;
	p2 =	seq.s32 @!p0 s5, $0x0  }
0x1f: {  	s9 =	smul.u32 $0xF7A, s1;
	s8 =	simm.s32 @!p0 $0x1BF5;
	p2 =	por !p2, p0  }
0x20: {  	[sflag:s8] =	ssyncset.s32 @!p0 $0xFFFFF086;
	s6 =	sadd.s32 @!p0 s3, s7;
	s7 =	simm.s32 @!p0 $0x108  }
0x21: {  	s3 =	sadd.s32 s3, s9;
	s6 =	sadd.s32 @!p0 $0x88, s6;
	s7 =	simm.s32 @p2 $0x1082  }
0x22: {  	[simem:s7], [sflag:s8] =	dma.local @!p0 [hbm:s6], $0xF7A  }
0x23: {  	s9 =	sor.u32 $0xD0000000, s2;
	s6 =	simm.s32 $0x108;
	_ =	swait.ge @!p0 [sflag:s8], $0x0  }
0x24: {  	s3 =	sadd.s32 $0x88, s3;
	s6 =	simm.s32 @!p1 $0x1082;
	[sflag:s4] =	ssyncset.s32 $0xFFFFF086  }
0x25: {  	[simem:s6], [sflag:s4] =	dma.local [hbm:s3], $0xF7A  }
0x26: {  	[smem:$0x3F92] =	sst s1;
	(tag) =	ssettag s2;
	_ =	strace s9  }
0x27: {  	s1 =	sld [smem:$0x3FA2]  }
0x28: {  	s2 =	sld [smem:$0x3FA3]  }
0x29: {  	s4 =	sld [smem:$0x3FA5]  }
0x2a: {  	p0 =	seq.s32 s5, $0x0;
	s5 =	sld [smem:$0x3FA6]  }
0x2b: {  	s6 =	sld [smem:$0x3FA7]  }
0x2c: {  	s7 =	sld [smem:$0x3FA8]  }
0x2d: {  	s3 =	simm.s32 $0x108;
	s8 =	sld [smem:$0x3FA9]  }
0x2e: {  	s3 =	simm.s32 @!p0 $0x1082;
	s9 =	sld [smem:$0x3FAA]  }
0x2f: {  	lr =	sadd.s32 s0, s3;
	s0 =	sld [smem:$0x3FA1]  }
0x30: {  	s3 =	sld [smem:$0x3FA4]  }
0x31: {  	[smem:$0x3FAD] =	sst s10  }
0x32: {  	s10 =	sld [smem:$0x3FAB];
	_ =	sdelay $0x3  }
0x33: {  	p0 =	seq.s32 s10, $0x1;
	s10 =	sld [smem:$0x3FAD];
	_ =	sdelay $0x3  }
0x34: {  	[smem:$0x3FAD] =	sst s10  }
0x35: {  	s10 =	sld [smem:$0x3FAC];
	_ =	sdelay $0x3  }
0x36: {  	p1 =	seq.s32 s10, $0x1;
	s10 =	sld [smem:$0x3FAD];
	_ =	sdelay $0x3  }
0x37: {  	[smem:$0x3FAD] =	sst s10  }
0x38: {  	s10 =	sld [smem:$0x3FAE]  }
0x39: {  	_ = 	snop;
	(pc) =	sbr.ind lr, $3  }
0x3a: {  	_ = 	snop  }
0x3b: {  	_ = 	snop  }
0x3c: {  	p2 =	seq.s32 s10, $0x1;
	s10 =	sld [smem:$0x3FAD]  }
0x3d: {  	_ =	shalt  }
0x3e: {  	_ =	shalt  }
0x3f: {  	_ =	shalt  }
0x40: {  	_ =	shalt  }
0x41: {  	_ =	shalt  }
0x42: {  	_ =	shalt  }
0x43: {  	_ =	shalt  }
0x44: {  	_ =	shalt  }
0x45: {  	_ =	shalt  }
0x46: {  	_ =	shalt  }
0x47: {  	_ =	shalt  }
0x48: {  	_ =	shalt  }
0x49: {  	_ =	shalt  }
0x4a: {  	_ =	shalt  }
0x4b: {  	_ =	shalt  }
0x4c: {  	_ =	shalt  }
0x4d: {  	_ =	shalt  }
0x4e: {  	_ =	shalt  }
0x4f: {  	_ =	shalt  }
0x50: {  	_ =	shalt  }
0x51: {  	_ =	shalt  }
0x52: {  	_ =	shalt  }
0x53: {  	_ =	shalt  }
0x54: {  	_ =	shalt  }
0x55: {  	_ =	shalt  }
0x56: {  	_ =	shalt  }
0x57: {  	_ =	shalt  }
0x58: {  	_ =	shalt  }
0x59: {  	_ =	shalt  }
0x5a: {  	_ =	shalt  }
0x5b: {  	_ =	shalt  }
0x5c: {  	_ =	shalt  }
0x5d: {  	_ =	shalt  }
0x5e: {  	_ =	shalt  }
0x5f: {  	_ =	shalt  }
0x60: {  	_ =	shalt  }
0x61: {  	_ =	shalt  }
0x62: {  	_ =	shalt  }
0x63: {  	_ =	shalt  }
0x64: {  	_ =	shalt  }
0x65: {  	_ =	shalt  }
0x66: {  	_ =	shalt  }
0x67: {  	_ =	shalt  }
0x68: {  	_ =	shalt  }
0x69: {  	_ =	shalt  }
0x6a: {  	_ =	shalt  }
0x6b: {  	_ =	shalt  }
0x6c: {  	_ =	shalt  }
0x6d: {  	_ =	shalt  }
0x6e: {  	_ =	shalt  }
0x6f: {  	_ =	shalt  }
0x70: {  	_ =	shalt  }
0x71: {  	_ =	shalt  }
0x72: {  	_ =	shalt  }
0x73: {  	_ =	shalt  }
0x74: {  	_ =	shalt  }
0x75: {  	_ =	shalt  }
0x76: {  	_ =	shalt  }
0x77: {  	_ =	shalt  }
0x78: {  	_ =	shalt  }
0x79: {  	_ =	shalt  }
0x7a: {  	_ =	shalt  }
0x7b: {  	_ =	shalt  }
0x7c: {  	_ =	shalt  }
0x7d: {  	_ =	shalt  }
0x7e: {  	_ =	shalt  }
0x7f: {  	_ =	shalt  }
0x80: {  	_ =	shalt  }
0x81: {  	_ =	shalt  }
0x82: {  	_ =	shalt  }
0x83: {  	_ =	shalt  }
0x84: {  	_ =	shalt  }
0x85: {  	_ =	shalt  }
0x86: {  	_ =	shalt  }
0x87: {  	_ =	shalt  }
.Lfunc_end0:
.L_simem_size_0:
called_computation.2_lowered:
.L_overlay_start_0:
0x88: {  	s2 =	sld [smem:$0x3FD9]  }
0x89: {  	s3 =	sld [smem:$0x3FFE];
	_ =	sdelay $0x1  }
0x8a: {  	s1 =	srdreg.scid  }
0x8b: {  	s0 =	sand.u32 $0x1, s1  }
0x8c: {  	s16 =	sshll.u32 s0, $0xA;
	s2 =	sadd.s32 s3, s2  }
0x8d: {  	s2 =	sadd.s32 s2, s16  }
0x8e: {  	[smem:$0x3FB9] =	sst s2  }
0x8f: {  	_ = 	snop  }
0x90: {  	(tm) =	ssettm $0x1  }
0x91: {  	s17 =	sld [smem:$0x3FFB];
	_ =	sdelay $0x3  }
0x92: {  	_ =	strace s17  }
0x93: {  	s2 =	sld [smem:$0x3FFC];
	_ =	sdelay $0x3  }
0x94: {  	_ =	strace s2  }
0x95: {  	s2 =	sld [smem:$0x3FFD];
	_ =	sdelay $0x3  }
0x96: {  	_ =	strace s2  }
0x97: {  	_ =	strace $0x8FFFFFFF  }
0x98: {  	s18 =	sld [smem:$0x3FDB];
	_ =	sdelay $0x1  }
0x99: {  	s19 =	simm.s32 $_scs_section_size  }
0x9a: {  	s4 =	simm.s32 $_size__tile_overlayer_lowered;
	s5 =	simm.s32 $_tile_overlayer_lowered  }
0x9b: {  	s22 =	simm.s32 $0x1BFF;
	s21 =	sshll.u32 s5, $0x1;
	s2 =	sadd.s32 s19, s18  }
0x9c: {  	s6 =	simm.s32 $0x0;
	s20 =	sshll.u32 s4, $0x1;
	s4 =	sadd.s32 s21, s2  }
0x9d: {  	[timem:s6], [sflag:s22] =	dma.local [hbm:s4], s20  }
0x9e: {  	_ =	swait.ge [sflag:s22], s20  }
0x9f: {  	s3 =	ssub.s32 $0x0, s20;
	[sflag:s22] =	ssyncset.done $0x0  }
0xa0: {  	[sflag:s22] =	ssyncadd.s32 s3;
	_ =	sdelay $0x1  }
0xa1: {  	s23 =	simm.s32 $0x1B8B  }
0xa2: {  	_ =	swait.ge [sflag:s23], $0x1  }
0xa3: {  	[sflag:s23] =	ssyncset.done $0x0  }
0xa4: {  	s25 =	simm.s32 $0x1B8E;
	s24 =	sld [smem:$0x3FFE];
	[sflag:s23] =	ssyncadd.s32 $0xFFFFFFFF  }
0xa5: {  	s26 =	simm.s32 $execute0_lowered;
	[smem:$0x3FD2] =	sst s25  }
0xa6: {  	s4 =	sshll.u32 s26, $0x1;
	_ =	strace $0x8000004C;
	[dreg:$0x1] =	wrdreg $0xFFFFFFFF  }
0xa7: {  	s28 =	simm.s32 $_size_execute0_lowered;
	s2 =	sadd.s32 s2, s4;
	[dreg:$0x0] =	wrdreg $0x0  }
0xa8: {  	s4 =	sshll.u32 s28, $0x1;
	[dreg:$0x2] =	wrdreg s2  }
0xa9: {  	[dreg:$0x3] =	wrdreg s4  }
0xaa: {  	[dreg:$0x4] =	wrdreg $0xC0  }
0xab: {  	_ =	task [dreg:s6], $0x5FFFF  }
0xac: {  	[dreg:$0x1] =	wrdreg $0xFFFFFFFF  }
0xad: {  	[dreg:$0x0] =	wrdreg $0x60  }
0xae: {  	[dreg:$0x2] =	wrdreg s24  }
0xaf: {  	[dreg:$0x3] =	wrdreg $0xB9800  }
0xb0: {  	[dreg:$0x4] =	wrdreg $0x9  }
0xb1: {  	_ =	task.clear_ibuf [dreg:s6], $0x5FFFF;
	_ =	strace $0x9000004C  }
0xb2: {  	s29 =	simm.s32 $0x9;
	_ =	strace $0x8000004E  }
0xb3: {  	_ =	swait.ge [sflag:s29], $0x1  }
0xb4: {  	[sflag:s29] =	ssyncadd.s32 $0xFFFFFFFF  }
0xb5: {  	_ =	strace $0x9000004E  }
0xb6: {  	_ =	sfence  }
0xb7: {  	s30 =	sld [smem:$0x0];
	_ =	sdelay $0x2  }
0xb8: {  	s31 =	sshll.u32 s1, $0xD;
	s1 =	sshrl.u32 s1, $0x2  }
0xb9: {  	s3 =	sand.u32 $0x4000, s31;
	s1 =	sadd.s32 s1, s30  }
0xba: {  	s0 =	sor.u32 s3, s0;
	s1 =	sshll.u32 s1, $0x11  }
0xbb: {  	s0 =	sor.u32 s1, s0  }
0xbc: {  	s0 =	sadd.s32 $0x8F2B, s0  }
0xbd: {  	[sflag:s0] =	ssyncadd.remote.s32 $0x1  }
0xbe: {  	_ =	sfence.sel $0xFFFF  }
0xbf: {  	[dreg:$0x0] =	wrdreg $0xFFFFFFFF;
	(pc) =	sbr.abs _section_cstart, $3  }
0xc0: {  	[dreg:$0x1] =	wrdreg $0xFFFFFFFF  }
0xc1: {  	_ =	task.clear_ibuf [dreg:s6], $0x2FFFF;
	_ =	strace $0x9FFFFFFF  }
0xc2: {  	(tm) =	ssettm $0x7FFFFFFF  }
0xc3: {  	_ =	shalt  }
tec
execute0_lowered:
.L_overlay_start_1:
0x0: {  	(tag) =	ssettag $0x1  }
0x1: {  	s0 =	srdreg.scid  }
0x2: {  	s2 =	rddreg [dreg:$0x0];
	s12 =	stileid.u32  }
0x3: {  	s1 =	rddreg [dreg:$0x1];
	s10 =	smul.u32 $0x4E000, s12  }
0x4: {  	s3 =	simm.s32 $0x0;
	s0 =	sand.u32 $0x1, s0;
	s31 =	smul.u32 $0x13800, s12  }
0x5: {  	[smem:$0x7FF] =	sst s3;
	s15 =	smul.u32 $0x2710, s12;
	p0 =	sne.s32 s12, $0x0  }
0x6: {  	s30 =	sadd.s32 $0x138000, s1;
	s4 =	sshll.u32 s0, $0x4;
	s26 =	smul.u32 $0x138800, s0  }
0x7: {  	_ =	strace $0x8000004D;
	s7 =	ssub.s32 $0x2, s0;
	s0 =	smul.u32 $0x27100, s0  }
0x8: {  	s4 =	sor.u32 s12, s4;
	s9 =	sshrl.u32 s7, $0x1;
	s22 =	sshrl.u32 s10, $0x2  }
0x9: {  	s12 =	simm.s32 $0x5180;
	s5 =	smul.u32 $0x2710, s4;
	s10 =	sadd.s32 s22, s1  }
0xa: {  	s4 =	sadd.s32 $0x16800, s2;
	s9 =	ssub.s32 s7, s9;
	s25 =	sadd.s32 $0x3000, s10  }
0xb: {  	s0 =	sadd.s32 s15, s0;
	s28 =	sadd.s32 $0x4800, s10;
	[dreg:$0x8] =	wrdreg s25  }
0xc: {  	s15 =	simm.s32 $0xA180;
	s29 =	sadd.s32 $0x6000, s10;
	[dreg:$0x9] =	wrdreg s28  }
0xd: {  	s11 =	sadd.s32 $0x7800, s10;
	s13 =	sadd.s32 $0x9000, s10;
	[dreg:$0xa] =	wrdreg s29  }
0xe: {  	s14 =	sadd.s32 $0xA800, s10;
	s16 =	sadd.s32 $0xD800, s10;
	[dreg:$0xb] =	wrdreg s11  }
0xf: {  	s17 =	sadd.s32 $0x190, s0;
	s18 =	sadd.s32 $0x140, s0;
	[dreg:$0xc] =	wrdreg s13  }
0x10: {  	s22 =	sadd.s32 $0xF000, s10;
	s6 =	sshrl.u32 s5, $0x3;
	[dreg:$0xd] =	wrdreg s14  }
0x11: {  	s5 =	sadd.s32 $0x2C00, s2;
	s13 =	sadd.s32 $0xC000, s10;
	[dreg:$0xf] =	wrdreg s16  }
0x12: {  	s19 =	sshrl.u32 s17, $0x3;
	s20 =	sshrl.u32 s18, $0x3;
	s25 =	sadd.s32 $0xF0, s0  }
0x13: {  	[dreg:$0x13] =	wrdreg s22;
	s28 =	sadd.s32 $0x12000, s10;
	s11 =	simm.s32 $0x2800  }
0x14: {  	s14 =	simm.s32 $0x7980;
	s16 =	simm.s32 $0x4;
	s17 =	simm.s32 $0x1  }
0x15: {  	s18 =	simm.s32 $0x5;
	s8 =	sadd.s32 s6, s2;
	[dreg:$0xe] =	wrdreg s13  }
0x16: {  	s7 =	sadd.s32 s5, s6;
	s6 =	sadd.s32 $0x1800, s10;
	[dreg:$0x15] =	wrdreg s28  }
0x17: {  	s22 =	simm.s32 $0x0;
	s2 =	sadd.s32 $0x3DA00, s2;
	[dreg:$0x7] =	wrdreg s6  }
0x18: {  	s13 =	simm.s32 $0x2880;
	s21 =	sadd.s32 $0xCA00, s8;
	[dreg:$0x4] =	wrdreg s7  }
0x19: {  	s23 =	sadd.s32 $0xA, s7;
	s24 =	sadd.s32 $0x14, s7;
	[dreg:$0x3] =	wrdreg s21  }
0x1a: {  	s8 =	sadd.s32 s31, s26;
	s6 =	sshrl.u32 s26, $0x3;
	[dreg:$0x5] =	wrdreg s23  }
0x1b: {  	s26 =	sadd.s32 $0x10800, s10;
	s29 =	sadd.s32 $0x4CE, s7;
	[dreg:$0x6] =	wrdreg s24  }
0x1c: {  	s31 =	sadd.s32 $0x4D8, s7;
	s8 =	sshrl.u32 s8, $0x3;
	[dreg:$0x14] =	wrdreg s26  }
0x1d: {  	s21 =	smax.u32 s9, $0x1;
	s23 =	sadd.s32 s19, s5;
	[dreg:$0x16] =	wrdreg s29  }
0x1e: {  	s24 =	sadd.s32 s20, s5;
	[dreg:$0x17] =	wrdreg s31;
	s9 =	simm.s32 $0x2980  }
0x1f: {  	s19 =	simm.s32 $0x2;
	s20 =	simm.s32 $0x6;
	s8 =	sadd.s32 s2, s8  }
0x20: {  	s2 =	sadd.s32 s2, s6;
	[dreg:$0x12] =	wrdreg s21;
	s6 =	simm.s32 $0x2780  }
0x21: {  	s21 =	simm.s32 $0x3;
	[dreg:$0x10] =	wrdreg s8;
	s2 =	sadd.s32 $0x27000, s2  }
0x22: {  	v0 =	vimm.f32 $0.0e+00;
	s8 =	simm.s32 $0x50;
	[dreg:$0x11] =	wrdreg s2;
	s2 =	simm.s32 $0x7  }
.LBB2_1:
0x23: {  	s0 =	rddreg [dreg:$0x3]  }
0x24: {  	[tilespmem:s3], [sflag:$0x7] =	stream.linear.gather [hbm4b:s0+s3], $0x2710, $0x38;
	[tilespmem:$0x1F200] =	vst v63  }
0x25: {  	_ =	swait.ge [sflag:s2], $0x2710  }
0x26: {  	[sflag:s2] =	ssyncset.done $0x0  }
0x27: {  	s7 =	rddreg [dreg:$0x4];
	[sflag:s2] =	ssyncadd.s32 $0xFFFFD8F0  }
0x28: {  	[tilespmem:s6], [sflag:$0x4] =	stream.linear.gather [hbm4b:s7+s3], $0x50, $0x38;
	[tilespmem:$0x1F200] =	vst v63  }
0x29: {  	_ = 	snop  }
0x2a: {  	[tilespmem:s9], [sflag:$0x1] =	stream.indirect.gather [hbm4b:s4+s8], $0x80, s3, s8, $0xb8;
	[tilespmem:$0x1F200] =	vst v63  }
0x2b: {  	s26 =	rddreg [dreg:$0x5]  }
0x2c: {  	[tilespmem:s11], [sflag:$0x5] =	stream.linear.gather [hbm4b:s26+s3], $0x50, $0x38;
	[tilespmem:$0x1F200] =	vst v63  }
0x2d: {  	_ = 	snop  }
0x2e: {  	[tilespmem:s12], [sflag:$0x2] =	stream.indirect.gather [hbm4b:s4+s8], $0x80, s8, s8, $0xb8;
	[tilespmem:$0x1F200] =	vst v63  }
0x2f: {  	s29 =	rddreg [dreg:$0x6]  }
0x30: {  	[tilespmem:s13], [sflag:$0x6] =	stream.linear.gather [hbm4b:s29+s3], $0x50, $0x38;
	[tilespmem:$0x1F200] =	vst v63  }
0x31: {  	s31 =	simm.s32 $0xA0;
	s28 =	simm.s32 $0x200;
	s26 =	simm.s32 $0x0  }
0x32: {  	[tilespmem:s14], [sflag:$0x3] =	stream.indirect.gather [hbm4b:s4+s8], $0x80, s31, s8, $0xb8;
	[tilespmem:$0x1F200] =	vst v63  }
.LBB2_2:
0x33: {  	p1 =	sne.s32 s28, $0x5E00;
	[tilespmem:s26+$0xA1F0] =	vst v0  }
0x34: {  	[tilespmem:s26+$0xA180] =	vst v0  }
0x35: {  	[tilespmem:s26+$0xA190] =	vst v0  }
.Ltmp0:
0x36: {  	[tilespmem:s26+$0xA1A0] =	vst v0;
	(pc) =	sbr.rel @p1 .LBB2_2-.Ltmp0, $4  }
0x37: {  	[tilespmem:s26+$0xA1B0] =	vst v0  }
0x38: {  	[tilespmem:s26+$0xA1C0] =	vst v0  }
0x39: {  	[tilespmem:s26+$0xA1D0] =	vst v0  }
0x3a: {  	[tilespmem:s26+$0xA1E0] =	vst v0;
	s26 =	sshra.s32 s28, $0x2;
	s28 =	sadd.s32 $0x200, s28  }
0x3b: {  	[tilespmem:s26+$0xA1F0] =	vst v0  }
0x3c: {  	[tilespmem:s26+$0xA180] =	vst v0  }
0x3d: {  	[tilespmem:s26+$0xA190] =	vst v0  }
0x3e: {  	[tilespmem:s26+$0xA1A0] =	vst v0  }
0x3f: {  	[tilespmem:s26+$0xA1B0] =	vst v0  }
0x40: {  	[tilespmem:s26+$0xA1C0] =	vst v0  }
0x41: {  	[tilespmem:s26+$0xA1D0] =	vst v0  }
0x42: {  	[tilespmem:s26+$0xA1E0] =	vst v0  }
0x43: {  	[spmem:s10] =	stream.linear.scatter [tilespmem:s15], [sflag:$0x7], $0x1800, $0x38;
	[tilespmem:$0x1F200] =	vst v63  }
0x44: {  	_ =	swait.ge [sflag:s2], $0x1800  }
0x45: {  	[sflag:s2] =	ssyncset.done $0x0  }
0x46: {  	s0 =	rddreg [dreg:$0x7];
	[sflag:s2] =	ssyncadd.s32 $0xFFFFE800  }
0x47: {  	[spmem:s0] =	stream.linear.scatter [tilespmem:s15], [sflag:$0x7], $0x1800, $0x38;
	[tilespmem:$0x1F200] =	vst v63  }
0x48: {  	_ =	swait.ge [sflag:s2], $0x1800  }
0x49: {  	[sflag:s2] =	ssyncset.done $0x0  }
0x4a: {  	s7 =	rddreg [dreg:$0x8];
	[sflag:s2] =	ssyncadd.s32 $0xFFFFE800  }
0x4b: {  	[spmem:s7] =	stream.linear.scatter [tilespmem:s15], [sflag:$0x7], $0x1800, $0x38;
	[tilespmem:$0x1F200] =	vst v63  }
0x4c: {  	_ =	swait.ge [sflag:s2], $0x1800  }
0x4d: {  	[sflag:s2] =	ssyncset.done $0x0  }
0x4e: {  	s26 =	rddreg [dreg:$0x9];
	[sflag:s2] =	ssyncadd.s32 $0xFFFFE800  }
0x4f: {  	[spmem:s26] =	stream.linear.scatter [tilespmem:s15], [sflag:$0x7], $0x1800, $0x38;
	[tilespmem:$0x1F200] =	vst v63  }
0x50: {  	_ =	swait.ge [sflag:s2], $0x1800  }
0x51: {  	[sflag:s2] =	ssyncset.done $0x0  }
0x52: {  	s7 =	rddreg [dreg:$0xa];
	[sflag:s2] =	ssyncadd.s32 $0xFFFFE800  }
0x53: {  	[spmem:s7] =	stream.linear.scatter [tilespmem:s15], [sflag:$0x7], $0x1800, $0x38;
	[tilespmem:$0x1F200] =	vst v63  }
0x54: {  	_ =	swait.ge [sflag:s2], $0x1800  }
0x55: {  	[sflag:s2] =	ssyncset.done $0x0  }
0x56: {  	s26 =	rddreg [dreg:$0xb];
	[sflag:s2] =	ssyncadd.s32 $0xFFFFE800  }
0x57: {  	[spmem:s26] =	stream.linear.scatter [tilespmem:s15], [sflag:$0x7], $0x1800, $0x38;
	[tilespmem:$0x1F200] =	vst v63  }
0x58: {  	_ =	swait.ge [sflag:s2], $0x1800  }
0x59: {  	[sflag:s2] =	ssyncset.done $0x0  }
0x5a: {  	s7 =	rddreg [dreg:$0xc];
	[sflag:s2] =	ssyncadd.s32 $0xFFFFE800  }
0x5b: {  	[spmem:s7] =	stream.linear.scatter [tilespmem:s15], [sflag:$0x7], $0x1800, $0x38;
	[tilespmem:$0x1F200] =	vst v63  }
0x5c: {  	_ =	swait.ge [sflag:s2], $0x1800  }
0x5d: {  	[sflag:s2] =	ssyncset.done $0x0  }
0x5e: {  	s26 =	rddreg [dreg:$0xd];
	[sflag:s2] =	ssyncadd.s32 $0xFFFFE800  }
0x5f: {  	[spmem:s26] =	stream.linear.scatter [tilespmem:s15], [sflag:$0x7], $0x1800, $0x38;
	[tilespmem:$0x1F200] =	vst v63  }
0x60: {  	_ =	swait.ge [sflag:s2], $0x1800  }
0x61: {  	[sflag:s2] =	ssyncset.done $0x0  }
0x62: {  	s7 =	rddreg [dreg:$0xe];
	[sflag:s2] =	ssyncadd.s32 $0xFFFFE800  }
0x63: {  	[spmem:s7] =	stream.linear.scatter [tilespmem:s15], [sflag:$0x7], $0x1800, $0x38;
	[tilespmem:$0x1F200] =	vst v63  }
0x64: {  	_ =	swait.ge [sflag:s2], $0x1800  }
0x65: {  	[sflag:s2] =	ssyncset.done $0x0  }
0x66: {  	s26 =	rddreg [dreg:$0xf];
	[sflag:s2] =	ssyncadd.s32 $0xFFFFE800  }
0x67: {  	[spmem:s26] =	stream.linear.scatter [tilespmem:s15], [sflag:$0x7], $0x1800, $0x38;
	[tilespmem:$0x1F200] =	vst v63  }
0x68: {  	_ =	swait.ge [sflag:s2], $0x1800  }
0x69: {  	[sflag:s2] =	ssyncset.done $0x0  }
0x6a: {  	s7 =	rddreg [dreg:$0x13];
	[sflag:s2] =	ssyncadd.s32 $0xFFFFE800  }
0x6b: {  	[spmem:s7] =	stream.linear.scatter [tilespmem:s15], [sflag:$0x7], $0x1800, $0x38;
	[tilespmem:$0x1F200] =	vst v63  }
0x6c: {  	_ =	swait.ge [sflag:s2], $0x1800  }
0x6d: {  	[sflag:s2] =	ssyncset.done $0x0  }
0x6e: {  	s26 =	rddreg [dreg:$0x14];
	[sflag:s2] =	ssyncadd.s32 $0xFFFFE800  }
0x6f: {  	[spmem:s26] =	stream.linear.scatter [tilespmem:s15], [sflag:$0x7], $0x1800, $0x38;
	[tilespmem:$0x1F200] =	vst v63  }
0x70: {  	_ =	swait.ge [sflag:s2], $0x1800  }
0x71: {  	[sflag:s2] =	ssyncset.done $0x0  }
0x72: {  	s7 =	rddreg [dreg:$0x15];
	[sflag:s2] =	ssyncadd.s32 $0xFFFFE800  }
0x73: {  	[spmem:s7] =	stream.linear.scatter [tilespmem:s15], [sflag:$0x7], $0x1800, $0x38;
	[tilespmem:$0x1F200] =	vst v63  }
0x74: {  	_ =	swait.ge [sflag:s2], $0x1800  }
0x75: {  	[sflag:s2] =	ssyncset.done $0x0  }
0x76: {  	s0 =	simm.s32 @!p0 $0xA180;
	[sflag:s2] =	ssyncadd.s32 $0xFFFFE800  }
0x77: {  	[spmem:s30] =	stream.linear.scatter @!p0 [tilespmem:s0], [sflag:$0x7], $0x800, $0x38;
	[tilespmem:$0x1F200] =	vst v63  }
0x78: {  	s0 =	simm.s32 @!p0 $0x7  }
0x79: {  	_ =	swait.ge @!p0 [sflag:s0], $0x800  }
0x7a: {  	[sflag:s0] =	ssyncset.done @!p0 $0x0  }
0x7b: {  	[sflag:s0] =	ssyncadd.s32 @!p0 $0xFFFFF800  }
0x7c: {  	[bflag:$0x0] =	sbarrier.arrive $0xFFFF  }
0x7d: {  	_ =	swait.ge [sflag:s16], $0x50  }
0x7e: {  	[sflag:s16] =	ssyncset.done $0x0  }
0x7f: {  	[sflag:s16] =	ssyncadd.s32 $0xFFFFFFB0  }
0x80: {  	_ =	swait.ge [sflag:s17], $0x2800  }
0x81: {  	[sflag:s17] =	ssyncset.done $0x0  }
0x82: {  	[sflag:s17] =	ssyncadd.s32 $0xFFFFD800  }
0x83: {  	[spmem:s1] =	stream.indirect.scatter.add.f32 [tilespmem:s9], [sflag:$0x7], $0x80, s6, s8, $0xb8;
	[tilespmem:$0x1F200] =	vst v63  }
0x84: {  	_ =	swait.ge [sflag:s2], $0x2800  }
0x85: {  	s26 =	sshrl.u32 s25, $0x3;
	[sflag:s2] =	ssyncset.done $0x0  }
0x86: {  	s0 =	sadd.s32 s5, s26;
	[sflag:s2] =	ssyncadd.s32 $0xFFFFD800  }
0x87: {  	[tilespmem:s6], [sflag:$0x4] =	stream.linear.gather [hbm4b:s0+s3], $0x50, $0x38;
	[tilespmem:$0x1F200] =	vst v63  }
0x88: {  	s7 =	simm.s32 $0xF0  }
0x89: {  	[tilespmem:s9], [sflag:$0x1] =	stream.indirect.gather [hbm4b:s4+s8], $0x80, s7, s8, $0xb8;
	[tilespmem:$0x1F200] =	vst v63  }
0x8a: {  	_ =	swait.ge [sflag:s18], $0x50  }
0x8b: {  	[sflag:s18] =	ssyncset.done $0x0  }
0x8c: {  	[sflag:s18] =	ssyncadd.s32 $0xFFFFFFB0  }
0x8d: {  	_ =	swait.ge [sflag:s19], $0x2800  }
0x8e: {  	[sflag:s19] =	ssyncset.done $0x0  }
0x8f: {  	[sflag:s19] =	ssyncadd.s32 $0xFFFFD800  }
0x90: {  	[spmem:s1] =	stream.indirect.scatter.add.f32 [tilespmem:s12], [sflag:$0x7], $0x80, s11, s8, $0xb8;
	[tilespmem:$0x1F200] =	vst v63  }
0x91: {  	_ =	swait.ge [sflag:s2], $0x2800  }
0x92: {  	[sflag:s2] =	ssyncset.done $0x0  }
0x93: {  	[sflag:s2] =	ssyncadd.s32 $0xFFFFD800  }
0x94: {  	[tilespmem:s11], [sflag:$0x5] =	stream.linear.gather [hbm4b:s24+s3], $0x50, $0x38;
	[tilespmem:$0x1F200] =	vst v63  }
0x95: {  	s26 =	simm.s32 $0x140  }
0x96: {  	[tilespmem:s12], [sflag:$0x2] =	stream.indirect.gather [hbm4b:s4+s8], $0x80, s26, s8, $0xb8;
	[tilespmem:$0x1F200] =	vst v63  }
0x97: {  	_ =	swait.ge [sflag:s20], $0x50  }
0x98: {  	[sflag:s20] =	ssyncset.done $0x0  }
0x99: {  	[sflag:s20] =	ssyncadd.s32 $0xFFFFFFB0  }
0x9a: {  	_ =	swait.ge [sflag:s21], $0x2800  }
0x9b: {  	[sflag:s21] =	ssyncset.done $0x0  }
0x9c: {  	[sflag:s21] =	ssyncadd.s32 $0xFFFFD800  }
0x9d: {  	[spmem:s1] =	stream.indirect.scatter.add.f32 [tilespmem:s14], [sflag:$0x7], $0x80, s13, s8, $0xb8;
	[tilespmem:$0x1F200] =	vst v63  }
0x9e: {  	s28 =	sadd.s32 $0xF0, s25;
	_ =	swait.ge [sflag:s2], $0x2800  }
0x9f: {  	s29 =	sadd.s32 $0x1E, s23;
	s31 =	sadd.s32 $0x1E, s24;
	[sflag:s2] =	ssyncset.done $0x0  }
0xa0: {  	s0 =	simm.s32 $0x190;
	s26 =	simm.s32 $0x3C0;
	[sflag:s2] =	ssyncadd.s32 $0xFFFFD800  }
0xa1: {  	[tilespmem:s13], [sflag:$0x6] =	stream.linear.gather [hbm4b:s23+s3], $0x50, $0x38;
	[tilespmem:$0x1F200] =	vst v63  }
.LBB2_4:
0xa2: {  	[tilespmem:s14], [sflag:$0x3] =	stream.indirect.gather [hbm4b:s4+s8], $0x80, s0, s8, $0xb8;
	[tilespmem:$0x1F200] =	vst v63  }
0xa3: {  	s0 =	smov.u32 s26  }
0xa4: {  	p1 =	sne.s32 s26, $0x9240;
	s26 =	sadd.s32 $0x3C0, s26;
	_ =	swait.ge [sflag:s16], $0x50  }
0xa5: {  	[sflag:s16] =	ssyncset.done $0x0  }
0xa6: {  	[sflag:s16] =	ssyncadd.s32 $0xFFFFFFB0  }
0xa7: {  	_ =	swait.ge [sflag:s17], $0x2800  }
0xa8: {  	[sflag:s17] =	ssyncset.done $0x0  }
0xa9: {  	[sflag:s17] =	ssyncadd.s32 $0xFFFFD800  }
0xaa: {  	[spmem:s1] =	stream.indirect.scatter.add.f32 [tilespmem:s9], [sflag:$0x7], $0x80, s6, s8, $0xb8;
	[tilespmem:$0x1F200] =	vst v63  }
0xab: {  	_ =	swait.ge [sflag:s2], $0x2800  }
0xac: {  	s7 =	sshrl.u32 s28, $0x3;
	[sflag:s2] =	ssyncset.done $0x0  }
0xad: {  	s7 =	sadd.s32 s5, s7;
	s0 =	sshra.s32 s0, $0x2;
	[sflag:s2] =	ssyncadd.s32 $0xFFFFD800  }
0xae: {  	[tilespmem:s6], [sflag:$0x4] =	stream.linear.gather [hbm4b:s7+s3], $0x50, $0x38;
	[tilespmem:$0x1F200] =	vst v63  }
0xaf: {  	s7 =	sadd.s32 $0xF0, s0  }
0xb0: {  	[tilespmem:s9], [sflag:$0x1] =	stream.indirect.gather [hbm4b:s4+s8], $0x80, s7, s8, $0xb8;
	[tilespmem:$0x1F200] =	vst v63  }
0xb1: {  	_ =	swait.ge [sflag:s18], $0x50  }
0xb2: {  	[sflag:s18] =	ssyncset.done $0x0  }
0xb3: {  	[sflag:s18] =	ssyncadd.s32 $0xFFFFFFB0  }
0xb4: {  	_ =	swait.ge [sflag:s19], $0x2800  }
0xb5: {  	[sflag:s19] =	ssyncset.done $0x0  }
0xb6: {  	[sflag:s19] =	ssyncadd.s32 $0xFFFFD800  }
0xb7: {  	[spmem:s1] =	stream.indirect.scatter.add.f32 [tilespmem:s12], [sflag:$0x7], $0x80, s11, s8, $0xb8;
	[tilespmem:$0x1F200] =	vst v63  }
0xb8: {  	_ =	swait.ge [sflag:s2], $0x2800  }
0xb9: {  	[sflag:s2] =	ssyncset.done $0x0  }
0xba: {  	[sflag:s2] =	ssyncadd.s32 $0xFFFFD800  }
0xbb: {  	[tilespmem:s11], [sflag:$0x5] =	stream.linear.gather [hbm4b:s31+s3], $0x50, $0x38;
	[tilespmem:$0x1F200] =	vst v63  }
0xbc: {  	s7 =	sadd.s32 $0x140, s0  }
0xbd: {  	[tilespmem:s12], [sflag:$0x2] =	stream.indirect.gather [hbm4b:s4+s8], $0x80, s7, s8, $0xb8;
	[tilespmem:$0x1F200] =	vst v63  }
0xbe: {  	_ =	swait.ge [sflag:s20], $0x50  }
0xbf: {  	[sflag:s20] =	ssyncset.done $0x0  }
0xc0: {  	[sflag:s20] =	ssyncadd.s32 $0xFFFFFFB0  }
0xc1: {  	_ =	swait.ge [sflag:s21], $0x2800  }
0xc2: {  	[sflag:s21] =	ssyncset.done $0x0  }
0xc3: {  	[sflag:s21] =	ssyncadd.s32 $0xFFFFD800  }
0xc4: {  	[spmem:s1] =	stream.indirect.scatter.add.f32 [tilespmem:s14], [sflag:$0x7], $0x80, s13, s8, $0xb8;
	[tilespmem:$0x1F200] =	vst v63  }
.Ltmp1:
0xc5: {  	_ =	swait.ge [sflag:s2], $0x2800;
	(pc) =	sbr.rel @p1 .LBB2_4-.Ltmp1, $4  }
0xc6: {  	[sflag:s2] =	ssyncset.done $0x0  }
0xc7: {  	s28 =	sadd.s32 $0xF0, s28;
	[sflag:s2] =	ssyncadd.s32 $0xFFFFD800  }
0xc8: {  	[tilespmem:s13], [sflag:$0x6] =	stream.linear.gather [hbm4b:s29+s3], $0x50, $0x38;
	[tilespmem:$0x1F200] =	vst v63  }
0xc9: {  	s0 =	sadd.s32 $0x190, s0;
	s31 =	sadd.s32 $0x1E, s31;
	s29 =	sadd.s32 $0x1E, s29  }
0xca: {  	[tilespmem:s14], [sflag:$0x3] =	stream.indirect.gather [hbm4b:s4+s8], $0x80, s0, s8, $0xb8;
	[tilespmem:$0x1F200] =	vst v63  }
0xcb: {  	_ =	swait.ge [sflag:s16], $0x50  }
0xcc: {  	[sflag:s16] =	ssyncset.done $0x0  }
0xcd: {  	[sflag:s16] =	ssyncadd.s32 $0xFFFFFFB0  }
0xce: {  	_ =	swait.ge [sflag:s17], $0x2800  }
0xcf: {  	[sflag:s17] =	ssyncset.done $0x0  }
0xd0: {  	[sflag:s17] =	ssyncadd.s32 $0xFFFFD800  }
0xd1: {  	[spmem:s1] =	stream.indirect.scatter.add.f32 [tilespmem:s9], [sflag:$0x7], $0x80, s6, s8, $0xb8;
	[tilespmem:$0x1F200] =	vst v63  }
0xd2: {  	_ =	swait.ge [sflag:s2], $0x2800  }
0xd3: {  	[sflag:s2] =	ssyncset.done $0x0  }
0xd4: {  	s31 =	rddreg [dreg:$0x16];
	[sflag:s2] =	ssyncadd.s32 $0xFFFFD800  }
0xd5: {  	[tilespmem:s6], [sflag:$0x4] =	stream.linear.gather [hbm4b:s31+s3], $0x50, $0x38;
	[tilespmem:$0x1F200] =	vst v63  }
0xd6: {  	s7 =	simm.s32 $0x2670  }
0xd7: {  	[tilespmem:s9], [sflag:$0x1] =	stream.indirect.gather [hbm4b:s4+s8], $0x80, s7, s8, $0xb8;
	[tilespmem:$0x1F200] =	vst v63  }
0xd8: {  	_ =	swait.ge [sflag:s18], $0x50  }
0xd9: {  	[sflag:s18] =	ssyncset.done $0x0  }
0xda: {  	[sflag:s18] =	ssyncadd.s32 $0xFFFFFFB0  }
0xdb: {  	_ =	swait.ge [sflag:s19], $0x2800  }
0xdc: {  	[sflag:s19] =	ssyncset.done $0x0  }
0xdd: {  	[sflag:s19] =	ssyncadd.s32 $0xFFFFD800  }
0xde: {  	[spmem:s1] =	stream.indirect.scatter.add.f32 [tilespmem:s12], [sflag:$0x7], $0x80, s11, s8, $0xb8;
	[tilespmem:$0x1F200] =	vst v63  }
0xdf: {  	_ =	swait.ge [sflag:s2], $0x2800  }
0xe0: {  	[sflag:s2] =	ssyncset.done $0x0  }
0xe1: {  	s26 =	rddreg [dreg:$0x17];
	[sflag:s2] =	ssyncadd.s32 $0xFFFFD800  }
0xe2: {  	[tilespmem:s11], [sflag:$0x5] =	stream.linear.gather [hbm4b:s26+s3], $0x50, $0x38;
	[tilespmem:$0x1F200] =	vst v63  }
0xe3: {  	s28 =	simm.s32 $0x26C0  }
0xe4: {  	[tilespmem:s12], [sflag:$0x2] =	stream.indirect.gather [hbm4b:s4+s8], $0x80, s28, s8, $0xb8;
	[tilespmem:$0x1F200] =	vst v63  }
0xe5: {  	_ =	swait.ge [sflag:s20], $0x50  }
0xe6: {  	[sflag:s20] =	ssyncset.done $0x0  }
0xe7: {  	[sflag:s20] =	ssyncadd.s32 $0xFFFFFFB0  }
0xe8: {  	_ =	swait.ge [sflag:s21], $0x2800  }
0xe9: {  	[sflag:s21] =	ssyncset.done $0x0  }
0xea: {  	[sflag:s21] =	ssyncadd.s32 $0xFFFFD800  }
0xeb: {  	[spmem:s1] =	stream.indirect.scatter.add.f32 [tilespmem:s14], [sflag:$0x7], $0x80, s13, s8, $0xb8;
	[tilespmem:$0x1F200] =	vst v63  }
0xec: {  	_ =	swait.ge [sflag:s2], $0x2800  }
0xed: {  	[sflag:s2] =	ssyncset.done $0x0  }
0xee: {  	[sflag:s2] =	ssyncadd.s32 $0xFFFFD800  }
0xef: {  	_ =	swait.ge [sflag:s16], $0x50  }
0xf0: {  	[sflag:s16] =	ssyncset.done $0x0  }
0xf1: {  	[sflag:s16] =	ssyncadd.s32 $0xFFFFFFB0  }
0xf2: {  	_ =	swait.ge [sflag:s17], $0x2800  }
0xf3: {  	[sflag:s17] =	ssyncset.done $0x0  }
0xf4: {  	[sflag:s17] =	ssyncadd.s32 $0xFFFFD800  }
0xf5: {  	[spmem:s1] =	stream.indirect.scatter.add.f32 [tilespmem:s9], [sflag:$0x7], $0x80, s6, s8, $0xb8;
	[tilespmem:$0x1F200] =	vst v63  }
0xf6: {  	_ =	swait.ge [sflag:s2], $0x2800  }
0xf7: {  	[sflag:s2] =	ssyncset.done $0x0  }
0xf8: {  	[sflag:s2] =	ssyncadd.s32 $0xFFFFD800  }
0xf9: {  	_ =	swait.ge [sflag:s18], $0x50  }
0xfa: {  	[sflag:s18] =	ssyncset.done $0x0  }
0xfb: {  	[sflag:s18] =	ssyncadd.s32 $0xFFFFFFB0  }
0xfc: {  	_ =	swait.ge [sflag:s19], $0x2800  }
0xfd: {  	[sflag:s19] =	ssyncset.done $0x0  }
0xfe: {  	[sflag:s19] =	ssyncadd.s32 $0xFFFFD800  }
0xff: {  	[spmem:s1] =	stream.indirect.scatter.add.f32 [tilespmem:s12], [sflag:$0x7], $0x80, s11, s8, $0xb8;
	[tilespmem:$0x1F200] =	vst v63  }
0x100: {  	_ =	swait.ge [sflag:s2], $0x2800  }
0x101: {  	[sflag:s2] =	ssyncset.done $0x0  }
0x102: {  	s29 =	stileid.u32;
	[sflag:s2] =	ssyncadd.s32 $0xFFFFD800  }
0x103: {  	s0 =	sshll.u32 s29, $0x6;
	[bflag:$0x0] =	sbarrier.arrive $0xFFFF  }
0x104: {  	s0 =	sor.u32 $0x1C07, s0;
	s7 =	sshrl.u32 s10, $0x3;
	s26 =	rddreg [dreg:$0x10]  }
0x105: {  	[hbm:s26], [sflag:s0] =	dma.local [spmem:s7], $0x2700  }
0x106: {  	_ =	swait.ge [sflag:s2], $0x2700  }
0x107: {  	[sflag:s2] =	ssyncset.done $0x0  }
0x108: {  	s7 =	sshrl.u32 @!p0 s30, $0x3;
	s26 =	rddreg [dreg:$0x11];
	[sflag:s2] =	ssyncadd.s32 $0xFFFFD900  }
0x109: {  	[hbm:s26], [sflag:s0] =	dma.local @!p0 [spmem:s7], $0x100  }
0x10a: {  	s0 =	simm.s32 @!p0 $0x7  }
0x10b: {  	_ =	swait.ge @!p0 [sflag:s0], $0x100  }
0x10c: {  	s22 =	sadd.s32 $0x1, s22;
	s31 =	rddreg [dreg:$0x12]  }
0x10d: {  	p1 =	sne.s32 s22, s31  }
.Ltmp2:
0x10e: {  	_ = 	snop;
	(pc) =	sbr.rel @p1 .LBB2_1-.Ltmp2, $3  }
0x10f: {  	_ =	sdelay $0x1  }
0x110: {  	[sflag:s0] =	ssyncset.done @!p0 $0x0  }
0x111: {  	[sflag:s0] =	ssyncadd.s32 @!p0 $0xFFFFFF00  }
0x112: {  	_ =	sfence.sel $0x180000  }
0x113: {  	[bflag:$0x0] =	sbarrier.arrive $0xFFFF  }
0x114: {  	_ =	strace $0x9000004D  }
0x115: {  	[bflag:$0x2] =	sbarrier.arrive $0xFFFF  }
0x116: {  	s0 =	rddreg [dreg:$0x2]  }
0x117: {  	s0 =	sadd.s32 @!p0 $0x100000, s0  }
0x118: {  	[sflag:s0] =	ssyncadd.tile.s32 @!p0 $0x1;
	_ =	shalt  }
.Lfunc_end2:
_tile_overlayer_lowered:
.L_overlay_start_2:
0x119: {  	(tag) =	ssettag $0x2  }
0x11a: {  	s0 =	rddreg [dreg:$0x0];
	s2 =	stileid.u32  }
0x11b: {  	s1 =	rddreg [dreg:$0x1];
	p0 =	sne.s32 s2, $0x0  }
0x11c: {  	s3 =	rddreg [dreg:$0x2];
	[bflag:$0x3] =	sbarrier.arrive $0xFFFF;
	s2 =	simm.s32 @!p0 $0x1C07  }
0x11d: {  	[timem:s3], [sflag:s2] =	dma.local @!p0 [hbm:s0], s1  }
0x11e: {  	s0 =	simm.s32 @!p0 $0x7  }
0x11f: {  	_ =	swait.ge @!p0 [sflag:s0], s1  }
0x120: {  	s1 =	ssub.s32 @!p0 $0x0, s1;
	[sflag:s0] =	ssyncset.done @!p0 $0x0  }
0x121: {  	[sflag:s0] =	ssyncadd.s32 @!p0 s1  }
0x122: {  	[bflag:$0x3] =	sbarrier.arrive $0xFFFF  }
0x123: {  	_ =	shalt  }

// kernel: kernel.9.cloned.1.call-start
scs
__scs_entry_jumppad:
0x0: {  	(pc) =	sbr.rel $0x88, $3  }
0x1: {  	(tag) =	ssettag $0x0;
	lr =	simm.s32 $0x1  }
0x2: {  	[smem:$0x3F92] =	sst lr;
	_ =	strace $0xD0000000  }
0x3: {  	_ = 	snop  }
0x4: {  	_ = 	snop  }
0x5: {  	_ = 	snop  }
0x6: {  	_ = 	snop  }
0x7: {  	_ = 	snop  }
__scs_overlays_trampoline_lowered:
0x8: {  	[smem:$0x3FA1] =	sst s0  }
0x9: {  	[smem:$0x3FA2] =	sst s1  }
0xa: {  	[smem:$0x3FA3] =	sst s2  }
0xb: {  	[smem:$0x3FA4] =	sst s3  }
0xc: {  	[smem:$0x3FA5] =	sst s4  }
0xd: {  	[smem:$0x3FA6] =	sst s5  }
0xe: {  	[smem:$0x3FA7] =	sst s6  }
0xf: {  	[smem:$0x3FA8] =	sst s7  }
0x10: {  	[smem:$0x3FA9] =	sst s8  }
0x11: {  	[smem:$0x3FAA] =	sst s9;
	s0 =	simm.s32 @!p0 $0x0  }
0x12: {  	s1 =	sld [smem:$0x3F90];
	s0 =	simm.s32 @p0 $0x1  }
0x13: {  	[smem:$0x3FAB] =	sst s0;
	s0 =	simm.s32 @!p1 $0x0  }
0x14: {  	s2 =	sld [smem:$0x3F8F];
	s0 =	simm.s32 @p1 $0x1  }
0x15: {  	[smem:$0x3FAC] =	sst s0;
	s0 =	simm.s32 @!p2 $0x0  }
0x16: {  	s3 =	sld [smem:$0x3FDB];
	s0 =	simm.s32 @p2 $0x1  }
0x17: {  	s4 =	simm.s32 $0x1BF5;
	[smem:$0x3FAE] =	sst s0  }
0x18: {  	s0 =	sld [smem:$0x3F91];
	_ =	swait.ge [sflag:s4], $0x0  }
0x19: {  	s7 =	sld [smem:$0x3F92]  }
0x1a: {  	s8 =	sadd.s32 $0xFFFFE003, lr  }
0x1b: {  	s9 =	sadd.s32 $0xFFFFFEF7, lr;
	s5 =	simm.s32 $0xFFFFFFFF;
	p2 =	slt.u32 s8, $0xFFFFF086  }
0x1c: {  	p1 =	slt.u32 s9, $0xF7A;
	s5 =	simm.s32 @!p2 $0x0  }
0x1d: {  	s5 =	simm.s32 @p1 $0x1;
	p0 =	seq.s32 s7, s2  }
0x1e: {  	s7 =	smul.u32 @!p0 $0xF7A, s2;
	p2 =	seq.s32 @!p0 s5, $0x0  }
0x1f: {  	s9 =	smul.u32 $0xF7A, s1;
	s8 =	simm.s32 @!p0 $0x1BF5;
	p2 =	por !p2, p0  }
0x20: {  	[sflag:s8] =	ssyncset.s32 @!p0 $0xFFFFF086;
	s6 =	sadd.s32 @!p0 s3, s7;
	s7 =	simm.s32 @!p0 $0x108  }
0x21: {  	s3 =	sadd.s32 s3, s9;
	s6 =	sadd.s32 @!p0 $0x88, s6;
	s7 =	simm.s32 @p2 $0x1082  }
0x22: {  	[simem:s7], [sflag:s8] =	dma.local @!p0 [hbm:s6], $0xF7A  }
0x23: {  	s9 =	sor.u32 $0xD0000000, s2;
	s6 =	simm.s32 $0x108;
	_ =	swait.ge @!p0 [sflag:s8], $0x0  }
0x24: {  	s3 =	sadd.s32 $0x88, s3;
	s6 =	simm.s32 @!p1 $0x1082;
	[sflag:s4] =	ssyncset.s32 $0xFFFFF086  }
0x25: {  	[simem:s6], [sflag:s4] =	dma.local [hbm:s3], $0xF7A  }
0x26: {  	[smem:$0x3F92] =	sst s1;
	(tag) =	ssettag s2;
	_ =	strace s9  }
0x27: {  	s1 =	sld [smem:$0x3FA2]  }
0x28: {  	s2 =	sld [smem:$0x3FA3]  }
0x29: {  	s4 =	sld [smem:$0x3FA5]  }
0x2a: {  	p0 =	seq.s32 s5, $0x0;
	s5 =	sld [smem:$0x3FA6]  }
0x2b: {  	s6 =	sld [smem:$0x3FA7]  }
0x2c: {  	s7 =	sld [smem:$0x3FA8]  }
0x2d: {  	s3 =	simm.s32 $0x108;
	s8 =	sld [smem:$0x3FA9]  }
0x2e: {  	s3 =	simm.s32 @!p0 $0x1082;
	s9 =	sld [smem:$0x3FAA]  }
0x2f: {  	lr =	sadd.s32 s0, s3;
	s0 =	sld [smem:$0x3FA1]  }
0x30: {  	s3 =	sld [smem:$0x3FA4]  }
0x31: {  	[smem:$0x3FAD] =	sst s10  }
0x32: {  	s10 =	sld [smem:$0x3FAB];
	_ =	sdelay $0x3  }
0x33: {  	p0 =	seq.s32 s10, $0x1;
	s10 =	sld [smem:$0x3FAD];
	_ =	sdelay $0x3  }
0x34: {  	[smem:$0x3FAD] =	sst s10  }
0x35: {  	s10 =	sld [smem:$0x3FAC];
	_ =	sdelay $0x3  }
0x36: {  	p1 =	seq.s32 s10, $0x1;
	s10 =	sld [smem:$0x3FAD];
	_ =	sdelay $0x3  }
0x37: {  	[smem:$0x3FAD] =	sst s10  }
0x38: {  	s10 =	sld [smem:$0x3FAE]  }
0x39: {  	_ = 	snop;
	(pc) =	sbr.ind lr, $3  }
0x3a: {  	_ = 	snop  }
0x3b: {  	_ = 	snop  }
0x3c: {  	p2 =	seq.s32 s10, $0x1;
	s10 =	sld [smem:$0x3FAD]  }
0x3d: {  	_ =	shalt  }
0x3e: {  	_ =	shalt  }
0x3f: {  	_ =	shalt  }
0x40: {  	_ =	shalt  }
0x41: {  	_ =	shalt  }
0x42: {  	_ =	shalt  }
0x43: {  	_ =	shalt  }
0x44: {  	_ =	shalt  }
0x45: {  	_ =	shalt  }
0x46: {  	_ =	shalt  }
0x47: {  	_ =	shalt  }
0x48: {  	_ =	shalt  }
0x49: {  	_ =	shalt  }
0x4a: {  	_ =	shalt  }
0x4b: {  	_ =	shalt  }
0x4c: {  	_ =	shalt  }
0x4d: {  	_ =	shalt  }
0x4e: {  	_ =	shalt  }
0x4f: {  	_ =	shalt  }
0x50: {  	_ =	shalt  }
0x51: {  	_ =	shalt  }
0x52: {  	_ =	shalt  }
0x53: {  	_ =	shalt  }
0x54: {  	_ =	shalt  }
0x55: {  	_ =	shalt  }
0x56: {  	_ =	shalt  }
0x57: {  	_ =	shalt  }
0x58: {  	_ =	shalt  }
0x59: {  	_ =	shalt  }
0x5a: {  	_ =	shalt  }
0x5b: {  	_ =	shalt  }
0x5c: {  	_ =	shalt  }
0x5d: {  	_ =	shalt  }
0x5e: {  	_ =	shalt  }
0x5f: {  	_ =	shalt  }
0x60: {  	_ =	shalt  }
0x61: {  	_ =	shalt  }
0x62: {  	_ =	shalt  }
0x63: {  	_ =	shalt  }
0x64: {  	_ =	shalt  }
0x65: {  	_ =	shalt  }
0x66: {  	_ =	shalt  }
0x67: {  	_ =	shalt  }
0x68: {  	_ =	shalt  }
0x69: {  	_ =	shalt  }
0x6a: {  	_ =	shalt  }
0x6b: {  	_ =	shalt  }
0x6c: {  	_ =	shalt  }
0x6d: {  	_ =	shalt  }
0x6e: {  	_ =	shalt  }
0x6f: {  	_ =	shalt  }
0x70: {  	_ =	shalt  }
0x71: {  	_ =	shalt  }
0x72: {  	_ =	shalt  }
0x73: {  	_ =	shalt  }
0x74: {  	_ =	shalt  }
0x75: {  	_ =	shalt  }
0x76: {  	_ =	shalt  }
0x77: {  	_ =	shalt  }
0x78: {  	_ =	shalt  }
0x79: {  	_ =	shalt  }
0x7a: {  	_ =	shalt  }
0x7b: {  	_ =	shalt  }
0x7c: {  	_ =	shalt  }
0x7d: {  	_ =	shalt  }
0x7e: {  	_ =	shalt  }
0x7f: {  	_ =	shalt  }
0x80: {  	_ =	shalt  }
0x81: {  	_ =	shalt  }
0x82: {  	_ =	shalt  }
0x83: {  	_ =	shalt  }
0x84: {  	_ =	shalt  }
0x85: {  	_ =	shalt  }
0x86: {  	_ =	shalt  }
0x87: {  	_ =	shalt  }
.Lfunc_end0:
.L_simem_size_0:
called_computation_lowered:
.L_overlay_start_0:
0x88: {  	s2 =	sld [smem:$0x3FD9]  }
0x89: {  	s3 =	sld [smem:$0x3FFE];
	_ =	sdelay $0x1  }
0x8a: {  	s1 =	srdreg.scid  }
0x8b: {  	s0 =	sand.u32 $0x1, s1  }
0x8c: {  	s16 =	sshll.u32 s0, $0xA;
	s2 =	sadd.s32 s3, s2  }
0x8d: {  	s2 =	sadd.s32 s2, s16  }
0x8e: {  	[smem:$0x3FB9] =	sst s2  }
0x8f: {  	_ = 	snop  }
0x90: {  	(tm) =	ssettm $0x1  }
0x91: {  	s17 =	sld [smem:$0x3FFB];
	_ =	sdelay $0x3  }
0x92: {  	_ =	strace s17  }
0x93: {  	s2 =	sld [smem:$0x3FFC];
	_ =	sdelay $0x3  }
0x94: {  	_ =	strace s2  }
0x95: {  	s2 =	sld [smem:$0x3FFD];
	_ =	sdelay $0x3  }
0x96: {  	_ =	strace s2  }
0x97: {  	_ =	strace $0x8FFFFFFF  }
0x98: {  	s18 =	sld [smem:$0x3FDB];
	_ =	sdelay $0x1  }
0x99: {  	s19 =	simm.s32 $_scs_section_size  }
0x9a: {  	s4 =	simm.s32 $_size__tile_overlayer_lowered;
	s5 =	simm.s32 $_tile_overlayer_lowered  }
0x9b: {  	s22 =	simm.s32 $0x1BFF;
	s21 =	sshll.u32 s5, $0x1;
	s2 =	sadd.s32 s19, s18  }
0x9c: {  	s6 =	simm.s32 $0x0;
	s20 =	sshll.u32 s4, $0x1;
	s4 =	sadd.s32 s21, s2  }
0x9d: {  	[timem:s6], [sflag:s22] =	dma.local [hbm:s4], s20  }
0x9e: {  	_ =	swait.ge [sflag:s22], s20  }
0x9f: {  	s3 =	ssub.s32 $0x0, s20;
	[sflag:s22] =	ssyncset.done $0x0  }
0xa0: {  	[sflag:s22] =	ssyncadd.s32 s3;
	_ =	sdelay $0x1  }
0xa1: {  	s23 =	simm.s32 $0x1B8B  }
0xa2: {  	_ =	swait.ge [sflag:s23], $0x1  }
0xa3: {  	[sflag:s23] =	ssyncset.done $0x0  }
0xa4: {  	s25 =	simm.s32 $0x1B8E;
	s24 =	sld [smem:$0x3FFE];
	[sflag:s23] =	ssyncadd.s32 $0xFFFFFFFF  }
0xa5: {  	s26 =	simm.s32 $execute0_lowered;
	[smem:$0x3FD2] =	sst s25  }
0xa6: {  	s4 =	sshll.u32 s26, $0x1;
	_ =	strace $0x80000046;
	[dreg:$0x1] =	wrdreg $0xFFFFFFFF  }
0xa7: {  	s28 =	simm.s32 $_size_execute0_lowered;
	s2 =	sadd.s32 s2, s4;
	[dreg:$0x0] =	wrdreg $0x0  }
0xa8: {  	s4 =	sshll.u32 s28, $0x1;
	[dreg:$0x2] =	wrdreg s2  }
0xa9: {  	[dreg:$0x3] =	wrdreg s4  }
0xaa: {  	[dreg:$0x4] =	wrdreg $0xC0  }
0xab: {  	_ =	task [dreg:s6], $0x5FFFF  }
0xac: {  	[dreg:$0x1] =	wrdreg $0xFFFFFFFF  }
0xad: {  	[dreg:$0x0] =	wrdreg $0x60  }
0xae: {  	[dreg:$0x2] =	wrdreg s24  }
0xaf: {  	[dreg:$0x3] =	wrdreg $0xB9800  }
0xb0: {  	[dreg:$0x4] =	wrdreg $0x9  }
0xb1: {  	_ =	task.clear_ibuf [dreg:s6], $0x5FFFF;
	_ =	strace $0x90000046  }
0xb2: {  	s29 =	simm.s32 $0x9;
	_ =	strace $0x80000048  }
0xb3: {  	_ =	swait.ge [sflag:s29], $0x1  }
0xb4: {  	[sflag:s29] =	ssyncadd.s32 $0xFFFFFFFF  }
0xb5: {  	_ =	strace $0x90000048  }
0xb6: {  	_ =	sfence  }
0xb7: {  	s30 =	sld [smem:$0x0];
	_ =	sdelay $0x2  }
0xb8: {  	s31 =	sshll.u32 s1, $0xD;
	s1 =	sshrl.u32 s1, $0x2  }
0xb9: {  	s3 =	sand.u32 $0x4000, s31;
	s1 =	sadd.s32 s1, s30  }
0xba: {  	s0 =	sor.u32 s3, s0;
	s1 =	sshll.u32 s1, $0x11  }
0xbb: {  	s0 =	sor.u32 s1, s0  }
0xbc: {  	s0 =	sadd.s32 $0x8F2B, s0  }
0xbd: {  	[sflag:s0] =	ssyncadd.remote.s32 $0x1  }
0xbe: {  	_ =	sfence.sel $0xFFFF  }
0xbf: {  	[dreg:$0x0] =	wrdreg $0xFFFFFFFF;
	(pc) =	sbr.abs _section_cstart, $3  }
0xc0: {  	[dreg:$0x1] =	wrdreg $0xFFFFFFFF  }
0xc1: {  	_ =	task.clear_ibuf [dreg:s6], $0x2FFFF;
	_ =	strace $0x9FFFFFFF  }
0xc2: {  	(tm) =	ssettm $0x7FFFFFFF  }
0xc3: {  	_ =	shalt  }
tec
execute0_lowered:
.L_overlay_start_1:
0x0: {  	(tag) =	ssettag $0x1  }
0x1: {  	s0 =	srdreg.scid  }
0x2: {  	s2 =	rddreg [dreg:$0x0];
	s12 =	stileid.u32  }
0x3: {  	s1 =	rddreg [dreg:$0x1];
	s10 =	smul.u32 $0x4E000, s12  }
0x4: {  	s3 =	simm.s32 $0x0;
	s0 =	sand.u32 $0x1, s0;
	s31 =	smul.u32 $0x13800, s12  }
0x5: {  	[smem:$0x7FF] =	sst s3;
	s15 =	smul.u32 $0x2710, s12;
	p0 =	sne.s32 s12, $0x0  }
0x6: {  	s30 =	sadd.s32 $0x138000, s1;
	s4 =	sshll.u32 s0, $0x4;
	s26 =	smul.u32 $0x138800, s0  }
0x7: {  	_ =	strace $0x80000047;
	s7 =	ssub.s32 $0x2, s0;
	s0 =	smul.u32 $0x27100, s0  }
0x8: {  	s4 =	sor.u32 s12, s4;
	s9 =	sshrl.u32 s7, $0x1;
	s22 =	sshrl.u32 s10, $0x2  }
0x9: {  	s12 =	simm.s32 $0x5180;
	s5 =	smul.u32 $0x2710, s4;
	s10 =	sadd.s32 s22, s1  }
0xa: {  	s4 =	sadd.s32 $0x16800, s2;
	s9 =	ssub.s32 s7, s9;
	s25 =	sadd.s32 $0x3000, s10  }
0xb: {  	s0 =	sadd.s32 s15, s0;
	s28 =	sadd.s32 $0x4800, s10;
	[dreg:$0x8] =	wrdreg s25  }
0xc: {  	s15 =	simm.s32 $0xA180;
	s29 =	sadd.s32 $0x6000, s10;
	[dreg:$0x9] =	wrdreg s28  }
0xd: {  	s11 =	sadd.s32 $0x7800, s10;
	s13 =	sadd.s32 $0x9000, s10;
	[dreg:$0xa] =	wrdreg s29  }
0xe: {  	s14 =	sadd.s32 $0xA800, s10;
	s16 =	sadd.s32 $0xD800, s10;
	[dreg:$0xb] =	wrdreg s11  }
0xf: {  	s17 =	sadd.s32 $0x190, s0;
	s18 =	sadd.s32 $0x140, s0;
	[dreg:$0xc] =	wrdreg s13  }
0x10: {  	s22 =	sadd.s32 $0xF000, s10;
	s6 =	sshrl.u32 s5, $0x3;
	[dreg:$0xd] =	wrdreg s14  }
0x11: {  	s5 =	sadd.s32 $0x2C00, s2;
	s13 =	sadd.s32 $0xC000, s10;
	[dreg:$0xf] =	wrdreg s16  }
0x12: {  	s19 =	sshrl.u32 s17, $0x3;
	s20 =	sshrl.u32 s18, $0x3;
	s25 =	sadd.s32 $0xF0, s0  }
0x13: {  	[dreg:$0x13] =	wrdreg s22;
	s28 =	sadd.s32 $0x12000, s10;
	s11 =	simm.s32 $0x2800  }
0x14: {  	s14 =	simm.s32 $0x7980;
	s16 =	simm.s32 $0x4;
	s17 =	simm.s32 $0x1  }
0x15: {  	s18 =	simm.s32 $0x5;
	s8 =	sadd.s32 s6, s2;
	[dreg:$0xe] =	wrdreg s13  }
0x16: {  	s7 =	sadd.s32 s5, s6;
	s6 =	sadd.s32 $0x1800, s10;
	[dreg:$0x15] =	wrdreg s28  }
0x17: {  	s22 =	simm.s32 $0x0;
	s2 =	sadd.s32 $0x3DA00, s2;
	[dreg:$0x7] =	wrdreg s6  }
0x18: {  	s13 =	simm.s32 $0x2880;
	s21 =	sadd.s32 $0xCA00, s8;
	[dreg:$0x4] =	wrdreg s7  }
0x19: {  	s23 =	sadd.s32 $0xA, s7;
	s24 =	sadd.s32 $0x14, s7;
	[dreg:$0x3] =	wrdreg s21  }
0x1a: {  	s8 =	sadd.s32 s31, s26;
	s6 =	sshrl.u32 s26, $0x3;
	[dreg:$0x5] =	wrdreg s23  }
0x1b: {  	s26 =	sadd.s32 $0x10800, s10;
	s29 =	sadd.s32 $0x4CE, s7;
	[dreg:$0x6] =	wrdreg s24  }
0x1c: {  	s31 =	sadd.s32 $0x4D8, s7;
	s8 =	sshrl.u32 s8, $0x3;
	[dreg:$0x14] =	wrdreg s26  }
0x1d: {  	s21 =	smax.u32 s9, $0x1;
	s23 =	sadd.s32 s19, s5;
	[dreg:$0x16] =	wrdreg s29  }
0x1e: {  	s24 =	sadd.s32 s20, s5;
	[dreg:$0x17] =	wrdreg s31;
	s9 =	simm.s32 $0x2980  }
0x1f: {  	s19 =	simm.s32 $0x2;
	s20 =	simm.s32 $0x6;
	s8 =	sadd.s32 s2, s8  }
0x20: {  	s2 =	sadd.s32 s2, s6;
	[dreg:$0x12] =	wrdreg s21;
	s6 =	simm.s32 $0x2780  }
0x21: {  	s21 =	simm.s32 $0x3;
	[dreg:$0x10] =	wrdreg s8;
	s2 =	sadd.s32 $0x27000, s2  }
0x22: {  	v0 =	vimm.f32 $0.0e+00;
	s8 =	simm.s32 $0x50;
	[dreg:$0x11] =	wrdreg s2;
	s2 =	simm.s32 $0x7  }
.LBB2_1:
0x23: {  	s0 =	rddreg [dreg:$0x3]  }
0x24: {  	[tilespmem:s3], [sflag:$0x7] =	stream.linear.gather [hbm4b:s0+s3], $0x2710, $0x38;
	[tilespmem:$0x1F200] =	vst v63  }
0x25: {  	_ =	swait.ge [sflag:s2], $0x2710  }
0x26: {  	[sflag:s2] =	ssyncset.done $0x0  }
0x27: {  	s7 =	rddreg [dreg:$0x4];
	[sflag:s2] =	ssyncadd.s32 $0xFFFFD8F0  }
0x28: {  	[tilespmem:s6], [sflag:$0x4] =	stream.linear.gather [hbm4b:s7+s3], $0x50, $0x38;
	[tilespmem:$0x1F200] =	vst v63  }
0x29: {  	_ = 	snop  }
0x2a: {  	[tilespmem:s9], [sflag:$0x1] =	stream.indirect.gather [hbm4b:s4+s8], $0x80, s3, s8, $0xb8;
	[tilespmem:$0x1F200] =	vst v63  }
0x2b: {  	s26 =	rddreg [dreg:$0x5]  }
0x2c: {  	[tilespmem:s11], [sflag:$0x5] =	stream.linear.gather [hbm4b:s26+s3], $0x50, $0x38;
	[tilespmem:$0x1F200] =	vst v63  }
0x2d: {  	_ = 	snop  }
0x2e: {  	[tilespmem:s12], [sflag:$0x2] =	stream.indirect.gather [hbm4b:s4+s8], $0x80, s8, s8, $0xb8;
	[tilespmem:$0x1F200] =	vst v63  }
0x2f: {  	s29 =	rddreg [dreg:$0x6]  }
0x30: {  	[tilespmem:s13], [sflag:$0x6] =	stream.linear.gather [hbm4b:s29+s3], $0x50, $0x38;
	[tilespmem:$0x1F200] =	vst v63  }
0x31: {  	s31 =	simm.s32 $0xA0;
	s28 =	simm.s32 $0x200;
	s26 =	simm.s32 $0x0  }
0x32: {  	[tilespmem:s14], [sflag:$0x3] =	stream.indirect.gather [hbm4b:s4+s8], $0x80, s31, s8, $0xb8;
	[tilespmem:$0x1F200] =	vst v63  }
.LBB2_2:
0x33: {  	p1 =	sne.s32 s28, $0x5E00;
	[tilespmem:s26+$0xA1F0] =	vst v0  }
0x34: {  	[tilespmem:s26+$0xA180] =	vst v0  }
0x35: {  	[tilespmem:s26+$0xA190] =	vst v0  }
.Ltmp0:
0x36: {  	[tilespmem:s26+$0xA1A0] =	vst v0;
	(pc) =	sbr.rel @p1 .LBB2_2-.Ltmp0, $4  }
0x37: {  	[tilespmem:s26+$0xA1B0] =	vst v0  }
0x38: {  	[tilespmem:s26+$0xA1C0] =	vst v0  }
0x39: {  	[tilespmem:s26+$0xA1D0] =	vst v0  }
0x3a: {  	[tilespmem:s26+$0xA1E0] =	vst v0;
	s26 =	sshra.s32 s28, $0x2;
	s28 =	sadd.s32 $0x200, s28  }
0x3b: {  	[tilespmem:s26+$0xA1F0] =	vst v0  }
0x3c: {  	[tilespmem:s26+$0xA180] =	vst v0  }
0x3d: {  	[tilespmem:s26+$0xA190] =	vst v0  }
0x3e: {  	[tilespmem:s26+$0xA1A0] =	vst v0  }
0x3f: {  	[tilespmem:s26+$0xA1B0] =	vst v0  }
0x40: {  	[tilespmem:s26+$0xA1C0] =	vst v0  }
0x41: {  	[tilespmem:s26+$0xA1D0] =	vst v0  }
0x42: {  	[tilespmem:s26+$0xA1E0] =	vst v0  }
0x43: {  	[spmem:s10] =	stream.linear.scatter [tilespmem:s15], [sflag:$0x7], $0x1800, $0x38;
	[tilespmem:$0x1F200] =	vst v63  }
0x44: {  	_ =	swait.ge [sflag:s2], $0x1800  }
0x45: {  	[sflag:s2] =	ssyncset.done $0x0  }
0x46: {  	s0 =	rddreg [dreg:$0x7];
	[sflag:s2] =	ssyncadd.s32 $0xFFFFE800  }
0x47: {  	[spmem:s0] =	stream.linear.scatter [tilespmem:s15], [sflag:$0x7], $0x1800, $0x38;
	[tilespmem:$0x1F200] =	vst v63  }
0x48: {  	_ =	swait.ge [sflag:s2], $0x1800  }
0x49: {  	[sflag:s2] =	ssyncset.done $0x0  }
0x4a: {  	s7 =	rddreg [dreg:$0x8];
	[sflag:s2] =	ssyncadd.s32 $0xFFFFE800  }
0x4b: {  	[spmem:s7] =	stream.linear.scatter [tilespmem:s15], [sflag:$0x7], $0x1800, $0x38;
	[tilespmem:$0x1F200] =	vst v63  }
0x4c: {  	_ =	swait.ge [sflag:s2], $0x1800  }
0x4d: {  	[sflag:s2] =	ssyncset.done $0x0  }
0x4e: {  	s26 =	rddreg [dreg:$0x9];
	[sflag:s2] =	ssyncadd.s32 $0xFFFFE800  }
0x4f: {  	[spmem:s26] =	stream.linear.scatter [tilespmem:s15], [sflag:$0x7], $0x1800, $0x38;
	[tilespmem:$0x1F200] =	vst v63  }
0x50: {  	_ =	swait.ge [sflag:s2], $0x1800  }
0x51: {  	[sflag:s2] =	ssyncset.done $0x0  }
0x52: {  	s7 =	rddreg [dreg:$0xa];
	[sflag:s2] =	ssyncadd.s32 $0xFFFFE800  }
0x53: {  	[spmem:s7] =	stream.linear.scatter [tilespmem:s15], [sflag:$0x7], $0x1800, $0x38;
	[tilespmem:$0x1F200] =	vst v63  }
0x54: {  	_ =	swait.ge [sflag:s2], $0x1800  }
0x55: {  	[sflag:s2] =	ssyncset.done $0x0  }
0x56: {  	s26 =	rddreg [dreg:$0xb];
	[sflag:s2] =	ssyncadd.s32 $0xFFFFE800  }
0x57: {  	[spmem:s26] =	stream.linear.scatter [tilespmem:s15], [sflag:$0x7], $0x1800, $0x38;
	[tilespmem:$0x1F200] =	vst v63  }
0x58: {  	_ =	swait.ge [sflag:s2], $0x1800  }
0x59: {  	[sflag:s2] =	ssyncset.done $0x0  }
0x5a: {  	s7 =	rddreg [dreg:$0xc];
	[sflag:s2] =	ssyncadd.s32 $0xFFFFE800  }
0x5b: {  	[spmem:s7] =	stream.linear.scatter [tilespmem:s15], [sflag:$0x7], $0x1800, $0x38;
	[tilespmem:$0x1F200] =	vst v63  }
0x5c: {  	_ =	swait.ge [sflag:s2], $0x1800  }
0x5d: {  	[sflag:s2] =	ssyncset.done $0x0  }
0x5e: {  	s26 =	rddreg [dreg:$0xd];
	[sflag:s2] =	ssyncadd.s32 $0xFFFFE800  }
0x5f: {  	[spmem:s26] =	stream.linear.scatter [tilespmem:s15], [sflag:$0x7], $0x1800, $0x38;
	[tilespmem:$0x1F200] =	vst v63  }
0x60: {  	_ =	swait.ge [sflag:s2], $0x1800  }
0x61: {  	[sflag:s2] =	ssyncset.done $0x0  }
0x62: {  	s7 =	rddreg [dreg:$0xe];
	[sflag:s2] =	ssyncadd.s32 $0xFFFFE800  }
0x63: {  	[spmem:s7] =	stream.linear.scatter [tilespmem:s15], [sflag:$0x7], $0x1800, $0x38;
	[tilespmem:$0x1F200] =	vst v63  }
0x64: {  	_ =	swait.ge [sflag:s2], $0x1800  }
0x65: {  	[sflag:s2] =	ssyncset.done $0x0  }
0x66: {  	s26 =	rddreg [dreg:$0xf];
	[sflag:s2] =	ssyncadd.s32 $0xFFFFE800  }
0x67: {  	[spmem:s26] =	stream.linear.scatter [tilespmem:s15], [sflag:$0x7], $0x1800, $0x38;
	[tilespmem:$0x1F200] =	vst v63  }
0x68: {  	_ =	swait.ge [sflag:s2], $0x1800  }
0x69: {  	[sflag:s2] =	ssyncset.done $0x0  }
0x6a: {  	s7 =	rddreg [dreg:$0x13];
	[sflag:s2] =	ssyncadd.s32 $0xFFFFE800  }
0x6b: {  	[spmem:s7] =	stream.linear.scatter [tilespmem:s15], [sflag:$0x7], $0x1800, $0x38;
	[tilespmem:$0x1F200] =	vst v63  }
0x6c: {  	_ =	swait.ge [sflag:s2], $0x1800  }
0x6d: {  	[sflag:s2] =	ssyncset.done $0x0  }
0x6e: {  	s26 =	rddreg [dreg:$0x14];
	[sflag:s2] =	ssyncadd.s32 $0xFFFFE800  }
0x6f: {  	[spmem:s26] =	stream.linear.scatter [tilespmem:s15], [sflag:$0x7], $0x1800, $0x38;
	[tilespmem:$0x1F200] =	vst v63  }
0x70: {  	_ =	swait.ge [sflag:s2], $0x1800  }
0x71: {  	[sflag:s2] =	ssyncset.done $0x0  }
0x72: {  	s7 =	rddreg [dreg:$0x15];
	[sflag:s2] =	ssyncadd.s32 $0xFFFFE800  }
0x73: {  	[spmem:s7] =	stream.linear.scatter [tilespmem:s15], [sflag:$0x7], $0x1800, $0x38;
	[tilespmem:$0x1F200] =	vst v63  }
0x74: {  	_ =	swait.ge [sflag:s2], $0x1800  }
0x75: {  	[sflag:s2] =	ssyncset.done $0x0  }
0x76: {  	s0 =	simm.s32 @!p0 $0xA180;
	[sflag:s2] =	ssyncadd.s32 $0xFFFFE800  }
0x77: {  	[spmem:s30] =	stream.linear.scatter @!p0 [tilespmem:s0], [sflag:$0x7], $0x800, $0x38;
	[tilespmem:$0x1F200] =	vst v63  }
0x78: {  	s0 =	simm.s32 @!p0 $0x7  }
0x79: {  	_ =	swait.ge @!p0 [sflag:s0], $0x800  }
0x7a: {  	[sflag:s0] =	ssyncset.done @!p0 $0x0  }
0x7b: {  	[sflag:s0] =	ssyncadd.s32 @!p0 $0xFFFFF800  }
0x7c: {  	[bflag:$0x0] =	sbarrier.arrive $0xFFFF  }
0x7d: {  	_ =	swait.ge [sflag:s16], $0x50  }
0x7e: {  	[sflag:s16] =	ssyncset.done $0x0  }
0x7f: {  	[sflag:s16] =	ssyncadd.s32 $0xFFFFFFB0  }
0x80: {  	_ =	swait.ge [sflag:s17], $0x2800  }
0x81: {  	[sflag:s17] =	ssyncset.done $0x0  }
0x82: {  	[sflag:s17] =	ssyncadd.s32 $0xFFFFD800  }
0x83: {  	[spmem:s1] =	stream.indirect.scatter.add.f32 [tilespmem:s9], [sflag:$0x7], $0x80, s6, s8, $0xb8;
	[tilespmem:$0x1F200] =	vst v63  }
0x84: {  	_ =	swait.ge [sflag:s2], $0x2800  }
0x85: {  	s26 =	sshrl.u32 s25, $0x3;
	[sflag:s2] =	ssyncset.done $0x0  }
0x86: {  	s0 =	sadd.s32 s5, s26;
	[sflag:s2] =	ssyncadd.s32 $0xFFFFD800  }
0x87: {  	[tilespmem:s6], [sflag:$0x4] =	stream.linear.gather [hbm4b:s0+s3], $0x50, $0x38;
	[tilespmem:$0x1F200] =	vst v63  }
0x88: {  	s7 =	simm.s32 $0xF0  }
0x89: {  	[tilespmem:s9], [sflag:$0x1] =	stream.indirect.gather [hbm4b:s4+s8], $0x80, s7, s8, $0xb8;
	[tilespmem:$0x1F200] =	vst v63  }
0x8a: {  	_ =	swait.ge [sflag:s18], $0x50  }
0x8b: {  	[sflag:s18] =	ssyncset.done $0x0  }
0x8c: {  	[sflag:s18] =	ssyncadd.s32 $0xFFFFFFB0  }
0x8d: {  	_ =	swait.ge [sflag:s19], $0x2800  }
0x8e: {  	[sflag:s19] =	ssyncset.done $0x0  }
0x8f: {  	[sflag:s19] =	ssyncadd.s32 $0xFFFFD800  }
0x90: {  	[spmem:s1] =	stream.indirect.scatter.add.f32 [tilespmem:s12], [sflag:$0x7], $0x80, s11, s8, $0xb8;
	[tilespmem:$0x1F200] =	vst v63  }
0x91: {  	_ =	swait.ge [sflag:s2], $0x2800  }
0x92: {  	[sflag:s2] =	ssyncset.done $0x0  }
0x93: {  	[sflag:s2] =	ssyncadd.s32 $0xFFFFD800  }
0x94: {  	[tilespmem:s11], [sflag:$0x5] =	stream.linear.gather [hbm4b:s24+s3], $0x50, $0x38;
	[tilespmem:$0x1F200] =	vst v63  }
0x95: {  	s26 =	simm.s32 $0x140  }
0x96: {  	[tilespmem:s12], [sflag:$0x2] =	stream.indirect.gather [hbm4b:s4+s8], $0x80, s26, s8, $0xb8;
	[tilespmem:$0x1F200] =	vst v63  }
0x97: {  	_ =	swait.ge [sflag:s20], $0x50  }
0x98: {  	[sflag:s20] =	ssyncset.done $0x0  }
0x99: {  	[sflag:s20] =	ssyncadd.s32 $0xFFFFFFB0  }
0x9a: {  	_ =	swait.ge [sflag:s21], $0x2800  }
0x9b: {  	[sflag:s21] =	ssyncset.done $0x0  }
0x9c: {  	[sflag:s21] =	ssyncadd.s32 $0xFFFFD800  }
0x9d: {  	[spmem:s1] =	stream.indirect.scatter.add.f32 [tilespmem:s14], [sflag:$0x7], $0x80, s13, s8, $0xb8;
	[tilespmem:$0x1F200] =	vst v63  }
0x9e: {  	s28 =	sadd.s32 $0xF0, s25;
	_ =	swait.ge [sflag:s2], $0x2800  }
0x9f: {  	s29 =	sadd.s32 $0x1E, s23;
	s31 =	sadd.s32 $0x1E, s24;
	[sflag:s2] =	ssyncset.done $0x0  }
0xa0: {  	s0 =	simm.s32 $0x190;
	s26 =	simm.s32 $0x3C0;
	[sflag:s2] =	ssyncadd.s32 $0xFFFFD800  }
0xa1: {  	[tilespmem:s13], [sflag:$0x6] =	stream.linear.gather [hbm4b:s23+s3], $0x50, $0x38;
	[tilespmem:$0x1F200] =	vst v63  }
.LBB2_4:
0xa2: {  	[tilespmem:s14], [sflag:$0x3] =	stream.indirect.gather [hbm4b:s4+s8], $0x80, s0, s8, $0xb8;
	[tilespmem:$0x1F200] =	vst v63  }
0xa3: {  	s0 =	smov.u32 s26  }
0xa4: {  	p1 =	sne.s32 s26, $0x9240;
	s26 =	sadd.s32 $0x3C0, s26;
	_ =	swait.ge [sflag:s16], $0x50  }
0xa5: {  	[sflag:s16] =	ssyncset.done $0x0  }
0xa6: {  	[sflag:s16] =	ssyncadd.s32 $0xFFFFFFB0  }
0xa7: {  	_ =	swait.ge [sflag:s17], $0x2800  }
0xa8: {  	[sflag:s17] =	ssyncset.done $0x0  }
0xa9: {  	[sflag:s17] =	ssyncadd.s32 $0xFFFFD800  }
0xaa: {  	[spmem:s1] =	stream.indirect.scatter.add.f32 [tilespmem:s9], [sflag:$0x7], $0x80, s6, s8, $0xb8;
	[tilespmem:$0x1F200] =	vst v63  }
0xab: {  	_ =	swait.ge [sflag:s2], $0x2800  }
0xac: {  	s7 =	sshrl.u32 s28, $0x3;
	[sflag:s2] =	ssyncset.done $0x0  }
0xad: {  	s7 =	sadd.s32 s5, s7;
	s0 =	sshra.s32 s0, $0x2;
	[sflag:s2] =	ssyncadd.s32 $0xFFFFD800  }
0xae: {  	[tilespmem:s6], [sflag:$0x4] =	stream.linear.gather [hbm4b:s7+s3], $0x50, $0x38;
	[tilespmem:$0x1F200] =	vst v63  }
0xaf: {  	s7 =	sadd.s32 $0xF0, s0  }
0xb0: {  	[tilespmem:s9], [sflag:$0x1] =	stream.indirect.gather [hbm4b:s4+s8], $0x80, s7, s8, $0xb8;
	[tilespmem:$0x1F200] =	vst v63  }
0xb1: {  	_ =	swait.ge [sflag:s18], $0x50  }
0xb2: {  	[sflag:s18] =	ssyncset.done $0x0  }
0xb3: {  	[sflag:s18] =	ssyncadd.s32 $0xFFFFFFB0  }
0xb4: {  	_ =	swait.ge [sflag:s19], $0x2800  }
0xb5: {  	[sflag:s19] =	ssyncset.done $0x0  }
0xb6: {  	[sflag:s19] =	ssyncadd.s32 $0xFFFFD800  }
0xb7: {  	[spmem:s1] =	stream.indirect.scatter.add.f32 [tilespmem:s12], [sflag:$0x7], $0x80, s11, s8, $0xb8;
	[tilespmem:$0x1F200] =	vst v63  }
0xb8: {  	_ =	swait.ge [sflag:s2], $0x2800  }
0xb9: {  	[sflag:s2] =	ssyncset.done $0x0  }
0xba: {  	[sflag:s2] =	ssyncadd.s32 $0xFFFFD800  }
0xbb: {  	[tilespmem:s11], [sflag:$0x5] =	stream.linear.gather [hbm4b:s31+s3], $0x50, $0x38;
	[tilespmem:$0x1F200] =	vst v63  }
0xbc: {  	s7 =	sadd.s32 $0x140, s0  }
0xbd: {  	[tilespmem:s12], [sflag:$0x2] =	stream.indirect.gather [hbm4b:s4+s8], $0x80, s7, s8, $0xb8;
	[tilespmem:$0x1F200] =	vst v63  }
0xbe: {  	_ =	swait.ge [sflag:s20], $0x50  }
0xbf: {  	[sflag:s20] =	ssyncset.done $0x0  }
0xc0: {  	[sflag:s20] =	ssyncadd.s32 $0xFFFFFFB0  }
0xc1: {  	_ =	swait.ge [sflag:s21], $0x2800  }
0xc2: {  	[sflag:s21] =	ssyncset.done $0x0  }
0xc3: {  	[sflag:s21] =	ssyncadd.s32 $0xFFFFD800  }
0xc4: {  	[spmem:s1] =	stream.indirect.scatter.add.f32 [tilespmem:s14], [sflag:$0x7], $0x80, s13, s8, $0xb8;
	[tilespmem:$0x1F200] =	vst v63  }
.Ltmp1:
0xc5: {  	_ =	swait.ge [sflag:s2], $0x2800;
	(pc) =	sbr.rel @p1 .LBB2_4-.Ltmp1, $4  }
0xc6: {  	[sflag:s2] =	ssyncset.done $0x0  }
0xc7: {  	s28 =	sadd.s32 $0xF0, s28;
	[sflag:s2] =	ssyncadd.s32 $0xFFFFD800  }
0xc8: {  	[tilespmem:s13], [sflag:$0x6] =	stream.linear.gather [hbm4b:s29+s3], $0x50, $0x38;
	[tilespmem:$0x1F200] =	vst v63  }
0xc9: {  	s0 =	sadd.s32 $0x190, s0;
	s31 =	sadd.s32 $0x1E, s31;
	s29 =	sadd.s32 $0x1E, s29  }
0xca: {  	[tilespmem:s14], [sflag:$0x3] =	stream.indirect.gather [hbm4b:s4+s8], $0x80, s0, s8, $0xb8;
	[tilespmem:$0x1F200] =	vst v63  }
0xcb: {  	_ =	swait.ge [sflag:s16], $0x50  }
0xcc: {  	[sflag:s16] =	ssyncset.done $0x0  }
0xcd: {  	[sflag:s16] =	ssyncadd.s32 $0xFFFFFFB0  }
0xce: {  	_ =	swait.ge [sflag:s17], $0x2800  }
0xcf: {  	[sflag:s17] =	ssyncset.done $0x0  }
0xd0: {  	[sflag:s17] =	ssyncadd.s32 $0xFFFFD800  }
0xd1: {  	[spmem:s1] =	stream.indirect.scatter.add.f32 [tilespmem:s9], [sflag:$0x7], $0x80, s6, s8, $0xb8;
	[tilespmem:$0x1F200] =	vst v63  }
0xd2: {  	_ =	swait.ge [sflag:s2], $0x2800  }
0xd3: {  	[sflag:s2] =	ssyncset.done $0x0  }
0xd4: {  	s31 =	rddreg [dreg:$0x16];
	[sflag:s2] =	ssyncadd.s32 $0xFFFFD800  }
0xd5: {  	[tilespmem:s6], [sflag:$0x4] =	stream.linear.gather [hbm4b:s31+s3], $0x50, $0x38;
	[tilespmem:$0x1F200] =	vst v63  }
0xd6: {  	s7 =	simm.s32 $0x2670  }
0xd7: {  	[tilespmem:s9], [sflag:$0x1] =	stream.indirect.gather [hbm4b:s4+s8], $0x80, s7, s8, $0xb8;
	[tilespmem:$0x1F200] =	vst v63  }
0xd8: {  	_ =	swait.ge [sflag:s18], $0x50  }
0xd9: {  	[sflag:s18] =	ssyncset.done $0x0  }
0xda: {  	[sflag:s18] =	ssyncadd.s32 $0xFFFFFFB0  }
0xdb: {  	_ =	swait.ge [sflag:s19], $0x2800  }
0xdc: {  	[sflag:s19] =	ssyncset.done $0x0  }
0xdd: {  	[sflag:s19] =	ssyncadd.s32 $0xFFFFD800  }
0xde: {  	[spmem:s1] =	stream.indirect.scatter.add.f32 [tilespmem:s12], [sflag:$0x7], $0x80, s11, s8, $0xb8;
	[tilespmem:$0x1F200] =	vst v63  }
0xdf: {  	_ =	swait.ge [sflag:s2], $0x2800  }
0xe0: {  	[sflag:s2] =	ssyncset.done $0x0  }
0xe1: {  	s26 =	rddreg [dreg:$0x17];
	[sflag:s2] =	ssyncadd.s32 $0xFFFFD800  }
0xe2: {  	[tilespmem:s11], [sflag:$0x5] =	stream.linear.gather [hbm4b:s26+s3], $0x50, $0x38;
	[tilespmem:$0x1F200] =	vst v63  }
0xe3: {  	s28 =	simm.s32 $0x26C0  }
0xe4: {  	[tilespmem:s12], [sflag:$0x2] =	stream.indirect.gather [hbm4b:s4+s8], $0x80, s28, s8, $0xb8;
	[tilespmem:$0x1F200] =	vst v63  }
0xe5: {  	_ =	swait.ge [sflag:s20], $0x50  }
0xe6: {  	[sflag:s20] =	ssyncset.done $0x0  }
0xe7: {  	[sflag:s20] =	ssyncadd.s32 $0xFFFFFFB0  }
0xe8: {  	_ =	swait.ge [sflag:s21], $0x2800  }
0xe9: {  	[sflag:s21] =	ssyncset.done $0x0  }
0xea: {  	[sflag:s21] =	ssyncadd.s32 $0xFFFFD800  }
0xeb: {  	[spmem:s1] =	stream.indirect.scatter.add.f32 [tilespmem:s14], [sflag:$0x7], $0x80, s13, s8, $0xb8;
	[tilespmem:$0x1F200] =	vst v63  }
0xec: {  	_ =	swait.ge [sflag:s2], $0x2800  }
0xed: {  	[sflag:s2] =	ssyncset.done $0x0  }
0xee: {  	[sflag:s2] =	ssyncadd.s32 $0xFFFFD800  }
0xef: {  	_ =	swait.ge [sflag:s16], $0x50  }
0xf0: {  	[sflag:s16] =	ssyncset.done $0x0  }
0xf1: {  	[sflag:s16] =	ssyncadd.s32 $0xFFFFFFB0  }
0xf2: {  	_ =	swait.ge [sflag:s17], $0x2800  }
0xf3: {  	[sflag:s17] =	ssyncset.done $0x0  }
0xf4: {  	[sflag:s17] =	ssyncadd.s32 $0xFFFFD800  }
0xf5: {  	[spmem:s1] =	stream.indirect.scatter.add.f32 [tilespmem:s9], [sflag:$0x7], $0x80, s6, s8, $0xb8;
	[tilespmem:$0x1F200] =	vst v63  }
0xf6: {  	_ =	swait.ge [sflag:s2], $0x2800  }
0xf7: {  	[sflag:s2] =	ssyncset.done $0x0  }
0xf8: {  	[sflag:s2] =	ssyncadd.s32 $0xFFFFD800  }
0xf9: {  	_ =	swait.ge [sflag:s18], $0x50  }
0xfa: {  	[sflag:s18] =	ssyncset.done $0x0  }
0xfb: {  	[sflag:s18] =	ssyncadd.s32 $0xFFFFFFB0  }
0xfc: {  	_ =	swait.ge [sflag:s19], $0x2800  }
0xfd: {  	[sflag:s19] =	ssyncset.done $0x0  }
0xfe: {  	[sflag:s19] =	ssyncadd.s32 $0xFFFFD800  }
0xff: {  	[spmem:s1] =	stream.indirect.scatter.add.f32 [tilespmem:s12], [sflag:$0x7], $0x80, s11, s8, $0xb8;
	[tilespmem:$0x1F200] =	vst v63  }
0x100: {  	_ =	swait.ge [sflag:s2], $0x2800  }
0x101: {  	[sflag:s2] =	ssyncset.done $0x0  }
0x102: {  	s29 =	stileid.u32;
	[sflag:s2] =	ssyncadd.s32 $0xFFFFD800  }
0x103: {  	s0 =	sshll.u32 s29, $0x6;
	[bflag:$0x0] =	sbarrier.arrive $0xFFFF  }
0x104: {  	s0 =	sor.u32 $0x1C07, s0;
	s7 =	sshrl.u32 s10, $0x3;
	s26 =	rddreg [dreg:$0x10]  }
0x105: {  	[hbm:s26], [sflag:s0] =	dma.local [spmem:s7], $0x2700  }
0x106: {  	_ =	swait.ge [sflag:s2], $0x2700  }
0x107: {  	[sflag:s2] =	ssyncset.done $0x0  }
0x108: {  	s7 =	sshrl.u32 @!p0 s30, $0x3;
	s26 =	rddreg [dreg:$0x11];
	[sflag:s2] =	ssyncadd.s32 $0xFFFFD900  }
0x109: {  	[hbm:s26], [sflag:s0] =	dma.local @!p0 [spmem:s7], $0x100  }
0x10a: {  	s0 =	simm.s32 @!p0 $0x7  }
0x10b: {  	_ =	swait.ge @!p0 [sflag:s0], $0x100  }
0x10c: {  	s22 =	sadd.s32 $0x1, s22;
	s31 =	rddreg [dreg:$0x12]  }
0x10d: {  	p1 =	sne.s32 s22, s31  }
.Ltmp2:
0x10e: {  	_ = 	snop;
	(pc) =	sbr.rel @p1 .LBB2_1-.Ltmp2, $3  }
0x10f: {  	_ =	sdelay $0x1  }
0x110: {  	[sflag:s0] =	ssyncset.done @!p0 $0x0  }
0x111: {  	[sflag:s0] =	ssyncadd.s32 @!p0 $0xFFFFFF00  }
0x112: {  	_ =	sfence.sel $0x180000  }
0x113: {  	[bflag:$0x0] =	sbarrier.arrive $0xFFFF  }
0x114: {  	_ =	strace $0x90000047  }
0x115: {  	[bflag:$0x2] =	sbarrier.arrive $0xFFFF  }
0x116: {  	s0 =	rddreg [dreg:$0x2]  }
0x117: {  	s0 =	sadd.s32 @!p0 $0x100000, s0  }
0x118: {  	[sflag:s0] =	ssyncadd.tile.s32 @!p0 $0x1;
	_ =	shalt  }
.Lfunc_end2:
_tile_overlayer_lowered:
.L_overlay_start_2:
0x119: {  	(tag) =	ssettag $0x2  }
0x11a: {  	s0 =	rddreg [dreg:$0x0];
	s2 =	stileid.u32  }
0x11b: {  	s1 =	rddreg [dreg:$0x1];
	p0 =	sne.s32 s2, $0x0  }
0x11c: {  	s3 =	rddreg [dreg:$0x2];
	[bflag:$0x3] =	sbarrier.arrive $0xFFFF;
	s2 =	simm.s32 @!p0 $0x1C07  }
0x11d: {  	[timem:s3], [sflag:s2] =	dma.local @!p0 [hbm:s0], s1  }
0x11e: {  	s0 =	simm.s32 @!p0 $0x7  }
0x11f: {  	_ =	swait.ge @!p0 [sflag:s0], s1  }
0x120: {  	s1 =	ssub.s32 @!p0 $0x0, s1;
	[sflag:s0] =	ssyncset.done @!p0 $0x0  }
0x121: {  	[sflag:s0] =	ssyncadd.s32 @!p0 s1  }
0x122: {  	[bflag:$0x3] =	sbarrier.arrive $0xFFFF  }
0x123: {  	_ =	shalt  }

</sc_bundles>
